<compile_context>
chip_gen: v7x
topology: tpu7x:2x2x1
jax: 0.10.2.dev20260603
libtpu: 0.0.44.dev20260713+nightly
codegen_flags: <defaults>
</compile_context>

<pallas_src>
import functools
import math

import jax
import jax.numpy as jnp
from jax import lax
from jax.experimental import pallas as pl
from jax.experimental.pallas import tpu as pltpu
from jax.experimental.pallas import tpu_sc as plsc

D_MODEL = 64
SCALE = math.sqrt(D_MODEL)
NUM_WORKERS = 32
NBUF = 4
CHUNK = 80


def _emb_body(x_hbm, table_hbm, out_hbm, idx_all, r0, r1, r2, r3,
              gs0, gs1, gs2, gs3, ws0, ws1, ws2, ws3):
    rows = (r0, r1, r2, r3)
    gsem = (gs0, gs1, gs2, gs3)
    wsem = (ws0, ws1, ws2, ws3)
    wid = lax.axis_index("s") * 2 + lax.axis_index("c")
    per_w = x_hbm.shape[0] // NUM_WORKERS
    n = per_w // CHUNK
    base = wid * per_w

    pltpu.sync_copy(x_hbm.at[pl.ds(base, per_w)], idx_all)

    def issue_gather(g, s):
        def row16(t, c):
            iv = idx_all[pl.ds(g * CHUNK + t * 16, 16)]
            for l in range(16):
                pltpu.async_copy(
                    table_hbm.at[pl.ds(iv[l], 1)],
                    rows[s].at[pl.ds(t * 16 + l, 1)], gsem[s])
            return c

        lax.fori_loop(0, CHUNK // 16, row16, 0)

    def wait_gather(s):
        pltpu.make_async_copy(
            table_hbm.at[pl.ds(0, CHUNK)], rows[s], gsem[s]).wait()

    def issue_write(g, s):
        pltpu.async_copy(rows[s], out_hbm.at[pl.ds(base + g * CHUNK, CHUNK)], wsem[s])

    def wait_write(g, s):
        pltpu.make_async_copy(
            rows[s], out_hbm.at[pl.ds(base + g * CHUNK, CHUNK)], wsem[s]).wait()

    def scale(s):
        rbuf = rows[s]

        def body8(k, c):
            r = k * 8
            for i in range(8):
                for j in range(D_MODEL // 16):
                    sl = pl.ds(j * 16, 16)
                    rbuf[r + i, sl] = rbuf[r + i, sl] * SCALE
            return c

        lax.fori_loop(0, CHUNK // 8, body8, 0)

    for g in range(3):
        issue_gather(g, g)

    def quad(k, c):
        for b in range(NBUF):
            g = NBUF * k + b
            wait_gather(b)
            scale(b)
            issue_write(g, b)
            s_next = (b + 3) % NBUF

            @pl.when(g >= 1)
            def _():
                wait_write(g - 1, s_next)

            @pl.when(g + 3 < n)
            def _():
                issue_gather(g + 3, s_next)

        return c

    lax.fori_loop(0, n // NBUF, quad, 0)
    wait_write(n - 1, (n - 1) % NBUF)


@jax.jit
def _emb_call(table, idx):
    B = idx.shape[0]
    per_w = B // NUM_WORKERS
    mesh = plsc.VectorSubcoreMesh(core_axis_name="c", subcore_axis_name="s")
    fn = functools.partial(
        pl.kernel,
        mesh=mesh,
        out_type=jax.ShapeDtypeStruct((B, D_MODEL), jnp.float32),
        scratch_types=(
            [pltpu.VMEM((per_w,), jnp.int32)]
            + [pltpu.VMEM((CHUNK, D_MODEL), jnp.float32) for _ in range(NBUF)]
            + [pltpu.SemaphoreType.DMA for _ in range(2 * NBUF)]
        ),
    )(_emb_body)
    return fn(idx, table)


def kernel(lut_weight, x):
    xf = x.reshape(-1).astype(jnp.int32)
    out = _emb_call(lut_weight, xf)
    return out.reshape(x.shape + (D_MODEL,))

# --- scband reference (transcript-rebuilt; emitter-appended) ---
"""Pipeline reference for scband-embeddings-11690900979728 (READ-ONLY COPY).

The authoritative reference and input builder live on the scoring server;
editing this copy changes nothing except your own understanding.
"""

import jax, jax.numpy as jnp
import numpy as np
import math

D_MODEL = 64
VOCAB = 1000000

def setup_inputs(seed: int = 0) -> dict:
    key = jax.random.key(seed)
    k1, k2 = jax.random.split(key)
    x = jax.random.randint(k1, (4096, 200), 0, VOCAB, dtype=jnp.int64) if jax.config.jax_enable_x64 else jax.random.randint(k1, (4096, 200), 0, VOCAB, dtype=jnp.int32)
    # Embedding table initialized ~ N(0, d_model**-0.5) as in the torch module
    lut_weight = jax.random.normal(k2, (VOCAB, D_MODEL), dtype=jnp.float32) * (D_MODEL ** (-0.5))
    return {"lut_weight": lut_weight, "x": x}

def reference(lut_weight, x):
    # Faithful translation: embedding lookup scaled by sqrt(d_model)
    emb = jnp.take(lut_weight, x, axis=0)
    return emb * math.sqrt(D_MODEL)

if __name__ == "__main__":
    import jax
    _d = setup_inputs()
    print(jax.jit(kernel)(*tuple(_d.values())))

</pallas_src>

<mosaic_0001>
#map = affine_map<(d0, d1) -> (0)>
#map1 = affine_map<(d0, d1) -> (0, 0)>
module attributes {stable_mosaic.version = 14 : i64} {
  func.func @_emb_body(%arg0: i32, %arg1: i32, %arg2: memref<819200xi32, #tpu.memory_space<hbm>>, %arg3: memref<1000000x64xf32, #tpu.memory_space<hbm>>, %arg4: memref<819200x64xf32, #tpu.memory_space<hbm>>, %arg5: memref<25600xi32, #tpu.memory_space<vmem>>, %arg6: memref<80x64xf32, #tpu.memory_space<vmem>>, %arg7: memref<80x64xf32, #tpu.memory_space<vmem>>, %arg8: memref<80x64xf32, #tpu.memory_space<vmem>>, %arg9: memref<80x64xf32, #tpu.memory_space<vmem>>, %arg10: memref<!tpu.dma_semaphore, #tpu.memory_space<semaphore_mem>>, %arg11: memref<!tpu.dma_semaphore, #tpu.memory_space<semaphore_mem>>, %arg12: memref<!tpu.dma_semaphore, #tpu.memory_space<semaphore_mem>>, %arg13: memref<!tpu.dma_semaphore, #tpu.memory_space<semaphore_mem>>, %arg14: memref<!tpu.dma_semaphore, #tpu.memory_space<semaphore_mem>>, %arg15: memref<!tpu.dma_semaphore, #tpu.memory_space<semaphore_mem>>, %arg16: memref<!tpu.dma_semaphore, #tpu.memory_space<semaphore_mem>>, %arg17: memref<!tpu.dma_semaphore, #tpu.memory_space<semaphore_mem>>) attributes {dimension_semantics = [#tpu.dimension_semantics<core_parallel>, #tpu.dimension_semantics<subcore_parallel>], iteration_bounds = array<i64: 2, 16>, scalar_prefetch = 0 : i64, scratch_operands = 13 : i64, tpu.core_type = #tpu.core_type<sc_vector_subcore>, window_params = [{transform_indices = #map}, {transform_indices = #map1}, {transform_indices = #map1}]} {
    %mul3A = arith.constant 2 : i32
    %mul3A_0 = arith.muli %arg1, %mul3A : i32
    %add3A = arith.addi %mul3A_0, %arg0 : i32
    %mul3A_1 = arith.constant 25600 : i32
    %mul3A_2 = arith.muli %add3A, %mul3A_1 : i32
    "tpu.region"() ({
      %run_scoped3A = tpu.sem_alloc : memref<!tpu.dma_semaphore, #tpu.memory_space<semaphore_mem>>
      %dma_start3A = tpu.memref_slice %arg2[%mul3A_2] : memref<819200xi32, #tpu.memory_space<hbm>> -> memref<25600xi32, #tpu.memory_space<hbm>>
      %dma_start3A_31 = tpu.memref_slice %arg2[%mul3A_2] : memref<819200xi32, #tpu.memory_space<hbm>> -> memref<25600xi32, #tpu.memory_space<hbm>>
      tpu.enqueue_dma source(%dma_start3A_31 : memref<25600xi32, #tpu.memory_space<hbm>>) target(%arg5 : memref<25600xi32, #tpu.memory_space<vmem>>) target_semaphore(%run_scoped3A : memref<!tpu.dma_semaphore, #tpu.memory_space<semaphore_mem>>)
      %dma_wait3A_32 = tpu.memref_slice %arg2[%mul3A_2] : memref<819200xi32, #tpu.memory_space<hbm>> -> memref<25600xi32, #tpu.memory_space<hbm>>
      %dma_wait3A_33 = tpu.memref_slice %arg2[%mul3A_2] : memref<819200xi32, #tpu.memory_space<hbm>> -> memref<25600xi32, #tpu.memory_space<hbm>>
      tpu.wait_dma2 semaphore(%run_scoped3A : memref<!tpu.dma_semaphore, #tpu.memory_space<semaphore_mem>>) src(%dma_wait3A_33 : memref<25600xi32, #tpu.memory_space<hbm>>) dst(%arg5 : memref<25600xi32, #tpu.memory_space<vmem>>)
      tpu.yield
    }) : () -> ()
    %scan3A = arith.constant 0 : i32
    %scan3A_3 = arith.constant 0 : i32
    %scan3A_4 = arith.constant 5 : i32
    %scan3A_5 = arith.addi %scan3A_3, %scan3A_4 : i32
    %scan3A_6 = arith.constant 1 : i32
    scf.for %scan3A_31 = %scan3A_3 to %scan3A_5 step %scan3A_6  : i32 {
      %mul3A_32 = arith.constant 16 : i32
      %mul3A_33 = arith.muli %scan3A_31, %mul3A_32 : i32
      %add3A_34 = arith.constant 0 : i32
      %add3A_35 = arith.addi %add3A_34, %mul3A_33 : i32
      %get3A = arith.index_cast %add3A_35 : i32 to index
      %get3A_36 = tpu.vector_load %arg5[%get3A] {strides = array<i32>} : memref<25600xi32, #tpu.memory_space<vmem>>, vector<16xi32>,
      %get3A_37 = vector.shape_cast %get3A_36 : vector<16xi32> to vector<16xi32>
      %slice3A = vector.extract_strided_slice %get3A_37 {offsets = [0], sizes = [1], strides = [1]} : vector<16xi32> to vector<1xi32>
      %squeeze3A = vector.extract %slice3A[0] : i32 from vector<1xi32>
      %mul3A_38 = arith.constant 16 : i32
      %mul3A_39 = arith.muli %scan3A_31, %mul3A_38 : i32
      %add3A_40 = arith.constant 0 : i32
      %add3A_41 = arith.addi %mul3A_39, %add3A_40 : i32
      %dma_start3A = arith.constant 0 : i32
      %dma_start3A_42 = tpu.memref_slice %arg6[%add3A_41, %dma_start3A] : memref<80x64xf32, #tpu.memory_space<vmem>> -> memref<1x64xf32, #tpu.memory_space<vmem>>
      %dma_start3A_43 = arith.constant 0 : i32
      %dma_start3A_44 = tpu.memref_slice %arg3[%squeeze3A, %dma_start3A_43] : memref<1000000x64xf32, #tpu.memory_space<hbm>> -> memref<1x64xf32, #tpu.memory_space<hbm>>
      %dma_start3A_45 = arith.constant 0 : i32
      %dma_start3A_46 = tpu.memref_slice %arg6[%add3A_41, %dma_start3A_45] : memref<80x64xf32, #tpu.memory_space<vmem>> -> memref<1x64xf32, #tpu.memory_space<vmem>>
      %dma_start3A_47 = arith.constant 0 : i32
      %dma_start3A_48 = tpu.memref_slice %arg3[%squeeze3A, %dma_start3A_47] : memref<1000000x64xf32, #tpu.memory_space<hbm>> -> memref<1x64xf32, #tpu.memory_space<hbm>>
      tpu.enqueue_dma source(%dma_start3A_48 : memref<1x64xf32, #tpu.memory_space<hbm>>) target(%dma_start3A_46 : memref<1x64xf32, #tpu.memory_space<vmem>>) target_semaphore(%arg10 : memref<!tpu.dma_semaphore, #tpu.memory_space<semaphore_mem>>)
      %slice3A_49 = vector.extract_strided_slice %get3A_37 {offsets = [1], sizes = [1], strides = [1]} : vector<16xi32> to vector<1xi32>
      %squeeze3A_50 = vector.extract %slice3A_49[0] : i32 from vector<1xi32>
      %mul3A_51 = arith.constant 16 : i32
      %mul3A_52 = arith.muli %scan3A_31, %mul3A_51 : i32
      %add3A_53 = arith.constant 1 : i32
      %add3A_54 = arith.addi %mul3A_52, %add3A_53 : i32
      %dma_start3A_55 = arith.constant 0 : i32
      %dma_start3A_56 = tpu.memref_slice %arg6[%add3A_54, %dma_start3A_55] : memref<80x64xf32, #tpu.memory_space<vmem>> -> memref<1x64xf32, #tpu.memory_space<vmem>>
      %dma_start3A_57 = arith.constant 0 : i32
      %dma_start3A_58 = tpu.memref_slice %arg3[%squeeze3A_50, %dma_start3A_57] : memref<1000000x64xf32, #tpu.memory_space<hbm>> -> memref<1x64xf32, #tpu.memory_space<hbm>>
      %dma_start3A_59 = arith.constant 0 : i32
      %dma_start3A_60 = tpu.memref_slice %arg6[%add3A_54, %dma_start3A_59] : memref<80x64xf32, #tpu.memory_space<vmem>> -> memref<1x64xf32, #tpu.memory_space<vmem>>
      %dma_start3A_61 = arith.constant 0 : i32
      %dma_start3A_62 = tpu.memref_slice %arg3[%squeeze3A_50, %dma_start3A_61] : memref<1000000x64xf32, #tpu.memory_space<hbm>> -> memref<1x64xf32, #tpu.memory_space<hbm>>
      tpu.enqueue_dma source(%dma_start3A_62 : memref<1x64xf32, #tpu.memory_space<hbm>>) target(%dma_start3A_60 : memref<1x64xf32, #tpu.memory_space<vmem>>) target_semaphore(%arg10 : memref<!tpu.dma_semaphore, #tpu.memory_space<semaphore_mem>>)
      %slice3A_63 = vector.extract_strided_slice %get3A_37 {offsets = [2], sizes = [1], strides = [1]} : vector<16xi32> to vector<1xi32>
      %squeeze3A_64 = vector.extract %slice3A_63[0] : i32 from vector<1xi32>
      %mul3A_65 = arith.constant 16 : i32
      %mul3A_66 = arith.muli %scan3A_31, %mul3A_65 : i32
      %add3A_67 = arith.constant 2 : i32
      %add3A_68 = arith.addi %mul3A_66, %add3A_67 : i32
      %dma_start3A_69 = arith.constant 0 : i32
      %dma_start3A_70 = tpu.memref_slice %arg6[%add3A_68, %dma_start3A_69] : memref<80x64xf32, #tpu.memory_space<vmem>> -> memref<1x64xf32, #tpu.memory_space<vmem>>
      %dma_start3A_71 = arith.constant 0 : i32
      %dma_start3A_72 = tpu.memref_slice %arg3[%squeeze3A_64, %dma_start3A_71] : memref<1000000x64xf32, #tpu.memory_space<hbm>> -> memref<1x64xf32, #tpu.memory_space<hbm>>
      %dma_start3A_73 = arith.constant 0 : i32
      %dma_start3A_74 = tpu.memref_slice %arg6[%add3A_68, %dma_start3A_73] : memref<80x64xf32, #tpu.memory_space<vmem>> -> memref<1x64xf32, #tpu.memory_space<vmem>>
      %dma_start3A_75 = arith.constant 0 : i32
      %dma_start3A_76 = tpu.memref_slice %arg3[%squeeze3A_64, %dma_start3A_75] : memref<1000000x64xf32, #tpu.memory_space<hbm>> -> memref<1x64xf32, #tpu.memory_space<hbm>>
      tpu.enqueue_dma source(%dma_start3A_76 : memref<1x64xf32, #tpu.memory_space<hbm>>) target(%dma_start3A_74 : memref<1x64xf32, #tpu.memory_space<vmem>>) target_semaphore(%arg10 : memref<!tpu.dma_semaphore, #tpu.memory_space<semaphore_mem>>)
      %slice3A_77 = vector.extract_strided_slice %get3A_37 {offsets = [3], sizes = [1], strides = [1]} : vector<16xi32> to vector<1xi32>
      %squeeze3A_78 = vector.extract %slice3A_77[0] : i32 from vector<1xi32>
      %mul3A_79 = arith.constant 16 : i32
      %mul3A_80 = arith.muli %scan3A_31, %mul3A_79 : i32
      %add3A_81 = arith.constant 3 : i32
      %add3A_82 = arith.addi %mul3A_80, %add3A_81 : i32
      %dma_start3A_83 = arith.constant 0 : i32
      %dma_start3A_84 = tpu.memref_slice %arg6[%add3A_82, %dma_start3A_83] : memref<80x64xf32, #tpu.memory_space<vmem>> -> memref<1x64xf32, #tpu.memory_space<vmem>>
      %dma_start3A_85 = arith.constant 0 : i32
      %dma_start3A_86 = tpu.memref_slice %arg3[%squeeze3A_78, %dma_start3A_85] : memref<1000000x64xf32, #tpu.memory_space<hbm>> -> memref<1x64xf32, #tpu.memory_space<hbm>>
      %dma_start3A_87 = arith.constant 0 : i32
      %dma_start3A_88 = tpu.memref_slice %arg6[%add3A_82, %dma_start3A_87] : memref<80x64xf32, #tpu.memory_space<vmem>> -> memref<1x64xf32, #tpu.memory_space<vmem>>
      %dma_start3A_89 = arith.constant 0 : i32
      %dma_start3A_90 = tpu.memref_slice %arg3[%squeeze3A_78, %dma_start3A_89] : memref<1000000x64xf32, #tpu.memory_space<hbm>> -> memref<1x64xf32, #tpu.memory_space<hbm>>
      tpu.enqueue_dma source(%dma_start3A_90 : memref<1x64xf32, #tpu.memory_space<hbm>>) target(%dma_start3A_88 : memref<1x64xf32, #tpu.memory_space<vmem>>) target_semaphore(%arg10 : memref<!tpu.dma_semaphore, #tpu.memory_space<semaphore_mem>>)
      %slice3A_91 = vector.extract_strided_slice %get3A_37 {offsets = [4], sizes = [1], strides = [1]} : vector<16xi32> to vector<1xi32>
      %squeeze3A_92 = vector.extract %slice3A_91[0] : i32 from vector<1xi32>
      %mul3A_93 = arith.constant 16 : i32
      %mul3A_94 = arith.muli %scan3A_31, %mul3A_93 : i32
      %add3A_95 = arith.constant 4 : i32
      %add3A_96 = arith.addi %mul3A_94, %add3A_95 : i32
      %dma_start3A_97 = arith.constant 0 : i32
      %dma_start3A_98 = tpu.memref_slice %arg6[%add3A_96, %dma_start3A_97] : memref<80x64xf32, #tpu.memory_space<vmem>> -> memref<1x64xf32, #tpu.memory_space<vmem>>
      %dma_start3A_99 = arith.constant 0 : i32
      %dma_start3A_100 = tpu.memref_slice %arg3[%squeeze3A_92, %dma_start3A_99] : memref<1000000x64xf32, #tpu.memory_space<hbm>> -> memref<1x64xf32, #tpu.memory_space<hbm>>
      %dma_start3A_101 = arith.constant 0 : i32
      %dma_start3A_102 = tpu.memref_slice %arg6[%add3A_96, %dma_start3A_101] : memref<80x64xf32, #tpu.memory_space<vmem>> -> memref<1x64xf32, #tpu.memory_space<vmem>>
      %dma_start3A_103 = arith.constant 0 : i32
      %dma_start3A_104 = tpu.memref_slice %arg3[%squeeze3A_92, %dma_start3A_103] : memref<1000000x64xf32, #tpu.memory_space<hbm>> -> memref<1x64xf32, #tpu.memory_space<hbm>>
      tpu.enqueue_dma source(%dma_start3A_104 : memref<1x64xf32, #tpu.memory_space<hbm>>) target(%dma_start3A_102 : memref<1x64xf32, #tpu.memory_space<vmem>>) target_semaphore(%arg10 : memref<!tpu.dma_semaphore, #tpu.memory_space<semaphore_mem>>)
      %slice3A_105 = vector.extract_strided_slice %get3A_37 {offsets = [5], sizes = [1], strides = [1]} : vector<16xi32> to vector<1xi32>
      %squeeze3A_106 = vector.extract %slice3A_105[0] : i32 from vector<1xi32>
      %mul3A_107 = arith.constant 16 : i32
      %mul3A_108 = arith.muli %scan3A_31, %mul3A_107 : i32
      %add3A_109 = arith.constant 5 : i32
      %add3A_110 = arith.addi %mul3A_108, %add3A_109 : i32
      %dma_start3A_111 = arith.constant 0 : i32
      %dma_start3A_112 = tpu.memref_slice %arg6[%add3A_110, %dma_start3A_111] : memref<80x64xf32, #tpu.memory_space<vmem>> -> memref<1x64xf32, #tpu.memory_space<vmem>>
      %dma_start3A_113 = arith.constant 0 : i32
      %dma_start3A_114 = tpu.memref_slice %arg3[%squeeze3A_106, %dma_start3A_113] : memref<1000000x64xf32, #tpu.memory_space<hbm>> -> memref<1x64xf32, #tpu.memory_space<hbm>>
      %dma_start3A_115 = arith.constant 0 : i32
      %dma_start3A_116 = tpu.memref_slice %arg6[%add3A_110, %dma_start3A_115] : memref<80x64xf32, #tpu.memory_space<vmem>> -> memref<1x64xf32, #tpu.memory_space<vmem>>
      %dma_start3A_117 = arith.constant 0 : i32
      %dma_start3A_118 = tpu.memref_slice %arg3[%squeeze3A_106, %dma_start3A_117] : memref<1000000x64xf32, #tpu.memory_space<hbm>> -> memref<1x64xf32, #tpu.memory_space<hbm>>
      tpu.enqueue_dma source(%dma_start3A_118 : memref<1x64xf32, #tpu.memory_space<hbm>>) target(%dma_start3A_116 : memref<1x64xf32, #tpu.memory_space<vmem>>) target_semaphore(%arg10 : memref<!tpu.dma_semaphore, #tpu.memory_space<semaphore_mem>>)
      %slice3A_119 = vector.extract_strided_slice %get3A_37 {offsets = [6], sizes = [1], strides = [1]} : vector<16xi32> to vector<1xi32>
      %squeeze3A_120 = vector.extract %slice3A_119[0] : i32 from vector<1xi32>
      %mul3A_121 = arith.constant 16 : i32
      %mul3A_122 = arith.muli %scan3A_31, %mul3A_121 : i32
      %add3A_123 = arith.constant 6 : i32
      %add3A_124 = arith.addi %mul3A_122, %add3A_123 : i32
      %dma_start3A_125 = arith.constant 0 : i32
      %dma_start3A_126 = tpu.memref_slice %arg6[%add3A_124, %dma_start3A_125] : memref<80x64xf32, #tpu.memory_space<vmem>> -> memref<1x64xf32, #tpu.memory_space<vmem>>
      %dma_start3A_127 = arith.constant 0 : i32
      %dma_start3A_128 = tpu.memref_slice %arg3[%squeeze3A_120, %dma_start3A_127] : memref<1000000x64xf32, #tpu.memory_space<hbm>> -> memref<1x64xf32, #tpu.memory_space<hbm>>
      %dma_start3A_129 = arith.constant 0 : i32
      %dma_start3A_130 = tpu.memref_slice %arg6[%add3A_124, %dma_start3A_129] : memref<80x64xf32, #tpu.memory_space<vmem>> -> memref<1x64xf32, #tpu.memory_space<vmem>>
      %dma_start3A_131 = arith.constant 0 : i32
      %dma_start3A_132 = tpu.memref_slice %arg3[%squeeze3A_120, %dma_start3A_131] : memref<1000000x64xf32, #tpu.memory_space<hbm>> -> memref<1x64xf32, #tpu.memory_space<hbm>>
      tpu.enqueue_dma source(%dma_start3A_132 : memref<1x64xf32, #tpu.memory_space<hbm>>) target(%dma_start3A_130 : memref<1x64xf32, #tpu.memory_space<vmem>>) target_semaphore(%arg10 : memref<!tpu.dma_semaphore, #tpu.memory_space<semaphore_mem>>)
      %slice3A_133 = vector.extract_strided_slice %get3A_37 {offsets = [7], sizes = [1], strides = [1]} : vector<16xi32> to vector<1xi32>
      %squeeze3A_134 = vector.extract %slice3A_133[0] : i32 from vector<1xi32>
      %mul3A_135 = arith.constant 16 : i32
      %mul3A_136 = arith.muli %scan3A_31, %mul3A_135 : i32
      %add3A_137 = arith.constant 7 : i32
      %add3A_138 = arith.addi %mul3A_136, %add3A_137 : i32
      %dma_start3A_139 = arith.constant 0 : i32
      %dma_start3A_140 = tpu.memref_slice %arg6[%add3A_138, %dma_start3A_139] : memref<80x64xf32, #tpu.memory_space<vmem>> -> memref<1x64xf32, #tpu.memory_space<vmem>>
      %dma_start3A_141 = arith.constant 0 : i32
      %dma_start3A_142 = tpu.memref_slice %arg3[%squeeze3A_134, %dma_start3A_141] : memref<1000000x64xf32, #tpu.memory_space<hbm>> -> memref<1x64xf32, #tpu.memory_space<hbm>>
      %dma_start3A_143 = arith.constant 0 : i32
      %dma_start3A_144 = tpu.memref_slice %arg6[%add3A_138, %dma_start3A_143] : memref<80x64xf32, #tpu.memory_space<vmem>> -> memref<1x64xf32, #tpu.memory_space<vmem>>
      %dma_start3A_145 = arith.constant 0 : i32
      %dma_start3A_146 = tpu.memref_slice %arg3[%squeeze3A_134, %dma_start3A_145] : memref<1000000x64xf32, #tpu.memory_space<hbm>> -> memref<1x64xf32, #tpu.memory_space<hbm>>
      tpu.enqueue_dma source(%dma_start3A_146 : memref<1x64xf32, #tpu.memory_space<hbm>>) target(%dma_start3A_144 : memref<1x64xf32, #tpu.memory_space<vmem>>) target_semaphore(%arg10 : memref<!tpu.dma_semaphore, #tpu.memory_space<semaphore_mem>>)
      %slice3A_147 = vector.extract_strided_slice %get3A_37 {offsets = [8], sizes = [1], strides = [1]} : vector<16xi32> to vector<1xi32>
      %squeeze3A_148 = vector.extract %slice3A_147[0] : i32 from vector<1xi32>
      %mul3A_149 = arith.constant 16 : i32
      %mul3A_150 = arith.muli %scan3A_31, %mul3A_149 : i32
      %add3A_151 = arith.constant 8 : i32
      %add3A_152 = arith.addi %mul3A_150, %add3A_151 : i32
      %dma_start3A_153 = arith.constant 0 : i32
      %dma_start3A_154 = tpu.memref_slice %arg6[%add3A_152, %dma_start3A_153] : memref<80x64xf32, #tpu.memory_space<vmem>> -> memref<1x64xf32, #tpu.memory_space<vmem>>
      %dma_start3A_155 = arith.constant 0 : i32
      %dma_start3A_156 = tpu.memref_slice %arg3[%squeeze3A_148, %dma_start3A_155] : memref<1000000x64xf32, #tpu.memory_space<hbm>> -> memref<1x64xf32, #tpu.memory_space<hbm>>
      %dma_start3A_157 = arith.constant 0 : i32
      %dma_start3A_158 = tpu.memref_slice %arg6[%add3A_152, %dma_start3A_157] : memref<80x64xf32, #tpu.memory_space<vmem>> -> memref<1x64xf32, #tpu.memory_space<vmem>>
      %dma_start3A_159 = arith.constant 0 : i32
      %dma_start3A_160 = tpu.memref_slice %arg3[%squeeze3A_148, %dma_start3A_159] : memref<1000000x64xf32, #tpu.memory_space<hbm>> -> memref<1x64xf32, #tpu.memory_space<hbm>>
      tpu.enqueue_dma source(%dma_start3A_160 : memref<1x64xf32, #tpu.memory_space<hbm>>) target(%dma_start3A_158 : memref<1x64xf32, #tpu.memory_space<vmem>>) target_semaphore(%arg10 : memref<!tpu.dma_semaphore, #tpu.memory_space<semaphore_mem>>)
      %slice3A_161 = vector.extract_strided_slice %get3A_37 {offsets = [9], sizes = [1], strides = [1]} : vector<16xi32> to vector<1xi32>
      %squeeze3A_162 = vector.extract %slice3A_161[0] : i32 from vector<1xi32>
      %mul3A_163 = arith.constant 16 : i32
      %mul3A_164 = arith.muli %scan3A_31, %mul3A_163 : i32
      %add3A_165 = arith.constant 9 : i32
      %add3A_166 = arith.addi %mul3A_164, %add3A_165 : i32
      %dma_start3A_167 = arith.constant 0 : i32
      %dma_start3A_168 = tpu.memref_slice %arg6[%add3A_166, %dma_start3A_167] : memref<80x64xf32, #tpu.memory_space<vmem>> -> memref<1x64xf32, #tpu.memory_space<vmem>>
      %dma_start3A_169 = arith.constant 0 : i32
      %dma_start3A_170 = tpu.memref_slice %arg3[%squeeze3A_162, %dma_start3A_169] : memref<1000000x64xf32, #tpu.memory_space<hbm>> -> memref<1x64xf32, #tpu.memory_space<hbm>>
      %dma_start3A_171 = arith.constant 0 : i32
      %dma_start3A_172 = tpu.memref_slice %arg6[%add3A_166, %dma_start3A_171] : memref<80x64xf32, #tpu.memory_space<vmem>> -> memref<1x64xf32, #tpu.memory_space<vmem>>
      %dma_start3A_173 = arith.constant 0 : i32
      %dma_start3A_174 = tpu.memref_slice %arg3[%squeeze3A_162, %dma_start3A_173] : memref<1000000x64xf32, #tpu.memory_space<hbm>> -> memref<1x64xf32, #tpu.memory_space<hbm>>
      tpu.enqueue_dma source(%dma_start3A_174 : memref<1x64xf32, #tpu.memory_space<hbm>>) target(%dma_start3A_172 : memref<1x64xf32, #tpu.memory_space<vmem>>) target_semaphore(%arg10 : memref<!tpu.dma_semaphore, #tpu.memory_space<semaphore_mem>>)
      %slice3A_175 = vector.extract_strided_slice %get3A_37 {offsets = [10], sizes = [1], strides = [1]} : vector<16xi32> to vector<1xi32>
      %squeeze3A_176 = vector.extract %slice3A_175[0] : i32 from vector<1xi32>
      %mul3A_177 = arith.constant 16 : i32
      %mul3A_178 = arith.muli %scan3A_31, %mul3A_177 : i32
      %add3A_179 = arith.constant 10 : i32
      %add3A_180 = arith.addi %mul3A_178, %add3A_179 : i32
      %dma_start3A_181 = arith.constant 0 : i32
      %dma_start3A_182 = tpu.memref_slice %arg6[%add3A_180, %dma_start3A_181] : memref<80x64xf32, #tpu.memory_space<vmem>> -> memref<1x64xf32, #tpu.memory_space<vmem>>
      %dma_start3A_183 = arith.constant 0 : i32
      %dma_start3A_184 = tpu.memref_slice %arg3[%squeeze3A_176, %dma_start3A_183] : memref<1000000x64xf32, #tpu.memory_space<hbm>> -> memref<1x64xf32, #tpu.memory_space<hbm>>
      %dma_start3A_185 = arith.constant 0 : i32
      %dma_start3A_186 = tpu.memref_slice %arg6[%add3A_180, %dma_start3A_185] : memref<80x64xf32, #tpu.memory_space<vmem>> -> memref<1x64xf32, #tpu.memory_space<vmem>>
      %dma_start3A_187 = arith.constant 0 : i32
      %dma_start3A_188 = tpu.memref_slice %arg3[%squeeze3A_176, %dma_start3A_187] : memref<1000000x64xf32, #tpu.memory_space<hbm>> -> memref<1x64xf32, #tpu.memory_space<hbm>>
      tpu.enqueue_dma source(%dma_start3A_188 : memref<1x64xf32, #tpu.memory_space<hbm>>) target(%dma_start3A_186 : memref<1x64xf32, #tpu.memory_space<vmem>>) target_semaphore(%arg10 : memref<!tpu.dma_semaphore, #tpu.memory_space<semaphore_mem>>)
      %slice3A_189 = vector.extract_strided_slice %get3A_37 {offsets = [11], sizes = [1], strides = [1]} : vector<16xi32> to vector<1xi32>
      %squeeze3A_190 = vector.extract %slice3A_189[0] : i32 from vector<1xi32>
      %mul3A_191 = arith.constant 16 : i32
      %mul3A_192 = arith.muli %scan3A_31, %mul3A_191 : i32
      %add3A_193 = arith.constant 11 : i32
      %add3A_194 = arith.addi %mul3A_192, %add3A_193 : i32
      %dma_start3A_195 = arith.constant 0 : i32
      %dma_start3A_196 = tpu.memref_slice %arg6[%add3A_194, %dma_start3A_195] : memref<80x64xf32, #tpu.memory_space<vmem>> -> memref<1x64xf32, #tpu.memory_space<vmem>>
      %dma_start3A_197 = arith.constant 0 : i32
      %dma_start3A_198 = tpu.memref_slice %arg3[%squeeze3A_190, %dma_start3A_197] : memref<1000000x64xf32, #tpu.memory_space<hbm>> -> memref<1x64xf32, #tpu.memory_space<hbm>>
      %dma_start3A_199 = arith.constant 0 : i32
      %dma_start3A_200 = tpu.memref_slice %arg6[%add3A_194, %dma_start3A_199] : memref<80x64xf32, #tpu.memory_space<vmem>> -> memref<1x64xf32, #tpu.memory_space<vmem>>
      %dma_start3A_201 = arith.constant 0 : i32
      %dma_start3A_202 = tpu.memref_slice %arg3[%squeeze3A_190, %dma_start3A_201] : memref<1000000x64xf32, #tpu.memory_space<hbm>> -> memref<1x64xf32, #tpu.memory_space<hbm>>
      tpu.enqueue_dma source(%dma_start3A_202 : memref<1x64xf32, #tpu.memory_space<hbm>>) target(%dma_start3A_200 : memref<1x64xf32, #tpu.memory_space<vmem>>) target_semaphore(%arg10 : memref<!tpu.dma_semaphore, #tpu.memory_space<semaphore_mem>>)
      %slice3A_203 = vector.extract_strided_slice %get3A_37 {offsets = [12], sizes = [1], strides = [1]} : vector<16xi32> to vector<1xi32>
      %squeeze3A_204 = vector.extract %slice3A_203[0] : i32 from vector<1xi32>
      %mul3A_205 = arith.constant 16 : i32
      %mul3A_206 = arith.muli %scan3A_31, %mul3A_205 : i32
      %add3A_207 = arith.constant 12 : i32
      %add3A_208 = arith.addi %mul3A_206, %add3A_207 : i32
      %dma_start3A_209 = arith.constant 0 : i32
      %dma_start3A_210 = tpu.memref_slice %arg6[%add3A_208, %dma_start3A_209] : memref<80x64xf32, #tpu.memory_space<vmem>> -> memref<1x64xf32, #tpu.memory_space<vmem>>
      %dma_start3A_211 = arith.constant 0 : i32
      %dma_start3A_212 = tpu.memref_slice %arg3[%squeeze3A_204, %dma_start3A_211] : memref<1000000x64xf32, #tpu.memory_space<hbm>> -> memref<1x64xf32, #tpu.memory_space<hbm>>
      %dma_start3A_213 = arith.constant 0 : i32
      %dma_start3A_214 = tpu.memref_slice %arg6[%add3A_208, %dma_start3A_213] : memref<80x64xf32, #tpu.memory_space<vmem>> -> memref<1x64xf32, #tpu.memory_space<vmem>>
      %dma_start3A_215 = arith.constant 0 : i32
      %dma_start3A_216 = tpu.memref_slice %arg3[%squeeze3A_204, %dma_start3A_215] : memref<1000000x64xf32, #tpu.memory_space<hbm>> -> memref<1x64xf32, #tpu.memory_space<hbm>>
      tpu.enqueue_dma source(%dma_start3A_216 : memref<1x64xf32, #tpu.memory_space<hbm>>) target(%dma_start3A_214 : memref<1x64xf32, #tpu.memory_space<vmem>>) target_semaphore(%arg10 : memref<!tpu.dma_semaphore, #tpu.memory_space<semaphore_mem>>)
      %slice3A_217 = vector.extract_strided_slice %get3A_37 {offsets = [13], sizes = [1], strides = [1]} : vector<16xi32> to vector<1xi32>
      %squeeze3A_218 = vector.extract %slice3A_217[0] : i32 from vector<1xi32>
      %mul3A_219 = arith.constant 16 : i32
      %mul3A_220 = arith.muli %scan3A_31, %mul3A_219 : i32
      %add3A_221 = arith.constant 13 : i32
      %add3A_222 = arith.addi %mul3A_220, %add3A_221 : i32
      %dma_start3A_223 = arith.constant 0 : i32
      %dma_start3A_224 = tpu.memref_slice %arg6[%add3A_222, %dma_start3A_223] : memref<80x64xf32, #tpu.memory_space<vmem>> -> memref<1x64xf32, #tpu.memory_space<vmem>>
      %dma_start3A_225 = arith.constant 0 : i32
      %dma_start3A_226 = tpu.memref_slice %arg3[%squeeze3A_218, %dma_start3A_225] : memref<1000000x64xf32, #tpu.memory_space<hbm>> -> memref<1x64xf32, #tpu.memory_space<hbm>>
      %dma_start3A_227 = arith.constant 0 : i32
      %dma_start3A_228 = tpu.memref_slice %arg6[%add3A_222, %dma_start3A_227] : memref<80x64xf32, #tpu.memory_space<vmem>> -> memref<1x64xf32, #tpu.memory_space<vmem>>
      %dma_start3A_229 = arith.constant 0 : i32
      %dma_start3A_230 = tpu.memref_slice %arg3[%squeeze3A_218, %dma_start3A_229] : memref<1000000x64xf32, #tpu.memory_space<hbm>> -> memref<1x64xf32, #tpu.memory_space<hbm>>
      tpu.enqueue_dma source(%dma_start3A_230 : memref<1x64xf32, #tpu.memory_space<hbm>>) target(%dma_start3A_228 : memref<1x64xf32, #tpu.memory_space<vmem>>) target_semaphore(%arg10 : memref<!tpu.dma_semaphore, #tpu.memory_space<semaphore_mem>>)
      %slice3A_231 = vector.extract_strided_slice %get3A_37 {offsets = [14], sizes = [1], strides = [1]} : vector<16xi32> to vector<1xi32>
      %squeeze3A_232 = vector.extract %slice3A_231[0] : i32 from vector<1xi32>
      %mul3A_233 = arith.constant 16 : i32
      %mul3A_234 = arith.muli %scan3A_31, %mul3A_233 : i32
      %add3A_235 = arith.constant 14 : i32
      %add3A_236 = arith.addi %mul3A_234, %add3A_235 : i32
      %dma_start3A_237 = arith.constant 0 : i32
      %dma_start3A_238 = tpu.memref_slice %arg6[%add3A_236, %dma_start3A_237] : memref<80x64xf32, #tpu.memory_space<vmem>> -> memref<1x64xf32, #tpu.memory_space<vmem>>
      %dma_start3A_239 = arith.constant 0 : i32
      %dma_start3A_240 = tpu.memref_slice %arg3[%squeeze3A_232, %dma_start3A_239] : memref<1000000x64xf32, #tpu.memory_space<hbm>> -> memref<1x64xf32, #tpu.memory_space<hbm>>
      %dma_start3A_241 = arith.constant 0 : i32
      %dma_start3A_242 = tpu.memref_slice %arg6[%add3A_236, %dma_start3A_241] : memref<80x64xf32, #tpu.memory_space<vmem>> -> memref<1x64xf32, #tpu.memory_space<vmem>>
      %dma_start3A_243 = arith.constant 0 : i32
      %dma_start3A_244 = tpu.memref_slice %arg3[%squeeze3A_232, %dma_start3A_243] : memref<1000000x64xf32, #tpu.memory_space<hbm>> -> memref<1x64xf32, #tpu.memory_space<hbm>>
      tpu.enqueue_dma source(%dma_start3A_244 : memref<1x64xf32, #tpu.memory_space<hbm>>) target(%dma_start3A_242 : memref<1x64xf32, #tpu.memory_space<vmem>>) target_semaphore(%arg10 : memref<!tpu.dma_semaphore, #tpu.memory_space<semaphore_mem>>)
      %slice3A_245 = vector.extract_strided_slice %get3A_37 {offsets = [15], sizes = [1], strides = [1]} : vector<16xi32> to vector<1xi32>
      %squeeze3A_246 = vector.extract %slice3A_245[0] : i32 from vector<1xi32>
      %mul3A_247 = arith.constant 16 : i32
      %mul3A_248 = arith.muli %scan3A_31, %mul3A_247 : i32
      %add3A_249 = arith.constant 15 : i32
      %add3A_250 = arith.addi %mul3A_248, %add3A_249 : i32
      %dma_start3A_251 = arith.constant 0 : i32
      %dma_start3A_252 = tpu.memref_slice %arg6[%add3A_250, %dma_start3A_251] : memref<80x64xf32, #tpu.memory_space<vmem>> -> memref<1x64xf32, #tpu.memory_space<vmem>>
      %dma_start3A_253 = arith.constant 0 : i32
      %dma_start3A_254 = tpu.memref_slice %arg3[%squeeze3A_246, %dma_start3A_253] : memref<1000000x64xf32, #tpu.memory_space<hbm>> -> memref<1x64xf32, #tpu.memory_space<hbm>>
      %dma_start3A_255 = arith.constant 0 : i32
      %dma_start3A_256 = tpu.memref_slice %arg6[%add3A_250, %dma_start3A_255] : memref<80x64xf32, #tpu.memory_space<vmem>> -> memref<1x64xf32, #tpu.memory_space<vmem>>
      %dma_start3A_257 = arith.constant 0 : i32
      %dma_start3A_258 = tpu.memref_slice %arg3[%squeeze3A_246, %dma_start3A_257] : memref<1000000x64xf32, #tpu.memory_space<hbm>> -> memref<1x64xf32, #tpu.memory_space<hbm>>
      tpu.enqueue_dma source(%dma_start3A_258 : memref<1x64xf32, #tpu.memory_space<hbm>>) target(%dma_start3A_256 : memref<1x64xf32, #tpu.memory_space<vmem>>) target_semaphore(%arg10 : memref<!tpu.dma_semaphore, #tpu.memory_space<semaphore_mem>>)
    }
    %scan3A_7 = arith.constant 5 : i32
    %scan3A_8 = arith.constant 0 : i32
    %scan3A_9 = arith.constant 0 : i32
    %scan3A_10 = arith.constant 5 : i32
    %scan3A_11 = arith.addi %scan3A_9, %scan3A_10 : i32
    %scan3A_12 = arith.constant 1 : i32
    scf.for %scan3A_31 = %scan3A_9 to %scan3A_11 step %scan3A_12  : i32 {
      %mul3A_32 = arith.constant 16 : i32
      %mul3A_33 = arith.muli %scan3A_31, %mul3A_32 : i32
      %add3A_34 = arith.constant 80 : i32
      %add3A_35 = arith.addi %add3A_34, %mul3A_33 : i32
      %get3A = arith.index_cast %add3A_35 : i32 to index
      %get3A_36 = tpu.vector_load %arg5[%get3A] {strides = array<i32>} : memref<25600xi32, #tpu.memory_space<vmem>>, vector<16xi32>,
      %get3A_37 = vector.shape_cast %get3A_36 : vector<16xi32> to vector<16xi32>
      %slice3A = vector.extract_strided_slice %get3A_37 {offsets = [0], sizes = [1], strides = [1]} : vector<16xi32> to vector<1xi32>
      %squeeze3A = vector.extract %slice3A[0] : i32 from vector<1xi32>
      %mul3A_38 = arith.constant 16 : i32
      %mul3A_39 = arith.muli %scan3A_31, %mul3A_38 : i32
      %add3A_40 = arith.constant 0 : i32
      %add3A_41 = arith.addi %mul3A_39, %add3A_40 : i32
      %dma_start3A = arith.constant 0 : i32
      %dma_start3A_42 = tpu.memref_slice %arg7[%add3A_41, %dma_start3A] : memref<80x64xf32, #tpu.memory_space<vmem>> -> memref<1x64xf32, #tpu.memory_space<vmem>>
      %dma_start3A_43 = arith.constant 0 : i32
      %dma_start3A_44 = tpu.memref_slice %arg3[%squeeze3A, %dma_start3A_43] : memref<1000000x64xf32, #tpu.memory_space<hbm>> -> memref<1x64xf32, #tpu.memory_space<hbm>>
      %dma_start3A_45 = arith.constant 0 : i32
      %dma_start3A_46 = tpu.memref_slice %arg7[%add3A_41, %dma_start3A_45] : memref<80x64xf32, #tpu.memory_space<vmem>> -> memref<1x64xf32, #tpu.memory_space<vmem>>
      %dma_start3A_47 = arith.constant 0 : i32
      %dma_start3A_48 = tpu.memref_slice %arg3[%squeeze3A, %dma_start3A_47] : memref<1000000x64xf32, #tpu.memory_space<hbm>> -> memref<1x64xf32, #tpu.memory_space<hbm>>
      tpu.enqueue_dma source(%dma_start3A_48 : memref<1x64xf32, #tpu.memory_space<hbm>>) target(%dma_start3A_46 : memref<1x64xf32, #tpu.memory_space<vmem>>) target_semaphore(%arg11 : memref<!tpu.dma_semaphore, #tpu.memory_space<semaphore_mem>>)
      %slice3A_49 = vector.extract_strided_slice %get3A_37 {offsets = [1], sizes = [1], strides = [1]} : vector<16xi32> to vector<1xi32>
      %squeeze3A_50 = vector.extract %slice3A_49[0] : i32 from vector<1xi32>
      %mul3A_51 = arith.constant 16 : i32
      %mul3A_52 = arith.muli %scan3A_31, %mul3A_51 : i32
      %add3A_53 = arith.constant 1 : i32
      %add3A_54 = arith.addi %mul3A_52, %add3A_53 : i32
      %dma_start3A_55 = arith.constant 0 : i32
      %dma_start3A_56 = tpu.memref_slice %arg7[%add3A_54, %dma_start3A_55] : memref<80x64xf32, #tpu.memory_space<vmem>> -> memref<1x64xf32, #tpu.memory_space<vmem>>
      %dma_start3A_57 = arith.constant 0 : i32
      %dma_start3A_58 = tpu.memref_slice %arg3[%squeeze3A_50, %dma_start3A_57] : memref<1000000x64xf32, #tpu.memory_space<hbm>> -> memref<1x64xf32, #tpu.memory_space<hbm>>
      %dma_start3A_59 = arith.constant 0 : i32
      %dma_start3A_60 = tpu.memref_slice %arg7[%add3A_54, %dma_start3A_59] : memref<80x64xf32, #tpu.memory_space<vmem>> -> memref<1x64xf32, #tpu.memory_space<vmem>>
      %dma_start3A_61 = arith.constant 0 : i32
      %dma_start3A_62 = tpu.memref_slice %arg3[%squeeze3A_50, %dma_start3A_61] : memref<1000000x64xf32, #tpu.memory_space<hbm>> -> memref<1x64xf32, #tpu.memory_space<hbm>>
      tpu.enqueue_dma source(%dma_start3A_62 : memref<1x64xf32, #tpu.memory_space<hbm>>) target(%dma_start3A_60 : memref<1x64xf32, #tpu.memory_space<vmem>>) target_semaphore(%arg11 : memref<!tpu.dma_semaphore, #tpu.memory_space<semaphore_mem>>)
      %slice3A_63 = vector.extract_strided_slice %get3A_37 {offsets = [2], sizes = [1], strides = [1]} : vector<16xi32> to vector<1xi32>
      %squeeze3A_64 = vector.extract %slice3A_63[0] : i32 from vector<1xi32>
      %mul3A_65 = arith.constant 16 : i32
      %mul3A_66 = arith.muli %scan3A_31, %mul3A_65 : i32
      %add3A_67 = arith.constant 2 : i32
      %add3A_68 = arith.addi %mul3A_66, %add3A_67 : i32
      %dma_start3A_69 = arith.constant 0 : i32
      %dma_start3A_70 = tpu.memref_slice %arg7[%add3A_68, %dma_start3A_69] : memref<80x64xf32, #tpu.memory_space<vmem>> -> memref<1x64xf32, #tpu.memory_space<vmem>>
      %dma_start3A_71 = arith.constant 0 : i32
      %dma_start3A_72 = tpu.memref_slice %arg3[%squeeze3A_64, %dma_start3A_71] : memref<1000000x64xf32, #tpu.memory_space<hbm>> -> memref<1x64xf32, #tpu.memory_space<hbm>>
      %dma_start3A_73 = arith.constant 0 : i32
      %dma_start3A_74 = tpu.memref_slice %arg7[%add3A_68, %dma_start3A_73] : memref<80x64xf32, #tpu.memory_space<vmem>> -> memref<1x64xf32, #tpu.memory_space<vmem>>
      %dma_start3A_75 = arith.constant 0 : i32
      %dma_start3A_76 = tpu.memref_slice %arg3[%squeeze3A_64, %dma_start3A_75] : memref<1000000x64xf32, #tpu.memory_space<hbm>> -> memref<1x64xf32, #tpu.memory_space<hbm>>
      tpu.enqueue_dma source(%dma_start3A_76 : memref<1x64xf32, #tpu.memory_space<hbm>>) target(%dma_start3A_74 : memref<1x64xf32, #tpu.memory_space<vmem>>) target_semaphore(%arg11 : memref<!tpu.dma_semaphore, #tpu.memory_space<semaphore_mem>>)
      %slice3A_77 = vector.extract_strided_slice %get3A_37 {offsets = [3], sizes = [1], strides = [1]} : vector<16xi32> to vector<1xi32>
      %squeeze3A_78 = vector.extract %slice3A_77[0] : i32 from vector<1xi32>
      %mul3A_79 = arith.constant 16 : i32
      %mul3A_80 = arith.muli %scan3A_31, %mul3A_79 : i32
      %add3A_81 = arith.constant 3 : i32
      %add3A_82 = arith.addi %mul3A_80, %add3A_81 : i32
      %dma_start3A_83 = arith.constant 0 : i32
      %dma_start3A_84 = tpu.memref_slice %arg7[%add3A_82, %dma_start3A_83] : memref<80x64xf32, #tpu.memory_space<vmem>> -> memref<1x64xf32, #tpu.memory_space<vmem>>
      %dma_start3A_85 = arith.constant 0 : i32
      %dma_start3A_86 = tpu.memref_slice %arg3[%squeeze3A_78, %dma_start3A_85] : memref<1000000x64xf32, #tpu.memory_space<hbm>> -> memref<1x64xf32, #tpu.memory_space<hbm>>
      %dma_start3A_87 = arith.constant 0 : i32
      %dma_start3A_88 = tpu.memref_slice %arg7[%add3A_82, %dma_start3A_87] : memref<80x64xf32, #tpu.memory_space<vmem>> -> memref<1x64xf32, #tpu.memory_space<vmem>>
      %dma_start3A_89 = arith.constant 0 : i32
      %dma_start3A_90 = tpu.memref_slice %arg3[%squeeze3A_78, %dma_start3A_89] : memref<1000000x64xf32, #tpu.memory_space<hbm>> -> memref<1x64xf32, #tpu.memory_space<hbm>>
      tpu.enqueue_dma source(%dma_start3A_90 : memref<1x64xf32, #tpu.memory_space<hbm>>) target(%dma_start3A_88 : memref<1x64xf32, #tpu.memory_space<vmem>>) target_semaphore(%arg11 : memref<!tpu.dma_semaphore, #tpu.memory_space<semaphore_mem>>)
      %slice3A_91 = vector.extract_strided_slice %get3A_37 {offsets = [4], sizes = [1], strides = [1]} : vector<16xi32> to vector<1xi32>
      %squeeze3A_92 = vector.extract %slice3A_91[0] : i32 from vector<1xi32>
      %mul3A_93 = arith.constant 16 : i32
      %mul3A_94 = arith.muli %scan3A_31, %mul3A_93 : i32
      %add3A_95 = arith.constant 4 : i32
      %add3A_96 = arith.addi %mul3A_94, %add3A_95 : i32
      %dma_start3A_97 = arith.constant 0 : i32
      %dma_start3A_98 = tpu.memref_slice %arg7[%add3A_96, %dma_start3A_97] : memref<80x64xf32, #tpu.memory_space<vmem>> -> memref<1x64xf32, #tpu.memory_space<vmem>>
      %dma_start3A_99 = arith.constant 0 : i32
      %dma_start3A_100 = tpu.memref_slice %arg3[%squeeze3A_92, %dma_start3A_99] : memref<1000000x64xf32, #tpu.memory_space<hbm>> -> memref<1x64xf32, #tpu.memory_space<hbm>>
      %dma_start3A_101 = arith.constant 0 : i32
      %dma_start3A_102 = tpu.memref_slice %arg7[%add3A_96, %dma_start3A_101] : memref<80x64xf32, #tpu.memory_space<vmem>> -> memref<1x64xf32, #tpu.memory_space<vmem>>
      %dma_start3A_103 = arith.constant 0 : i32
      %dma_start3A_104 = tpu.memref_slice %arg3[%squeeze3A_92, %dma_start3A_103] : memref<1000000x64xf32, #tpu.memory_space<hbm>> -> memref<1x64xf32, #tpu.memory_space<hbm>>
      tpu.enqueue_dma source(%dma_start3A_104 : memref<1x64xf32, #tpu.memory_space<hbm>>) target(%dma_start3A_102 : memref<1x64xf32, #tpu.memory_space<vmem>>) target_semaphore(%arg11 : memref<!tpu.dma_semaphore, #tpu.memory_space<semaphore_mem>>)
      %slice3A_105 = vector.extract_strided_slice %get3A_37 {offsets = [5], sizes = [1], strides = [1]} : vector<16xi32> to vector<1xi32>
      %squeeze3A_106 = vector.extract %slice3A_105[0] : i32 from vector<1xi32>
      %mul3A_107 = arith.constant 16 : i32
      %mul3A_108 = arith.muli %scan3A_31, %mul3A_107 : i32
      %add3A_109 = arith.constant 5 : i32
      %add3A_110 = arith.addi %mul3A_108, %add3A_109 : i32
      %dma_start3A_111 = arith.constant 0 : i32
      %dma_start3A_112 = tpu.memref_slice %arg7[%add3A_110, %dma_start3A_111] : memref<80x64xf32, #tpu.memory_space<vmem>> -> memref<1x64xf32, #tpu.memory_space<vmem>>
      %dma_start3A_113 = arith.constant 0 : i32
      %dma_start3A_114 = tpu.memref_slice %arg3[%squeeze3A_106, %dma_start3A_113] : memref<1000000x64xf32, #tpu.memory_space<hbm>> -> memref<1x64xf32, #tpu.memory_space<hbm>>
      %dma_start3A_115 = arith.constant 0 : i32
      %dma_start3A_116 = tpu.memref_slice %arg7[%add3A_110, %dma_start3A_115] : memref<80x64xf32, #tpu.memory_space<vmem>> -> memref<1x64xf32, #tpu.memory_space<vmem>>
      %dma_start3A_117 = arith.constant 0 : i32
      %dma_start3A_118 = tpu.memref_slice %arg3[%squeeze3A_106, %dma_start3A_117] : memref<1000000x64xf32, #tpu.memory_space<hbm>> -> memref<1x64xf32, #tpu.memory_space<hbm>>
      tpu.enqueue_dma source(%dma_start3A_118 : memref<1x64xf32, #tpu.memory_space<hbm>>) target(%dma_start3A_116 : memref<1x64xf32, #tpu.memory_space<vmem>>) target_semaphore(%arg11 : memref<!tpu.dma_semaphore, #tpu.memory_space<semaphore_mem>>)
      %slice3A_119 = vector.extract_strided_slice %get3A_37 {offsets = [6], sizes = [1], strides = [1]} : vector<16xi32> to vector<1xi32>
      %squeeze3A_120 = vector.extract %slice3A_119[0] : i32 from vector<1xi32>
      %mul3A_121 = arith.constant 16 : i32
      %mul3A_122 = arith.muli %scan3A_31, %mul3A_121 : i32
      %add3A_123 = arith.constant 6 : i32
      %add3A_124 = arith.addi %mul3A_122, %add3A_123 : i32
      %dma_start3A_125 = arith.constant 0 : i32
      %dma_start3A_126 = tpu.memref_slice %arg7[%add3A_124, %dma_start3A_125] : memref<80x64xf32, #tpu.memory_space<vmem>> -> memref<1x64xf32, #tpu.memory_space<vmem>>
      %dma_start3A_127 = arith.constant 0 : i32
      %dma_start3A_128 = tpu.memref_slice %arg3[%squeeze3A_120, %dma_start3A_127] : memref<1000000x64xf32, #tpu.memory_space<hbm>> -> memref<1x64xf32, #tpu.memory_space<hbm>>
      %dma_start3A_129 = arith.constant 0 : i32
      %dma_start3A_130 = tpu.memref_slice %arg7[%add3A_124, %dma_start3A_129] : memref<80x64xf32, #tpu.memory_space<vmem>> -> memref<1x64xf32, #tpu.memory_space<vmem>>
      %dma_start3A_131 = arith.constant 0 : i32
      %dma_start3A_132 = tpu.memref_slice %arg3[%squeeze3A_120, %dma_start3A_131] : memref<1000000x64xf32, #tpu.memory_space<hbm>> -> memref<1x64xf32, #tpu.memory_space<hbm>>
      tpu.enqueue_dma source(%dma_start3A_132 : memref<1x64xf32, #tpu.memory_space<hbm>>) target(%dma_start3A_130 : memref<1x64xf32, #tpu.memory_space<vmem>>) target_semaphore(%arg11 : memref<!tpu.dma_semaphore, #tpu.memory_space<semaphore_mem>>)
      %slice3A_133 = vector.extract_strided_slice %get3A_37 {offsets = [7], sizes = [1], strides = [1]} : vector<16xi32> to vector<1xi32>
      %squeeze3A_134 = vector.extract %slice3A_133[0] : i32 from vector<1xi32>
      %mul3A_135 = arith.constant 16 : i32
      %mul3A_136 = arith.muli %scan3A_31, %mul3A_135 : i32
      %add3A_137 = arith.constant 7 : i32
      %add3A_138 = arith.addi %mul3A_136, %add3A_137 : i32
      %dma_start3A_139 = arith.constant 0 : i32
      %dma_start3A_140 = tpu.memref_slice %arg7[%add3A_138, %dma_start3A_139] : memref<80x64xf32, #tpu.memory_space<vmem>> -> memref<1x64xf32, #tpu.memory_space<vmem>>
      %dma_start3A_141 = arith.constant 0 : i32
      %dma_start3A_142 = tpu.memref_slice %arg3[%squeeze3A_134, %dma_start3A_141] : memref<1000000x64xf32, #tpu.memory_space<hbm>> -> memref<1x64xf32, #tpu.memory_space<hbm>>
      %dma_start3A_143 = arith.constant 0 : i32
      %dma_start3A_144 = tpu.memref_slice %arg7[%add3A_138, %dma_start3A_143] : memref<80x64xf32, #tpu.memory_space<vmem>> -> memref<1x64xf32, #tpu.memory_space<vmem>>
      %dma_start3A_145 = arith.constant 0 : i32
      %dma_start3A_146 = tpu.memref_slice %arg3[%squeeze3A_134, %dma_start3A_145] : memref<1000000x64xf32, #tpu.memory_space<hbm>> -> memref<1x64xf32, #tpu.memory_space<hbm>>
      tpu.enqueue_dma source(%dma_start3A_146 : memref<1x64xf32, #tpu.memory_space<hbm>>) target(%dma_start3A_144 : memref<1x64xf32, #tpu.memory_space<vmem>>) target_semaphore(%arg11 : memref<!tpu.dma_semaphore, #tpu.memory_space<semaphore_mem>>)
      %slice3A_147 = vector.extract_strided_slice %get3A_37 {offsets = [8], sizes = [1], strides = [1]} : vector<16xi32> to vector<1xi32>
      %squeeze3A_148 = vector.extract %slice3A_147[0] : i32 from vector<1xi32>
      %mul3A_149 = arith.constant 16 : i32
      %mul3A_150 = arith.muli %scan3A_31, %mul3A_149 : i32
      %add3A_151 = arith.constant 8 : i32
      %add3A_152 = arith.addi %mul3A_150, %add3A_151 : i32
      %dma_start3A_153 = arith.constant 0 : i32
      %dma_start3A_154 = tpu.memref_slice %arg7[%add3A_152, %dma_start3A_153] : memref<80x64xf32, #tpu.memory_space<vmem>> -> memref<1x64xf32, #tpu.memory_space<vmem>>
      %dma_start3A_155 = arith.constant 0 : i32
      %dma_start3A_156 = tpu.memref_slice %arg3[%squeeze3A_148, %dma_start3A_155] : memref<1000000x64xf32, #tpu.memory_space<hbm>> -> memref<1x64xf32, #tpu.memory_space<hbm>>
      %dma_start3A_157 = arith.constant 0 : i32
      %dma_start3A_158 = tpu.memref_slice %arg7[%add3A_152, %dma_start3A_157] : memref<80x64xf32, #tpu.memory_space<vmem>> -> memref<1x64xf32, #tpu.memory_space<vmem>>
      %dma_start3A_159 = arith.constant 0 : i32
      %dma_start3A_160 = tpu.memref_slice %arg3[%squeeze3A_148, %dma_start3A_159] : memref<1000000x64xf32, #tpu.memory_space<hbm>> -> memref<1x64xf32, #tpu.memory_space<hbm>>
      tpu.enqueue_dma source(%dma_start3A_160 : memref<1x64xf32, #tpu.memory_space<hbm>>) target(%dma_start3A_158 : memref<1x64xf32, #tpu.memory_space<vmem>>) target_semaphore(%arg11 : memref<!tpu.dma_semaphore, #tpu.memory_space<semaphore_mem>>)
      %slice3A_161 = vector.extract_strided_slice %get3A_37 {offsets = [9], sizes = [1], strides = [1]} : vector<16xi32> to vector<1xi32>
      %squeeze3A_162 = vector.extract %slice3A_161[0] : i32 from vector<1xi32>
      %mul3A_163 = arith.constant 16 : i32
      %mul3A_164 = arith.muli %scan3A_31, %mul3A_163 : i32
      %add3A_165 = arith.constant 9 : i32
      %add3A_166 = arith.addi %mul3A_164, %add3A_165 : i32
      %dma_start3A_167 = arith.constant 0 : i32
      %dma_start3A_168 = tpu.memref_slice %arg7[%add3A_166, %dma_start3A_167] : memref<80x64xf32, #tpu.memory_space<vmem>> -> memref<1x64xf32, #tpu.memory_space<vmem>>
      %dma_start3A_169 = arith.constant 0 : i32
      %dma_start3A_170 = tpu.memref_slice %arg3[%squeeze3A_162, %dma_start3A_169] : memref<1000000x64xf32, #tpu.memory_space<hbm>> -> memref<1x64xf32, #tpu.memory_space<hbm>>
      %dma_start3A_171 = arith.constant 0 : i32
      %dma_start3A_172 = tpu.memref_slice %arg7[%add3A_166, %dma_start3A_171] : memref<80x64xf32, #tpu.memory_space<vmem>> -> memref<1x64xf32, #tpu.memory_space<vmem>>
      %dma_start3A_173 = arith.constant 0 : i32
      %dma_start3A_174 = tpu.memref_slice %arg3[%squeeze3A_162, %dma_start3A_173] : memref<1000000x64xf32, #tpu.memory_space<hbm>> -> memref<1x64xf32, #tpu.memory_space<hbm>>
      tpu.enqueue_dma source(%dma_start3A_174 : memref<1x64xf32, #tpu.memory_space<hbm>>) target(%dma_start3A_172 : memref<1x64xf32, #tpu.memory_space<vmem>>) target_semaphore(%arg11 : memref<!tpu.dma_semaphore, #tpu.memory_space<semaphore_mem>>)
      %slice3A_175 = vector.extract_strided_slice %get3A_37 {offsets = [10], sizes = [1], strides = [1]} : vector<16xi32> to vector<1xi32>
      %squeeze3A_176 = vector.extract %slice3A_175[0] : i32 from vector<1xi32>
      %mul3A_177 = arith.constant 16 : i32
      %mul3A_178 = arith.muli %scan3A_31, %mul3A_177 : i32
      %add3A_179 = arith.constant 10 : i32
      %add3A_180 = arith.addi %mul3A_178, %add3A_179 : i32
      %dma_start3A_181 = arith.constant 0 : i32
      %dma_start3A_182 = tpu.memref_slice %arg7[%add3A_180, %dma_start3A_181] : memref<80x64xf32, #tpu.memory_space<vmem>> -> memref<1x64xf32, #tpu.memory_space<vmem>>
      %dma_start3A_183 = arith.constant 0 : i32
      %dma_start3A_184 = tpu.memref_slice %arg3[%squeeze3A_176, %dma_start3A_183] : memref<1000000x64xf32, #tpu.memory_space<hbm>> -> memref<1x64xf32, #tpu.memory_space<hbm>>
      %dma_start3A_185 = arith.constant 0 : i32
      %dma_start3A_186 = tpu.memref_slice %arg7[%add3A_180, %dma_start3A_185] : memref<80x64xf32, #tpu.memory_space<vmem>> -> memref<1x64xf32, #tpu.memory_space<vmem>>
      %dma_start3A_187 = arith.constant 0 : i32
      %dma_start3A_188 = tpu.memref_slice %arg3[%squeeze3A_176, %dma_start3A_187] : memref<1000000x64xf32, #tpu.memory_space<hbm>> -> memref<1x64xf32, #tpu.memory_space<hbm>>
      tpu.enqueue_dma source(%dma_start3A_188 : memref<1x64xf32, #tpu.memory_space<hbm>>) target(%dma_start3A_186 : memref<1x64xf32, #tpu.memory_space<vmem>>) target_semaphore(%arg11 : memref<!tpu.dma_semaphore, #tpu.memory_space<semaphore_mem>>)
      %slice3A_189 = vector.extract_strided_slice %get3A_37 {offsets = [11], sizes = [1], strides = [1]} : vector<16xi32> to vector<1xi32>
      %squeeze3A_190 = vector.extract %slice3A_189[0] : i32 from vector<1xi32>
      %mul3A_191 = arith.constant 16 : i32
      %mul3A_192 = arith.muli %scan3A_31, %mul3A_191 : i32
      %add3A_193 = arith.constant 11 : i32
      %add3A_194 = arith.addi %mul3A_192, %add3A_193 : i32
      %dma_start3A_195 = arith.constant 0 : i32
      %dma_start3A_196 = tpu.memref_slice %arg7[%add3A_194, %dma_start3A_195] : memref<80x64xf32, #tpu.memory_space<vmem>> -> memref<1x64xf32, #tpu.memory_space<vmem>>
      %dma_start3A_197 = arith.constant 0 : i32
      %dma_start3A_198 = tpu.memref_slice %arg3[%squeeze3A_190, %dma_start3A_197] : memref<1000000x64xf32, #tpu.memory_space<hbm>> -> memref<1x64xf32, #tpu.memory_space<hbm>>
      %dma_start3A_199 = arith.constant 0 : i32
      %dma_start3A_200 = tpu.memref_slice %arg7[%add3A_194, %dma_start3A_199] : memref<80x64xf32, #tpu.memory_space<vmem>> -> memref<1x64xf32, #tpu.memory_space<vmem>>
      %dma_start3A_201 = arith.constant 0 : i32
      %dma_start3A_202 = tpu.memref_slice %arg3[%squeeze3A_190, %dma_start3A_201] : memref<1000000x64xf32, #tpu.memory_space<hbm>> -> memref<1x64xf32, #tpu.memory_space<hbm>>
      tpu.enqueue_dma source(%dma_start3A_202 : memref<1x64xf32, #tpu.memory_space<hbm>>) target(%dma_start3A_200 : memref<1x64xf32, #tpu.memory_space<vmem>>) target_semaphore(%arg11 : memref<!tpu.dma_semaphore, #tpu.memory_space<semaphore_mem>>)
      %slice3A_203 = vector.extract_strided_slice %get3A_37 {offsets = [12], sizes = [1], strides = [1]} : vector<16xi32> to vector<1xi32>
      %squeeze3A_204 = vector.extract %slice3A_203[0] : i32 from vector<1xi32>
      %mul3A_205 = arith.constant 16 : i32
      %mul3A_206 = arith.muli %scan3A_31, %mul3A_205 : i32
      %add3A_207 = arith.constant 12 : i32
      %add3A_208 = arith.addi %mul3A_206, %add3A_207 : i32
      %dma_start3A_209 = arith.constant 0 : i32
      %dma_start3A_210 = tpu.memref_slice %arg7[%add3A_208, %dma_start3A_209] : memref<80x64xf32, #tpu.memory_space<vmem>> -> memref<1x64xf32, #tpu.memory_space<vmem>>
      %dma_start3A_211 = arith.constant 0 : i32
      %dma_start3A_212 = tpu.memref_slice %arg3[%squeeze3A_204, %dma_start3A_211] : memref<1000000x64xf32, #tpu.memory_space<hbm>> -> memref<1x64xf32, #tpu.memory_space<hbm>>
      %dma_start3A_213 = arith.constant 0 : i32
      %dma_start3A_214 = tpu.memref_slice %arg7[%add3A_208, %dma_start3A_213] : memref<80x64xf32, #tpu.memory_space<vmem>> -> memref<1x64xf32, #tpu.memory_space<vmem>>
      %dma_start3A_215 = arith.constant 0 : i32
      %dma_start3A_216 = tpu.memref_slice %arg3[%squeeze3A_204, %dma_start3A_215] : memref<1000000x64xf32, #tpu.memory_space<hbm>> -> memref<1x64xf32, #tpu.memory_space<hbm>>
      tpu.enqueue_dma source(%dma_start3A_216 : memref<1x64xf32, #tpu.memory_space<hbm>>) target(%dma_start3A_214 : memref<1x64xf32, #tpu.memory_space<vmem>>) target_semaphore(%arg11 : memref<!tpu.dma_semaphore, #tpu.memory_space<semaphore_mem>>)
      %slice3A_217 = vector.extract_strided_slice %get3A_37 {offsets = [13], sizes = [1], strides = [1]} : vector<16xi32> to vector<1xi32>
      %squeeze3A_218 = vector.extract %slice3A_217[0] : i32 from vector<1xi32>
      %mul3A_219 = arith.constant 16 : i32
      %mul3A_220 = arith.muli %scan3A_31, %mul3A_219 : i32
      %add3A_221 = arith.constant 13 : i32
      %add3A_222 = arith.addi %mul3A_220, %add3A_221 : i32
      %dma_start3A_223 = arith.constant 0 : i32
      %dma_start3A_224 = tpu.memref_slice %arg7[%add3A_222, %dma_start3A_223] : memref<80x64xf32, #tpu.memory_space<vmem>> -> memref<1x64xf32, #tpu.memory_space<vmem>>
      %dma_start3A_225 = arith.constant 0 : i32
      %dma_start3A_226 = tpu.memref_slice %arg3[%squeeze3A_218, %dma_start3A_225] : memref<1000000x64xf32, #tpu.memory_space<hbm>> -> memref<1x64xf32, #tpu.memory_space<hbm>>
      %dma_start3A_227 = arith.constant 0 : i32
      %dma_start3A_228 = tpu.memref_slice %arg7[%add3A_222, %dma_start3A_227] : memref<80x64xf32, #tpu.memory_space<vmem>> -> memref<1x64xf32, #tpu.memory_space<vmem>>
      %dma_start3A_229 = arith.constant 0 : i32
      %dma_start3A_230 = tpu.memref_slice %arg3[%squeeze3A_218, %dma_start3A_229] : memref<1000000x64xf32, #tpu.memory_space<hbm>> -> memref<1x64xf32, #tpu.memory_space<hbm>>
      tpu.enqueue_dma source(%dma_start3A_230 : memref<1x64xf32, #tpu.memory_space<hbm>>) target(%dma_start3A_228 : memref<1x64xf32, #tpu.memory_space<vmem>>) target_semaphore(%arg11 : memref<!tpu.dma_semaphore, #tpu.memory_space<semaphore_mem>>)
      %slice3A_231 = vector.extract_strided_slice %get3A_37 {offsets = [14], sizes = [1], strides = [1]} : vector<16xi32> to vector<1xi32>
      %squeeze3A_232 = vector.extract %slice3A_231[0] : i32 from vector<1xi32>
      %mul3A_233 = arith.constant 16 : i32
      %mul3A_234 = arith.muli %scan3A_31, %mul3A_233 : i32
      %add3A_235 = arith.constant 14 : i32
      %add3A_236 = arith.addi %mul3A_234, %add3A_235 : i32
      %dma_start3A_237 = arith.constant 0 : i32
      %dma_start3A_238 = tpu.memref_slice %arg7[%add3A_236, %dma_start3A_237] : memref<80x64xf32, #tpu.memory_space<vmem>> -> memref<1x64xf32, #tpu.memory_space<vmem>>
      %dma_start3A_239 = arith.constant 0 : i32
      %dma_start3A_240 = tpu.memref_slice %arg3[%squeeze3A_232, %dma_start3A_239] : memref<1000000x64xf32, #tpu.memory_space<hbm>> -> memref<1x64xf32, #tpu.memory_space<hbm>>
      %dma_start3A_241 = arith.constant 0 : i32
      %dma_start3A_242 = tpu.memref_slice %arg7[%add3A_236, %dma_start3A_241] : memref<80x64xf32, #tpu.memory_space<vmem>> -> memref<1x64xf32, #tpu.memory_space<vmem>>
      %dma_start3A_243 = arith.constant 0 : i32
      %dma_start3A_244 = tpu.memref_slice %arg3[%squeeze3A_232, %dma_start3A_243] : memref<1000000x64xf32, #tpu.memory_space<hbm>> -> memref<1x64xf32, #tpu.memory_space<hbm>>
      tpu.enqueue_dma source(%dma_start3A_244 : memref<1x64xf32, #tpu.memory_space<hbm>>) target(%dma_start3A_242 : memref<1x64xf32, #tpu.memory_space<vmem>>) target_semaphore(%arg11 : memref<!tpu.dma_semaphore, #tpu.memory_space<semaphore_mem>>)
      %slice3A_245 = vector.extract_strided_slice %get3A_37 {offsets = [15], sizes = [1], strides = [1]} : vector<16xi32> to vector<1xi32>
      %squeeze3A_246 = vector.extract %slice3A_245[0] : i32 from vector<1xi32>
      %mul3A_247 = arith.constant 16 : i32
      %mul3A_248 = arith.muli %scan3A_31, %mul3A_247 : i32
      %add3A_249 = arith.constant 15 : i32
      %add3A_250 = arith.addi %mul3A_248, %add3A_249 : i32
      %dma_start3A_251 = arith.constant 0 : i32
      %dma_start3A_252 = tpu.memref_slice %arg7[%add3A_250, %dma_start3A_251] : memref<80x64xf32, #tpu.memory_space<vmem>> -> memref<1x64xf32, #tpu.memory_space<vmem>>
      %dma_start3A_253 = arith.constant 0 : i32
      %dma_start3A_254 = tpu.memref_slice %arg3[%squeeze3A_246, %dma_start3A_253] : memref<1000000x64xf32, #tpu.memory_space<hbm>> -> memref<1x64xf32, #tpu.memory_space<hbm>>
      %dma_start3A_255 = arith.constant 0 : i32
      %dma_start3A_256 = tpu.memref_slice %arg7[%add3A_250, %dma_start3A_255] : memref<80x64xf32, #tpu.memory_space<vmem>> -> memref<1x64xf32, #tpu.memory_space<vmem>>
      %dma_start3A_257 = arith.constant 0 : i32
      %dma_start3A_258 = tpu.memref_slice %arg3[%squeeze3A_246, %dma_start3A_257] : memref<1000000x64xf32, #tpu.memory_space<hbm>> -> memref<1x64xf32, #tpu.memory_space<hbm>>
      tpu.enqueue_dma source(%dma_start3A_258 : memref<1x64xf32, #tpu.memory_space<hbm>>) target(%dma_start3A_256 : memref<1x64xf32, #tpu.memory_space<vmem>>) target_semaphore(%arg11 : memref<!tpu.dma_semaphore, #tpu.memory_space<semaphore_mem>>)
    }
    %scan3A_13 = arith.constant 5 : i32
    %scan3A_14 = arith.constant 0 : i32
    %scan3A_15 = arith.constant 0 : i32
    %scan3A_16 = arith.constant 5 : i32
    %scan3A_17 = arith.addi %scan3A_15, %scan3A_16 : i32
    %scan3A_18 = arith.constant 1 : i32
    scf.for %scan3A_31 = %scan3A_15 to %scan3A_17 step %scan3A_18  : i32 {
      %mul3A_32 = arith.constant 16 : i32
      %mul3A_33 = arith.muli %scan3A_31, %mul3A_32 : i32
      %add3A_34 = arith.constant 160 : i32
      %add3A_35 = arith.addi %add3A_34, %mul3A_33 : i32
      %get3A = arith.index_cast %add3A_35 : i32 to index
      %get3A_36 = tpu.vector_load %arg5[%get3A] {strides = array<i32>} : memref<25600xi32, #tpu.memory_space<vmem>>, vector<16xi32>,
      %get3A_37 = vector.shape_cast %get3A_36 : vector<16xi32> to vector<16xi32>
      %slice3A = vector.extract_strided_slice %get3A_37 {offsets = [0], sizes = [1], strides = [1]} : vector<16xi32> to vector<1xi32>
      %squeeze3A = vector.extract %slice3A[0] : i32 from vector<1xi32>
      %mul3A_38 = arith.constant 16 : i32
      %mul3A_39 = arith.muli %scan3A_31, %mul3A_38 : i32
      %add3A_40 = arith.constant 0 : i32
      %add3A_41 = arith.addi %mul3A_39, %add3A_40 : i32
      %dma_start3A = arith.constant 0 : i32
      %dma_start3A_42 = tpu.memref_slice %arg8[%add3A_41, %dma_start3A] : memref<80x64xf32, #tpu.memory_space<vmem>> -> memref<1x64xf32, #tpu.memory_space<vmem>>
      %dma_start3A_43 = arith.constant 0 : i32
      %dma_start3A_44 = tpu.memref_slice %arg3[%squeeze3A, %dma_start3A_43] : memref<1000000x64xf32, #tpu.memory_space<hbm>> -> memref<1x64xf32, #tpu.memory_space<hbm>>
      %dma_start3A_45 = arith.constant 0 : i32
      %dma_start3A_46 = tpu.memref_slice %arg8[%add3A_41, %dma_start3A_45] : memref<80x64xf32, #tpu.memory_space<vmem>> -> memref<1x64xf32, #tpu.memory_space<vmem>>
      %dma_start3A_47 = arith.constant 0 : i32
      %dma_start3A_48 = tpu.memref_slice %arg3[%squeeze3A, %dma_start3A_47] : memref<1000000x64xf32, #tpu.memory_space<hbm>> -> memref<1x64xf32, #tpu.memory_space<hbm>>
      tpu.enqueue_dma source(%dma_start3A_48 : memref<1x64xf32, #tpu.memory_space<hbm>>) target(%dma_start3A_46 : memref<1x64xf32, #tpu.memory_space<vmem>>) target_semaphore(%arg12 : memref<!tpu.dma_semaphore, #tpu.memory_space<semaphore_mem>>)
      %slice3A_49 = vector.extract_strided_slice %get3A_37 {offsets = [1], sizes = [1], strides = [1]} : vector<16xi32> to vector<1xi32>
      %squeeze3A_50 = vector.extract %slice3A_49[0] : i32 from vector<1xi32>
      %mul3A_51 = arith.constant 16 : i32
      %mul3A_52 = arith.muli %scan3A_31, %mul3A_51 : i32
      %add3A_53 = arith.constant 1 : i32
      %add3A_54 = arith.addi %mul3A_52, %add3A_53 : i32
      %dma_start3A_55 = arith.constant 0 : i32
      %dma_start3A_56 = tpu.memref_slice %arg8[%add3A_54, %dma_start3A_55] : memref<80x64xf32, #tpu.memory_space<vmem>> -> memref<1x64xf32, #tpu.memory_space<vmem>>
      %dma_start3A_57 = arith.constant 0 : i32
      %dma_start3A_58 = tpu.memref_slice %arg3[%squeeze3A_50, %dma_start3A_57] : memref<1000000x64xf32, #tpu.memory_space<hbm>> -> memref<1x64xf32, #tpu.memory_space<hbm>>
      %dma_start3A_59 = arith.constant 0 : i32
      %dma_start3A_60 = tpu.memref_slice %arg8[%add3A_54, %dma_start3A_59] : memref<80x64xf32, #tpu.memory_space<vmem>> -> memref<1x64xf32, #tpu.memory_space<vmem>>
      %dma_start3A_61 = arith.constant 0 : i32
      %dma_start3A_62 = tpu.memref_slice %arg3[%squeeze3A_50, %dma_start3A_61] : memref<1000000x64xf32, #tpu.memory_space<hbm>> -> memref<1x64xf32, #tpu.memory_space<hbm>>
      tpu.enqueue_dma source(%dma_start3A_62 : memref<1x64xf32, #tpu.memory_space<hbm>>) target(%dma_start3A_60 : memref<1x64xf32, #tpu.memory_space<vmem>>) target_semaphore(%arg12 : memref<!tpu.dma_semaphore, #tpu.memory_space<semaphore_mem>>)
      %slice3A_63 = vector.extract_strided_slice %get3A_37 {offsets = [2], sizes = [1], strides = [1]} : vector<16xi32> to vector<1xi32>
      %squeeze3A_64 = vector.extract %slice3A_63[0] : i32 from vector<1xi32>
      %mul3A_65 = arith.constant 16 : i32
      %mul3A_66 = arith.muli %scan3A_31, %mul3A_65 : i32
      %add3A_67 = arith.constant 2 : i32
      %add3A_68 = arith.addi %mul3A_66, %add3A_67 : i32
      %dma_start3A_69 = arith.constant 0 : i32
      %dma_start3A_70 = tpu.memref_slice %arg8[%add3A_68, %dma_start3A_69] : memref<80x64xf32, #tpu.memory_space<vmem>> -> memref<1x64xf32, #tpu.memory_space<vmem>>
      %dma_start3A_71 = arith.constant 0 : i32
      %dma_start3A_72 = tpu.memref_slice %arg3[%squeeze3A_64, %dma_start3A_71] : memref<1000000x64xf32, #tpu.memory_space<hbm>> -> memref<1x64xf32, #tpu.memory_space<hbm>>
      %dma_start3A_73 = arith.constant 0 : i32
      %dma_start3A_74 = tpu.memref_slice %arg8[%add3A_68, %dma_start3A_73] : memref<80x64xf32, #tpu.memory_space<vmem>> -> memref<1x64xf32, #tpu.memory_space<vmem>>
      %dma_start3A_75 = arith.constant 0 : i32
      %dma_start3A_76 = tpu.memref_slice %arg3[%squeeze3A_64, %dma_start3A_75] : memref<1000000x64xf32, #tpu.memory_space<hbm>> -> memref<1x64xf32, #tpu.memory_space<hbm>>
      tpu.enqueue_dma source(%dma_start3A_76 : memref<1x64xf32, #tpu.memory_space<hbm>>) target(%dma_start3A_74 : memref<1x64xf32, #tpu.memory_space<vmem>>) target_semaphore(%arg12 : memref<!tpu.dma_semaphore, #tpu.memory_space<semaphore_mem>>)
      %slice3A_77 = vector.extract_strided_slice %get3A_37 {offsets = [3], sizes = [1], strides = [1]} : vector<16xi32> to vector<1xi32>
      %squeeze3A_78 = vector.extract %slice3A_77[0] : i32 from vector<1xi32>
      %mul3A_79 = arith.constant 16 : i32
      %mul3A_80 = arith.muli %scan3A_31, %mul3A_79 : i32
      %add3A_81 = arith.constant 3 : i32
      %add3A_82 = arith.addi %mul3A_80, %add3A_81 : i32
      %dma_start3A_83 = arith.constant 0 : i32
      %dma_start3A_84 = tpu.memref_slice %arg8[%add3A_82, %dma_start3A_83] : memref<80x64xf32, #tpu.memory_space<vmem>> -> memref<1x64xf32, #tpu.memory_space<vmem>>
      %dma_start3A_85 = arith.constant 0 : i32
      %dma_start3A_86 = tpu.memref_slice %arg3[%squeeze3A_78, %dma_start3A_85] : memref<1000000x64xf32, #tpu.memory_space<hbm>> -> memref<1x64xf32, #tpu.memory_space<hbm>>
      %dma_start3A_87 = arith.constant 0 : i32
      %dma_start3A_88 = tpu.memref_slice %arg8[%add3A_82, %dma_start3A_87] : memref<80x64xf32, #tpu.memory_space<vmem>> -> memref<1x64xf32, #tpu.memory_space<vmem>>
      %dma_start3A_89 = arith.constant 0 : i32
      %dma_start3A_90 = tpu.memref_slice %arg3[%squeeze3A_78, %dma_start3A_89] : memref<1000000x64xf32, #tpu.memory_space<hbm>> -> memref<1x64xf32, #tpu.memory_space<hbm>>
      tpu.enqueue_dma source(%dma_start3A_90 : memref<1x64xf32, #tpu.memory_space<hbm>>) target(%dma_start3A_88 : memref<1x64xf32, #tpu.memory_space<vmem>>) target_semaphore(%arg12 : memref<!tpu.dma_semaphore, #tpu.memory_space<semaphore_mem>>)
      %slice3A_91 = vector.extract_strided_slice %get3A_37 {offsets = [4], sizes = [1], strides = [1]} : vector<16xi32> to vector<1xi32>
      %squeeze3A_92 = vector.extract %slice3A_91[0] : i32 from vector<1xi32>
      %mul3A_93 = arith.constant 16 : i32
      %mul3A_94 = arith.muli %scan3A_31, %mul3A_93 : i32
      %add3A_95 = arith.constant 4 : i32
      %add3A_96 = arith.addi %mul3A_94, %add3A_95 : i32
      %dma_start3A_97 = arith.constant 0 : i32
      %dma_start3A_98 = tpu.memref_slice %arg8[%add3A_96, %dma_start3A_97] : memref<80x64xf32, #tpu.memory_space<vmem>> -> memref<1x64xf32, #tpu.memory_space<vmem>>
      %dma_start3A_99 = arith.constant 0 : i32
      %dma_start3A_100 = tpu.memref_slice %arg3[%squeeze3A_92, %dma_start3A_99] : memref<1000000x64xf32, #tpu.memory_space<hbm>> -> memref<1x64xf32, #tpu.memory_space<hbm>>
      %dma_start3A_101 = arith.constant 0 : i32
      %dma_start3A_102 = tpu.memref_slice %arg8[%add3A_96, %dma_start3A_101] : memref<80x64xf32, #tpu.memory_space<vmem>> -> memref<1x64xf32, #tpu.memory_space<vmem>>
      %dma_start3A_103 = arith.constant 0 : i32
      %dma_start3A_104 = tpu.memref_slice %arg3[%squeeze3A_92, %dma_start3A_103] : memref<1000000x64xf32, #tpu.memory_space<hbm>> -> memref<1x64xf32, #tpu.memory_space<hbm>>
      tpu.enqueue_dma source(%dma_start3A_104 : memref<1x64xf32, #tpu.memory_space<hbm>>) target(%dma_start3A_102 : memref<1x64xf32, #tpu.memory_space<vmem>>) target_semaphore(%arg12 : memref<!tpu.dma_semaphore, #tpu.memory_space<semaphore_mem>>)
      %slice3A_105 = vector.extract_strided_slice %get3A_37 {offsets = [5], sizes = [1], strides = [1]} : vector<16xi32> to vector<1xi32>
      %squeeze3A_106 = vector.extract %slice3A_105[0] : i32 from vector<1xi32>
      %mul3A_107 = arith.constant 16 : i32
      %mul3A_108 = arith.muli %scan3A_31, %mul3A_107 : i32
      %add3A_109 = arith.constant 5 : i32
      %add3A_110 = arith.addi %mul3A_108, %add3A_109 : i32
      %dma_start3A_111 = arith.constant 0 : i32
      %dma_start3A_112 = tpu.memref_slice %arg8[%add3A_110, %dma_start3A_111] : memref<80x64xf32, #tpu.memory_space<vmem>> -> memref<1x64xf32, #tpu.memory_space<vmem>>
      %dma_start3A_113 = arith.constant 0 : i32
      %dma_start3A_114 = tpu.memref_slice %arg3[%squeeze3A_106, %dma_start3A_113] : memref<1000000x64xf32, #tpu.memory_space<hbm>> -> memref<1x64xf32, #tpu.memory_space<hbm>>
      %dma_start3A_115 = arith.constant 0 : i32
      %dma_start3A_116 = tpu.memref_slice %arg8[%add3A_110, %dma_start3A_115] : memref<80x64xf32, #tpu.memory_space<vmem>> -> memref<1x64xf32, #tpu.memory_space<vmem>>
      %dma_start3A_117 = arith.constant 0 : i32
      %dma_start3A_118 = tpu.memref_slice %arg3[%squeeze3A_106, %dma_start3A_117] : memref<1000000x64xf32, #tpu.memory_space<hbm>> -> memref<1x64xf32, #tpu.memory_space<hbm>>
      tpu.enqueue_dma source(%dma_start3A_118 : memref<1x64xf32, #tpu.memory_space<hbm>>) target(%dma_start3A_116 : memref<1x64xf32, #tpu.memory_space<vmem>>) target_semaphore(%arg12 : memref<!tpu.dma_semaphore, #tpu.memory_space<semaphore_mem>>)
      %slice3A_119 = vector.extract_strided_slice %get3A_37 {offsets = [6], sizes = [1], strides = [1]} : vector<16xi32> to vector<1xi32>
      %squeeze3A_120 = vector.extract %slice3A_119[0] : i32 from vector<1xi32>
      %mul3A_121 = arith.constant 16 : i32
      %mul3A_122 = arith.muli %scan3A_31, %mul3A_121 : i32
      %add3A_123 = arith.constant 6 : i32
      %add3A_124 = arith.addi %mul3A_122, %add3A_123 : i32
      %dma_start3A_125 = arith.constant 0 : i32
      %dma_start3A_126 = tpu.memref_slice %arg8[%add3A_124, %dma_start3A_125] : memref<80x64xf32, #tpu.memory_space<vmem>> -> memref<1x64xf32, #tpu.memory_space<vmem>>
      %dma_start3A_127 = arith.constant 0 : i32
      %dma_start3A_128 = tpu.memref_slice %arg3[%squeeze3A_120, %dma_start3A_127] : memref<1000000x64xf32, #tpu.memory_space<hbm>> -> memref<1x64xf32, #tpu.memory_space<hbm>>
      %dma_start3A_129 = arith.constant 0 : i32
      %dma_start3A_130 = tpu.memref_slice %arg8[%add3A_124, %dma_start3A_129] : memref<80x64xf32, #tpu.memory_space<vmem>> -> memref<1x64xf32, #tpu.memory_space<vmem>>
      %dma_start3A_131 = arith.constant 0 : i32
      %dma_start3A_132 = tpu.memref_slice %arg3[%squeeze3A_120, %dma_start3A_131] : memref<1000000x64xf32, #tpu.memory_space<hbm>> -> memref<1x64xf32, #tpu.memory_space<hbm>>
      tpu.enqueue_dma source(%dma_start3A_132 : memref<1x64xf32, #tpu.memory_space<hbm>>) target(%dma_start3A_130 : memref<1x64xf32, #tpu.memory_space<vmem>>) target_semaphore(%arg12 : memref<!tpu.dma_semaphore, #tpu.memory_space<semaphore_mem>>)
      %slice3A_133 = vector.extract_strided_slice %get3A_37 {offsets = [7], sizes = [1], strides = [1]} : vector<16xi32> to vector<1xi32>
      %squeeze3A_134 = vector.extract %slice3A_133[0] : i32 from vector<1xi32>
      %mul3A_135 = arith.constant 16 : i32
      %mul3A_136 = arith.muli %scan3A_31, %mul3A_135 : i32
      %add3A_137 = arith.constant 7 : i32
      %add3A_138 = arith.addi %mul3A_136, %add3A_137 : i32
      %dma_start3A_139 = arith.constant 0 : i32
      %dma_start3A_140 = tpu.memref_slice %arg8[%add3A_138, %dma_start3A_139] : memref<80x64xf32, #tpu.memory_space<vmem>> -> memref<1x64xf32, #tpu.memory_space<vmem>>
      %dma_start3A_141 = arith.constant 0 : i32
      %dma_start3A_142 = tpu.memref_slice %arg3[%squeeze3A_134, %dma_start3A_141] : memref<1000000x64xf32, #tpu.memory_space<hbm>> -> memref<1x64xf32, #tpu.memory_space<hbm>>
      %dma_start3A_143 = arith.constant 0 : i32
      %dma_start3A_144 = tpu.memref_slice %arg8[%add3A_138, %dma_start3A_143] : memref<80x64xf32, #tpu.memory_space<vmem>> -> memref<1x64xf32, #tpu.memory_space<vmem>>
      %dma_start3A_145 = arith.constant 0 : i32
      %dma_start3A_146 = tpu.memref_slice %arg3[%squeeze3A_134, %dma_start3A_145] : memref<1000000x64xf32, #tpu.memory_space<hbm>> -> memref<1x64xf32, #tpu.memory_space<hbm>>
      tpu.enqueue_dma source(%dma_start3A_146 : memref<1x64xf32, #tpu.memory_space<hbm>>) target(%dma_start3A_144 : memref<1x64xf32, #tpu.memory_space<vmem>>) target_semaphore(%arg12 : memref<!tpu.dma_semaphore, #tpu.memory_space<semaphore_mem>>)
      %slice3A_147 = vector.extract_strided_slice %get3A_37 {offsets = [8], sizes = [1], strides = [1]} : vector<16xi32> to vector<1xi32>
      %squeeze3A_148 = vector.extract %slice3A_147[0] : i32 from vector<1xi32>
      %mul3A_149 = arith.constant 16 : i32
      %mul3A_150 = arith.muli %scan3A_31, %mul3A_149 : i32
      %add3A_151 = arith.constant 8 : i32
      %add3A_152 = arith.addi %mul3A_150, %add3A_151 : i32
      %dma_start3A_153 = arith.constant 0 : i32
      %dma_start3A_154 = tpu.memref_slice %arg8[%add3A_152, %dma_start3A_153] : memref<80x64xf32, #tpu.memory_space<vmem>> -> memref<1x64xf32, #tpu.memory_space<vmem>>
      %dma_start3A_155 = arith.constant 0 : i32
      %dma_start3A_156 = tpu.memref_slice %arg3[%squeeze3A_148, %dma_start3A_155] : memref<1000000x64xf32, #tpu.memory_space<hbm>> -> memref<1x64xf32, #tpu.memory_space<hbm>>
      %dma_start3A_157 = arith.constant 0 : i32
      %dma_start3A_158 = tpu.memref_slice %arg8[%add3A_152, %dma_start3A_157] : memref<80x64xf32, #tpu.memory_space<vmem>> -> memref<1x64xf32, #tpu.memory_space<vmem>>
      %dma_start3A_159 = arith.constant 0 : i32
      %dma_start3A_160 = tpu.memref_slice %arg3[%squeeze3A_148, %dma_start3A_159] : memref<1000000x64xf32, #tpu.memory_space<hbm>> -> memref<1x64xf32, #tpu.memory_space<hbm>>
      tpu.enqueue_dma source(%dma_start3A_160 : memref<1x64xf32, #tpu.memory_space<hbm>>) target(%dma_start3A_158 : memref<1x64xf32, #tpu.memory_space<vmem>>) target_semaphore(%arg12 : memref<!tpu.dma_semaphore, #tpu.memory_space<semaphore_mem>>)
      %slice3A_161 = vector.extract_strided_slice %get3A_37 {offsets = [9], sizes = [1], strides = [1]} : vector<16xi32> to vector<1xi32>
      %squeeze3A_162 = vector.extract %slice3A_161[0] : i32 from vector<1xi32>
      %mul3A_163 = arith.constant 16 : i32
      %mul3A_164 = arith.muli %scan3A_31, %mul3A_163 : i32
      %add3A_165 = arith.constant 9 : i32
      %add3A_166 = arith.addi %mul3A_164, %add3A_165 : i32
      %dma_start3A_167 = arith.constant 0 : i32
      %dma_start3A_168 = tpu.memref_slice %arg8[%add3A_166, %dma_start3A_167] : memref<80x64xf32, #tpu.memory_space<vmem>> -> memref<1x64xf32, #tpu.memory_space<vmem>>
      %dma_start3A_169 = arith.constant 0 : i32
      %dma_start3A_170 = tpu.memref_slice %arg3[%squeeze3A_162, %dma_start3A_169] : memref<1000000x64xf32, #tpu.memory_space<hbm>> -> memref<1x64xf32, #tpu.memory_space<hbm>>
      %dma_start3A_171 = arith.constant 0 : i32
      %dma_start3A_172 = tpu.memref_slice %arg8[%add3A_166, %dma_start3A_171] : memref<80x64xf32, #tpu.memory_space<vmem>> -> memref<1x64xf32, #tpu.memory_space<vmem>>
      %dma_start3A_173 = arith.constant 0 : i32
      %dma_start3A_174 = tpu.memref_slice %arg3[%squeeze3A_162, %dma_start3A_173] : memref<1000000x64xf32, #tpu.memory_space<hbm>> -> memref<1x64xf32, #tpu.memory_space<hbm>>
      tpu.enqueue_dma source(%dma_start3A_174 : memref<1x64xf32, #tpu.memory_space<hbm>>) target(%dma_start3A_172 : memref<1x64xf32, #tpu.memory_space<vmem>>) target_semaphore(%arg12 : memref<!tpu.dma_semaphore, #tpu.memory_space<semaphore_mem>>)
      %slice3A_175 = vector.extract_strided_slice %get3A_37 {offsets = [10], sizes = [1], strides = [1]} : vector<16xi32> to vector<1xi32>
      %squeeze3A_176 = vector.extract %slice3A_175[0] : i32 from vector<1xi32>
      %mul3A_177 = arith.constant 16 : i32
      %mul3A_178 = arith.muli %scan3A_31, %mul3A_177 : i32
      %add3A_179 = arith.constant 10 : i32
      %add3A_180 = arith.addi %mul3A_178, %add3A_179 : i32
      %dma_start3A_181 = arith.constant 0 : i32
      %dma_start3A_182 = tpu.memref_slice %arg8[%add3A_180, %dma_start3A_181] : memref<80x64xf32, #tpu.memory_space<vmem>> -> memref<1x64xf32, #tpu.memory_space<vmem>>
      %dma_start3A_183 = arith.constant 0 : i32
      %dma_start3A_184 = tpu.memref_slice %arg3[%squeeze3A_176, %dma_start3A_183] : memref<1000000x64xf32, #tpu.memory_space<hbm>> -> memref<1x64xf32, #tpu.memory_space<hbm>>
      %dma_start3A_185 = arith.constant 0 : i32
      %dma_start3A_186 = tpu.memref_slice %arg8[%add3A_180, %dma_start3A_185] : memref<80x64xf32, #tpu.memory_space<vmem>> -> memref<1x64xf32, #tpu.memory_space<vmem>>
      %dma_start3A_187 = arith.constant 0 : i32
      %dma_start3A_188 = tpu.memref_slice %arg3[%squeeze3A_176, %dma_start3A_187] : memref<1000000x64xf32, #tpu.memory_space<hbm>> -> memref<1x64xf32, #tpu.memory_space<hbm>>
      tpu.enqueue_dma source(%dma_start3A_188 : memref<1x64xf32, #tpu.memory_space<hbm>>) target(%dma_start3A_186 : memref<1x64xf32, #tpu.memory_space<vmem>>) target_semaphore(%arg12 : memref<!tpu.dma_semaphore, #tpu.memory_space<semaphore_mem>>)
      %slice3A_189 = vector.extract_strided_slice %get3A_37 {offsets = [11], sizes = [1], strides = [1]} : vector<16xi32> to vector<1xi32>
      %squeeze3A_190 = vector.extract %slice3A_189[0] : i32 from vector<1xi32>
      %mul3A_191 = arith.constant 16 : i32
      %mul3A_192 = arith.muli %scan3A_31, %mul3A_191 : i32
      %add3A_193 = arith.constant 11 : i32
      %add3A_194 = arith.addi %mul3A_192, %add3A_193 : i32
      %dma_start3A_195 = arith.constant 0 : i32
      %dma_start3A_196 = tpu.memref_slice %arg8[%add3A_194, %dma_start3A_195] : memref<80x64xf32, #tpu.memory_space<vmem>> -> memref<1x64xf32, #tpu.memory_space<vmem>>
      %dma_start3A_197 = arith.constant 0 : i32
      %dma_start3A_198 = tpu.memref_slice %arg3[%squeeze3A_190, %dma_start3A_197] : memref<1000000x64xf32, #tpu.memory_space<hbm>> -> memref<1x64xf32, #tpu.memory_space<hbm>>
      %dma_start3A_199 = arith.constant 0 : i32
      %dma_start3A_200 = tpu.memref_slice %arg8[%add3A_194, %dma_start3A_199] : memref<80x64xf32, #tpu.memory_space<vmem>> -> memref<1x64xf32, #tpu.memory_space<vmem>>
      %dma_start3A_201 = arith.constant 0 : i32
      %dma_start3A_202 = tpu.memref_slice %arg3[%squeeze3A_190, %dma_start3A_201] : memref<1000000x64xf32, #tpu.memory_space<hbm>> -> memref<1x64xf32, #tpu.memory_space<hbm>>
      tpu.enqueue_dma source(%dma_start3A_202 : memref<1x64xf32, #tpu.memory_space<hbm>>) target(%dma_start3A_200 : memref<1x64xf32, #tpu.memory_space<vmem>>) target_semaphore(%arg12 : memref<!tpu.dma_semaphore, #tpu.memory_space<semaphore_mem>>)
      %slice3A_203 = vector.extract_strided_slice %get3A_37 {offsets = [12], sizes = [1], strides = [1]} : vector<16xi32> to vector<1xi32>
      %squeeze3A_204 = vector.extract %slice3A_203[0] : i32 from vector<1xi32>
      %mul3A_205 = arith.constant 16 : i32
      %mul3A_206 = arith.muli %scan3A_31, %mul3A_205 : i32
      %add3A_207 = arith.constant 12 : i32
      %add3A_208 = arith.addi %mul3A_206, %add3A_207 : i32
      %dma_start3A_209 = arith.constant 0 : i32
      %dma_start3A_210 = tpu.memref_slice %arg8[%add3A_208, %dma_start3A_209] : memref<80x64xf32, #tpu.memory_space<vmem>> -> memref<1x64xf32, #tpu.memory_space<vmem>>
      %dma_start3A_211 = arith.constant 0 : i32
      %dma_start3A_212 = tpu.memref_slice %arg3[%squeeze3A_204, %dma_start3A_211] : memref<1000000x64xf32, #tpu.memory_space<hbm>> -> memref<1x64xf32, #tpu.memory_space<hbm>>
      %dma_start3A_213 = arith.constant 0 : i32
      %dma_start3A_214 = tpu.memref_slice %arg8[%add3A_208, %dma_start3A_213] : memref<80x64xf32, #tpu.memory_space<vmem>> -> memref<1x64xf32, #tpu.memory_space<vmem>>
      %dma_start3A_215 = arith.constant 0 : i32
      %dma_start3A_216 = tpu.memref_slice %arg3[%squeeze3A_204, %dma_start3A_215] : memref<1000000x64xf32, #tpu.memory_space<hbm>> -> memref<1x64xf32, #tpu.memory_space<hbm>>
      tpu.enqueue_dma source(%dma_start3A_216 : memref<1x64xf32, #tpu.memory_space<hbm>>) target(%dma_start3A_214 : memref<1x64xf32, #tpu.memory_space<vmem>>) target_semaphore(%arg12 : memref<!tpu.dma_semaphore, #tpu.memory_space<semaphore_mem>>)
      %slice3A_217 = vector.extract_strided_slice %get3A_37 {offsets = [13], sizes = [1], strides = [1]} : vector<16xi32> to vector<1xi32>
      %squeeze3A_218 = vector.extract %slice3A_217[0] : i32 from vector<1xi32>
      %mul3A_219 = arith.constant 16 : i32
      %mul3A_220 = arith.muli %scan3A_31, %mul3A_219 : i32
      %add3A_221 = arith.constant 13 : i32
      %add3A_222 = arith.addi %mul3A_220, %add3A_221 : i32
      %dma_start3A_223 = arith.constant 0 : i32
      %dma_start3A_224 = tpu.memref_slice %arg8[%add3A_222, %dma_start3A_223] : memref<80x64xf32, #tpu.memory_space<vmem>> -> memref<1x64xf32, #tpu.memory_space<vmem>>
      %dma_start3A_225 = arith.constant 0 : i32
      %dma_start3A_226 = tpu.memref_slice %arg3[%squeeze3A_218, %dma_start3A_225] : memref<1000000x64xf32, #tpu.memory_space<hbm>> -> memref<1x64xf32, #tpu.memory_space<hbm>>
      %dma_start3A_227 = arith.constant 0 : i32
      %dma_start3A_228 = tpu.memref_slice %arg8[%add3A_222, %dma_start3A_227] : memref<80x64xf32, #tpu.memory_space<vmem>> -> memref<1x64xf32, #tpu.memory_space<vmem>>
      %dma_start3A_229 = arith.constant 0 : i32
      %dma_start3A_230 = tpu.memref_slice %arg3[%squeeze3A_218, %dma_start3A_229] : memref<1000000x64xf32, #tpu.memory_space<hbm>> -> memref<1x64xf32, #tpu.memory_space<hbm>>
      tpu.enqueue_dma source(%dma_start3A_230 : memref<1x64xf32, #tpu.memory_space<hbm>>) target(%dma_start3A_228 : memref<1x64xf32, #tpu.memory_space<vmem>>) target_semaphore(%arg12 : memref<!tpu.dma_semaphore, #tpu.memory_space<semaphore_mem>>)
      %slice3A_231 = vector.extract_strided_slice %get3A_37 {offsets = [14], sizes = [1], strides = [1]} : vector<16xi32> to vector<1xi32>
      %squeeze3A_232 = vector.extract %slice3A_231[0] : i32 from vector<1xi32>
      %mul3A_233 = arith.constant 16 : i32
      %mul3A_234 = arith.muli %scan3A_31, %mul3A_233 : i32
      %add3A_235 = arith.constant 14 : i32
      %add3A_236 = arith.addi %mul3A_234, %add3A_235 : i32
      %dma_start3A_237 = arith.constant 0 : i32
      %dma_start3A_238 = tpu.memref_slice %arg8[%add3A_236, %dma_start3A_237] : memref<80x64xf32, #tpu.memory_space<vmem>> -> memref<1x64xf32, #tpu.memory_space<vmem>>
      %dma_start3A_239 = arith.constant 0 : i32
      %dma_start3A_240 = tpu.memref_slice %arg3[%squeeze3A_232, %dma_start3A_239] : memref<1000000x64xf32, #tpu.memory_space<hbm>> -> memref<1x64xf32, #tpu.memory_space<hbm>>
      %dma_start3A_241 = arith.constant 0 : i32
      %dma_start3A_242 = tpu.memref_slice %arg8[%add3A_236, %dma_start3A_241] : memref<80x64xf32, #tpu.memory_space<vmem>> -> memref<1x64xf32, #tpu.memory_space<vmem>>
      %dma_start3A_243 = arith.constant 0 : i32
      %dma_start3A_244 = tpu.memref_slice %arg3[%squeeze3A_232, %dma_start3A_243] : memref<1000000x64xf32, #tpu.memory_space<hbm>> -> memref<1x64xf32, #tpu.memory_space<hbm>>
      tpu.enqueue_dma source(%dma_start3A_244 : memref<1x64xf32, #tpu.memory_space<hbm>>) target(%dma_start3A_242 : memref<1x64xf32, #tpu.memory_space<vmem>>) target_semaphore(%arg12 : memref<!tpu.dma_semaphore, #tpu.memory_space<semaphore_mem>>)
      %slice3A_245 = vector.extract_strided_slice %get3A_37 {offsets = [15], sizes = [1], strides = [1]} : vector<16xi32> to vector<1xi32>
      %squeeze3A_246 = vector.extract %slice3A_245[0] : i32 from vector<1xi32>
      %mul3A_247 = arith.constant 16 : i32
      %mul3A_248 = arith.muli %scan3A_31, %mul3A_247 : i32
      %add3A_249 = arith.constant 15 : i32
      %add3A_250 = arith.addi %mul3A_248, %add3A_249 : i32
      %dma_start3A_251 = arith.constant 0 : i32
      %dma_start3A_252 = tpu.memref_slice %arg8[%add3A_250, %dma_start3A_251] : memref<80x64xf32, #tpu.memory_space<vmem>> -> memref<1x64xf32, #tpu.memory_space<vmem>>
      %dma_start3A_253 = arith.constant 0 : i32
      %dma_start3A_254 = tpu.memref_slice %arg3[%squeeze3A_246, %dma_start3A_253] : memref<1000000x64xf32, #tpu.memory_space<hbm>> -> memref<1x64xf32, #tpu.memory_space<hbm>>
      %dma_start3A_255 = arith.constant 0 : i32
      %dma_start3A_256 = tpu.memref_slice %arg8[%add3A_250, %dma_start3A_255] : memref<80x64xf32, #tpu.memory_space<vmem>> -> memref<1x64xf32, #tpu.memory_space<vmem>>
      %dma_start3A_257 = arith.constant 0 : i32
      %dma_start3A_258 = tpu.memref_slice %arg3[%squeeze3A_246, %dma_start3A_257] : memref<1000000x64xf32, #tpu.memory_space<hbm>> -> memref<1x64xf32, #tpu.memory_space<hbm>>
      tpu.enqueue_dma source(%dma_start3A_258 : memref<1x64xf32, #tpu.memory_space<hbm>>) target(%dma_start3A_256 : memref<1x64xf32, #tpu.memory_space<vmem>>) target_semaphore(%arg12 : memref<!tpu.dma_semaphore, #tpu.memory_space<semaphore_mem>>)
    }
    %scan3A_19 = arith.constant 5 : i32
    %scan3A_20 = arith.constant 0 : i32
    %scan3A_21 = arith.constant 0 : i32
    %scan3A_22 = arith.constant 80 : i32
    %scan3A_23 = arith.addi %scan3A_21, %scan3A_22 : i32
    %scan3A_24 = arith.constant 1 : i32
    scf.for %scan3A_31 = %scan3A_21 to %scan3A_23 step %scan3A_24  : i32 {
      %mul3A_32 = arith.constant 4 : i32
      %mul3A_33 = arith.muli %mul3A_32, %scan3A_31 : i32
      %add3A_34 = arith.constant 0 : i32
      %add3A_35 = arith.addi %mul3A_33, %add3A_34 : i32
      %dma_wait3A_36 = arith.constant 0 : i32
      %dma_wait3A_37 = arith.constant 0 : i32
      %dma_wait3A_38 = tpu.memref_slice %arg3[%dma_wait3A_36, %dma_wait3A_37] : memref<1000000x64xf32, #tpu.memory_space<hbm>> -> memref<80x64xf32, #tpu.memory_space<hbm>>
      %dma_wait3A_39 = arith.constant 0 : i32
      %dma_wait3A_40 = arith.constant 0 : i32
      %dma_wait3A_41 = tpu.memref_slice %arg3[%dma_wait3A_39, %dma_wait3A_40] : memref<1000000x64xf32, #tpu.memory_space<hbm>> -> memref<80x64xf32, #tpu.memory_space<hbm>>
      tpu.wait_dma2 semaphore(%arg10 : memref<!tpu.dma_semaphore, #tpu.memory_space<semaphore_mem>>) src(%dma_wait3A_41 : memref<80x64xf32, #tpu.memory_space<hbm>>) dst(%arg6 : memref<80x64xf32, #tpu.memory_space<vmem>>)
      %scan3A_42 = arith.constant 0 : i32
      %scan3A_43 = arith.constant 0 : i32
      %scan3A_44 = arith.constant 10 : i32
      %scan3A_45 = arith.addi %scan3A_43, %scan3A_44 : i32
      %scan3A_46 = arith.constant 1 : i32
      scf.for %scan3A_167 = %scan3A_43 to %scan3A_45 step %scan3A_46  : i32 {
        %mul3A_168 = arith.constant 8 : i32
        %mul3A_169 = arith.muli %scan3A_167, %mul3A_168 : i32
        %add3A_170 = arith.constant 0 : i32
        %add3A_171 = arith.addi %mul3A_169, %add3A_170 : i32
        %get3A = arith.index_cast %add3A_171 : i32 to index
        %get3A_172 = arith.constant 0 : index
        %get3A_173 = tpu.vector_load %arg6[%get3A, %get3A_172] {strides = array<i32>} : memref<80x64xf32, #tpu.memory_space<vmem>>, vector<1x16xf32>,
        %get3A_174 = vector.shape_cast %get3A_173 : vector<1x16xf32> to vector<16xf32>
        %mul3A_175 = arith.constant 8.000000e+00 : f32
        %mul3A_176 = vector.broadcast %mul3A_175 : f32 to vector<16xf32>
        %mul3A_177 = arith.mulf %get3A_174, %mul3A_176 : vector<16xf32>
        %add3A_178 = arith.constant 0 : i32
        %add3A_179 = arith.addi %mul3A_169, %add3A_178 : i32
        %swap3A = arith.index_cast %add3A_179 : i32 to index
        %swap3A_180 = arith.constant 0 : index
        %swap3A_181 = tpu.vector_load %arg6[%swap3A, %swap3A_180] {strides = array<i32>} : memref<80x64xf32, #tpu.memory_space<vmem>>, vector<1x16xf32>,
        %swap3A_182 = vector.shape_cast %swap3A_181 : vector<1x16xf32> to vector<16xf32>
        %swap3A_183 = vector.shape_cast %mul3A_177 : vector<16xf32> to vector<1x16xf32>
        tpu.vector_store %arg6[%swap3A, %swap3A_180], %swap3A_183 {strides = array<i32>} : memref<80x64xf32, #tpu.memory_space<vmem>>, vector<1x16xf32>,
        %add3A_184 = arith.constant 0 : i32
        %add3A_185 = arith.addi %mul3A_169, %add3A_184 : i32
        %get3A_186 = arith.index_cast %add3A_185 : i32 to index
        %get3A_187 = arith.constant 16 : index
        %get3A_188 = tpu.vector_load %arg6[%get3A_186, %get3A_187] {strides = array<i32>} : memref<80x64xf32, #tpu.memory_space<vmem>>, vector<1x16xf32>,
        %get3A_189 = vector.shape_cast %get3A_188 : vector<1x16xf32> to vector<16xf32>
        %mul3A_190 = arith.constant 8.000000e+00 : f32
        %mul3A_191 = vector.broadcast %mul3A_190 : f32 to vector<16xf32>
        %mul3A_192 = arith.mulf %get3A_189, %mul3A_191 : vector<16xf32>
        %add3A_193 = arith.constant 0 : i32
        %add3A_194 = arith.addi %mul3A_169, %add3A_193 : i32
        %swap3A_195 = arith.index_cast %add3A_194 : i32 to index
        %swap3A_196 = arith.constant 16 : index
        %swap3A_197 = tpu.vector_load %arg6[%swap3A_195, %swap3A_196] {strides = array<i32>} : memref<80x64xf32, #tpu.memory_space<vmem>>, vector<1x16xf32>,
        %swap3A_198 = vector.shape_cast %swap3A_197 : vector<1x16xf32> to vector<16xf32>
        %swap3A_199 = vector.shape_cast %mul3A_192 : vector<16xf32> to vector<1x16xf32>
        tpu.vector_store %arg6[%swap3A_195, %swap3A_196], %swap3A_199 {strides = array<i32>} : memref<80x64xf32, #tpu.memory_space<vmem>>, vector<1x16xf32>,
        %add3A_200 = arith.constant 0 : i32
        %add3A_201 = arith.addi %mul3A_169, %add3A_200 : i32
        %get3A_202 = arith.index_cast %add3A_201 : i32 to index
        %get3A_203 = arith.constant 32 : index
        %get3A_204 = tpu.vector_load %arg6[%get3A_202, %get3A_203] {strides = array<i32>} : memref<80x64xf32, #tpu.memory_space<vmem>>, vector<1x16xf32>,
        %get3A_205 = vector.shape_cast %get3A_204 : vector<1x16xf32> to vector<16xf32>
        %mul3A_206 = arith.constant 8.000000e+00 : f32
        %mul3A_207 = vector.broadcast %mul3A_206 : f32 to vector<16xf32>
        %mul3A_208 = arith.mulf %get3A_205, %mul3A_207 : vector<16xf32>
        %add3A_209 = arith.constant 0 : i32
        %add3A_210 = arith.addi %mul3A_169, %add3A_209 : i32
        %swap3A_211 = arith.index_cast %add3A_210 : i32 to index
        %swap3A_212 = arith.constant 32 : index
        %swap3A_213 = tpu.vector_load %arg6[%swap3A_211, %swap3A_212] {strides = array<i32>} : memref<80x64xf32, #tpu.memory_space<vmem>>, vector<1x16xf32>,
        %swap3A_214 = vector.shape_cast %swap3A_213 : vector<1x16xf32> to vector<16xf32>
        %swap3A_215 = vector.shape_cast %mul3A_208 : vector<16xf32> to vector<1x16xf32>
        tpu.vector_store %arg6[%swap3A_211, %swap3A_212], %swap3A_215 {strides = array<i32>} : memref<80x64xf32, #tpu.memory_space<vmem>>, vector<1x16xf32>,
        %add3A_216 = arith.constant 0 : i32
        %add3A_217 = arith.addi %mul3A_169, %add3A_216 : i32
        %get3A_218 = arith.index_cast %add3A_217 : i32 to index
        %get3A_219 = arith.constant 48 : index
        %get3A_220 = tpu.vector_load %arg6[%get3A_218, %get3A_219] {strides = array<i32>} : memref<80x64xf32, #tpu.memory_space<vmem>>, vector<1x16xf32>,
        %get3A_221 = vector.shape_cast %get3A_220 : vector<1x16xf32> to vector<16xf32>
        %mul3A_222 = arith.constant 8.000000e+00 : f32
        %mul3A_223 = vector.broadcast %mul3A_222 : f32 to vector<16xf32>
        %mul3A_224 = arith.mulf %get3A_221, %mul3A_223 : vector<16xf32>
        %add3A_225 = arith.constant 0 : i32
        %add3A_226 = arith.addi %mul3A_169, %add3A_225 : i32
        %swap3A_227 = arith.index_cast %add3A_226 : i32 to index
        %swap3A_228 = arith.constant 48 : index
        %swap3A_229 = tpu.vector_load %arg6[%swap3A_227, %swap3A_228] {strides = array<i32>} : memref<80x64xf32, #tpu.memory_space<vmem>>, vector<1x16xf32>,
        %swap3A_230 = vector.shape_cast %swap3A_229 : vector<1x16xf32> to vector<16xf32>
        %swap3A_231 = vector.shape_cast %mul3A_224 : vector<16xf32> to vector<1x16xf32>
        tpu.vector_store %arg6[%swap3A_227, %swap3A_228], %swap3A_231 {strides = array<i32>} : memref<80x64xf32, #tpu.memory_space<vmem>>, vector<1x16xf32>,
        %add3A_232 = arith.constant 1 : i32
        %add3A_233 = arith.addi %mul3A_169, %add3A_232 : i32
        %get3A_234 = arith.index_cast %add3A_233 : i32 to index
        %get3A_235 = arith.constant 0 : index
        %get3A_236 = tpu.vector_load %arg6[%get3A_234, %get3A_235] {strides = array<i32>} : memref<80x64xf32, #tpu.memory_space<vmem>>, vector<1x16xf32>,
        %get3A_237 = vector.shape_cast %get3A_236 : vector<1x16xf32> to vector<16xf32>
        %mul3A_238 = arith.constant 8.000000e+00 : f32
        %mul3A_239 = vector.broadcast %mul3A_238 : f32 to vector<16xf32>
        %mul3A_240 = arith.mulf %get3A_237, %mul3A_239 : vector<16xf32>
        %add3A_241 = arith.constant 1 : i32
        %add3A_242 = arith.addi %mul3A_169, %add3A_241 : i32
        %swap3A_243 = arith.index_cast %add3A_242 : i32 to index
        %swap3A_244 = arith.constant 0 : index
        %swap3A_245 = tpu.vector_load %arg6[%swap3A_243, %swap3A_244] {strides = array<i32>} : memref<80x64xf32, #tpu.memory_space<vmem>>, vector<1x16xf32>,
        %swap3A_246 = vector.shape_cast %swap3A_245 : vector<1x16xf32> to vector<16xf32>
        %swap3A_247 = vector.shape_cast %mul3A_240 : vector<16xf32> to vector<1x16xf32>
        tpu.vector_store %arg6[%swap3A_243, %swap3A_244], %swap3A_247 {strides = array<i32>} : memref<80x64xf32, #tpu.memory_space<vmem>>, vector<1x16xf32>,
        %add3A_248 = arith.constant 1 : i32
        %add3A_249 = arith.addi %mul3A_169, %add3A_248 : i32
        %get3A_250 = arith.index_cast %add3A_249 : i32 to index
        %get3A_251 = arith.constant 16 : index
        %get3A_252 = tpu.vector_load %arg6[%get3A_250, %get3A_251] {strides = array<i32>} : memref<80x64xf32, #tpu.memory_space<vmem>>, vector<1x16xf32>,
        %get3A_253 = vector.shape_cast %get3A_252 : vector<1x16xf32> to vector<16xf32>
        %mul3A_254 = arith.constant 8.000000e+00 : f32
        %mul3A_255 = vector.broadcast %mul3A_254 : f32 to vector<16xf32>
        %mul3A_256 = arith.mulf %get3A_253, %mul3A_255 : vector<16xf32>
        %add3A_257 = arith.constant 1 : i32
        %add3A_258 = arith.addi %mul3A_169, %add3A_257 : i32
        %swap3A_259 = arith.index_cast %add3A_258 : i32 to index
        %swap3A_260 = arith.constant 16 : index
        %swap3A_261 = tpu.vector_load %arg6[%swap3A_259, %swap3A_260] {strides = array<i32>} : memref<80x64xf32, #tpu.memory_space<vmem>>, vector<1x16xf32>,
        %swap3A_262 = vector.shape_cast %swap3A_261 : vector<1x16xf32> to vector<16xf32>
        %swap3A_263 = vector.shape_cast %mul3A_256 : vector<16xf32> to vector<1x16xf32>
        tpu.vector_store %arg6[%swap3A_259, %swap3A_260], %swap3A_263 {strides = array<i32>} : memref<80x64xf32, #tpu.memory_space<vmem>>, vector<1x16xf32>,
        %add3A_264 = arith.constant 1 : i32
        %add3A_265 = arith.addi %mul3A_169, %add3A_264 : i32
        %get3A_266 = arith.index_cast %add3A_265 : i32 to index
        %get3A_267 = arith.constant 32 : index
        %get3A_268 = tpu.vector_load %arg6[%get3A_266, %get3A_267] {strides = array<i32>} : memref<80x64xf32, #tpu.memory_space<vmem>>, vector<1x16xf32>,
        %get3A_269 = vector.shape_cast %get3A_268 : vector<1x16xf32> to vector<16xf32>
        %mul3A_270 = arith.constant 8.000000e+00 : f32
        %mul3A_271 = vector.broadcast %mul3A_270 : f32 to vector<16xf32>
        %mul3A_272 = arith.mulf %get3A_269, %mul3A_271 : vector<16xf32>
        %add3A_273 = arith.constant 1 : i32
        %add3A_274 = arith.addi %mul3A_169, %add3A_273 : i32
        %swap3A_275 = arith.index_cast %add3A_274 : i32 to index
        %swap3A_276 = arith.constant 32 : index
        %swap3A_277 = tpu.vector_load %arg6[%swap3A_275, %swap3A_276] {strides = array<i32>} : memref<80x64xf32, #tpu.memory_space<vmem>>, vector<1x16xf32>,
        %swap3A_278 = vector.shape_cast %swap3A_277 : vector<1x16xf32> to vector<16xf32>
        %swap3A_279 = vector.shape_cast %mul3A_272 : vector<16xf32> to vector<1x16xf32>
        tpu.vector_store %arg6[%swap3A_275, %swap3A_276], %swap3A_279 {strides = array<i32>} : memref<80x64xf32, #tpu.memory_space<vmem>>, vector<1x16xf32>,
        %add3A_280 = arith.constant 1 : i32
        %add3A_281 = arith.addi %mul3A_169, %add3A_280 : i32
        %get3A_282 = arith.index_cast %add3A_281 : i32 to index
        %get3A_283 = arith.constant 48 : index
        %get3A_284 = tpu.vector_load %arg6[%get3A_282, %get3A_283] {strides = array<i32>} : memref<80x64xf32, #tpu.memory_space<vmem>>, vector<1x16xf32>,
        %get3A_285 = vector.shape_cast %get3A_284 : vector<1x16xf32> to vector<16xf32>
        %mul3A_286 = arith.constant 8.000000e+00 : f32
        %mul3A_287 = vector.broadcast %mul3A_286 : f32 to vector<16xf32>
        %mul3A_288 = arith.mulf %get3A_285, %mul3A_287 : vector<16xf32>
        %add3A_289 = arith.constant 1 : i32
        %add3A_290 = arith.addi %mul3A_169, %add3A_289 : i32
        %swap3A_291 = arith.index_cast %add3A_290 : i32 to index
        %swap3A_292 = arith.constant 48 : index
        %swap3A_293 = tpu.vector_load %arg6[%swap3A_291, %swap3A_292] {strides = array<i32>} : memref<80x64xf32, #tpu.memory_space<vmem>>, vector<1x16xf32>,
        %swap3A_294 = vector.shape_cast %swap3A_293 : vector<1x16xf32> to vector<16xf32>
        %swap3A_295 = vector.shape_cast %mul3A_288 : vector<16xf32> to vector<1x16xf32>
        tpu.vector_store %arg6[%swap3A_291, %swap3A_292], %swap3A_295 {strides = array<i32>} : memref<80x64xf32, #tpu.memory_space<vmem>>, vector<1x16xf32>,
        %add3A_296 = arith.constant 2 : i32
        %add3A_297 = arith.addi %mul3A_169, %add3A_296 : i32
        %get3A_298 = arith.index_cast %add3A_297 : i32 to index
        %get3A_299 = arith.constant 0 : index
        %get3A_300 = tpu.vector_load %arg6[%get3A_298, %get3A_299] {strides = array<i32>} : memref<80x64xf32, #tpu.memory_space<vmem>>, vector<1x16xf32>,
        %get3A_301 = vector.shape_cast %get3A_300 : vector<1x16xf32> to vector<16xf32>
        %mul3A_302 = arith.constant 8.000000e+00 : f32
        %mul3A_303 = vector.broadcast %mul3A_302 : f32 to vector<16xf32>
        %mul3A_304 = arith.mulf %get3A_301, %mul3A_303 : vector<16xf32>
        %add3A_305 = arith.constant 2 : i32
        %add3A_306 = arith.addi %mul3A_169, %add3A_305 : i32
        %swap3A_307 = arith.index_cast %add3A_306 : i32 to index
        %swap3A_308 = arith.constant 0 : index
        %swap3A_309 = tpu.vector_load %arg6[%swap3A_307, %swap3A_308] {strides = array<i32>} : memref<80x64xf32, #tpu.memory_space<vmem>>, vector<1x16xf32>,
        %swap3A_310 = vector.shape_cast %swap3A_309 : vector<1x16xf32> to vector<16xf32>
        %swap3A_311 = vector.shape_cast %mul3A_304 : vector<16xf32> to vector<1x16xf32>
        tpu.vector_store %arg6[%swap3A_307, %swap3A_308], %swap3A_311 {strides = array<i32>} : memref<80x64xf32, #tpu.memory_space<vmem>>, vector<1x16xf32>,
        %add3A_312 = arith.constant 2 : i32
        %add3A_313 = arith.addi %mul3A_169, %add3A_312 : i32
        %get3A_314 = arith.index_cast %add3A_313 : i32 to index
        %get3A_315 = arith.constant 16 : index
        %get3A_316 = tpu.vector_load %arg6[%get3A_314, %get3A_315] {strides = array<i32>} : memref<80x64xf32, #tpu.memory_space<vmem>>, vector<1x16xf32>,
        %get3A_317 = vector.shape_cast %get3A_316 : vector<1x16xf32> to vector<16xf32>
        %mul3A_318 = arith.constant 8.000000e+00 : f32
        %mul3A_319 = vector.broadcast %mul3A_318 : f32 to vector<16xf32>
        %mul3A_320 = arith.mulf %get3A_317, %mul3A_319 : vector<16xf32>
        %add3A_321 = arith.constant 2 : i32
        %add3A_322 = arith.addi %mul3A_169, %add3A_321 : i32
        %swap3A_323 = arith.index_cast %add3A_322 : i32 to index
        %swap3A_324 = arith.constant 16 : index
        %swap3A_325 = tpu.vector_load %arg6[%swap3A_323, %swap3A_324] {strides = array<i32>} : memref<80x64xf32, #tpu.memory_space<vmem>>, vector<1x16xf32>,
        %swap3A_326 = vector.shape_cast %swap3A_325 : vector<1x16xf32> to vector<16xf32>
        %swap3A_327 = vector.shape_cast %mul3A_320 : vector<16xf32> to vector<1x16xf32>
        tpu.vector_store %arg6[%swap3A_323, %swap3A_324], %swap3A_327 {strides = array<i32>} : memref<80x64xf32, #tpu.memory_space<vmem>>, vector<1x16xf32>,
        %add3A_328 = arith.constant 2 : i32
        %add3A_329 = arith.addi %mul3A_169, %add3A_328 : i32
        %get3A_330 = arith.index_cast %add3A_329 : i32 to index
        %get3A_331 = arith.constant 32 : index
        %get3A_332 = tpu.vector_load %arg6[%get3A_330, %get3A_331] {strides = array<i32>} : memref<80x64xf32, #tpu.memory_space<vmem>>, vector<1x16xf32>,
        %get3A_333 = vector.shape_cast %get3A_332 : vector<1x16xf32> to vector<16xf32>
        %mul3A_334 = arith.constant 8.000000e+00 : f32
        %mul3A_335 = vector.broadcast %mul3A_334 : f32 to vector<16xf32>
        %mul3A_336 = arith.mulf %get3A_333, %mul3A_335 : vector<16xf32>
        %add3A_337 = arith.constant 2 : i32
        %add3A_338 = arith.addi %mul3A_169, %add3A_337 : i32
        %swap3A_339 = arith.index_cast %add3A_338 : i32 to index
        %swap3A_340 = arith.constant 32 : index
        %swap3A_341 = tpu.vector_load %arg6[%swap3A_339, %swap3A_340] {strides = array<i32>} : memref<80x64xf32, #tpu.memory_space<vmem>>, vector<1x16xf32>,
        %swap3A_342 = vector.shape_cast %swap3A_341 : vector<1x16xf32> to vector<16xf32>
        %swap3A_343 = vector.shape_cast %mul3A_336 : vector<16xf32> to vector<1x16xf32>
        tpu.vector_store %arg6[%swap3A_339, %swap3A_340], %swap3A_343 {strides = array<i32>} : memref<80x64xf32, #tpu.memory_space<vmem>>, vector<1x16xf32>,
        %add3A_344 = arith.constant 2 : i32
        %add3A_345 = arith.addi %mul3A_169, %add3A_344 : i32
        %get3A_346 = arith.index_cast %add3A_345 : i32 to index
        %get3A_347 = arith.constant 48 : index
        %get3A_348 = tpu.vector_load %arg6[%get3A_346, %get3A_347] {strides = array<i32>} : memref<80x64xf32, #tpu.memory_space<vmem>>, vector<1x16xf32>,
        %get3A_349 = vector.shape_cast %get3A_348 : vector<1x16xf32> to vector<16xf32>
        %mul3A_350 = arith.constant 8.000000e+00 : f32
        %mul3A_351 = vector.broadcast %mul3A_350 : f32 to vector<16xf32>
        %mul3A_352 = arith.mulf %get3A_349, %mul3A_351 : vector<16xf32>
        %add3A_353 = arith.constant 2 : i32
        %add3A_354 = arith.addi %mul3A_169, %add3A_353 : i32
        %swap3A_355 = arith.index_cast %add3A_354 : i32 to index
        %swap3A_356 = arith.constant 48 : index
        %swap3A_357 = tpu.vector_load %arg6[%swap3A_355, %swap3A_356] {strides = array<i32>} : memref<80x64xf32, #tpu.memory_space<vmem>>, vector<1x16xf32>,
        %swap3A_358 = vector.shape_cast %swap3A_357 : vector<1x16xf32> to vector<16xf32>
        %swap3A_359 = vector.shape_cast %mul3A_352 : vector<16xf32> to vector<1x16xf32>
        tpu.vector_store %arg6[%swap3A_355, %swap3A_356], %swap3A_359 {strides = array<i32>} : memref<80x64xf32, #tpu.memory_space<vmem>>, vector<1x16xf32>,
        %add3A_360 = arith.constant 3 : i32
        %add3A_361 = arith.addi %mul3A_169, %add3A_360 : i32
        %get3A_362 = arith.index_cast %add3A_361 : i32 to index
        %get3A_363 = arith.constant 0 : index
        %get3A_364 = tpu.vector_load %arg6[%get3A_362, %get3A_363] {strides = array<i32>} : memref<80x64xf32, #tpu.memory_space<vmem>>, vector<1x16xf32>,
        %get3A_365 = vector.shape_cast %get3A_364 : vector<1x16xf32> to vector<16xf32>
        %mul3A_366 = arith.constant 8.000000e+00 : f32
        %mul3A_367 = vector.broadcast %mul3A_366 : f32 to vector<16xf32>
        %mul3A_368 = arith.mulf %get3A_365, %mul3A_367 : vector<16xf32>
        %add3A_369 = arith.constant 3 : i32
        %add3A_370 = arith.addi %mul3A_169, %add3A_369 : i32
        %swap3A_371 = arith.index_cast %add3A_370 : i32 to index
        %swap3A_372 = arith.constant 0 : index
        %swap3A_373 = tpu.vector_load %arg6[%swap3A_371, %swap3A_372] {strides = array<i32>} : memref<80x64xf32, #tpu.memory_space<vmem>>, vector<1x16xf32>,
        %swap3A_374 = vector.shape_cast %swap3A_373 : vector<1x16xf32> to vector<16xf32>
        %swap3A_375 = vector.shape_cast %mul3A_368 : vector<16xf32> to vector<1x16xf32>
        tpu.vector_store %arg6[%swap3A_371, %swap3A_372], %swap3A_375 {strides = array<i32>} : memref<80x64xf32, #tpu.memory_space<vmem>>, vector<1x16xf32>,
        %add3A_376 = arith.constant 3 : i32
        %add3A_377 = arith.addi %mul3A_169, %add3A_376 : i32
        %get3A_378 = arith.index_cast %add3A_377 : i32 to index
        %get3A_379 = arith.constant 16 : index
        %get3A_380 = tpu.vector_load %arg6[%get3A_378, %get3A_379] {strides = array<i32>} : memref<80x64xf32, #tpu.memory_space<vmem>>, vector<1x16xf32>,
        %get3A_381 = vector.shape_cast %get3A_380 : vector<1x16xf32> to vector<16xf32>
        %mul3A_382 = arith.constant 8.000000e+00 : f32
        %mul3A_383 = vector.broadcast %mul3A_382 : f32 to vector<16xf32>
        %mul3A_384 = arith.mulf %get3A_381, %mul3A_383 : vector<16xf32>
        %add3A_385 = arith.constant 3 : i32
        %add3A_386 = arith.addi %mul3A_169, %add3A_385 : i32
        %swap3A_387 = arith.index_cast %add3A_386 : i32 to index
        %swap3A_388 = arith.constant 16 : index
        %swap3A_389 = tpu.vector_load %arg6[%swap3A_387, %swap3A_388] {strides = array<i32>} : memref<80x64xf32, #tpu.memory_space<vmem>>, vector<1x16xf32>,
        %swap3A_390 = vector.shape_cast %swap3A_389 : vector<1x16xf32> to vector<16xf32>
        %swap3A_391 = vector.shape_cast %mul3A_384 : vector<16xf32> to vector<1x16xf32>
        tpu.vector_store %arg6[%swap3A_387, %swap3A_388], %swap3A_391 {strides = array<i32>} : memref<80x64xf32, #tpu.memory_space<vmem>>, vector<1x16xf32>,
        %add3A_392 = arith.constant 3 : i32
        %add3A_393 = arith.addi %mul3A_169, %add3A_392 : i32
        %get3A_394 = arith.index_cast %add3A_393 : i32 to index
        %get3A_395 = arith.constant 32 : index
        %get3A_396 = tpu.vector_load %arg6[%get3A_394, %get3A_395] {strides = array<i32>} : memref<80x64xf32, #tpu.memory_space<vmem>>, vector<1x16xf32>,
        %get3A_397 = vector.shape_cast %get3A_396 : vector<1x16xf32> to vector<16xf32>
        %mul3A_398 = arith.constant 8.000000e+00 : f32
        %mul3A_399 = vector.broadcast %mul3A_398 : f32 to vector<16xf32>
        %mul3A_400 = arith.mulf %get3A_397, %mul3A_399 : vector<16xf32>
        %add3A_401 = arith.constant 3 : i32
        %add3A_402 = arith.addi %mul3A_169, %add3A_401 : i32
        %swap3A_403 = arith.index_cast %add3A_402 : i32 to index
        %swap3A_404 = arith.constant 32 : index
        %swap3A_405 = tpu.vector_load %arg6[%swap3A_403, %swap3A_404] {strides = array<i32>} : memref<80x64xf32, #tpu.memory_space<vmem>>, vector<1x16xf32>,
        %swap3A_406 = vector.shape_cast %swap3A_405 : vector<1x16xf32> to vector<16xf32>
        %swap3A_407 = vector.shape_cast %mul3A_400 : vector<16xf32> to vector<1x16xf32>
        tpu.vector_store %arg6[%swap3A_403, %swap3A_404], %swap3A_407 {strides = array<i32>} : memref<80x64xf32, #tpu.memory_space<vmem>>, vector<1x16xf32>,
        %add3A_408 = arith.constant 3 : i32
        %add3A_409 = arith.addi %mul3A_169, %add3A_408 : i32
        %get3A_410 = arith.index_cast %add3A_409 : i32 to index
        %get3A_411 = arith.constant 48 : index
        %get3A_412 = tpu.vector_load %arg6[%get3A_410, %get3A_411] {strides = array<i32>} : memref<80x64xf32, #tpu.memory_space<vmem>>, vector<1x16xf32>,
        %get3A_413 = vector.shape_cast %get3A_412 : vector<1x16xf32> to vector<16xf32>
        %mul3A_414 = arith.constant 8.000000e+00 : f32
        %mul3A_415 = vector.broadcast %mul3A_414 : f32 to vector<16xf32>
        %mul3A_416 = arith.mulf %get3A_413, %mul3A_415 : vector<16xf32>
        %add3A_417 = arith.constant 3 : i32
        %add3A_418 = arith.addi %mul3A_169, %add3A_417 : i32
        %swap3A_419 = arith.index_cast %add3A_418 : i32 to index
        %swap3A_420 = arith.constant 48 : index
        %swap3A_421 = tpu.vector_load %arg6[%swap3A_419, %swap3A_420] {strides = array<i32>} : memref<80x64xf32, #tpu.memory_space<vmem>>, vector<1x16xf32>,
        %swap3A_422 = vector.shape_cast %swap3A_421 : vector<1x16xf32> to vector<16xf32>
        %swap3A_423 = vector.shape_cast %mul3A_416 : vector<16xf32> to vector<1x16xf32>
        tpu.vector_store %arg6[%swap3A_419, %swap3A_420], %swap3A_423 {strides = array<i32>} : memref<80x64xf32, #tpu.memory_space<vmem>>, vector<1x16xf32>,
        %add3A_424 = arith.constant 4 : i32
        %add3A_425 = arith.addi %mul3A_169, %add3A_424 : i32
        %get3A_426 = arith.index_cast %add3A_425 : i32 to index
        %get3A_427 = arith.constant 0 : index
        %get3A_428 = tpu.vector_load %arg6[%get3A_426, %get3A_427] {strides = array<i32>} : memref<80x64xf32, #tpu.memory_space<vmem>>, vector<1x16xf32>,
        %get3A_429 = vector.shape_cast %get3A_428 : vector<1x16xf32> to vector<16xf32>
        %mul3A_430 = arith.constant 8.000000e+00 : f32
        %mul3A_431 = vector.broadcast %mul3A_430 : f32 to vector<16xf32>
        %mul3A_432 = arith.mulf %get3A_429, %mul3A_431 : vector<16xf32>
        %add3A_433 = arith.constant 4 : i32
        %add3A_434 = arith.addi %mul3A_169, %add3A_433 : i32
        %swap3A_435 = arith.index_cast %add3A_434 : i32 to index
        %swap3A_436 = arith.constant 0 : index
        %swap3A_437 = tpu.vector_load %arg6[%swap3A_435, %swap3A_436] {strides = array<i32>} : memref<80x64xf32, #tpu.memory_space<vmem>>, vector<1x16xf32>,
        %swap3A_438 = vector.shape_cast %swap3A_437 : vector<1x16xf32> to vector<16xf32>
        %swap3A_439 = vector.shape_cast %mul3A_432 : vector<16xf32> to vector<1x16xf32>
        tpu.vector_store %arg6[%swap3A_435, %swap3A_436], %swap3A_439 {strides = array<i32>} : memref<80x64xf32, #tpu.memory_space<vmem>>, vector<1x16xf32>,
        %add3A_440 = arith.constant 4 : i32
        %add3A_441 = arith.addi %mul3A_169, %add3A_440 : i32
        %get3A_442 = arith.index_cast %add3A_441 : i32 to index
        %get3A_443 = arith.constant 16 : index
        %get3A_444 = tpu.vector_load %arg6[%get3A_442, %get3A_443] {strides = array<i32>} : memref<80x64xf32, #tpu.memory_space<vmem>>, vector<1x16xf32>,
        %get3A_445 = vector.shape_cast %get3A_444 : vector<1x16xf32> to vector<16xf32>
        %mul3A_446 = arith.constant 8.000000e+00 : f32
        %mul3A_447 = vector.broadcast %mul3A_446 : f32 to vector<16xf32>
        %mul3A_448 = arith.mulf %get3A_445, %mul3A_447 : vector<16xf32>
        %add3A_449 = arith.constant 4 : i32
        %add3A_450 = arith.addi %mul3A_169, %add3A_449 : i32
        %swap3A_451 = arith.index_cast %add3A_450 : i32 to index
        %swap3A_452 = arith.constant 16 : index
        %swap3A_453 = tpu.vector_load %arg6[%swap3A_451, %swap3A_452] {strides = array<i32>} : memref<80x64xf32, #tpu.memory_space<vmem>>, vector<1x16xf32>,
        %swap3A_454 = vector.shape_cast %swap3A_453 : vector<1x16xf32> to vector<16xf32>
        %swap3A_455 = vector.shape_cast %mul3A_448 : vector<16xf32> to vector<1x16xf32>
        tpu.vector_store %arg6[%swap3A_451, %swap3A_452], %swap3A_455 {strides = array<i32>} : memref<80x64xf32, #tpu.memory_space<vmem>>, vector<1x16xf32>,
        %add3A_456 = arith.constant 4 : i32
        %add3A_457 = arith.addi %mul3A_169, %add3A_456 : i32
        %get3A_458 = arith.index_cast %add3A_457 : i32 to index
        %get3A_459 = arith.constant 32 : index
        %get3A_460 = tpu.vector_load %arg6[%get3A_458, %get3A_459] {strides = array<i32>} : memref<80x64xf32, #tpu.memory_space<vmem>>, vector<1x16xf32>,
        %get3A_461 = vector.shape_cast %get3A_460 : vector<1x16xf32> to vector<16xf32>
        %mul3A_462 = arith.constant 8.000000e+00 : f32
        %mul3A_463 = vector.broadcast %mul3A_462 : f32 to vector<16xf32>
        %mul3A_464 = arith.mulf %get3A_461, %mul3A_463 : vector<16xf32>
        %add3A_465 = arith.constant 4 : i32
        %add3A_466 = arith.addi %mul3A_169, %add3A_465 : i32
        %swap3A_467 = arith.index_cast %add3A_466 : i32 to index
        %swap3A_468 = arith.constant 32 : index
        %swap3A_469 = tpu.vector_load %arg6[%swap3A_467, %swap3A_468] {strides = array<i32>} : memref<80x64xf32, #tpu.memory_space<vmem>>, vector<1x16xf32>,
        %swap3A_470 = vector.shape_cast %swap3A_469 : vector<1x16xf32> to vector<16xf32>
        %swap3A_471 = vector.shape_cast %mul3A_464 : vector<16xf32> to vector<1x16xf32>
        tpu.vector_store %arg6[%swap3A_467, %swap3A_468], %swap3A_471 {strides = array<i32>} : memref<80x64xf32, #tpu.memory_space<vmem>>, vector<1x16xf32>,
        %add3A_472 = arith.constant 4 : i32
        %add3A_473 = arith.addi %mul3A_169, %add3A_472 : i32
        %get3A_474 = arith.index_cast %add3A_473 : i32 to index
        %get3A_475 = arith.constant 48 : index
        %get3A_476 = tpu.vector_load %arg6[%get3A_474, %get3A_475] {strides = array<i32>} : memref<80x64xf32, #tpu.memory_space<vmem>>, vector<1x16xf32>,
        %get3A_477 = vector.shape_cast %get3A_476 : vector<1x16xf32> to vector<16xf32>
        %mul3A_478 = arith.constant 8.000000e+00 : f32
        %mul3A_479 = vector.broadcast %mul3A_478 : f32 to vector<16xf32>
        %mul3A_480 = arith.mulf %get3A_477, %mul3A_479 : vector<16xf32>
        %add3A_481 = arith.constant 4 : i32
        %add3A_482 = arith.addi %mul3A_169, %add3A_481 : i32
        %swap3A_483 = arith.index_cast %add3A_482 : i32 to index
        %swap3A_484 = arith.constant 48 : index
        %swap3A_485 = tpu.vector_load %arg6[%swap3A_483, %swap3A_484] {strides = array<i32>} : memref<80x64xf32, #tpu.memory_space<vmem>>, vector<1x16xf32>,
        %swap3A_486 = vector.shape_cast %swap3A_485 : vector<1x16xf32> to vector<16xf32>
        %swap3A_487 = vector.shape_cast %mul3A_480 : vector<16xf32> to vector<1x16xf32>
        tpu.vector_store %arg6[%swap3A_483, %swap3A_484], %swap3A_487 {strides = array<i32>} : memref<80x64xf32, #tpu.memory_space<vmem>>, vector<1x16xf32>,
        %add3A_488 = arith.constant 5 : i32
        %add3A_489 = arith.addi %mul3A_169, %add3A_488 : i32
        %get3A_490 = arith.index_cast %add3A_489 : i32 to index
        %get3A_491 = arith.constant 0 : index
        %get3A_492 = tpu.vector_load %arg6[%get3A_490, %get3A_491] {strides = array<i32>} : memref<80x64xf32, #tpu.memory_space<vmem>>, vector<1x16xf32>,
        %get3A_493 = vector.shape_cast %get3A_492 : vector<1x16xf32> to vector<16xf32>
        %mul3A_494 = arith.constant 8.000000e+00 : f32
        %mul3A_495 = vector.broadcast %mul3A_494 : f32 to vector<16xf32>
        %mul3A_496 = arith.mulf %get3A_493, %mul3A_495 : vector<16xf32>
        %add3A_497 = arith.constant 5 : i32
        %add3A_498 = arith.addi %mul3A_169, %add3A_497 : i32
        %swap3A_499 = arith.index_cast %add3A_498 : i32 to index
        %swap3A_500 = arith.constant 0 : index
        %swap3A_501 = tpu.vector_load %arg6[%swap3A_499, %swap3A_500] {strides = array<i32>} : memref<80x64xf32, #tpu.memory_space<vmem>>, vector<1x16xf32>,
        %swap3A_502 = vector.shape_cast %swap3A_501 : vector<1x16xf32> to vector<16xf32>
        %swap3A_503 = vector.shape_cast %mul3A_496 : vector<16xf32> to vector<1x16xf32>
        tpu.vector_store %arg6[%swap3A_499, %swap3A_500], %swap3A_503 {strides = array<i32>} : memref<80x64xf32, #tpu.memory_space<vmem>>, vector<1x16xf32>,
        %add3A_504 = arith.constant 5 : i32
        %add3A_505 = arith.addi %mul3A_169, %add3A_504 : i32
        %get3A_506 = arith.index_cast %add3A_505 : i32 to index
        %get3A_507 = arith.constant 16 : index
        %get3A_508 = tpu.vector_load %arg6[%get3A_506, %get3A_507] {strides = array<i32>} : memref<80x64xf32, #tpu.memory_space<vmem>>, vector<1x16xf32>,
        %get3A_509 = vector.shape_cast %get3A_508 : vector<1x16xf32> to vector<16xf32>
        %mul3A_510 = arith.constant 8.000000e+00 : f32
        %mul3A_511 = vector.broadcast %mul3A_510 : f32 to vector<16xf32>
        %mul3A_512 = arith.mulf %get3A_509, %mul3A_511 : vector<16xf32>
        %add3A_513 = arith.constant 5 : i32
        %add3A_514 = arith.addi %mul3A_169, %add3A_513 : i32
        %swap3A_515 = arith.index_cast %add3A_514 : i32 to index
        %swap3A_516 = arith.constant 16 : index
        %swap3A_517 = tpu.vector_load %arg6[%swap3A_515, %swap3A_516] {strides = array<i32>} : memref<80x64xf32, #tpu.memory_space<vmem>>, vector<1x16xf32>,
        %swap3A_518 = vector.shape_cast %swap3A_517 : vector<1x16xf32> to vector<16xf32>
        %swap3A_519 = vector.shape_cast %mul3A_512 : vector<16xf32> to vector<1x16xf32>
        tpu.vector_store %arg6[%swap3A_515, %swap3A_516], %swap3A_519 {strides = array<i32>} : memref<80x64xf32, #tpu.memory_space<vmem>>, vector<1x16xf32>,
        %add3A_520 = arith.constant 5 : i32
        %add3A_521 = arith.addi %mul3A_169, %add3A_520 : i32
        %get3A_522 = arith.index_cast %add3A_521 : i32 to index
        %get3A_523 = arith.constant 32 : index
        %get3A_524 = tpu.vector_load %arg6[%get3A_522, %get3A_523] {strides = array<i32>} : memref<80x64xf32, #tpu.memory_space<vmem>>, vector<1x16xf32>,
        %get3A_525 = vector.shape_cast %get3A_524 : vector<1x16xf32> to vector<16xf32>
        %mul3A_526 = arith.constant 8.000000e+00 : f32
        %mul3A_527 = vector.broadcast %mul3A_526 : f32 to vector<16xf32>
        %mul3A_528 = arith.mulf %get3A_525, %mul3A_527 : vector<16xf32>
        %add3A_529 = arith.constant 5 : i32
        %add3A_530 = arith.addi %mul3A_169, %add3A_529 : i32
        %swap3A_531 = arith.index_cast %add3A_530 : i32 to index
        %swap3A_532 = arith.constant 32 : index
        %swap3A_533 = tpu.vector_load %arg6[%swap3A_531, %swap3A_532] {strides = array<i32>} : memref<80x64xf32, #tpu.memory_space<vmem>>, vector<1x16xf32>,
        %swap3A_534 = vector.shape_cast %swap3A_533 : vector<1x16xf32> to vector<16xf32>
        %swap3A_535 = vector.shape_cast %mul3A_528 : vector<16xf32> to vector<1x16xf32>
        tpu.vector_store %arg6[%swap3A_531, %swap3A_532], %swap3A_535 {strides = array<i32>} : memref<80x64xf32, #tpu.memory_space<vmem>>, vector<1x16xf32>,
        %add3A_536 = arith.constant 5 : i32
        %add3A_537 = arith.addi %mul3A_169, %add3A_536 : i32
        %get3A_538 = arith.index_cast %add3A_537 : i32 to index
        %get3A_539 = arith.constant 48 : index
        %get3A_540 = tpu.vector_load %arg6[%get3A_538, %get3A_539] {strides = array<i32>} : memref<80x64xf32, #tpu.memory_space<vmem>>, vector<1x16xf32>,
        %get3A_541 = vector.shape_cast %get3A_540 : vector<1x16xf32> to vector<16xf32>
        %mul3A_542 = arith.constant 8.000000e+00 : f32
        %mul3A_543 = vector.broadcast %mul3A_542 : f32 to vector<16xf32>
        %mul3A_544 = arith.mulf %get3A_541, %mul3A_543 : vector<16xf32>
        %add3A_545 = arith.constant 5 : i32
        %add3A_546 = arith.addi %mul3A_169, %add3A_545 : i32
        %swap3A_547 = arith.index_cast %add3A_546 : i32 to index
        %swap3A_548 = arith.constant 48 : index
        %swap3A_549 = tpu.vector_load %arg6[%swap3A_547, %swap3A_548] {strides = array<i32>} : memref<80x64xf32, #tpu.memory_space<vmem>>, vector<1x16xf32>,
        %swap3A_550 = vector.shape_cast %swap3A_549 : vector<1x16xf32> to vector<16xf32>
        %swap3A_551 = vector.shape_cast %mul3A_544 : vector<16xf32> to vector<1x16xf32>
        tpu.vector_store %arg6[%swap3A_547, %swap3A_548], %swap3A_551 {strides = array<i32>} : memref<80x64xf32, #tpu.memory_space<vmem>>, vector<1x16xf32>,
        %add3A_552 = arith.constant 6 : i32
        %add3A_553 = arith.addi %mul3A_169, %add3A_552 : i32
        %get3A_554 = arith.index_cast %add3A_553 : i32 to index
        %get3A_555 = arith.constant 0 : index
        %get3A_556 = tpu.vector_load %arg6[%get3A_554, %get3A_555] {strides = array<i32>} : memref<80x64xf32, #tpu.memory_space<vmem>>, vector<1x16xf32>,
        %get3A_557 = vector.shape_cast %get3A_556 : vector<1x16xf32> to vector<16xf32>
        %mul3A_558 = arith.constant 8.000000e+00 : f32
        %mul3A_559 = vector.broadcast %mul3A_558 : f32 to vector<16xf32>
        %mul3A_560 = arith.mulf %get3A_557, %mul3A_559 : vector<16xf32>
        %add3A_561 = arith.constant 6 : i32
        %add3A_562 = arith.addi %mul3A_169, %add3A_561 : i32
        %swap3A_563 = arith.index_cast %add3A_562 : i32 to index
        %swap3A_564 = arith.constant 0 : index
        %swap3A_565 = tpu.vector_load %arg6[%swap3A_563, %swap3A_564] {strides = array<i32>} : memref<80x64xf32, #tpu.memory_space<vmem>>, vector<1x16xf32>,
        %swap3A_566 = vector.shape_cast %swap3A_565 : vector<1x16xf32> to vector<16xf32>
        %swap3A_567 = vector.shape_cast %mul3A_560 : vector<16xf32> to vector<1x16xf32>
        tpu.vector_store %arg6[%swap3A_563, %swap3A_564], %swap3A_567 {strides = array<i32>} : memref<80x64xf32, #tpu.memory_space<vmem>>, vector<1x16xf32>,
        %add3A_568 = arith.constant 6 : i32
        %add3A_569 = arith.addi %mul3A_169, %add3A_568 : i32
        %get3A_570 = arith.index_cast %add3A_569 : i32 to index
        %get3A_571 = arith.constant 16 : index
        %get3A_572 = tpu.vector_load %arg6[%get3A_570, %get3A_571] {strides = array<i32>} : memref<80x64xf32, #tpu.memory_space<vmem>>, vector<1x16xf32>,
        %get3A_573 = vector.shape_cast %get3A_572 : vector<1x16xf32> to vector<16xf32>
        %mul3A_574 = arith.constant 8.000000e+00 : f32
        %mul3A_575 = vector.broadcast %mul3A_574 : f32 to vector<16xf32>
        %mul3A_576 = arith.mulf %get3A_573, %mul3A_575 : vector<16xf32>
        %add3A_577 = arith.constant 6 : i32
        %add3A_578 = arith.addi %mul3A_169, %add3A_577 : i32
        %swap3A_579 = arith.index_cast %add3A_578 : i32 to index
        %swap3A_580 = arith.constant 16 : index
        %swap3A_581 = tpu.vector_load %arg6[%swap3A_579, %swap3A_580] {strides = array<i32>} : memref<80x64xf32, #tpu.memory_space<vmem>>, vector<1x16xf32>,
        %swap3A_582 = vector.shape_cast %swap3A_581 : vector<1x16xf32> to vector<16xf32>
        %swap3A_583 = vector.shape_cast %mul3A_576 : vector<16xf32> to vector<1x16xf32>
        tpu.vector_store %arg6[%swap3A_579, %swap3A_580], %swap3A_583 {strides = array<i32>} : memref<80x64xf32, #tpu.memory_space<vmem>>, vector<1x16xf32>,
        %add3A_584 = arith.constant 6 : i32
        %add3A_585 = arith.addi %mul3A_169, %add3A_584 : i32
        %get3A_586 = arith.index_cast %add3A_585 : i32 to index
        %get3A_587 = arith.constant 32 : index
        %get3A_588 = tpu.vector_load %arg6[%get3A_586, %get3A_587] {strides = array<i32>} : memref<80x64xf32, #tpu.memory_space<vmem>>, vector<1x16xf32>,
        %get3A_589 = vector.shape_cast %get3A_588 : vector<1x16xf32> to vector<16xf32>
        %mul3A_590 = arith.constant 8.000000e+00 : f32
        %mul3A_591 = vector.broadcast %mul3A_590 : f32 to vector<16xf32>
        %mul3A_592 = arith.mulf %get3A_589, %mul3A_591 : vector<16xf32>
        %add3A_593 = arith.constant 6 : i32
        %add3A_594 = arith.addi %mul3A_169, %add3A_593 : i32
        %swap3A_595 = arith.index_cast %add3A_594 : i32 to index
        %swap3A_596 = arith.constant 32 : index
        %swap3A_597 = tpu.vector_load %arg6[%swap3A_595, %swap3A_596] {strides = array<i32>} : memref<80x64xf32, #tpu.memory_space<vmem>>, vector<1x16xf32>,
        %swap3A_598 = vector.shape_cast %swap3A_597 : vector<1x16xf32> to vector<16xf32>
        %swap3A_599 = vector.shape_cast %mul3A_592 : vector<16xf32> to vector<1x16xf32>
        tpu.vector_store %arg6[%swap3A_595, %swap3A_596], %swap3A_599 {strides = array<i32>} : memref<80x64xf32, #tpu.memory_space<vmem>>, vector<1x16xf32>,
        %add3A_600 = arith.constant 6 : i32
        %add3A_601 = arith.addi %mul3A_169, %add3A_600 : i32
        %get3A_602 = arith.index_cast %add3A_601 : i32 to index
        %get3A_603 = arith.constant 48 : index
        %get3A_604 = tpu.vector_load %arg6[%get3A_602, %get3A_603] {strides = array<i32>} : memref<80x64xf32, #tpu.memory_space<vmem>>, vector<1x16xf32>,
        %get3A_605 = vector.shape_cast %get3A_604 : vector<1x16xf32> to vector<16xf32>
        %mul3A_606 = arith.constant 8.000000e+00 : f32
        %mul3A_607 = vector.broadcast %mul3A_606 : f32 to vector<16xf32>
        %mul3A_608 = arith.mulf %get3A_605, %mul3A_607 : vector<16xf32>
        %add3A_609 = arith.constant 6 : i32
        %add3A_610 = arith.addi %mul3A_169, %add3A_609 : i32
        %swap3A_611 = arith.index_cast %add3A_610 : i32 to index
        %swap3A_612 = arith.constant 48 : index
        %swap3A_613 = tpu.vector_load %arg6[%swap3A_611, %swap3A_612] {strides = array<i32>} : memref<80x64xf32, #tpu.memory_space<vmem>>, vector<1x16xf32>,
        %swap3A_614 = vector.shape_cast %swap3A_613 : vector<1x16xf32> to vector<16xf32>
        %swap3A_615 = vector.shape_cast %mul3A_608 : vector<16xf32> to vector<1x16xf32>
        tpu.vector_store %arg6[%swap3A_611, %swap3A_612], %swap3A_615 {strides = array<i32>} : memref<80x64xf32, #tpu.memory_space<vmem>>, vector<1x16xf32>,
        %add3A_616 = arith.constant 7 : i32
        %add3A_617 = arith.addi %mul3A_169, %add3A_616 : i32
        %get3A_618 = arith.index_cast %add3A_617 : i32 to index
        %get3A_619 = arith.constant 0 : index
        %get3A_620 = tpu.vector_load %arg6[%get3A_618, %get3A_619] {strides = array<i32>} : memref<80x64xf32, #tpu.memory_space<vmem>>, vector<1x16xf32>,
        %get3A_621 = vector.shape_cast %get3A_620 : vector<1x16xf32> to vector<16xf32>
        %mul3A_622 = arith.constant 8.000000e+00 : f32
        %mul3A_623 = vector.broadcast %mul3A_622 : f32 to vector<16xf32>
        %mul3A_624 = arith.mulf %get3A_621, %mul3A_623 : vector<16xf32>
        %add3A_625 = arith.constant 7 : i32
        %add3A_626 = arith.addi %mul3A_169, %add3A_625 : i32
        %swap3A_627 = arith.index_cast %add3A_626 : i32 to index
        %swap3A_628 = arith.constant 0 : index
        %swap3A_629 = tpu.vector_load %arg6[%swap3A_627, %swap3A_628] {strides = array<i32>} : memref<80x64xf32, #tpu.memory_space<vmem>>, vector<1x16xf32>,
        %swap3A_630 = vector.shape_cast %swap3A_629 : vector<1x16xf32> to vector<16xf32>
        %swap3A_631 = vector.shape_cast %mul3A_624 : vector<16xf32> to vector<1x16xf32>
        tpu.vector_store %arg6[%swap3A_627, %swap3A_628], %swap3A_631 {strides = array<i32>} : memref<80x64xf32, #tpu.memory_space<vmem>>, vector<1x16xf32>,
        %add3A_632 = arith.constant 7 : i32
        %add3A_633 = arith.addi %mul3A_169, %add3A_632 : i32
        %get3A_634 = arith.index_cast %add3A_633 : i32 to index
        %get3A_635 = arith.constant 16 : index
        %get3A_636 = tpu.vector_load %arg6[%get3A_634, %get3A_635] {strides = array<i32>} : memref<80x64xf32, #tpu.memory_space<vmem>>, vector<1x16xf32>,
        %get3A_637 = vector.shape_cast %get3A_636 : vector<1x16xf32> to vector<16xf32>
        %mul3A_638 = arith.constant 8.000000e+00 : f32
        %mul3A_639 = vector.broadcast %mul3A_638 : f32 to vector<16xf32>
        %mul3A_640 = arith.mulf %get3A_637, %mul3A_639 : vector<16xf32>
        %add3A_641 = arith.constant 7 : i32
        %add3A_642 = arith.addi %mul3A_169, %add3A_641 : i32
        %swap3A_643 = arith.index_cast %add3A_642 : i32 to index
        %swap3A_644 = arith.constant 16 : index
        %swap3A_645 = tpu.vector_load %arg6[%swap3A_643, %swap3A_644] {strides = array<i32>} : memref<80x64xf32, #tpu.memory_space<vmem>>, vector<1x16xf32>,
        %swap3A_646 = vector.shape_cast %swap3A_645 : vector<1x16xf32> to vector<16xf32>
        %swap3A_647 = vector.shape_cast %mul3A_640 : vector<16xf32> to vector<1x16xf32>
        tpu.vector_store %arg6[%swap3A_643, %swap3A_644], %swap3A_647 {strides = array<i32>} : memref<80x64xf32, #tpu.memory_space<vmem>>, vector<1x16xf32>,
        %add3A_648 = arith.constant 7 : i32
        %add3A_649 = arith.addi %mul3A_169, %add3A_648 : i32
        %get3A_650 = arith.index_cast %add3A_649 : i32 to index
        %get3A_651 = arith.constant 32 : index
        %get3A_652 = tpu.vector_load %arg6[%get3A_650, %get3A_651] {strides = array<i32>} : memref<80x64xf32, #tpu.memory_space<vmem>>, vector<1x16xf32>,
        %get3A_653 = vector.shape_cast %get3A_652 : vector<1x16xf32> to vector<16xf32>
        %mul3A_654 = arith.constant 8.000000e+00 : f32
        %mul3A_655 = vector.broadcast %mul3A_654 : f32 to vector<16xf32>
        %mul3A_656 = arith.mulf %get3A_653, %mul3A_655 : vector<16xf32>
        %add3A_657 = arith.constant 7 : i32
        %add3A_658 = arith.addi %mul3A_169, %add3A_657 : i32
        %swap3A_659 = arith.index_cast %add3A_658 : i32 to index
        %swap3A_660 = arith.constant 32 : index
        %swap3A_661 = tpu.vector_load %arg6[%swap3A_659, %swap3A_660] {strides = array<i32>} : memref<80x64xf32, #tpu.memory_space<vmem>>, vector<1x16xf32>,
        %swap3A_662 = vector.shape_cast %swap3A_661 : vector<1x16xf32> to vector<16xf32>
        %swap3A_663 = vector.shape_cast %mul3A_656 : vector<16xf32> to vector<1x16xf32>
        tpu.vector_store %arg6[%swap3A_659, %swap3A_660], %swap3A_663 {strides = array<i32>} : memref<80x64xf32, #tpu.memory_space<vmem>>, vector<1x16xf32>,
        %add3A_664 = arith.constant 7 : i32
        %add3A_665 = arith.addi %mul3A_169, %add3A_664 : i32
        %get3A_666 = arith.index_cast %add3A_665 : i32 to index
        %get3A_667 = arith.constant 48 : index
        %get3A_668 = tpu.vector_load %arg6[%get3A_666, %get3A_667] {strides = array<i32>} : memref<80x64xf32, #tpu.memory_space<vmem>>, vector<1x16xf32>,
        %get3A_669 = vector.shape_cast %get3A_668 : vector<1x16xf32> to vector<16xf32>
        %mul3A_670 = arith.constant 8.000000e+00 : f32
        %mul3A_671 = vector.broadcast %mul3A_670 : f32 to vector<16xf32>
        %mul3A_672 = arith.mulf %get3A_669, %mul3A_671 : vector<16xf32>
        %add3A_673 = arith.constant 7 : i32
        %add3A_674 = arith.addi %mul3A_169, %add3A_673 : i32
        %swap3A_675 = arith.index_cast %add3A_674 : i32 to index
        %swap3A_676 = arith.constant 48 : index
        %swap3A_677 = tpu.vector_load %arg6[%swap3A_675, %swap3A_676] {strides = array<i32>} : memref<80x64xf32, #tpu.memory_space<vmem>>, vector<1x16xf32>,
        %swap3A_678 = vector.shape_cast %swap3A_677 : vector<1x16xf32> to vector<16xf32>
        %swap3A_679 = vector.shape_cast %mul3A_672 : vector<16xf32> to vector<1x16xf32>
        tpu.vector_store %arg6[%swap3A_675, %swap3A_676], %swap3A_679 {strides = array<i32>} : memref<80x64xf32, #tpu.memory_space<vmem>>, vector<1x16xf32>,
      }
      %scan3A_47 = arith.constant 10 : i32
      %mul3A_48 = arith.constant 80 : i32
      %mul3A_49 = arith.muli %add3A_35, %mul3A_48 : i32
      %add3A_50 = arith.addi %mul3A_2, %mul3A_49 : i32
      %dma_start3A = arith.constant 0 : i32
      %dma_start3A_51 = tpu.memref_slice %arg4[%add3A_50, %dma_start3A] : memref<819200x64xf32, #tpu.memory_space<hbm>> -> memref<80x64xf32, #tpu.memory_space<hbm>>
      %dma_start3A_52 = arith.constant 0 : i32
      %dma_start3A_53 = tpu.memref_slice %arg4[%add3A_50, %dma_start3A_52] : memref<819200x64xf32, #tpu.memory_space<hbm>> -> memref<80x64xf32, #tpu.memory_space<hbm>>
      tpu.enqueue_dma source(%arg6 : memref<80x64xf32, #tpu.memory_space<vmem>>) target(%dma_start3A_53 : memref<80x64xf32, #tpu.memory_space<hbm>>) target_semaphore(%arg14 : memref<!tpu.dma_semaphore, #tpu.memory_space<semaphore_mem>>)
      %ge3A = arith.constant 1 : i32
      %ge3A_54 = arith.cmpi sge, %add3A_35, %ge3A : i32
      %convert_element_type3A = arith.extui %ge3A_54 : i1 to i32
      %cond3A = arith.constant 0 : i32
      %cond3A_55 = arith.cmpi ne, %convert_element_type3A, %cond3A : i32
      scf.if %cond3A_55 {
        %sub3A = arith.constant 1 : i32
        %sub3A_167 = arith.subi %add3A_35, %sub3A : i32
        %mul3A_168 = arith.constant 80 : i32
        %mul3A_169 = arith.muli %sub3A_167, %mul3A_168 : i32
        %add3A_170 = arith.addi %mul3A_2, %mul3A_169 : i32
        %dma_wait3A_171 = arith.constant 0 : i32
        %dma_wait3A_172 = tpu.memref_slice %arg4[%add3A_170, %dma_wait3A_171] : memref<819200x64xf32, #tpu.memory_space<hbm>> -> memref<80x64xf32, #tpu.memory_space<hbm>>
        %dma_wait3A_173 = arith.constant 0 : i32
        %dma_wait3A_174 = tpu.memref_slice %arg4[%add3A_170, %dma_wait3A_173] : memref<819200x64xf32, #tpu.memory_space<hbm>> -> memref<80x64xf32, #tpu.memory_space<hbm>>
        tpu.wait_dma2 semaphore(%arg17 : memref<!tpu.dma_semaphore, #tpu.memory_space<semaphore_mem>>) src(%arg9 : memref<80x64xf32, #tpu.memory_space<vmem>>) dst(%dma_wait3A_174 : memref<80x64xf32, #tpu.memory_space<hbm>>)
      } else {
      }
      %add3A_56 = arith.constant 3 : i32
      %add3A_57 = arith.addi %add3A_35, %add3A_56 : i32
      %lt3A = arith.constant 320 : i32
      %lt3A_58 = arith.cmpi slt, %add3A_57, %lt3A : i32
      %convert_element_type3A_59 = arith.extui %lt3A_58 : i1 to i32
      %cond3A_60 = arith.constant 0 : i32
      %cond3A_61 = arith.cmpi ne, %convert_element_type3A_59, %cond3A_60 : i32
      scf.if %cond3A_61 {
        %add3A_167 = arith.constant 3 : i32
        %add3A_168 = arith.addi %add3A_35, %add3A_167 : i32
        %scan3A_169 = arith.constant 0 : i32
        %scan3A_170 = arith.constant 0 : i32
        %scan3A_171 = arith.constant 5 : i32
        %scan3A_172 = arith.addi %scan3A_170, %scan3A_171 : i32
        %scan3A_173 = arith.constant 1 : i32
        scf.for %scan3A_175 = %scan3A_170 to %scan3A_172 step %scan3A_173  : i32 {
          %mul3A_176 = arith.constant 80 : i32
          %mul3A_177 = arith.muli %add3A_168, %mul3A_176 : i32
          %mul3A_178 = arith.constant 16 : i32
          %mul3A_179 = arith.muli %scan3A_175, %mul3A_178 : i32
          %add3A_180 = arith.addi %mul3A_177, %mul3A_179 : i32
          %get3A = arith.index_cast %add3A_180 : i32 to index
          %get3A_181 = tpu.vector_load %arg5[%get3A] {strides = array<i32>} : memref<25600xi32, #tpu.memory_space<vmem>>, vector<16xi32>,
          %get3A_182 = vector.shape_cast %get3A_181 : vector<16xi32> to vector<16xi32>
          %slice3A = vector.extract_strided_slice %get3A_182 {offsets = [0], sizes = [1], strides = [1]} : vector<16xi32> to vector<1xi32>
          %squeeze3A = vector.extract %slice3A[0] : i32 from vector<1xi32>
          %mul3A_183 = arith.constant 16 : i32
          %mul3A_184 = arith.muli %scan3A_175, %mul3A_183 : i32
          %add3A_185 = arith.constant 0 : i32
          %add3A_186 = arith.addi %mul3A_184, %add3A_185 : i32
          %dma_start3A_187 = arith.constant 0 : i32
          %dma_start3A_188 = tpu.memref_slice %arg9[%add3A_186, %dma_start3A_187] : memref<80x64xf32, #tpu.memory_space<vmem>> -> memref<1x64xf32, #tpu.memory_space<vmem>>
          %dma_start3A_189 = arith.constant 0 : i32
          %dma_start3A_190 = tpu.memref_slice %arg3[%squeeze3A, %dma_start3A_189] : memref<1000000x64xf32, #tpu.memory_space<hbm>> -> memref<1x64xf32, #tpu.memory_space<hbm>>
          %dma_start3A_191 = arith.constant 0 : i32
          %dma_start3A_192 = tpu.memref_slice %arg9[%add3A_186, %dma_start3A_191] : memref<80x64xf32, #tpu.memory_space<vmem>> -> memref<1x64xf32, #tpu.memory_space<vmem>>
          %dma_start3A_193 = arith.constant 0 : i32
          %dma_start3A_194 = tpu.memref_slice %arg3[%squeeze3A, %dma_start3A_193] : memref<1000000x64xf32, #tpu.memory_space<hbm>> -> memref<1x64xf32, #tpu.memory_space<hbm>>
          tpu.enqueue_dma source(%dma_start3A_194 : memref<1x64xf32, #tpu.memory_space<hbm>>) target(%dma_start3A_192 : memref<1x64xf32, #tpu.memory_space<vmem>>) target_semaphore(%arg13 : memref<!tpu.dma_semaphore, #tpu.memory_space<semaphore_mem>>)
          %slice3A_195 = vector.extract_strided_slice %get3A_182 {offsets = [1], sizes = [1], strides = [1]} : vector<16xi32> to vector<1xi32>
          %squeeze3A_196 = vector.extract %slice3A_195[0] : i32 from vector<1xi32>
          %mul3A_197 = arith.constant 16 : i32
          %mul3A_198 = arith.muli %scan3A_175, %mul3A_197 : i32
          %add3A_199 = arith.constant 1 : i32
          %add3A_200 = arith.addi %mul3A_198, %add3A_199 : i32
          %dma_start3A_201 = arith.constant 0 : i32
          %dma_start3A_202 = tpu.memref_slice %arg9[%add3A_200, %dma_start3A_201] : memref<80x64xf32, #tpu.memory_space<vmem>> -> memref<1x64xf32, #tpu.memory_space<vmem>>
          %dma_start3A_203 = arith.constant 0 : i32
          %dma_start3A_204 = tpu.memref_slice %arg3[%squeeze3A_196, %dma_start3A_203] : memref<1000000x64xf32, #tpu.memory_space<hbm>> -> memref<1x64xf32, #tpu.memory_space<hbm>>
          %dma_start3A_205 = arith.constant 0 : i32
          %dma_start3A_206 = tpu.memref_slice %arg9[%add3A_200, %dma_start3A_205] : memref<80x64xf32, #tpu.memory_space<vmem>> -> memref<1x64xf32, #tpu.memory_space<vmem>>
          %dma_start3A_207 = arith.constant 0 : i32
          %dma_start3A_208 = tpu.memref_slice %arg3[%squeeze3A_196, %dma_start3A_207] : memref<1000000x64xf32, #tpu.memory_space<hbm>> -> memref<1x64xf32, #tpu.memory_space<hbm>>
          tpu.enqueue_dma source(%dma_start3A_208 : memref<1x64xf32, #tpu.memory_space<hbm>>) target(%dma_start3A_206 : memref<1x64xf32, #tpu.memory_space<vmem>>) target_semaphore(%arg13 : memref<!tpu.dma_semaphore, #tpu.memory_space<semaphore_mem>>)
          %slice3A_209 = vector.extract_strided_slice %get3A_182 {offsets = [2], sizes = [1], strides = [1]} : vector<16xi32> to vector<1xi32>
          %squeeze3A_210 = vector.extract %slice3A_209[0] : i32 from vector<1xi32>
          %mul3A_211 = arith.constant 16 : i32
          %mul3A_212 = arith.muli %scan3A_175, %mul3A_211 : i32
          %add3A_213 = arith.constant 2 : i32
          %add3A_214 = arith.addi %mul3A_212, %add3A_213 : i32
          %dma_start3A_215 = arith.constant 0 : i32
          %dma_start3A_216 = tpu.memref_slice %arg9[%add3A_214, %dma_start3A_215] : memref<80x64xf32, #tpu.memory_space<vmem>> -> memref<1x64xf32, #tpu.memory_space<vmem>>
          %dma_start3A_217 = arith.constant 0 : i32
          %dma_start3A_218 = tpu.memref_slice %arg3[%squeeze3A_210, %dma_start3A_217] : memref<1000000x64xf32, #tpu.memory_space<hbm>> -> memref<1x64xf32, #tpu.memory_space<hbm>>
          %dma_start3A_219 = arith.constant 0 : i32
          %dma_start3A_220 = tpu.memref_slice %arg9[%add3A_214, %dma_start3A_219] : memref<80x64xf32, #tpu.memory_space<vmem>> -> memref<1x64xf32, #tpu.memory_space<vmem>>
          %dma_start3A_221 = arith.constant 0 : i32
          %dma_start3A_222 = tpu.memref_slice %arg3[%squeeze3A_210, %dma_start3A_221] : memref<1000000x64xf32, #tpu.memory_space<hbm>> -> memref<1x64xf32, #tpu.memory_space<hbm>>
          tpu.enqueue_dma source(%dma_start3A_222 : memref<1x64xf32, #tpu.memory_space<hbm>>) target(%dma_start3A_220 : memref<1x64xf32, #tpu.memory_space<vmem>>) target_semaphore(%arg13 : memref<!tpu.dma_semaphore, #tpu.memory_space<semaphore_mem>>)
          %slice3A_223 = vector.extract_strided_slice %get3A_182 {offsets = [3], sizes = [1], strides = [1]} : vector<16xi32> to vector<1xi32>
          %squeeze3A_224 = vector.extract %slice3A_223[0] : i32 from vector<1xi32>
          %mul3A_225 = arith.constant 16 : i32
          %mul3A_226 = arith.muli %scan3A_175, %mul3A_225 : i32
          %add3A_227 = arith.constant 3 : i32
          %add3A_228 = arith.addi %mul3A_226, %add3A_227 : i32
          %dma_start3A_229 = arith.constant 0 : i32
          %dma_start3A_230 = tpu.memref_slice %arg9[%add3A_228, %dma_start3A_229] : memref<80x64xf32, #tpu.memory_space<vmem>> -> memref<1x64xf32, #tpu.memory_space<vmem>>
          %dma_start3A_231 = arith.constant 0 : i32
          %dma_start3A_232 = tpu.memref_slice %arg3[%squeeze3A_224, %dma_start3A_231] : memref<1000000x64xf32, #tpu.memory_space<hbm>> -> memref<1x64xf32, #tpu.memory_space<hbm>>
          %dma_start3A_233 = arith.constant 0 : i32
          %dma_start3A_234 = tpu.memref_slice %arg9[%add3A_228, %dma_start3A_233] : memref<80x64xf32, #tpu.memory_space<vmem>> -> memref<1x64xf32, #tpu.memory_space<vmem>>
          %dma_start3A_235 = arith.constant 0 : i32
          %dma_start3A_236 = tpu.memref_slice %arg3[%squeeze3A_224, %dma_start3A_235] : memref<1000000x64xf32, #tpu.memory_space<hbm>> -> memref<1x64xf32, #tpu.memory_space<hbm>>
          tpu.enqueue_dma source(%dma_start3A_236 : memref<1x64xf32, #tpu.memory_space<hbm>>) target(%dma_start3A_234 : memref<1x64xf32, #tpu.memory_space<vmem>>) target_semaphore(%arg13 : memref<!tpu.dma_semaphore, #tpu.memory_space<semaphore_mem>>)
          %slice3A_237 = vector.extract_strided_slice %get3A_182 {offsets = [4], sizes = [1], strides = [1]} : vector<16xi32> to vector<1xi32>
          %squeeze3A_238 = vector.extract %slice3A_237[0] : i32 from vector<1xi32>
          %mul3A_239 = arith.constant 16 : i32
          %mul3A_240 = arith.muli %scan3A_175, %mul3A_239 : i32
          %add3A_241 = arith.constant 4 : i32
          %add3A_242 = arith.addi %mul3A_240, %add3A_241 : i32
          %dma_start3A_243 = arith.constant 0 : i32
          %dma_start3A_244 = tpu.memref_slice %arg9[%add3A_242, %dma_start3A_243] : memref<80x64xf32, #tpu.memory_space<vmem>> -> memref<1x64xf32, #tpu.memory_space<vmem>>
          %dma_start3A_245 = arith.constant 0 : i32
          %dma_start3A_246 = tpu.memref_slice %arg3[%squeeze3A_238, %dma_start3A_245] : memref<1000000x64xf32, #tpu.memory_space<hbm>> -> memref<1x64xf32, #tpu.memory_space<hbm>>
          %dma_start3A_247 = arith.constant 0 : i32
          %dma_start3A_248 = tpu.memref_slice %arg9[%add3A_242, %dma_start3A_247] : memref<80x64xf32, #tpu.memory_space<vmem>> -> memref<1x64xf32, #tpu.memory_space<vmem>>
          %dma_start3A_249 = arith.constant 0 : i32
          %dma_start3A_250 = tpu.memref_slice %arg3[%squeeze3A_238, %dma_start3A_249] : memref<1000000x64xf32, #tpu.memory_space<hbm>> -> memref<1x64xf32, #tpu.memory_space<hbm>>
          tpu.enqueue_dma source(%dma_start3A_250 : memref<1x64xf32, #tpu.memory_space<hbm>>) target(%dma_start3A_248 : memref<1x64xf32, #tpu.memory_space<vmem>>) target_semaphore(%arg13 : memref<!tpu.dma_semaphore, #tpu.memory_space<semaphore_mem>>)
          %slice3A_251 = vector.extract_strided_slice %get3A_182 {offsets = [5], sizes = [1], strides = [1]} : vector<16xi32> to vector<1xi32>
          %squeeze3A_252 = vector.extract %slice3A_251[0] : i32 from vector<1xi32>
          %mul3A_253 = arith.constant 16 : i32
          %mul3A_254 = arith.muli %scan3A_175, %mul3A_253 : i32
          %add3A_255 = arith.constant 5 : i32
          %add3A_256 = arith.addi %mul3A_254, %add3A_255 : i32
          %dma_start3A_257 = arith.constant 0 : i32
          %dma_start3A_258 = tpu.memref_slice %arg9[%add3A_256, %dma_start3A_257] : memref<80x64xf32, #tpu.memory_space<vmem>> -> memref<1x64xf32, #tpu.memory_space<vmem>>
          %dma_start3A_259 = arith.constant 0 : i32
          %dma_start3A_260 = tpu.memref_slice %arg3[%squeeze3A_252, %dma_start3A_259] : memref<1000000x64xf32, #tpu.memory_space<hbm>> -> memref<1x64xf32, #tpu.memory_space<hbm>>
          %dma_start3A_261 = arith.constant 0 : i32
          %dma_start3A_262 = tpu.memref_slice %arg9[%add3A_256, %dma_start3A_261] : memref<80x64xf32, #tpu.memory_space<vmem>> -> memref<1x64xf32, #tpu.memory_space<vmem>>
          %dma_start3A_263 = arith.constant 0 : i32
          %dma_start3A_264 = tpu.memref_slice %arg3[%squeeze3A_252, %dma_start3A_263] : memref<1000000x64xf32, #tpu.memory_space<hbm>> -> memref<1x64xf32, #tpu.memory_space<hbm>>
          tpu.enqueue_dma source(%dma_start3A_264 : memref<1x64xf32, #tpu.memory_space<hbm>>) target(%dma_start3A_262 : memref<1x64xf32, #tpu.memory_space<vmem>>) target_semaphore(%arg13 : memref<!tpu.dma_semaphore, #tpu.memory_space<semaphore_mem>>)
          %slice3A_265 = vector.extract_strided_slice %get3A_182 {offsets = [6], sizes = [1], strides = [1]} : vector<16xi32> to vector<1xi32>
          %squeeze3A_266 = vector.extract %slice3A_265[0] : i32 from vector<1xi32>
          %mul3A_267 = arith.constant 16 : i32
          %mul3A_268 = arith.muli %scan3A_175, %mul3A_267 : i32
          %add3A_269 = arith.constant 6 : i32
          %add3A_270 = arith.addi %mul3A_268, %add3A_269 : i32
          %dma_start3A_271 = arith.constant 0 : i32
          %dma_start3A_272 = tpu.memref_slice %arg9[%add3A_270, %dma_start3A_271] : memref<80x64xf32, #tpu.memory_space<vmem>> -> memref<1x64xf32, #tpu.memory_space<vmem>>
          %dma_start3A_273 = arith.constant 0 : i32
          %dma_start3A_274 = tpu.memref_slice %arg3[%squeeze3A_266, %dma_start3A_273] : memref<1000000x64xf32, #tpu.memory_space<hbm>> -> memref<1x64xf32, #tpu.memory_space<hbm>>
          %dma_start3A_275 = arith.constant 0 : i32
          %dma_start3A_276 = tpu.memref_slice %arg9[%add3A_270, %dma_start3A_275] : memref<80x64xf32, #tpu.memory_space<vmem>> -> memref<1x64xf32, #tpu.memory_space<vmem>>
          %dma_start3A_277 = arith.constant 0 : i32
          %dma_start3A_278 = tpu.memref_slice %arg3[%squeeze3A_266, %dma_start3A_277] : memref<1000000x64xf32, #tpu.memory_space<hbm>> -> memref<1x64xf32, #tpu.memory_space<hbm>>
          tpu.enqueue_dma source(%dma_start3A_278 : memref<1x64xf32, #tpu.memory_space<hbm>>) target(%dma_start3A_276 : memref<1x64xf32, #tpu.memory_space<vmem>>) target_semaphore(%arg13 : memref<!tpu.dma_semaphore, #tpu.memory_space<semaphore_mem>>)
          %slice3A_279 = vector.extract_strided_slice %get3A_182 {offsets = [7], sizes = [1], strides = [1]} : vector<16xi32> to vector<1xi32>
          %squeeze3A_280 = vector.extract %slice3A_279[0] : i32 from vector<1xi32>
          %mul3A_281 = arith.constant 16 : i32
          %mul3A_282 = arith.muli %scan3A_175, %mul3A_281 : i32
          %add3A_283 = arith.constant 7 : i32
          %add3A_284 = arith.addi %mul3A_282, %add3A_283 : i32
          %dma_start3A_285 = arith.constant 0 : i32
          %dma_start3A_286 = tpu.memref_slice %arg9[%add3A_284, %dma_start3A_285] : memref<80x64xf32, #tpu.memory_space<vmem>> -> memref<1x64xf32, #tpu.memory_space<vmem>>
          %dma_start3A_287 = arith.constant 0 : i32
          %dma_start3A_288 = tpu.memref_slice %arg3[%squeeze3A_280, %dma_start3A_287] : memref<1000000x64xf32, #tpu.memory_space<hbm>> -> memref<1x64xf32, #tpu.memory_space<hbm>>
          %dma_start3A_289 = arith.constant 0 : i32
          %dma_start3A_290 = tpu.memref_slice %arg9[%add3A_284, %dma_start3A_289] : memref<80x64xf32, #tpu.memory_space<vmem>> -> memref<1x64xf32, #tpu.memory_space<vmem>>
          %dma_start3A_291 = arith.constant 0 : i32
          %dma_start3A_292 = tpu.memref_slice %arg3[%squeeze3A_280, %dma_start3A_291] : memref<1000000x64xf32, #tpu.memory_space<hbm>> -> memref<1x64xf32, #tpu.memory_space<hbm>>
          tpu.enqueue_dma source(%dma_start3A_292 : memref<1x64xf32, #tpu.memory_space<hbm>>) target(%dma_start3A_290 : memref<1x64xf32, #tpu.memory_space<vmem>>) target_semaphore(%arg13 : memref<!tpu.dma_semaphore, #tpu.memory_space<semaphore_mem>>)
          %slice3A_293 = vector.extract_strided_slice %get3A_182 {offsets = [8], sizes = [1], strides = [1]} : vector<16xi32> to vector<1xi32>
          %squeeze3A_294 = vector.extract %slice3A_293[0] : i32 from vector<1xi32>
          %mul3A_295 = arith.constant 16 : i32
          %mul3A_296 = arith.muli %scan3A_175, %mul3A_295 : i32
          %add3A_297 = arith.constant 8 : i32
          %add3A_298 = arith.addi %mul3A_296, %add3A_297 : i32
          %dma_start3A_299 = arith.constant 0 : i32
          %dma_start3A_300 = tpu.memref_slice %arg9[%add3A_298, %dma_start3A_299] : memref<80x64xf32, #tpu.memory_space<vmem>> -> memref<1x64xf32, #tpu.memory_space<vmem>>
          %dma_start3A_301 = arith.constant 0 : i32
          %dma_start3A_302 = tpu.memref_slice %arg3[%squeeze3A_294, %dma_start3A_301] : memref<1000000x64xf32, #tpu.memory_space<hbm>> -> memref<1x64xf32, #tpu.memory_space<hbm>>
          %dma_start3A_303 = arith.constant 0 : i32
          %dma_start3A_304 = tpu.memref_slice %arg9[%add3A_298, %dma_start3A_303] : memref<80x64xf32, #tpu.memory_space<vmem>> -> memref<1x64xf32, #tpu.memory_space<vmem>>
          %dma_start3A_305 = arith.constant 0 : i32
          %dma_start3A_306 = tpu.memref_slice %arg3[%squeeze3A_294, %dma_start3A_305] : memref<1000000x64xf32, #tpu.memory_space<hbm>> -> memref<1x64xf32, #tpu.memory_space<hbm>>
          tpu.enqueue_dma source(%dma_start3A_306 : memref<1x64xf32, #tpu.memory_space<hbm>>) target(%dma_start3A_304 : memref<1x64xf32, #tpu.memory_space<vmem>>) target_semaphore(%arg13 : memref<!tpu.dma_semaphore, #tpu.memory_space<semaphore_mem>>)
          %slice3A_307 = vector.extract_strided_slice %get3A_182 {offsets = [9], sizes = [1], strides = [1]} : vector<16xi32> to vector<1xi32>
          %squeeze3A_308 = vector.extract %slice3A_307[0] : i32 from vector<1xi32>
          %mul3A_309 = arith.constant 16 : i32
          %mul3A_310 = arith.muli %scan3A_175, %mul3A_309 : i32
          %add3A_311 = arith.constant 9 : i32
          %add3A_312 = arith.addi %mul3A_310, %add3A_311 : i32
          %dma_start3A_313 = arith.constant 0 : i32
          %dma_start3A_314 = tpu.memref_slice %arg9[%add3A_312, %dma_start3A_313] : memref<80x64xf32, #tpu.memory_space<vmem>> -> memref<1x64xf32, #tpu.memory_space<vmem>>
          %dma_start3A_315 = arith.constant 0 : i32
          %dma_start3A_316 = tpu.memref_slice %arg3[%squeeze3A_308, %dma_start3A_315] : memref<1000000x64xf32, #tpu.memory_space<hbm>> -> memref<1x64xf32, #tpu.memory_space<hbm>>
          %dma_start3A_317 = arith.constant 0 : i32
          %dma_start3A_318 = tpu.memref_slice %arg9[%add3A_312, %dma_start3A_317] : memref<80x64xf32, #tpu.memory_space<vmem>> -> memref<1x64xf32, #tpu.memory_space<vmem>>
          %dma_start3A_319 = arith.constant 0 : i32
          %dma_start3A_320 = tpu.memref_slice %arg3[%squeeze3A_308, %dma_start3A_319] : memref<1000000x64xf32, #tpu.memory_space<hbm>> -> memref<1x64xf32, #tpu.memory_space<hbm>>
          tpu.enqueue_dma source(%dma_start3A_320 : memref<1x64xf32, #tpu.memory_space<hbm>>) target(%dma_start3A_318 : memref<1x64xf32, #tpu.memory_space<vmem>>) target_semaphore(%arg13 : memref<!tpu.dma_semaphore, #tpu.memory_space<semaphore_mem>>)
          %slice3A_321 = vector.extract_strided_slice %get3A_182 {offsets = [10], sizes = [1], strides = [1]} : vector<16xi32> to vector<1xi32>
          %squeeze3A_322 = vector.extract %slice3A_321[0] : i32 from vector<1xi32>
          %mul3A_323 = arith.constant 16 : i32
          %mul3A_324 = arith.muli %scan3A_175, %mul3A_323 : i32
          %add3A_325 = arith.constant 10 : i32
          %add3A_326 = arith.addi %mul3A_324, %add3A_325 : i32
          %dma_start3A_327 = arith.constant 0 : i32
          %dma_start3A_328 = tpu.memref_slice %arg9[%add3A_326, %dma_start3A_327] : memref<80x64xf32, #tpu.memory_space<vmem>> -> memref<1x64xf32, #tpu.memory_space<vmem>>
          %dma_start3A_329 = arith.constant 0 : i32
          %dma_start3A_330 = tpu.memref_slice %arg3[%squeeze3A_322, %dma_start3A_329] : memref<1000000x64xf32, #tpu.memory_space<hbm>> -> memref<1x64xf32, #tpu.memory_space<hbm>>
          %dma_start3A_331 = arith.constant 0 : i32
          %dma_start3A_332 = tpu.memref_slice %arg9[%add3A_326, %dma_start3A_331] : memref<80x64xf32, #tpu.memory_space<vmem>> -> memref<1x64xf32, #tpu.memory_space<vmem>>
          %dma_start3A_333 = arith.constant 0 : i32
          %dma_start3A_334 = tpu.memref_slice %arg3[%squeeze3A_322, %dma_start3A_333] : memref<1000000x64xf32, #tpu.memory_space<hbm>> -> memref<1x64xf32, #tpu.memory_space<hbm>>
          tpu.enqueue_dma source(%dma_start3A_334 : memref<1x64xf32, #tpu.memory_space<hbm>>) target(%dma_start3A_332 : memref<1x64xf32, #tpu.memory_space<vmem>>) target_semaphore(%arg13 : memref<!tpu.dma_semaphore, #tpu.memory_space<semaphore_mem>>)
          %slice3A_335 = vector.extract_strided_slice %get3A_182 {offsets = [11], sizes = [1], strides = [1]} : vector<16xi32> to vector<1xi32>
          %squeeze3A_336 = vector.extract %slice3A_335[0] : i32 from vector<1xi32>
          %mul3A_337 = arith.constant 16 : i32
          %mul3A_338 = arith.muli %scan3A_175, %mul3A_337 : i32
          %add3A_339 = arith.constant 11 : i32
          %add3A_340 = arith.addi %mul3A_338, %add3A_339 : i32
          %dma_start3A_341 = arith.constant 0 : i32
          %dma_start3A_342 = tpu.memref_slice %arg9[%add3A_340, %dma_start3A_341] : memref<80x64xf32, #tpu.memory_space<vmem>> -> memref<1x64xf32, #tpu.memory_space<vmem>>
          %dma_start3A_343 = arith.constant 0 : i32
          %dma_start3A_344 = tpu.memref_slice %arg3[%squeeze3A_336, %dma_start3A_343] : memref<1000000x64xf32, #tpu.memory_space<hbm>> -> memref<1x64xf32, #tpu.memory_space<hbm>>
          %dma_start3A_345 = arith.constant 0 : i32
          %dma_start3A_346 = tpu.memref_slice %arg9[%add3A_340, %dma_start3A_345] : memref<80x64xf32, #tpu.memory_space<vmem>> -> memref<1x64xf32, #tpu.memory_space<vmem>>
          %dma_start3A_347 = arith.constant 0 : i32
          %dma_start3A_348 = tpu.memref_slice %arg3[%squeeze3A_336, %dma_start3A_347] : memref<1000000x64xf32, #tpu.memory_space<hbm>> -> memref<1x64xf32, #tpu.memory_space<hbm>>
          tpu.enqueue_dma source(%dma_start3A_348 : memref<1x64xf32, #tpu.memory_space<hbm>>) target(%dma_start3A_346 : memref<1x64xf32, #tpu.memory_space<vmem>>) target_semaphore(%arg13 : memref<!tpu.dma_semaphore, #tpu.memory_space<semaphore_mem>>)
          %slice3A_349 = vector.extract_strided_slice %get3A_182 {offsets = [12], sizes = [1], strides = [1]} : vector<16xi32> to vector<1xi32>
          %squeeze3A_350 = vector.extract %slice3A_349[0] : i32 from vector<1xi32>
          %mul3A_351 = arith.constant 16 : i32
          %mul3A_352 = arith.muli %scan3A_175, %mul3A_351 : i32
          %add3A_353 = arith.constant 12 : i32
          %add3A_354 = arith.addi %mul3A_352, %add3A_353 : i32
          %dma_start3A_355 = arith.constant 0 : i32
          %dma_start3A_356 = tpu.memref_slice %arg9[%add3A_354, %dma_start3A_355] : memref<80x64xf32, #tpu.memory_space<vmem>> -> memref<1x64xf32, #tpu.memory_space<vmem>>
          %dma_start3A_357 = arith.constant 0 : i32
          %dma_start3A_358 = tpu.memref_slice %arg3[%squeeze3A_350, %dma_start3A_357] : memref<1000000x64xf32, #tpu.memory_space<hbm>> -> memref<1x64xf32, #tpu.memory_space<hbm>>
          %dma_start3A_359 = arith.constant 0 : i32
          %dma_start3A_360 = tpu.memref_slice %arg9[%add3A_354, %dma_start3A_359] : memref<80x64xf32, #tpu.memory_space<vmem>> -> memref<1x64xf32, #tpu.memory_space<vmem>>
          %dma_start3A_361 = arith.constant 0 : i32
          %dma_start3A_362 = tpu.memref_slice %arg3[%squeeze3A_350, %dma_start3A_361] : memref<1000000x64xf32, #tpu.memory_space<hbm>> -> memref<1x64xf32, #tpu.memory_space<hbm>>
          tpu.enqueue_dma source(%dma_start3A_362 : memref<1x64xf32, #tpu.memory_space<hbm>>) target(%dma_start3A_360 : memref<1x64xf32, #tpu.memory_space<vmem>>) target_semaphore(%arg13 : memref<!tpu.dma_semaphore, #tpu.memory_space<semaphore_mem>>)
          %slice3A_363 = vector.extract_strided_slice %get3A_182 {offsets = [13], sizes = [1], strides = [1]} : vector<16xi32> to vector<1xi32>
          %squeeze3A_364 = vector.extract %slice3A_363[0] : i32 from vector<1xi32>
          %mul3A_365 = arith.constant 16 : i32
          %mul3A_366 = arith.muli %scan3A_175, %mul3A_365 : i32
          %add3A_367 = arith.constant 13 : i32
          %add3A_368 = arith.addi %mul3A_366, %add3A_367 : i32
          %dma_start3A_369 = arith.constant 0 : i32
          %dma_start3A_370 = tpu.memref_slice %arg9[%add3A_368, %dma_start3A_369] : memref<80x64xf32, #tpu.memory_space<vmem>> -> memref<1x64xf32, #tpu.memory_space<vmem>>
          %dma_start3A_371 = arith.constant 0 : i32
          %dma_start3A_372 = tpu.memref_slice %arg3[%squeeze3A_364, %dma_start3A_371] : memref<1000000x64xf32, #tpu.memory_space<hbm>> -> memref<1x64xf32, #tpu.memory_space<hbm>>
          %dma_start3A_373 = arith.constant 0 : i32
          %dma_start3A_374 = tpu.memref_slice %arg9[%add3A_368, %dma_start3A_373] : memref<80x64xf32, #tpu.memory_space<vmem>> -> memref<1x64xf32, #tpu.memory_space<vmem>>
          %dma_start3A_375 = arith.constant 0 : i32
          %dma_start3A_376 = tpu.memref_slice %arg3[%squeeze3A_364, %dma_start3A_375] : memref<1000000x64xf32, #tpu.memory_space<hbm>> -> memref<1x64xf32, #tpu.memory_space<hbm>>
          tpu.enqueue_dma source(%dma_start3A_376 : memref<1x64xf32, #tpu.memory_space<hbm>>) target(%dma_start3A_374 : memref<1x64xf32, #tpu.memory_space<vmem>>) target_semaphore(%arg13 : memref<!tpu.dma_semaphore, #tpu.memory_space<semaphore_mem>>)
          %slice3A_377 = vector.extract_strided_slice %get3A_182 {offsets = [14], sizes = [1], strides = [1]} : vector<16xi32> to vector<1xi32>
          %squeeze3A_378 = vector.extract %slice3A_377[0] : i32 from vector<1xi32>
          %mul3A_379 = arith.constant 16 : i32
          %mul3A_380 = arith.muli %scan3A_175, %mul3A_379 : i32
          %add3A_381 = arith.constant 14 : i32
          %add3A_382 = arith.addi %mul3A_380, %add3A_381 : i32
          %dma_start3A_383 = arith.constant 0 : i32
          %dma_start3A_384 = tpu.memref_slice %arg9[%add3A_382, %dma_start3A_383] : memref<80x64xf32, #tpu.memory_space<vmem>> -> memref<1x64xf32, #tpu.memory_space<vmem>>
          %dma_start3A_385 = arith.constant 0 : i32
          %dma_start3A_386 = tpu.memref_slice %arg3[%squeeze3A_378, %dma_start3A_385] : memref<1000000x64xf32, #tpu.memory_space<hbm>> -> memref<1x64xf32, #tpu.memory_space<hbm>>
          %dma_start3A_387 = arith.constant 0 : i32
          %dma_start3A_388 = tpu.memref_slice %arg9[%add3A_382, %dma_start3A_387] : memref<80x64xf32, #tpu.memory_space<vmem>> -> memref<1x64xf32, #tpu.memory_space<vmem>>
          %dma_start3A_389 = arith.constant 0 : i32
          %dma_start3A_390 = tpu.memref_slice %arg3[%squeeze3A_378, %dma_start3A_389] : memref<1000000x64xf32, #tpu.memory_space<hbm>> -> memref<1x64xf32, #tpu.memory_space<hbm>>
          tpu.enqueue_dma source(%dma_start3A_390 : memref<1x64xf32, #tpu.memory_space<hbm>>) target(%dma_start3A_388 : memref<1x64xf32, #tpu.memory_space<vmem>>) target_semaphore(%arg13 : memref<!tpu.dma_semaphore, #tpu.memory_space<semaphore_mem>>)
          %slice3A_391 = vector.extract_strided_slice %get3A_182 {offsets = [15], sizes = [1], strides = [1]} : vector<16xi32> to vector<1xi32>
          %squeeze3A_392 = vector.extract %slice3A_391[0] : i32 from vector<1xi32>
          %mul3A_393 = arith.constant 16 : i32
          %mul3A_394 = arith.muli %scan3A_175, %mul3A_393 : i32
          %add3A_395 = arith.constant 15 : i32
          %add3A_396 = arith.addi %mul3A_394, %add3A_395 : i32
          %dma_start3A_397 = arith.constant 0 : i32
          %dma_start3A_398 = tpu.memref_slice %arg9[%add3A_396, %dma_start3A_397] : memref<80x64xf32, #tpu.memory_space<vmem>> -> memref<1x64xf32, #tpu.memory_space<vmem>>
          %dma_start3A_399 = arith.constant 0 : i32
          %dma_start3A_400 = tpu.memref_slice %arg3[%squeeze3A_392, %dma_start3A_399] : memref<1000000x64xf32, #tpu.memory_space<hbm>> -> memref<1x64xf32, #tpu.memory_space<hbm>>
          %dma_start3A_401 = arith.constant 0 : i32
          %dma_start3A_402 = tpu.memref_slice %arg9[%add3A_396, %dma_start3A_401] : memref<80x64xf32, #tpu.memory_space<vmem>> -> memref<1x64xf32, #tpu.memory_space<vmem>>
          %dma_start3A_403 = arith.constant 0 : i32
          %dma_start3A_404 = tpu.memref_slice %arg3[%squeeze3A_392, %dma_start3A_403] : memref<1000000x64xf32, #tpu.memory_space<hbm>> -> memref<1x64xf32, #tpu.memory_space<hbm>>
          tpu.enqueue_dma source(%dma_start3A_404 : memref<1x64xf32, #tpu.memory_space<hbm>>) target(%dma_start3A_402 : memref<1x64xf32, #tpu.memory_space<vmem>>) target_semaphore(%arg13 : memref<!tpu.dma_semaphore, #tpu.memory_space<semaphore_mem>>)
        }
        %scan3A_174 = arith.constant 5 : i32
      } else {
      }
      %mul3A_62 = arith.constant 4 : i32
      %mul3A_63 = arith.muli %mul3A_62, %scan3A_31 : i32
      %add3A_64 = arith.constant 1 : i32
      %add3A_65 = arith.addi %mul3A_63, %add3A_64 : i32
      %dma_wait3A_66 = arith.constant 0 : i32
      %dma_wait3A_67 = arith.constant 0 : i32
      %dma_wait3A_68 = tpu.memref_slice %arg3[%dma_wait3A_66, %dma_wait3A_67] : memref<1000000x64xf32, #tpu.memory_space<hbm>> -> memref<80x64xf32, #tpu.memory_space<hbm>>
      %dma_wait3A_69 = arith.constant 0 : i32
      %dma_wait3A_70 = arith.constant 0 : i32
      %dma_wait3A_71 = tpu.memref_slice %arg3[%dma_wait3A_69, %dma_wait3A_70] : memref<1000000x64xf32, #tpu.memory_space<hbm>> -> memref<80x64xf32, #tpu.memory_space<hbm>>
      tpu.wait_dma2 semaphore(%arg11 : memref<!tpu.dma_semaphore, #tpu.memory_space<semaphore_mem>>) src(%dma_wait3A_71 : memref<80x64xf32, #tpu.memory_space<hbm>>) dst(%arg7 : memref<80x64xf32, #tpu.memory_space<vmem>>)
      %scan3A_72 = arith.constant 0 : i32
      %scan3A_73 = arith.constant 0 : i32
      %scan3A_74 = arith.constant 10 : i32
      %scan3A_75 = arith.addi %scan3A_73, %scan3A_74 : i32
      %scan3A_76 = arith.constant 1 : i32
      scf.for %scan3A_167 = %scan3A_73 to %scan3A_75 step %scan3A_76  : i32 {
        %mul3A_168 = arith.constant 8 : i32
        %mul3A_169 = arith.muli %scan3A_167, %mul3A_168 : i32
        %add3A_170 = arith.constant 0 : i32
        %add3A_171 = arith.addi %mul3A_169, %add3A_170 : i32
        %get3A = arith.index_cast %add3A_171 : i32 to index
        %get3A_172 = arith.constant 0 : index
        %get3A_173 = tpu.vector_load %arg7[%get3A, %get3A_172] {strides = array<i32>} : memref<80x64xf32, #tpu.memory_space<vmem>>, vector<1x16xf32>,
        %get3A_174 = vector.shape_cast %get3A_173 : vector<1x16xf32> to vector<16xf32>
        %mul3A_175 = arith.constant 8.000000e+00 : f32
        %mul3A_176 = vector.broadcast %mul3A_175 : f32 to vector<16xf32>
        %mul3A_177 = arith.mulf %get3A_174, %mul3A_176 : vector<16xf32>
        %add3A_178 = arith.constant 0 : i32
        %add3A_179 = arith.addi %mul3A_169, %add3A_178 : i32
        %swap3A = arith.index_cast %add3A_179 : i32 to index
        %swap3A_180 = arith.constant 0 : index
        %swap3A_181 = tpu.vector_load %arg7[%swap3A, %swap3A_180] {strides = array<i32>} : memref<80x64xf32, #tpu.memory_space<vmem>>, vector<1x16xf32>,
        %swap3A_182 = vector.shape_cast %swap3A_181 : vector<1x16xf32> to vector<16xf32>
        %swap3A_183 = vector.shape_cast %mul3A_177 : vector<16xf32> to vector<1x16xf32>
        tpu.vector_store %arg7[%swap3A, %swap3A_180], %swap3A_183 {strides = array<i32>} : memref<80x64xf32, #tpu.memory_space<vmem>>, vector<1x16xf32>,
        %add3A_184 = arith.constant 0 : i32
        %add3A_185 = arith.addi %mul3A_169, %add3A_184 : i32
        %get3A_186 = arith.index_cast %add3A_185 : i32 to index
        %get3A_187 = arith.constant 16 : index
        %get3A_188 = tpu.vector_load %arg7[%get3A_186, %get3A_187] {strides = array<i32>} : memref<80x64xf32, #tpu.memory_space<vmem>>, vector<1x16xf32>,
        %get3A_189 = vector.shape_cast %get3A_188 : vector<1x16xf32> to vector<16xf32>
        %mul3A_190 = arith.constant 8.000000e+00 : f32
        %mul3A_191 = vector.broadcast %mul3A_190 : f32 to vector<16xf32>
        %mul3A_192 = arith.mulf %get3A_189, %mul3A_191 : vector<16xf32>
        %add3A_193 = arith.constant 0 : i32
        %add3A_194 = arith.addi %mul3A_169, %add3A_193 : i32
        %swap3A_195 = arith.index_cast %add3A_194 : i32 to index
        %swap3A_196 = arith.constant 16 : index
        %swap3A_197 = tpu.vector_load %arg7[%swap3A_195, %swap3A_196] {strides = array<i32>} : memref<80x64xf32, #tpu.memory_space<vmem>>, vector<1x16xf32>,
        %swap3A_198 = vector.shape_cast %swap3A_197 : vector<1x16xf32> to vector<16xf32>
        %swap3A_199 = vector.shape_cast %mul3A_192 : vector<16xf32> to vector<1x16xf32>
        tpu.vector_store %arg7[%swap3A_195, %swap3A_196], %swap3A_199 {strides = array<i32>} : memref<80x64xf32, #tpu.memory_space<vmem>>, vector<1x16xf32>,
        %add3A_200 = arith.constant 0 : i32
        %add3A_201 = arith.addi %mul3A_169, %add3A_200 : i32
        %get3A_202 = arith.index_cast %add3A_201 : i32 to index
        %get3A_203 = arith.constant 32 : index
        %get3A_204 = tpu.vector_load %arg7[%get3A_202, %get3A_203] {strides = array<i32>} : memref<80x64xf32, #tpu.memory_space<vmem>>, vector<1x16xf32>,
        %get3A_205 = vector.shape_cast %get3A_204 : vector<1x16xf32> to vector<16xf32>
        %mul3A_206 = arith.constant 8.000000e+00 : f32
        %mul3A_207 = vector.broadcast %mul3A_206 : f32 to vector<16xf32>
        %mul3A_208 = arith.mulf %get3A_205, %mul3A_207 : vector<16xf32>
        %add3A_209 = arith.constant 0 : i32
        %add3A_210 = arith.addi %mul3A_169, %add3A_209 : i32
        %swap3A_211 = arith.index_cast %add3A_210 : i32 to index
        %swap3A_212 = arith.constant 32 : index
        %swap3A_213 = tpu.vector_load %arg7[%swap3A_211, %swap3A_212] {strides = array<i32>} : memref<80x64xf32, #tpu.memory_space<vmem>>, vector<1x16xf32>,
        %swap3A_214 = vector.shape_cast %swap3A_213 : vector<1x16xf32> to vector<16xf32>
        %swap3A_215 = vector.shape_cast %mul3A_208 : vector<16xf32> to vector<1x16xf32>
        tpu.vector_store %arg7[%swap3A_211, %swap3A_212], %swap3A_215 {strides = array<i32>} : memref<80x64xf32, #tpu.memory_space<vmem>>, vector<1x16xf32>,
        %add3A_216 = arith.constant 0 : i32
        %add3A_217 = arith.addi %mul3A_169, %add3A_216 : i32
        %get3A_218 = arith.index_cast %add3A_217 : i32 to index
        %get3A_219 = arith.constant 48 : index
        %get3A_220 = tpu.vector_load %arg7[%get3A_218, %get3A_219] {strides = array<i32>} : memref<80x64xf32, #tpu.memory_space<vmem>>, vector<1x16xf32>,
        %get3A_221 = vector.shape_cast %get3A_220 : vector<1x16xf32> to vector<16xf32>
        %mul3A_222 = arith.constant 8.000000e+00 : f32
        %mul3A_223 = vector.broadcast %mul3A_222 : f32 to vector<16xf32>
        %mul3A_224 = arith.mulf %get3A_221, %mul3A_223 : vector<16xf32>
        %add3A_225 = arith.constant 0 : i32
        %add3A_226 = arith.addi %mul3A_169, %add3A_225 : i32
        %swap3A_227 = arith.index_cast %add3A_226 : i32 to index
        %swap3A_228 = arith.constant 48 : index
        %swap3A_229 = tpu.vector_load %arg7[%swap3A_227, %swap3A_228] {strides = array<i32>} : memref<80x64xf32, #tpu.memory_space<vmem>>, vector<1x16xf32>,
        %swap3A_230 = vector.shape_cast %swap3A_229 : vector<1x16xf32> to vector<16xf32>
        %swap3A_231 = vector.shape_cast %mul3A_224 : vector<16xf32> to vector<1x16xf32>
        tpu.vector_store %arg7[%swap3A_227, %swap3A_228], %swap3A_231 {strides = array<i32>} : memref<80x64xf32, #tpu.memory_space<vmem>>, vector<1x16xf32>,
        %add3A_232 = arith.constant 1 : i32
        %add3A_233 = arith.addi %mul3A_169, %add3A_232 : i32
        %get3A_234 = arith.index_cast %add3A_233 : i32 to index
        %get3A_235 = arith.constant 0 : index
        %get3A_236 = tpu.vector_load %arg7[%get3A_234, %get3A_235] {strides = array<i32>} : memref<80x64xf32, #tpu.memory_space<vmem>>, vector<1x16xf32>,
        %get3A_237 = vector.shape_cast %get3A_236 : vector<1x16xf32> to vector<16xf32>
        %mul3A_238 = arith.constant 8.000000e+00 : f32
        %mul3A_239 = vector.broadcast %mul3A_238 : f32 to vector<16xf32>
        %mul3A_240 = arith.mulf %get3A_237, %mul3A_239 : vector<16xf32>
        %add3A_241 = arith.constant 1 : i32
        %add3A_242 = arith.addi %mul3A_169, %add3A_241 : i32
        %swap3A_243 = arith.index_cast %add3A_242 : i32 to index
        %swap3A_244 = arith.constant 0 : index
        %swap3A_245 = tpu.vector_load %arg7[%swap3A_243, %swap3A_244] {strides = array<i32>} : memref<80x64xf32, #tpu.memory_space<vmem>>, vector<1x16xf32>,
        %swap3A_246 = vector.shape_cast %swap3A_245 : vector<1x16xf32> to vector<16xf32>
        %swap3A_247 = vector.shape_cast %mul3A_240 : vector<16xf32> to vector<1x16xf32>
        tpu.vector_store %arg7[%swap3A_243, %swap3A_244], %swap3A_247 {strides = array<i32>} : memref<80x64xf32, #tpu.memory_space<vmem>>, vector<1x16xf32>,
        %add3A_248 = arith.constant 1 : i32
        %add3A_249 = arith.addi %mul3A_169, %add3A_248 : i32
        %get3A_250 = arith.index_cast %add3A_249 : i32 to index
        %get3A_251 = arith.constant 16 : index
        %get3A_252 = tpu.vector_load %arg7[%get3A_250, %get3A_251] {strides = array<i32>} : memref<80x64xf32, #tpu.memory_space<vmem>>, vector<1x16xf32>,
        %get3A_253 = vector.shape_cast %get3A_252 : vector<1x16xf32> to vector<16xf32>
        %mul3A_254 = arith.constant 8.000000e+00 : f32
        %mul3A_255 = vector.broadcast %mul3A_254 : f32 to vector<16xf32>
        %mul3A_256 = arith.mulf %get3A_253, %mul3A_255 : vector<16xf32>
        %add3A_257 = arith.constant 1 : i32
        %add3A_258 = arith.addi %mul3A_169, %add3A_257 : i32
        %swap3A_259 = arith.index_cast %add3A_258 : i32 to index
        %swap3A_260 = arith.constant 16 : index
        %swap3A_261 = tpu.vector_load %arg7[%swap3A_259, %swap3A_260] {strides = array<i32>} : memref<80x64xf32, #tpu.memory_space<vmem>>, vector<1x16xf32>,
        %swap3A_262 = vector.shape_cast %swap3A_261 : vector<1x16xf32> to vector<16xf32>
        %swap3A_263 = vector.shape_cast %mul3A_256 : vector<16xf32> to vector<1x16xf32>
        tpu.vector_store %arg7[%swap3A_259, %swap3A_260], %swap3A_263 {strides = array<i32>} : memref<80x64xf32, #tpu.memory_space<vmem>>, vector<1x16xf32>,
        %add3A_264 = arith.constant 1 : i32
        %add3A_265 = arith.addi %mul3A_169, %add3A_264 : i32
        %get3A_266 = arith.index_cast %add3A_265 : i32 to index
        %get3A_267 = arith.constant 32 : index
        %get3A_268 = tpu.vector_load %arg7[%get3A_266, %get3A_267] {strides = array<i32>} : memref<80x64xf32, #tpu.memory_space<vmem>>, vector<1x16xf32>,
        %get3A_269 = vector.shape_cast %get3A_268 : vector<1x16xf32> to vector<16xf32>
        %mul3A_270 = arith.constant 8.000000e+00 : f32
        %mul3A_271 = vector.broadcast %mul3A_270 : f32 to vector<16xf32>
        %mul3A_272 = arith.mulf %get3A_269, %mul3A_271 : vector<16xf32>
        %add3A_273 = arith.constant 1 : i32
        %add3A_274 = arith.addi %mul3A_169, %add3A_273 : i32
        %swap3A_275 = arith.index_cast %add3A_274 : i32 to index
        %swap3A_276 = arith.constant 32 : index
        %swap3A_277 = tpu.vector_load %arg7[%swap3A_275, %swap3A_276] {strides = array<i32>} : memref<80x64xf32, #tpu.memory_space<vmem>>, vector<1x16xf32>,
        %swap3A_278 = vector.shape_cast %swap3A_277 : vector<1x16xf32> to vector<16xf32>
        %swap3A_279 = vector.shape_cast %mul3A_272 : vector<16xf32> to vector<1x16xf32>
        tpu.vector_store %arg7[%swap3A_275, %swap3A_276], %swap3A_279 {strides = array<i32>} : memref<80x64xf32, #tpu.memory_space<vmem>>, vector<1x16xf32>,
        %add3A_280 = arith.constant 1 : i32
        %add3A_281 = arith.addi %mul3A_169, %add3A_280 : i32
        %get3A_282 = arith.index_cast %add3A_281 : i32 to index
        %get3A_283 = arith.constant 48 : index
        %get3A_284 = tpu.vector_load %arg7[%get3A_282, %get3A_283] {strides = array<i32>} : memref<80x64xf32, #tpu.memory_space<vmem>>, vector<1x16xf32>,
        %get3A_285 = vector.shape_cast %get3A_284 : vector<1x16xf32> to vector<16xf32>
        %mul3A_286 = arith.constant 8.000000e+00 : f32
        %mul3A_287 = vector.broadcast %mul3A_286 : f32 to vector<16xf32>
        %mul3A_288 = arith.mulf %get3A_285, %mul3A_287 : vector<16xf32>
        %add3A_289 = arith.constant 1 : i32
        %add3A_290 = arith.addi %mul3A_169, %add3A_289 : i32
        %swap3A_291 = arith.index_cast %add3A_290 : i32 to index
        %swap3A_292 = arith.constant 48 : index
        %swap3A_293 = tpu.vector_load %arg7[%swap3A_291, %swap3A_292] {strides = array<i32>} : memref<80x64xf32, #tpu.memory_space<vmem>>, vector<1x16xf32>,
        %swap3A_294 = vector.shape_cast %swap3A_293 : vector<1x16xf32> to vector<16xf32>
        %swap3A_295 = vector.shape_cast %mul3A_288 : vector<16xf32> to vector<1x16xf32>
        tpu.vector_store %arg7[%swap3A_291, %swap3A_292], %swap3A_295 {strides = array<i32>} : memref<80x64xf32, #tpu.memory_space<vmem>>, vector<1x16xf32>,
        %add3A_296 = arith.constant 2 : i32
        %add3A_297 = arith.addi %mul3A_169, %add3A_296 : i32
        %get3A_298 = arith.index_cast %add3A_297 : i32 to index
        %get3A_299 = arith.constant 0 : index
        %get3A_300 = tpu.vector_load %arg7[%get3A_298, %get3A_299] {strides = array<i32>} : memref<80x64xf32, #tpu.memory_space<vmem>>, vector<1x16xf32>,
        %get3A_301 = vector.shape_cast %get3A_300 : vector<1x16xf32> to vector<16xf32>
        %mul3A_302 = arith.constant 8.000000e+00 : f32
        %mul3A_303 = vector.broadcast %mul3A_302 : f32 to vector<16xf32>
        %mul3A_304 = arith.mulf %get3A_301, %mul3A_303 : vector<16xf32>
        %add3A_305 = arith.constant 2 : i32
        %add3A_306 = arith.addi %mul3A_169, %add3A_305 : i32
        %swap3A_307 = arith.index_cast %add3A_306 : i32 to index
        %swap3A_308 = arith.constant 0 : index
        %swap3A_309 = tpu.vector_load %arg7[%swap3A_307, %swap3A_308] {strides = array<i32>} : memref<80x64xf32, #tpu.memory_space<vmem>>, vector<1x16xf32>,
        %swap3A_310 = vector.shape_cast %swap3A_309 : vector<1x16xf32> to vector<16xf32>
        %swap3A_311 = vector.shape_cast %mul3A_304 : vector<16xf32> to vector<1x16xf32>
        tpu.vector_store %arg7[%swap3A_307, %swap3A_308], %swap3A_311 {strides = array<i32>} : memref<80x64xf32, #tpu.memory_space<vmem>>, vector<1x16xf32>,
        %add3A_312 = arith.constant 2 : i32
        %add3A_313 = arith.addi %mul3A_169, %add3A_312 : i32
        %get3A_314 = arith.index_cast %add3A_313 : i32 to index
        %get3A_315 = arith.constant 16 : index
        %get3A_316 = tpu.vector_load %arg7[%get3A_314, %get3A_315] {strides = array<i32>} : memref<80x64xf32, #tpu.memory_space<vmem>>, vector<1x16xf32>,
        %get3A_317 = vector.shape_cast %get3A_316 : vector<1x16xf32> to vector<16xf32>
        %mul3A_318 = arith.constant 8.000000e+00 : f32
        %mul3A_319 = vector.broadcast %mul3A_318 : f32 to vector<16xf32>
        %mul3A_320 = arith.mulf %get3A_317, %mul3A_319 : vector<16xf32>
        %add3A_321 = arith.constant 2 : i32
        %add3A_322 = arith.addi %mul3A_169, %add3A_321 : i32
        %swap3A_323 = arith.index_cast %add3A_322 : i32 to index
        %swap3A_324 = arith.constant 16 : index
        %swap3A_325 = tpu.vector_load %arg7[%swap3A_323, %swap3A_324] {strides = array<i32>} : memref<80x64xf32, #tpu.memory_space<vmem>>, vector<1x16xf32>,
        %swap3A_326 = vector.shape_cast %swap3A_325 : vector<1x16xf32> to vector<16xf32>
        %swap3A_327 = vector.shape_cast %mul3A_320 : vector<16xf32> to vector<1x16xf32>
        tpu.vector_store %arg7[%swap3A_323, %swap3A_324], %swap3A_327 {strides = array<i32>} : memref<80x64xf32, #tpu.memory_space<vmem>>, vector<1x16xf32>,
        %add3A_328 = arith.constant 2 : i32
        %add3A_329 = arith.addi %mul3A_169, %add3A_328 : i32
        %get3A_330 = arith.index_cast %add3A_329 : i32 to index
        %get3A_331 = arith.constant 32 : index
        %get3A_332 = tpu.vector_load %arg7[%get3A_330, %get3A_331] {strides = array<i32>} : memref<80x64xf32, #tpu.memory_space<vmem>>, vector<1x16xf32>,
        %get3A_333 = vector.shape_cast %get3A_332 : vector<1x16xf32> to vector<16xf32>
        %mul3A_334 = arith.constant 8.000000e+00 : f32
        %mul3A_335 = vector.broadcast %mul3A_334 : f32 to vector<16xf32>
        %mul3A_336 = arith.mulf %get3A_333, %mul3A_335 : vector<16xf32>
        %add3A_337 = arith.constant 2 : i32
        %add3A_338 = arith.addi %mul3A_169, %add3A_337 : i32
        %swap3A_339 = arith.index_cast %add3A_338 : i32 to index
        %swap3A_340 = arith.constant 32 : index
        %swap3A_341 = tpu.vector_load %arg7[%swap3A_339, %swap3A_340] {strides = array<i32>} : memref<80x64xf32, #tpu.memory_space<vmem>>, vector<1x16xf32>,
        %swap3A_342 = vector.shape_cast %swap3A_341 : vector<1x16xf32> to vector<16xf32>
        %swap3A_343 = vector.shape_cast %mul3A_336 : vector<16xf32> to vector<1x16xf32>
        tpu.vector_store %arg7[%swap3A_339, %swap3A_340], %swap3A_343 {strides = array<i32>} : memref<80x64xf32, #tpu.memory_space<vmem>>, vector<1x16xf32>,
        %add3A_344 = arith.constant 2 : i32
        %add3A_345 = arith.addi %mul3A_169, %add3A_344 : i32
        %get3A_346 = arith.index_cast %add3A_345 : i32 to index
        %get3A_347 = arith.constant 48 : index
        %get3A_348 = tpu.vector_load %arg7[%get3A_346, %get3A_347] {strides = array<i32>} : memref<80x64xf32, #tpu.memory_space<vmem>>, vector<1x16xf32>,
        %get3A_349 = vector.shape_cast %get3A_348 : vector<1x16xf32> to vector<16xf32>
        %mul3A_350 = arith.constant 8.000000e+00 : f32
        %mul3A_351 = vector.broadcast %mul3A_350 : f32 to vector<16xf32>
        %mul3A_352 = arith.mulf %get3A_349, %mul3A_351 : vector<16xf32>
        %add3A_353 = arith.constant 2 : i32
        %add3A_354 = arith.addi %mul3A_169, %add3A_353 : i32
        %swap3A_355 = arith.index_cast %add3A_354 : i32 to index
        %swap3A_356 = arith.constant 48 : index
        %swap3A_357 = tpu.vector_load %arg7[%swap3A_355, %swap3A_356] {strides = array<i32>} : memref<80x64xf32, #tpu.memory_space<vmem>>, vector<1x16xf32>,
        %swap3A_358 = vector.shape_cast %swap3A_357 : vector<1x16xf32> to vector<16xf32>
        %swap3A_359 = vector.shape_cast %mul3A_352 : vector<16xf32> to vector<1x16xf32>
        tpu.vector_store %arg7[%swap3A_355, %swap3A_356], %swap3A_359 {strides = array<i32>} : memref<80x64xf32, #tpu.memory_space<vmem>>, vector<1x16xf32>,
        %add3A_360 = arith.constant 3 : i32
        %add3A_361 = arith.addi %mul3A_169, %add3A_360 : i32
        %get3A_362 = arith.index_cast %add3A_361 : i32 to index
        %get3A_363 = arith.constant 0 : index
        %get3A_364 = tpu.vector_load %arg7[%get3A_362, %get3A_363] {strides = array<i32>} : memref<80x64xf32, #tpu.memory_space<vmem>>, vector<1x16xf32>,
        %get3A_365 = vector.shape_cast %get3A_364 : vector<1x16xf32> to vector<16xf32>
        %mul3A_366 = arith.constant 8.000000e+00 : f32
        %mul3A_367 = vector.broadcast %mul3A_366 : f32 to vector<16xf32>
        %mul3A_368 = arith.mulf %get3A_365, %mul3A_367 : vector<16xf32>
        %add3A_369 = arith.constant 3 : i32
        %add3A_370 = arith.addi %mul3A_169, %add3A_369 : i32
        %swap3A_371 = arith.index_cast %add3A_370 : i32 to index
        %swap3A_372 = arith.constant 0 : index
        %swap3A_373 = tpu.vector_load %arg7[%swap3A_371, %swap3A_372] {strides = array<i32>} : memref<80x64xf32, #tpu.memory_space<vmem>>, vector<1x16xf32>,
        %swap3A_374 = vector.shape_cast %swap3A_373 : vector<1x16xf32> to vector<16xf32>
        %swap3A_375 = vector.shape_cast %mul3A_368 : vector<16xf32> to vector<1x16xf32>
        tpu.vector_store %arg7[%swap3A_371, %swap3A_372], %swap3A_375 {strides = array<i32>} : memref<80x64xf32, #tpu.memory_space<vmem>>, vector<1x16xf32>,
        %add3A_376 = arith.constant 3 : i32
        %add3A_377 = arith.addi %mul3A_169, %add3A_376 : i32
        %get3A_378 = arith.index_cast %add3A_377 : i32 to index
        %get3A_379 = arith.constant 16 : index
        %get3A_380 = tpu.vector_load %arg7[%get3A_378, %get3A_379] {strides = array<i32>} : memref<80x64xf32, #tpu.memory_space<vmem>>, vector<1x16xf32>,
        %get3A_381 = vector.shape_cast %get3A_380 : vector<1x16xf32> to vector<16xf32>
        %mul3A_382 = arith.constant 8.000000e+00 : f32
        %mul3A_383 = vector.broadcast %mul3A_382 : f32 to vector<16xf32>
        %mul3A_384 = arith.mulf %get3A_381, %mul3A_383 : vector<16xf32>
        %add3A_385 = arith.constant 3 : i32
        %add3A_386 = arith.addi %mul3A_169, %add3A_385 : i32
        %swap3A_387 = arith.index_cast %add3A_386 : i32 to index
        %swap3A_388 = arith.constant 16 : index
        %swap3A_389 = tpu.vector_load %arg7[%swap3A_387, %swap3A_388] {strides = array<i32>} : memref<80x64xf32, #tpu.memory_space<vmem>>, vector<1x16xf32>,
        %swap3A_390 = vector.shape_cast %swap3A_389 : vector<1x16xf32> to vector<16xf32>
        %swap3A_391 = vector.shape_cast %mul3A_384 : vector<16xf32> to vector<1x16xf32>
        tpu.vector_store %arg7[%swap3A_387, %swap3A_388], %swap3A_391 {strides = array<i32>} : memref<80x64xf32, #tpu.memory_space<vmem>>, vector<1x16xf32>,
        %add3A_392 = arith.constant 3 : i32
        %add3A_393 = arith.addi %mul3A_169, %add3A_392 : i32
        %get3A_394 = arith.index_cast %add3A_393 : i32 to index
        %get3A_395 = arith.constant 32 : index
        %get3A_396 = tpu.vector_load %arg7[%get3A_394, %get3A_395] {strides = array<i32>} : memref<80x64xf32, #tpu.memory_space<vmem>>, vector<1x16xf32>,
        %get3A_397 = vector.shape_cast %get3A_396 : vector<1x16xf32> to vector<16xf32>
        %mul3A_398 = arith.constant 8.000000e+00 : f32
        %mul3A_399 = vector.broadcast %mul3A_398 : f32 to vector<16xf32>
        %mul3A_400 = arith.mulf %get3A_397, %mul3A_399 : vector<16xf32>
        %add3A_401 = arith.constant 3 : i32
        %add3A_402 = arith.addi %mul3A_169, %add3A_401 : i32
        %swap3A_403 = arith.index_cast %add3A_402 : i32 to index
        %swap3A_404 = arith.constant 32 : index
        %swap3A_405 = tpu.vector_load %arg7[%swap3A_403, %swap3A_404] {strides = array<i32>} : memref<80x64xf32, #tpu.memory_space<vmem>>, vector<1x16xf32>,
        %swap3A_406 = vector.shape_cast %swap3A_405 : vector<1x16xf32> to vector<16xf32>
        %swap3A_407 = vector.shape_cast %mul3A_400 : vector<16xf32> to vector<1x16xf32>
        tpu.vector_store %arg7[%swap3A_403, %swap3A_404], %swap3A_407 {strides = array<i32>} : memref<80x64xf32, #tpu.memory_space<vmem>>, vector<1x16xf32>,
        %add3A_408 = arith.constant 3 : i32
        %add3A_409 = arith.addi %mul3A_169, %add3A_408 : i32
        %get3A_410 = arith.index_cast %add3A_409 : i32 to index
        %get3A_411 = arith.constant 48 : index
        %get3A_412 = tpu.vector_load %arg7[%get3A_410, %get3A_411] {strides = array<i32>} : memref<80x64xf32, #tpu.memory_space<vmem>>, vector<1x16xf32>,
        %get3A_413 = vector.shape_cast %get3A_412 : vector<1x16xf32> to vector<16xf32>
        %mul3A_414 = arith.constant 8.000000e+00 : f32
        %mul3A_415 = vector.broadcast %mul3A_414 : f32 to vector<16xf32>
        %mul3A_416 = arith.mulf %get3A_413, %mul3A_415 : vector<16xf32>
        %add3A_417 = arith.constant 3 : i32
        %add3A_418 = arith.addi %mul3A_169, %add3A_417 : i32
        %swap3A_419 = arith.index_cast %add3A_418 : i32 to index
        %swap3A_420 = arith.constant 48 : index
        %swap3A_421 = tpu.vector_load %arg7[%swap3A_419, %swap3A_420] {strides = array<i32>} : memref<80x64xf32, #tpu.memory_space<vmem>>, vector<1x16xf32>,
        %swap3A_422 = vector.shape_cast %swap3A_421 : vector<1x16xf32> to vector<16xf32>
        %swap3A_423 = vector.shape_cast %mul3A_416 : vector<16xf32> to vector<1x16xf32>
        tpu.vector_store %arg7[%swap3A_419, %swap3A_420], %swap3A_423 {strides = array<i32>} : memref<80x64xf32, #tpu.memory_space<vmem>>, vector<1x16xf32>,
        %add3A_424 = arith.constant 4 : i32
        %add3A_425 = arith.addi %mul3A_169, %add3A_424 : i32
        %get3A_426 = arith.index_cast %add3A_425 : i32 to index
        %get3A_427 = arith.constant 0 : index
        %get3A_428 = tpu.vector_load %arg7[%get3A_426, %get3A_427] {strides = array<i32>} : memref<80x64xf32, #tpu.memory_space<vmem>>, vector<1x16xf32>,
        %get3A_429 = vector.shape_cast %get3A_428 : vector<1x16xf32> to vector<16xf32>
        %mul3A_430 = arith.constant 8.000000e+00 : f32
        %mul3A_431 = vector.broadcast %mul3A_430 : f32 to vector<16xf32>
        %mul3A_432 = arith.mulf %get3A_429, %mul3A_431 : vector<16xf32>
        %add3A_433 = arith.constant 4 : i32
        %add3A_434 = arith.addi %mul3A_169, %add3A_433 : i32
        %swap3A_435 = arith.index_cast %add3A_434 : i32 to index
        %swap3A_436 = arith.constant 0 : index
        %swap3A_437 = tpu.vector_load %arg7[%swap3A_435, %swap3A_436] {strides = array<i32>} : memref<80x64xf32, #tpu.memory_space<vmem>>, vector<1x16xf32>,
        %swap3A_438 = vector.shape_cast %swap3A_437 : vector<1x16xf32> to vector<16xf32>
        %swap3A_439 = vector.shape_cast %mul3A_432 : vector<16xf32> to vector<1x16xf32>
        tpu.vector_store %arg7[%swap3A_435, %swap3A_436], %swap3A_439 {strides = array<i32>} : memref<80x64xf32, #tpu.memory_space<vmem>>, vector<1x16xf32>,
        %add3A_440 = arith.constant 4 : i32
        %add3A_441 = arith.addi %mul3A_169, %add3A_440 : i32
        %get3A_442 = arith.index_cast %add3A_441 : i32 to index
        %get3A_443 = arith.constant 16 : index
        %get3A_444 = tpu.vector_load %arg7[%get3A_442, %get3A_443] {strides = array<i32>} : memref<80x64xf32, #tpu.memory_space<vmem>>, vector<1x16xf32>,
        %get3A_445 = vector.shape_cast %get3A_444 : vector<1x16xf32> to vector<16xf32>
        %mul3A_446 = arith.constant 8.000000e+00 : f32
        %mul3A_447 = vector.broadcast %mul3A_446 : f32 to vector<16xf32>
        %mul3A_448 = arith.mulf %get3A_445, %mul3A_447 : vector<16xf32>
        %add3A_449 = arith.constant 4 : i32
        %add3A_450 = arith.addi %mul3A_169, %add3A_449 : i32
        %swap3A_451 = arith.index_cast %add3A_450 : i32 to index
        %swap3A_452 = arith.constant 16 : index
        %swap3A_453 = tpu.vector_load %arg7[%swap3A_451, %swap3A_452] {strides = array<i32>} : memref<80x64xf32, #tpu.memory_space<vmem>>, vector<1x16xf32>,
        %swap3A_454 = vector.shape_cast %swap3A_453 : vector<1x16xf32> to vector<16xf32>
        %swap3A_455 = vector.shape_cast %mul3A_448 : vector<16xf32> to vector<1x16xf32>
        tpu.vector_store %arg7[%swap3A_451, %swap3A_452], %swap3A_455 {strides = array<i32>} : memref<80x64xf32, #tpu.memory_space<vmem>>, vector<1x16xf32>,
        %add3A_456 = arith.constant 4 : i32
        %add3A_457 = arith.addi %mul3A_169, %add3A_456 : i32
        %get3A_458 = arith.index_cast %add3A_457 : i32 to index
        %get3A_459 = arith.constant 32 : index
        %get3A_460 = tpu.vector_load %arg7[%get3A_458, %get3A_459] {strides = array<i32>} : memref<80x64xf32, #tpu.memory_space<vmem>>, vector<1x16xf32>,
        %get3A_461 = vector.shape_cast %get3A_460 : vector<1x16xf32> to vector<16xf32>
        %mul3A_462 = arith.constant 8.000000e+00 : f32
        %mul3A_463 = vector.broadcast %mul3A_462 : f32 to vector<16xf32>
        %mul3A_464 = arith.mulf %get3A_461, %mul3A_463 : vector<16xf32>
        %add3A_465 = arith.constant 4 : i32
        %add3A_466 = arith.addi %mul3A_169, %add3A_465 : i32
        %swap3A_467 = arith.index_cast %add3A_466 : i32 to index
        %swap3A_468 = arith.constant 32 : index
        %swap3A_469 = tpu.vector_load %arg7[%swap3A_467, %swap3A_468] {strides = array<i32>} : memref<80x64xf32, #tpu.memory_space<vmem>>, vector<1x16xf32>,
        %swap3A_470 = vector.shape_cast %swap3A_469 : vector<1x16xf32> to vector<16xf32>
        %swap3A_471 = vector.shape_cast %mul3A_464 : vector<16xf32> to vector<1x16xf32>
        tpu.vector_store %arg7[%swap3A_467, %swap3A_468], %swap3A_471 {strides = array<i32>} : memref<80x64xf32, #tpu.memory_space<vmem>>, vector<1x16xf32>,
        %add3A_472 = arith.constant 4 : i32
        %add3A_473 = arith.addi %mul3A_169, %add3A_472 : i32
        %get3A_474 = arith.index_cast %add3A_473 : i32 to index
        %get3A_475 = arith.constant 48 : index
        %get3A_476 = tpu.vector_load %arg7[%get3A_474, %get3A_475] {strides = array<i32>} : memref<80x64xf32, #tpu.memory_space<vmem>>, vector<1x16xf32>,
        %get3A_477 = vector.shape_cast %get3A_476 : vector<1x16xf32> to vector<16xf32>
        %mul3A_478 = arith.constant 8.000000e+00 : f32
        %mul3A_479 = vector.broadcast %mul3A_478 : f32 to vector<16xf32>
        %mul3A_480 = arith.mulf %get3A_477, %mul3A_479 : vector<16xf32>
        %add3A_481 = arith.constant 4 : i32
        %add3A_482 = arith.addi %mul3A_169, %add3A_481 : i32
        %swap3A_483 = arith.index_cast %add3A_482 : i32 to index
        %swap3A_484 = arith.constant 48 : index
        %swap3A_485 = tpu.vector_load %arg7[%swap3A_483, %swap3A_484] {strides = array<i32>} : memref<80x64xf32, #tpu.memory_space<vmem>>, vector<1x16xf32>,
        %swap3A_486 = vector.shape_cast %swap3A_485 : vector<1x16xf32> to vector<16xf32>
        %swap3A_487 = vector.shape_cast %mul3A_480 : vector<16xf32> to vector<1x16xf32>
        tpu.vector_store %arg7[%swap3A_483, %swap3A_484], %swap3A_487 {strides = array<i32>} : memref<80x64xf32, #tpu.memory_space<vmem>>, vector<1x16xf32>,
        %add3A_488 = arith.constant 5 : i32
        %add3A_489 = arith.addi %mul3A_169, %add3A_488 : i32
        %get3A_490 = arith.index_cast %add3A_489 : i32 to index
        %get3A_491 = arith.constant 0 : index
        %get3A_492 = tpu.vector_load %arg7[%get3A_490, %get3A_491] {strides = array<i32>} : memref<80x64xf32, #tpu.memory_space<vmem>>, vector<1x16xf32>,
        %get3A_493 = vector.shape_cast %get3A_492 : vector<1x16xf32> to vector<16xf32>
        %mul3A_494 = arith.constant 8.000000e+00 : f32
        %mul3A_495 = vector.broadcast %mul3A_494 : f32 to vector<16xf32>
        %mul3A_496 = arith.mulf %get3A_493, %mul3A_495 : vector<16xf32>
        %add3A_497 = arith.constant 5 : i32
        %add3A_498 = arith.addi %mul3A_169, %add3A_497 : i32
        %swap3A_499 = arith.index_cast %add3A_498 : i32 to index
        %swap3A_500 = arith.constant 0 : index
        %swap3A_501 = tpu.vector_load %arg7[%swap3A_499, %swap3A_500] {strides = array<i32>} : memref<80x64xf32, #tpu.memory_space<vmem>>, vector<1x16xf32>,
        %swap3A_502 = vector.shape_cast %swap3A_501 : vector<1x16xf32> to vector<16xf32>
        %swap3A_503 = vector.shape_cast %mul3A_496 : vector<16xf32> to vector<1x16xf32>
        tpu.vector_store %arg7[%swap3A_499, %swap3A_500], %swap3A_503 {strides = array<i32>} : memref<80x64xf32, #tpu.memory_space<vmem>>, vector<1x16xf32>,
        %add3A_504 = arith.constant 5 : i32
        %add3A_505 = arith.addi %mul3A_169, %add3A_504 : i32
        %get3A_506 = arith.index_cast %add3A_505 : i32 to index
        %get3A_507 = arith.constant 16 : index
        %get3A_508 = tpu.vector_load %arg7[%get3A_506, %get3A_507] {strides = array<i32>} : memref<80x64xf32, #tpu.memory_space<vmem>>, vector<1x16xf32>,
        %get3A_509 = vector.shape_cast %get3A_508 : vector<1x16xf32> to vector<16xf32>
        %mul3A_510 = arith.constant 8.000000e+00 : f32
        %mul3A_511 = vector.broadcast %mul3A_510 : f32 to vector<16xf32>
        %mul3A_512 = arith.mulf %get3A_509, %mul3A_511 : vector<16xf32>
        %add3A_513 = arith.constant 5 : i32
        %add3A_514 = arith.addi %mul3A_169, %add3A_513 : i32
        %swap3A_515 = arith.index_cast %add3A_514 : i32 to index
        %swap3A_516 = arith.constant 16 : index
        %swap3A_517 = tpu.vector_load %arg7[%swap3A_515, %swap3A_516] {strides = array<i32>} : memref<80x64xf32, #tpu.memory_space<vmem>>, vector<1x16xf32>,
        %swap3A_518 = vector.shape_cast %swap3A_517 : vector<1x16xf32> to vector<16xf32>
        %swap3A_519 = vector.shape_cast %mul3A_512 : vector<16xf32> to vector<1x16xf32>
        tpu.vector_store %arg7[%swap3A_515, %swap3A_516], %swap3A_519 {strides = array<i32>} : memref<80x64xf32, #tpu.memory_space<vmem>>, vector<1x16xf32>,
        %add3A_520 = arith.constant 5 : i32
        %add3A_521 = arith.addi %mul3A_169, %add3A_520 : i32
        %get3A_522 = arith.index_cast %add3A_521 : i32 to index
        %get3A_523 = arith.constant 32 : index
        %get3A_524 = tpu.vector_load %arg7[%get3A_522, %get3A_523] {strides = array<i32>} : memref<80x64xf32, #tpu.memory_space<vmem>>, vector<1x16xf32>,
        %get3A_525 = vector.shape_cast %get3A_524 : vector<1x16xf32> to vector<16xf32>
        %mul3A_526 = arith.constant 8.000000e+00 : f32
        %mul3A_527 = vector.broadcast %mul3A_526 : f32 to vector<16xf32>
        %mul3A_528 = arith.mulf %get3A_525, %mul3A_527 : vector<16xf32>
        %add3A_529 = arith.constant 5 : i32
        %add3A_530 = arith.addi %mul3A_169, %add3A_529 : i32
        %swap3A_531 = arith.index_cast %add3A_530 : i32 to index
        %swap3A_532 = arith.constant 32 : index
        %swap3A_533 = tpu.vector_load %arg7[%swap3A_531, %swap3A_532] {strides = array<i32>} : memref<80x64xf32, #tpu.memory_space<vmem>>, vector<1x16xf32>,
        %swap3A_534 = vector.shape_cast %swap3A_533 : vector<1x16xf32> to vector<16xf32>
        %swap3A_535 = vector.shape_cast %mul3A_528 : vector<16xf32> to vector<1x16xf32>
        tpu.vector_store %arg7[%swap3A_531, %swap3A_532], %swap3A_535 {strides = array<i32>} : memref<80x64xf32, #tpu.memory_space<vmem>>, vector<1x16xf32>,
        %add3A_536 = arith.constant 5 : i32
        %add3A_537 = arith.addi %mul3A_169, %add3A_536 : i32
        %get3A_538 = arith.index_cast %add3A_537 : i32 to index
        %get3A_539 = arith.constant 48 : index
        %get3A_540 = tpu.vector_load %arg7[%get3A_538, %get3A_539] {strides = array<i32>} : memref<80x64xf32, #tpu.memory_space<vmem>>, vector<1x16xf32>,
        %get3A_541 = vector.shape_cast %get3A_540 : vector<1x16xf32> to vector<16xf32>
        %mul3A_542 = arith.constant 8.000000e+00 : f32
        %mul3A_543 = vector.broadcast %mul3A_542 : f32 to vector<16xf32>
        %mul3A_544 = arith.mulf %get3A_541, %mul3A_543 : vector<16xf32>
        %add3A_545 = arith.constant 5 : i32
        %add3A_546 = arith.addi %mul3A_169, %add3A_545 : i32
        %swap3A_547 = arith.index_cast %add3A_546 : i32 to index
        %swap3A_548 = arith.constant 48 : index
        %swap3A_549 = tpu.vector_load %arg7[%swap3A_547, %swap3A_548] {strides = array<i32>} : memref<80x64xf32, #tpu.memory_space<vmem>>, vector<1x16xf32>,
        %swap3A_550 = vector.shape_cast %swap3A_549 : vector<1x16xf32> to vector<16xf32>
        %swap3A_551 = vector.shape_cast %mul3A_544 : vector<16xf32> to vector<1x16xf32>
        tpu.vector_store %arg7[%swap3A_547, %swap3A_548], %swap3A_551 {strides = array<i32>} : memref<80x64xf32, #tpu.memory_space<vmem>>, vector<1x16xf32>,
        %add3A_552 = arith.constant 6 : i32
        %add3A_553 = arith.addi %mul3A_169, %add3A_552 : i32
        %get3A_554 = arith.index_cast %add3A_553 : i32 to index
        %get3A_555 = arith.constant 0 : index
        %get3A_556 = tpu.vector_load %arg7[%get3A_554, %get3A_555] {strides = array<i32>} : memref<80x64xf32, #tpu.memory_space<vmem>>, vector<1x16xf32>,
        %get3A_557 = vector.shape_cast %get3A_556 : vector<1x16xf32> to vector<16xf32>
        %mul3A_558 = arith.constant 8.000000e+00 : f32
        %mul3A_559 = vector.broadcast %mul3A_558 : f32 to vector<16xf32>
        %mul3A_560 = arith.mulf %get3A_557, %mul3A_559 : vector<16xf32>
        %add3A_561 = arith.constant 6 : i32
        %add3A_562 = arith.addi %mul3A_169, %add3A_561 : i32
        %swap3A_563 = arith.index_cast %add3A_562 : i32 to index
        %swap3A_564 = arith.constant 0 : index
        %swap3A_565 = tpu.vector_load %arg7[%swap3A_563, %swap3A_564] {strides = array<i32>} : memref<80x64xf32, #tpu.memory_space<vmem>>, vector<1x16xf32>,
        %swap3A_566 = vector.shape_cast %swap3A_565 : vector<1x16xf32> to vector<16xf32>
        %swap3A_567 = vector.shape_cast %mul3A_560 : vector<16xf32> to vector<1x16xf32>
        tpu.vector_store %arg7[%swap3A_563, %swap3A_564], %swap3A_567 {strides = array<i32>} : memref<80x64xf32, #tpu.memory_space<vmem>>, vector<1x16xf32>,
        %add3A_568 = arith.constant 6 : i32
        %add3A_569 = arith.addi %mul3A_169, %add3A_568 : i32
        %get3A_570 = arith.index_cast %add3A_569 : i32 to index
        %get3A_571 = arith.constant 16 : index
        %get3A_572 = tpu.vector_load %arg7[%get3A_570, %get3A_571] {strides = array<i32>} : memref<80x64xf32, #tpu.memory_space<vmem>>, vector<1x16xf32>,
        %get3A_573 = vector.shape_cast %get3A_572 : vector<1x16xf32> to vector<16xf32>
        %mul3A_574 = arith.constant 8.000000e+00 : f32
        %mul3A_575 = vector.broadcast %mul3A_574 : f32 to vector<16xf32>
        %mul3A_576 = arith.mulf %get3A_573, %mul3A_575 : vector<16xf32>
        %add3A_577 = arith.constant 6 : i32
        %add3A_578 = arith.addi %mul3A_169, %add3A_577 : i32
        %swap3A_579 = arith.index_cast %add3A_578 : i32 to index
        %swap3A_580 = arith.constant 16 : index
        %swap3A_581 = tpu.vector_load %arg7[%swap3A_579, %swap3A_580] {strides = array<i32>} : memref<80x64xf32, #tpu.memory_space<vmem>>, vector<1x16xf32>,
        %swap3A_582 = vector.shape_cast %swap3A_581 : vector<1x16xf32> to vector<16xf32>
        %swap3A_583 = vector.shape_cast %mul3A_576 : vector<16xf32> to vector<1x16xf32>
        tpu.vector_store %arg7[%swap3A_579, %swap3A_580], %swap3A_583 {strides = array<i32>} : memref<80x64xf32, #tpu.memory_space<vmem>>, vector<1x16xf32>,
        %add3A_584 = arith.constant 6 : i32
        %add3A_585 = arith.addi %mul3A_169, %add3A_584 : i32
        %get3A_586 = arith.index_cast %add3A_585 : i32 to index
        %get3A_587 = arith.constant 32 : index
        %get3A_588 = tpu.vector_load %arg7[%get3A_586, %get3A_587] {strides = array<i32>} : memref<80x64xf32, #tpu.memory_space<vmem>>, vector<1x16xf32>,
        %get3A_589 = vector.shape_cast %get3A_588 : vector<1x16xf32> to vector<16xf32>
        %mul3A_590 = arith.constant 8.000000e+00 : f32
        %mul3A_591 = vector.broadcast %mul3A_590 : f32 to vector<16xf32>
        %mul3A_592 = arith.mulf %get3A_589, %mul3A_591 : vector<16xf32>
        %add3A_593 = arith.constant 6 : i32
        %add3A_594 = arith.addi %mul3A_169, %add3A_593 : i32
        %swap3A_595 = arith.index_cast %add3A_594 : i32 to index
        %swap3A_596 = arith.constant 32 : index
        %swap3A_597 = tpu.vector_load %arg7[%swap3A_595, %swap3A_596] {strides = array<i32>} : memref<80x64xf32, #tpu.memory_space<vmem>>, vector<1x16xf32>,
        %swap3A_598 = vector.shape_cast %swap3A_597 : vector<1x16xf32> to vector<16xf32>
        %swap3A_599 = vector.shape_cast %mul3A_592 : vector<16xf32> to vector<1x16xf32>
        tpu.vector_store %arg7[%swap3A_595, %swap3A_596], %swap3A_599 {strides = array<i32>} : memref<80x64xf32, #tpu.memory_space<vmem>>, vector<1x16xf32>,
        %add3A_600 = arith.constant 6 : i32
        %add3A_601 = arith.addi %mul3A_169, %add3A_600 : i32
        %get3A_602 = arith.index_cast %add3A_601 : i32 to index
        %get3A_603 = arith.constant 48 : index
        %get3A_604 = tpu.vector_load %arg7[%get3A_602, %get3A_603] {strides = array<i32>} : memref<80x64xf32, #tpu.memory_space<vmem>>, vector<1x16xf32>,
        %get3A_605 = vector.shape_cast %get3A_604 : vector<1x16xf32> to vector<16xf32>
        %mul3A_606 = arith.constant 8.000000e+00 : f32
        %mul3A_607 = vector.broadcast %mul3A_606 : f32 to vector<16xf32>
        %mul3A_608 = arith.mulf %get3A_605, %mul3A_607 : vector<16xf32>
        %add3A_609 = arith.constant 6 : i32
        %add3A_610 = arith.addi %mul3A_169, %add3A_609 : i32
        %swap3A_611 = arith.index_cast %add3A_610 : i32 to index
        %swap3A_612 = arith.constant 48 : index
        %swap3A_613 = tpu.vector_load %arg7[%swap3A_611, %swap3A_612] {strides = array<i32>} : memref<80x64xf32, #tpu.memory_space<vmem>>, vector<1x16xf32>,
        %swap3A_614 = vector.shape_cast %swap3A_613 : vector<1x16xf32> to vector<16xf32>
        %swap3A_615 = vector.shape_cast %mul3A_608 : vector<16xf32> to vector<1x16xf32>
        tpu.vector_store %arg7[%swap3A_611, %swap3A_612], %swap3A_615 {strides = array<i32>} : memref<80x64xf32, #tpu.memory_space<vmem>>, vector<1x16xf32>,
        %add3A_616 = arith.constant 7 : i32
        %add3A_617 = arith.addi %mul3A_169, %add3A_616 : i32
        %get3A_618 = arith.index_cast %add3A_617 : i32 to index
        %get3A_619 = arith.constant 0 : index
        %get3A_620 = tpu.vector_load %arg7[%get3A_618, %get3A_619] {strides = array<i32>} : memref<80x64xf32, #tpu.memory_space<vmem>>, vector<1x16xf32>,
        %get3A_621 = vector.shape_cast %get3A_620 : vector<1x16xf32> to vector<16xf32>
        %mul3A_622 = arith.constant 8.000000e+00 : f32
        %mul3A_623 = vector.broadcast %mul3A_622 : f32 to vector<16xf32>
        %mul3A_624 = arith.mulf %get3A_621, %mul3A_623 : vector<16xf32>
        %add3A_625 = arith.constant 7 : i32
        %add3A_626 = arith.addi %mul3A_169, %add3A_625 : i32
        %swap3A_627 = arith.index_cast %add3A_626 : i32 to index
        %swap3A_628 = arith.constant 0 : index
        %swap3A_629 = tpu.vector_load %arg7[%swap3A_627, %swap3A_628] {strides = array<i32>} : memref<80x64xf32, #tpu.memory_space<vmem>>, vector<1x16xf32>,
        %swap3A_630 = vector.shape_cast %swap3A_629 : vector<1x16xf32> to vector<16xf32>
        %swap3A_631 = vector.shape_cast %mul3A_624 : vector<16xf32> to vector<1x16xf32>
        tpu.vector_store %arg7[%swap3A_627, %swap3A_628], %swap3A_631 {strides = array<i32>} : memref<80x64xf32, #tpu.memory_space<vmem>>, vector<1x16xf32>,
        %add3A_632 = arith.constant 7 : i32
        %add3A_633 = arith.addi %mul3A_169, %add3A_632 : i32
        %get3A_634 = arith.index_cast %add3A_633 : i32 to index
        %get3A_635 = arith.constant 16 : index
        %get3A_636 = tpu.vector_load %arg7[%get3A_634, %get3A_635] {strides = array<i32>} : memref<80x64xf32, #tpu.memory_space<vmem>>, vector<1x16xf32>,
        %get3A_637 = vector.shape_cast %get3A_636 : vector<1x16xf32> to vector<16xf32>
        %mul3A_638 = arith.constant 8.000000e+00 : f32
        %mul3A_639 = vector.broadcast %mul3A_638 : f32 to vector<16xf32>
        %mul3A_640 = arith.mulf %get3A_637, %mul3A_639 : vector<16xf32>
        %add3A_641 = arith.constant 7 : i32
        %add3A_642 = arith.addi %mul3A_169, %add3A_641 : i32
        %swap3A_643 = arith.index_cast %add3A_642 : i32 to index
        %swap3A_644 = arith.constant 16 : index
        %swap3A_645 = tpu.vector_load %arg7[%swap3A_643, %swap3A_644] {strides = array<i32>} : memref<80x64xf32, #tpu.memory_space<vmem>>, vector<1x16xf32>,
        %swap3A_646 = vector.shape_cast %swap3A_645 : vector<1x16xf32> to vector<16xf32>
        %swap3A_647 = vector.shape_cast %mul3A_640 : vector<16xf32> to vector<1x16xf32>
        tpu.vector_store %arg7[%swap3A_643, %swap3A_644], %swap3A_647 {strides = array<i32>} : memref<80x64xf32, #tpu.memory_space<vmem>>, vector<1x16xf32>,
        %add3A_648 = arith.constant 7 : i32
        %add3A_649 = arith.addi %mul3A_169, %add3A_648 : i32
        %get3A_650 = arith.index_cast %add3A_649 : i32 to index
        %get3A_651 = arith.constant 32 : index
        %get3A_652 = tpu.vector_load %arg7[%get3A_650, %get3A_651] {strides = array<i32>} : memref<80x64xf32, #tpu.memory_space<vmem>>, vector<1x16xf32>,
        %get3A_653 = vector.shape_cast %get3A_652 : vector<1x16xf32> to vector<16xf32>
        %mul3A_654 = arith.constant 8.000000e+00 : f32
        %mul3A_655 = vector.broadcast %mul3A_654 : f32 to vector<16xf32>
        %mul3A_656 = arith.mulf %get3A_653, %mul3A_655 : vector<16xf32>
        %add3A_657 = arith.constant 7 : i32
        %add3A_658 = arith.addi %mul3A_169, %add3A_657 : i32
        %swap3A_659 = arith.index_cast %add3A_658 : i32 to index
        %swap3A_660 = arith.constant 32 : index
        %swap3A_661 = tpu.vector_load %arg7[%swap3A_659, %swap3A_660] {strides = array<i32>} : memref<80x64xf32, #tpu.memory_space<vmem>>, vector<1x16xf32>,
        %swap3A_662 = vector.shape_cast %swap3A_661 : vector<1x16xf32> to vector<16xf32>
        %swap3A_663 = vector.shape_cast %mul3A_656 : vector<16xf32> to vector<1x16xf32>
        tpu.vector_store %arg7[%swap3A_659, %swap3A_660], %swap3A_663 {strides = array<i32>} : memref<80x64xf32, #tpu.memory_space<vmem>>, vector<1x16xf32>,
        %add3A_664 = arith.constant 7 : i32
        %add3A_665 = arith.addi %mul3A_169, %add3A_664 : i32
        %get3A_666 = arith.index_cast %add3A_665 : i32 to index
        %get3A_667 = arith.constant 48 : index
        %get3A_668 = tpu.vector_load %arg7[%get3A_666, %get3A_667] {strides = array<i32>} : memref<80x64xf32, #tpu.memory_space<vmem>>, vector<1x16xf32>,
        %get3A_669 = vector.shape_cast %get3A_668 : vector<1x16xf32> to vector<16xf32>
        %mul3A_670 = arith.constant 8.000000e+00 : f32
        %mul3A_671 = vector.broadcast %mul3A_670 : f32 to vector<16xf32>
        %mul3A_672 = arith.mulf %get3A_669, %mul3A_671 : vector<16xf32>
        %add3A_673 = arith.constant 7 : i32
        %add3A_674 = arith.addi %mul3A_169, %add3A_673 : i32
        %swap3A_675 = arith.index_cast %add3A_674 : i32 to index
        %swap3A_676 = arith.constant 48 : index
        %swap3A_677 = tpu.vector_load %arg7[%swap3A_675, %swap3A_676] {strides = array<i32>} : memref<80x64xf32, #tpu.memory_space<vmem>>, vector<1x16xf32>,
        %swap3A_678 = vector.shape_cast %swap3A_677 : vector<1x16xf32> to vector<16xf32>
        %swap3A_679 = vector.shape_cast %mul3A_672 : vector<16xf32> to vector<1x16xf32>
        tpu.vector_store %arg7[%swap3A_675, %swap3A_676], %swap3A_679 {strides = array<i32>} : memref<80x64xf32, #tpu.memory_space<vmem>>, vector<1x16xf32>,
      }
      %scan3A_77 = arith.constant 10 : i32
      %mul3A_78 = arith.constant 80 : i32
      %mul3A_79 = arith.muli %add3A_65, %mul3A_78 : i32
      %add3A_80 = arith.addi %mul3A_2, %mul3A_79 : i32
      %dma_start3A_81 = arith.constant 0 : i32
      %dma_start3A_82 = tpu.memref_slice %arg4[%add3A_80, %dma_start3A_81] : memref<819200x64xf32, #tpu.memory_space<hbm>> -> memref<80x64xf32, #tpu.memory_space<hbm>>
      %dma_start3A_83 = arith.constant 0 : i32
      %dma_start3A_84 = tpu.memref_slice %arg4[%add3A_80, %dma_start3A_83] : memref<819200x64xf32, #tpu.memory_space<hbm>> -> memref<80x64xf32, #tpu.memory_space<hbm>>
      tpu.enqueue_dma source(%arg7 : memref<80x64xf32, #tpu.memory_space<vmem>>) target(%dma_start3A_84 : memref<80x64xf32, #tpu.memory_space<hbm>>) target_semaphore(%arg15 : memref<!tpu.dma_semaphore, #tpu.memory_space<semaphore_mem>>)
      %ge3A_85 = arith.constant 1 : i32
      %ge3A_86 = arith.cmpi sge, %add3A_65, %ge3A_85 : i32
      %convert_element_type3A_87 = arith.extui %ge3A_86 : i1 to i32
      %cond3A_88 = arith.constant 0 : i32
      %cond3A_89 = arith.cmpi ne, %convert_element_type3A_87, %cond3A_88 : i32
      scf.if %cond3A_89 {
        %sub3A = arith.constant 1 : i32
        %sub3A_167 = arith.subi %add3A_65, %sub3A : i32
        %mul3A_168 = arith.constant 80 : i32
        %mul3A_169 = arith.muli %sub3A_167, %mul3A_168 : i32
        %add3A_170 = arith.addi %mul3A_2, %mul3A_169 : i32
        %dma_wait3A_171 = arith.constant 0 : i32
        %dma_wait3A_172 = tpu.memref_slice %arg4[%add3A_170, %dma_wait3A_171] : memref<819200x64xf32, #tpu.memory_space<hbm>> -> memref<80x64xf32, #tpu.memory_space<hbm>>
        %dma_wait3A_173 = arith.constant 0 : i32
        %dma_wait3A_174 = tpu.memref_slice %arg4[%add3A_170, %dma_wait3A_173] : memref<819200x64xf32, #tpu.memory_space<hbm>> -> memref<80x64xf32, #tpu.memory_space<hbm>>
        tpu.wait_dma2 semaphore(%arg14 : memref<!tpu.dma_semaphore, #tpu.memory_space<semaphore_mem>>) src(%arg6 : memref<80x64xf32, #tpu.memory_space<vmem>>) dst(%dma_wait3A_174 : memref<80x64xf32, #tpu.memory_space<hbm>>)
      } else {
      }
      %add3A_90 = arith.constant 3 : i32
      %add3A_91 = arith.addi %add3A_65, %add3A_90 : i32
      %lt3A_92 = arith.constant 320 : i32
      %lt3A_93 = arith.cmpi slt, %add3A_91, %lt3A_92 : i32
      %convert_element_type3A_94 = arith.extui %lt3A_93 : i1 to i32
      %cond3A_95 = arith.constant 0 : i32
      %cond3A_96 = arith.cmpi ne, %convert_element_type3A_94, %cond3A_95 : i32
      scf.if %cond3A_96 {
        %add3A_167 = arith.constant 3 : i32
        %add3A_168 = arith.addi %add3A_65, %add3A_167 : i32
        %scan3A_169 = arith.constant 0 : i32
        %scan3A_170 = arith.constant 0 : i32
        %scan3A_171 = arith.constant 5 : i32
        %scan3A_172 = arith.addi %scan3A_170, %scan3A_171 : i32
        %scan3A_173 = arith.constant 1 : i32
        scf.for %scan3A_175 = %scan3A_170 to %scan3A_172 step %scan3A_173  : i32 {
          %mul3A_176 = arith.constant 80 : i32
          %mul3A_177 = arith.muli %add3A_168, %mul3A_176 : i32
          %mul3A_178 = arith.constant 16 : i32
          %mul3A_179 = arith.muli %scan3A_175, %mul3A_178 : i32
          %add3A_180 = arith.addi %mul3A_177, %mul3A_179 : i32
          %get3A = arith.index_cast %add3A_180 : i32 to index
          %get3A_181 = tpu.vector_load %arg5[%get3A] {strides = array<i32>} : memref<25600xi32, #tpu.memory_space<vmem>>, vector<16xi32>,
          %get3A_182 = vector.shape_cast %get3A_181 : vector<16xi32> to vector<16xi32>
          %slice3A = vector.extract_strided_slice %get3A_182 {offsets = [0], sizes = [1], strides = [1]} : vector<16xi32> to vector<1xi32>
          %squeeze3A = vector.extract %slice3A[0] : i32 from vector<1xi32>
          %mul3A_183 = arith.constant 16 : i32
          %mul3A_184 = arith.muli %scan3A_175, %mul3A_183 : i32
          %add3A_185 = arith.constant 0 : i32
          %add3A_186 = arith.addi %mul3A_184, %add3A_185 : i32
          %dma_start3A_187 = arith.constant 0 : i32
          %dma_start3A_188 = tpu.memref_slice %arg6[%add3A_186, %dma_start3A_187] : memref<80x64xf32, #tpu.memory_space<vmem>> -> memref<1x64xf32, #tpu.memory_space<vmem>>
          %dma_start3A_189 = arith.constant 0 : i32
          %dma_start3A_190 = tpu.memref_slice %arg3[%squeeze3A, %dma_start3A_189] : memref<1000000x64xf32, #tpu.memory_space<hbm>> -> memref<1x64xf32, #tpu.memory_space<hbm>>
          %dma_start3A_191 = arith.constant 0 : i32
          %dma_start3A_192 = tpu.memref_slice %arg6[%add3A_186, %dma_start3A_191] : memref<80x64xf32, #tpu.memory_space<vmem>> -> memref<1x64xf32, #tpu.memory_space<vmem>>
          %dma_start3A_193 = arith.constant 0 : i32
          %dma_start3A_194 = tpu.memref_slice %arg3[%squeeze3A, %dma_start3A_193] : memref<1000000x64xf32, #tpu.memory_space<hbm>> -> memref<1x64xf32, #tpu.memory_space<hbm>>
          tpu.enqueue_dma source(%dma_start3A_194 : memref<1x64xf32, #tpu.memory_space<hbm>>) target(%dma_start3A_192 : memref<1x64xf32, #tpu.memory_space<vmem>>) target_semaphore(%arg10 : memref<!tpu.dma_semaphore, #tpu.memory_space<semaphore_mem>>)
          %slice3A_195 = vector.extract_strided_slice %get3A_182 {offsets = [1], sizes = [1], strides = [1]} : vector<16xi32> to vector<1xi32>
          %squeeze3A_196 = vector.extract %slice3A_195[0] : i32 from vector<1xi32>
          %mul3A_197 = arith.constant 16 : i32
          %mul3A_198 = arith.muli %scan3A_175, %mul3A_197 : i32
          %add3A_199 = arith.constant 1 : i32
          %add3A_200 = arith.addi %mul3A_198, %add3A_199 : i32
          %dma_start3A_201 = arith.constant 0 : i32
          %dma_start3A_202 = tpu.memref_slice %arg6[%add3A_200, %dma_start3A_201] : memref<80x64xf32, #tpu.memory_space<vmem>> -> memref<1x64xf32, #tpu.memory_space<vmem>>
          %dma_start3A_203 = arith.constant 0 : i32
          %dma_start3A_204 = tpu.memref_slice %arg3[%squeeze3A_196, %dma_start3A_203] : memref<1000000x64xf32, #tpu.memory_space<hbm>> -> memref<1x64xf32, #tpu.memory_space<hbm>>
          %dma_start3A_205 = arith.constant 0 : i32
          %dma_start3A_206 = tpu.memref_slice %arg6[%add3A_200, %dma_start3A_205] : memref<80x64xf32, #tpu.memory_space<vmem>> -> memref<1x64xf32, #tpu.memory_space<vmem>>
          %dma_start3A_207 = arith.constant 0 : i32
          %dma_start3A_208 = tpu.memref_slice %arg3[%squeeze3A_196, %dma_start3A_207] : memref<1000000x64xf32, #tpu.memory_space<hbm>> -> memref<1x64xf32, #tpu.memory_space<hbm>>
          tpu.enqueue_dma source(%dma_start3A_208 : memref<1x64xf32, #tpu.memory_space<hbm>>) target(%dma_start3A_206 : memref<1x64xf32, #tpu.memory_space<vmem>>) target_semaphore(%arg10 : memref<!tpu.dma_semaphore, #tpu.memory_space<semaphore_mem>>)
          %slice3A_209 = vector.extract_strided_slice %get3A_182 {offsets = [2], sizes = [1], strides = [1]} : vector<16xi32> to vector<1xi32>
          %squeeze3A_210 = vector.extract %slice3A_209[0] : i32 from vector<1xi32>
          %mul3A_211 = arith.constant 16 : i32
          %mul3A_212 = arith.muli %scan3A_175, %mul3A_211 : i32
          %add3A_213 = arith.constant 2 : i32
          %add3A_214 = arith.addi %mul3A_212, %add3A_213 : i32
          %dma_start3A_215 = arith.constant 0 : i32
          %dma_start3A_216 = tpu.memref_slice %arg6[%add3A_214, %dma_start3A_215] : memref<80x64xf32, #tpu.memory_space<vmem>> -> memref<1x64xf32, #tpu.memory_space<vmem>>
          %dma_start3A_217 = arith.constant 0 : i32
          %dma_start3A_218 = tpu.memref_slice %arg3[%squeeze3A_210, %dma_start3A_217] : memref<1000000x64xf32, #tpu.memory_space<hbm>> -> memref<1x64xf32, #tpu.memory_space<hbm>>
          %dma_start3A_219 = arith.constant 0 : i32
          %dma_start3A_220 = tpu.memref_slice %arg6[%add3A_214, %dma_start3A_219] : memref<80x64xf32, #tpu.memory_space<vmem>> -> memref<1x64xf32, #tpu.memory_space<vmem>>
          %dma_start3A_221 = arith.constant 0 : i32
          %dma_start3A_222 = tpu.memref_slice %arg3[%squeeze3A_210, %dma_start3A_221] : memref<1000000x64xf32, #tpu.memory_space<hbm>> -> memref<1x64xf32, #tpu.memory_space<hbm>>
          tpu.enqueue_dma source(%dma_start3A_222 : memref<1x64xf32, #tpu.memory_space<hbm>>) target(%dma_start3A_220 : memref<1x64xf32, #tpu.memory_space<vmem>>) target_semaphore(%arg10 : memref<!tpu.dma_semaphore, #tpu.memory_space<semaphore_mem>>)
          %slice3A_223 = vector.extract_strided_slice %get3A_182 {offsets = [3], sizes = [1], strides = [1]} : vector<16xi32> to vector<1xi32>
          %squeeze3A_224 = vector.extract %slice3A_223[0] : i32 from vector<1xi32>
          %mul3A_225 = arith.constant 16 : i32
          %mul3A_226 = arith.muli %scan3A_175, %mul3A_225 : i32
          %add3A_227 = arith.constant 3 : i32
          %add3A_228 = arith.addi %mul3A_226, %add3A_227 : i32
          %dma_start3A_229 = arith.constant 0 : i32
          %dma_start3A_230 = tpu.memref_slice %arg6[%add3A_228, %dma_start3A_229] : memref<80x64xf32, #tpu.memory_space<vmem>> -> memref<1x64xf32, #tpu.memory_space<vmem>>
          %dma_start3A_231 = arith.constant 0 : i32
          %dma_start3A_232 = tpu.memref_slice %arg3[%squeeze3A_224, %dma_start3A_231] : memref<1000000x64xf32, #tpu.memory_space<hbm>> -> memref<1x64xf32, #tpu.memory_space<hbm>>
          %dma_start3A_233 = arith.constant 0 : i32
          %dma_start3A_234 = tpu.memref_slice %arg6[%add3A_228, %dma_start3A_233] : memref<80x64xf32, #tpu.memory_space<vmem>> -> memref<1x64xf32, #tpu.memory_space<vmem>>
          %dma_start3A_235 = arith.constant 0 : i32
          %dma_start3A_236 = tpu.memref_slice %arg3[%squeeze3A_224, %dma_start3A_235] : memref<1000000x64xf32, #tpu.memory_space<hbm>> -> memref<1x64xf32, #tpu.memory_space<hbm>>
          tpu.enqueue_dma source(%dma_start3A_236 : memref<1x64xf32, #tpu.memory_space<hbm>>) target(%dma_start3A_234 : memref<1x64xf32, #tpu.memory_space<vmem>>) target_semaphore(%arg10 : memref<!tpu.dma_semaphore, #tpu.memory_space<semaphore_mem>>)
          %slice3A_237 = vector.extract_strided_slice %get3A_182 {offsets = [4], sizes = [1], strides = [1]} : vector<16xi32> to vector<1xi32>
          %squeeze3A_238 = vector.extract %slice3A_237[0] : i32 from vector<1xi32>
          %mul3A_239 = arith.constant 16 : i32
          %mul3A_240 = arith.muli %scan3A_175, %mul3A_239 : i32
          %add3A_241 = arith.constant 4 : i32
          %add3A_242 = arith.addi %mul3A_240, %add3A_241 : i32
          %dma_start3A_243 = arith.constant 0 : i32
          %dma_start3A_244 = tpu.memref_slice %arg6[%add3A_242, %dma_start3A_243] : memref<80x64xf32, #tpu.memory_space<vmem>> -> memref<1x64xf32, #tpu.memory_space<vmem>>
          %dma_start3A_245 = arith.constant 0 : i32
          %dma_start3A_246 = tpu.memref_slice %arg3[%squeeze3A_238, %dma_start3A_245] : memref<1000000x64xf32, #tpu.memory_space<hbm>> -> memref<1x64xf32, #tpu.memory_space<hbm>>
          %dma_start3A_247 = arith.constant 0 : i32
          %dma_start3A_248 = tpu.memref_slice %arg6[%add3A_242, %dma_start3A_247] : memref<80x64xf32, #tpu.memory_space<vmem>> -> memref<1x64xf32, #tpu.memory_space<vmem>>
          %dma_start3A_249 = arith.constant 0 : i32
          %dma_start3A_250 = tpu.memref_slice %arg3[%squeeze3A_238, %dma_start3A_249] : memref<1000000x64xf32, #tpu.memory_space<hbm>> -> memref<1x64xf32, #tpu.memory_space<hbm>>
          tpu.enqueue_dma source(%dma_start3A_250 : memref<1x64xf32, #tpu.memory_space<hbm>>) target(%dma_start3A_248 : memref<1x64xf32, #tpu.memory_space<vmem>>) target_semaphore(%arg10 : memref<!tpu.dma_semaphore, #tpu.memory_space<semaphore_mem>>)
          %slice3A_251 = vector.extract_strided_slice %get3A_182 {offsets = [5], sizes = [1], strides = [1]} : vector<16xi32> to vector<1xi32>
          %squeeze3A_252 = vector.extract %slice3A_251[0] : i32 from vector<1xi32>
          %mul3A_253 = arith.constant 16 : i32
          %mul3A_254 = arith.muli %scan3A_175, %mul3A_253 : i32
          %add3A_255 = arith.constant 5 : i32
          %add3A_256 = arith.addi %mul3A_254, %add3A_255 : i32
          %dma_start3A_257 = arith.constant 0 : i32
          %dma_start3A_258 = tpu.memref_slice %arg6[%add3A_256, %dma_start3A_257] : memref<80x64xf32, #tpu.memory_space<vmem>> -> memref<1x64xf32, #tpu.memory_space<vmem>>
          %dma_start3A_259 = arith.constant 0 : i32
          %dma_start3A_260 = tpu.memref_slice %arg3[%squeeze3A_252, %dma_start3A_259] : memref<1000000x64xf32, #tpu.memory_space<hbm>> -> memref<1x64xf32, #tpu.memory_space<hbm>>
          %dma_start3A_261 = arith.constant 0 : i32
          %dma_start3A_262 = tpu.memref_slice %arg6[%add3A_256, %dma_start3A_261] : memref<80x64xf32, #tpu.memory_space<vmem>> -> memref<1x64xf32, #tpu.memory_space<vmem>>
          %dma_start3A_263 = arith.constant 0 : i32
          %dma_start3A_264 = tpu.memref_slice %arg3[%squeeze3A_252, %dma_start3A_263] : memref<1000000x64xf32, #tpu.memory_space<hbm>> -> memref<1x64xf32, #tpu.memory_space<hbm>>
          tpu.enqueue_dma source(%dma_start3A_264 : memref<1x64xf32, #tpu.memory_space<hbm>>) target(%dma_start3A_262 : memref<1x64xf32, #tpu.memory_space<vmem>>) target_semaphore(%arg10 : memref<!tpu.dma_semaphore, #tpu.memory_space<semaphore_mem>>)
          %slice3A_265 = vector.extract_strided_slice %get3A_182 {offsets = [6], sizes = [1], strides = [1]} : vector<16xi32> to vector<1xi32>
          %squeeze3A_266 = vector.extract %slice3A_265[0] : i32 from vector<1xi32>
          %mul3A_267 = arith.constant 16 : i32
          %mul3A_268 = arith.muli %scan3A_175, %mul3A_267 : i32
          %add3A_269 = arith.constant 6 : i32
          %add3A_270 = arith.addi %mul3A_268, %add3A_269 : i32
          %dma_start3A_271 = arith.constant 0 : i32
          %dma_start3A_272 = tpu.memref_slice %arg6[%add3A_270, %dma_start3A_271] : memref<80x64xf32, #tpu.memory_space<vmem>> -> memref<1x64xf32, #tpu.memory_space<vmem>>
          %dma_start3A_273 = arith.constant 0 : i32
          %dma_start3A_274 = tpu.memref_slice %arg3[%squeeze3A_266, %dma_start3A_273] : memref<1000000x64xf32, #tpu.memory_space<hbm>> -> memref<1x64xf32, #tpu.memory_space<hbm>>
          %dma_start3A_275 = arith.constant 0 : i32
          %dma_start3A_276 = tpu.memref_slice %arg6[%add3A_270, %dma_start3A_275] : memref<80x64xf32, #tpu.memory_space<vmem>> -> memref<1x64xf32, #tpu.memory_space<vmem>>
          %dma_start3A_277 = arith.constant 0 : i32
          %dma_start3A_278 = tpu.memref_slice %arg3[%squeeze3A_266, %dma_start3A_277] : memref<1000000x64xf32, #tpu.memory_space<hbm>> -> memref<1x64xf32, #tpu.memory_space<hbm>>
          tpu.enqueue_dma source(%dma_start3A_278 : memref<1x64xf32, #tpu.memory_space<hbm>>) target(%dma_start3A_276 : memref<1x64xf32, #tpu.memory_space<vmem>>) target_semaphore(%arg10 : memref<!tpu.dma_semaphore, #tpu.memory_space<semaphore_mem>>)
          %slice3A_279 = vector.extract_strided_slice %get3A_182 {offsets = [7], sizes = [1], strides = [1]} : vector<16xi32> to vector<1xi32>
          %squeeze3A_280 = vector.extract %slice3A_279[0] : i32 from vector<1xi32>
          %mul3A_281 = arith.constant 16 : i32
          %mul3A_282 = arith.muli %scan3A_175, %mul3A_281 : i32
          %add3A_283 = arith.constant 7 : i32
          %add3A_284 = arith.addi %mul3A_282, %add3A_283 : i32
          %dma_start3A_285 = arith.constant 0 : i32
          %dma_start3A_286 = tpu.memref_slice %arg6[%add3A_284, %dma_start3A_285] : memref<80x64xf32, #tpu.memory_space<vmem>> -> memref<1x64xf32, #tpu.memory_space<vmem>>
          %dma_start3A_287 = arith.constant 0 : i32
          %dma_start3A_288 = tpu.memref_slice %arg3[%squeeze3A_280, %dma_start3A_287] : memref<1000000x64xf32, #tpu.memory_space<hbm>> -> memref<1x64xf32, #tpu.memory_space<hbm>>
          %dma_start3A_289 = arith.constant 0 : i32
          %dma_start3A_290 = tpu.memref_slice %arg6[%add3A_284, %dma_start3A_289] : memref<80x64xf32, #tpu.memory_space<vmem>> -> memref<1x64xf32, #tpu.memory_space<vmem>>
          %dma_start3A_291 = arith.constant 0 : i32
          %dma_start3A_292 = tpu.memref_slice %arg3[%squeeze3A_280, %dma_start3A_291] : memref<1000000x64xf32, #tpu.memory_space<hbm>> -> memref<1x64xf32, #tpu.memory_space<hbm>>
          tpu.enqueue_dma source(%dma_start3A_292 : memref<1x64xf32, #tpu.memory_space<hbm>>) target(%dma_start3A_290 : memref<1x64xf32, #tpu.memory_space<vmem>>) target_semaphore(%arg10 : memref<!tpu.dma_semaphore, #tpu.memory_space<semaphore_mem>>)
          %slice3A_293 = vector.extract_strided_slice %get3A_182 {offsets = [8], sizes = [1], strides = [1]} : vector<16xi32> to vector<1xi32>
          %squeeze3A_294 = vector.extract %slice3A_293[0] : i32 from vector<1xi32>
          %mul3A_295 = arith.constant 16 : i32
          %mul3A_296 = arith.muli %scan3A_175, %mul3A_295 : i32
          %add3A_297 = arith.constant 8 : i32
          %add3A_298 = arith.addi %mul3A_296, %add3A_297 : i32
          %dma_start3A_299 = arith.constant 0 : i32
          %dma_start3A_300 = tpu.memref_slice %arg6[%add3A_298, %dma_start3A_299] : memref<80x64xf32, #tpu.memory_space<vmem>> -> memref<1x64xf32, #tpu.memory_space<vmem>>
          %dma_start3A_301 = arith.constant 0 : i32
          %dma_start3A_302 = tpu.memref_slice %arg3[%squeeze3A_294, %dma_start3A_301] : memref<1000000x64xf32, #tpu.memory_space<hbm>> -> memref<1x64xf32, #tpu.memory_space<hbm>>
          %dma_start3A_303 = arith.constant 0 : i32
          %dma_start3A_304 = tpu.memref_slice %arg6[%add3A_298, %dma_start3A_303] : memref<80x64xf32, #tpu.memory_space<vmem>> -> memref<1x64xf32, #tpu.memory_space<vmem>>
          %dma_start3A_305 = arith.constant 0 : i32
          %dma_start3A_306 = tpu.memref_slice %arg3[%squeeze3A_294, %dma_start3A_305] : memref<1000000x64xf32, #tpu.memory_space<hbm>> -> memref<1x64xf32, #tpu.memory_space<hbm>>
          tpu.enqueue_dma source(%dma_start3A_306 : memref<1x64xf32, #tpu.memory_space<hbm>>) target(%dma_start3A_304 : memref<1x64xf32, #tpu.memory_space<vmem>>) target_semaphore(%arg10 : memref<!tpu.dma_semaphore, #tpu.memory_space<semaphore_mem>>)
          %slice3A_307 = vector.extract_strided_slice %get3A_182 {offsets = [9], sizes = [1], strides = [1]} : vector<16xi32> to vector<1xi32>
          %squeeze3A_308 = vector.extract %slice3A_307[0] : i32 from vector<1xi32>
          %mul3A_309 = arith.constant 16 : i32
          %mul3A_310 = arith.muli %scan3A_175, %mul3A_309 : i32
          %add3A_311 = arith.constant 9 : i32
          %add3A_312 = arith.addi %mul3A_310, %add3A_311 : i32
          %dma_start3A_313 = arith.constant 0 : i32
          %dma_start3A_314 = tpu.memref_slice %arg6[%add3A_312, %dma_start3A_313] : memref<80x64xf32, #tpu.memory_space<vmem>> -> memref<1x64xf32, #tpu.memory_space<vmem>>
          %dma_start3A_315 = arith.constant 0 : i32
          %dma_start3A_316 = tpu.memref_slice %arg3[%squeeze3A_308, %dma_start3A_315] : memref<1000000x64xf32, #tpu.memory_space<hbm>> -> memref<1x64xf32, #tpu.memory_space<hbm>>
          %dma_start3A_317 = arith.constant 0 : i32
          %dma_start3A_318 = tpu.memref_slice %arg6[%add3A_312, %dma_start3A_317] : memref<80x64xf32, #tpu.memory_space<vmem>> -> memref<1x64xf32, #tpu.memory_space<vmem>>
          %dma_start3A_319 = arith.constant 0 : i32
          %dma_start3A_320 = tpu.memref_slice %arg3[%squeeze3A_308, %dma_start3A_319] : memref<1000000x64xf32, #tpu.memory_space<hbm>> -> memref<1x64xf32, #tpu.memory_space<hbm>>
          tpu.enqueue_dma source(%dma_start3A_320 : memref<1x64xf32, #tpu.memory_space<hbm>>) target(%dma_start3A_318 : memref<1x64xf32, #tpu.memory_space<vmem>>) target_semaphore(%arg10 : memref<!tpu.dma_semaphore, #tpu.memory_space<semaphore_mem>>)
          %slice3A_321 = vector.extract_strided_slice %get3A_182 {offsets = [10], sizes = [1], strides = [1]} : vector<16xi32> to vector<1xi32>
          %squeeze3A_322 = vector.extract %slice3A_321[0] : i32 from vector<1xi32>
          %mul3A_323 = arith.constant 16 : i32
          %mul3A_324 = arith.muli %scan3A_175, %mul3A_323 : i32
          %add3A_325 = arith.constant 10 : i32
          %add3A_326 = arith.addi %mul3A_324, %add3A_325 : i32
          %dma_start3A_327 = arith.constant 0 : i32
          %dma_start3A_328 = tpu.memref_slice %arg6[%add3A_326, %dma_start3A_327] : memref<80x64xf32, #tpu.memory_space<vmem>> -> memref<1x64xf32, #tpu.memory_space<vmem>>
          %dma_start3A_329 = arith.constant 0 : i32
          %dma_start3A_330 = tpu.memref_slice %arg3[%squeeze3A_322, %dma_start3A_329] : memref<1000000x64xf32, #tpu.memory_space<hbm>> -> memref<1x64xf32, #tpu.memory_space<hbm>>
          %dma_start3A_331 = arith.constant 0 : i32
          %dma_start3A_332 = tpu.memref_slice %arg6[%add3A_326, %dma_start3A_331] : memref<80x64xf32, #tpu.memory_space<vmem>> -> memref<1x64xf32, #tpu.memory_space<vmem>>
          %dma_start3A_333 = arith.constant 0 : i32
          %dma_start3A_334 = tpu.memref_slice %arg3[%squeeze3A_322, %dma_start3A_333] : memref<1000000x64xf32, #tpu.memory_space<hbm>> -> memref<1x64xf32, #tpu.memory_space<hbm>>
          tpu.enqueue_dma source(%dma_start3A_334 : memref<1x64xf32, #tpu.memory_space<hbm>>) target(%dma_start3A_332 : memref<1x64xf32, #tpu.memory_space<vmem>>) target_semaphore(%arg10 : memref<!tpu.dma_semaphore, #tpu.memory_space<semaphore_mem>>)
          %slice3A_335 = vector.extract_strided_slice %get3A_182 {offsets = [11], sizes = [1], strides = [1]} : vector<16xi32> to vector<1xi32>
          %squeeze3A_336 = vector.extract %slice3A_335[0] : i32 from vector<1xi32>
          %mul3A_337 = arith.constant 16 : i32
          %mul3A_338 = arith.muli %scan3A_175, %mul3A_337 : i32
          %add3A_339 = arith.constant 11 : i32
          %add3A_340 = arith.addi %mul3A_338, %add3A_339 : i32
          %dma_start3A_341 = arith.constant 0 : i32
          %dma_start3A_342 = tpu.memref_slice %arg6[%add3A_340, %dma_start3A_341] : memref<80x64xf32, #tpu.memory_space<vmem>> -> memref<1x64xf32, #tpu.memory_space<vmem>>
          %dma_start3A_343 = arith.constant 0 : i32
          %dma_start3A_344 = tpu.memref_slice %arg3[%squeeze3A_336, %dma_start3A_343] : memref<1000000x64xf32, #tpu.memory_space<hbm>> -> memref<1x64xf32, #tpu.memory_space<hbm>>
          %dma_start3A_345 = arith.constant 0 : i32
          %dma_start3A_346 = tpu.memref_slice %arg6[%add3A_340, %dma_start3A_345] : memref<80x64xf32, #tpu.memory_space<vmem>> -> memref<1x64xf32, #tpu.memory_space<vmem>>
          %dma_start3A_347 = arith.constant 0 : i32
          %dma_start3A_348 = tpu.memref_slice %arg3[%squeeze3A_336, %dma_start3A_347] : memref<1000000x64xf32, #tpu.memory_space<hbm>> -> memref<1x64xf32, #tpu.memory_space<hbm>>
          tpu.enqueue_dma source(%dma_start3A_348 : memref<1x64xf32, #tpu.memory_space<hbm>>) target(%dma_start3A_346 : memref<1x64xf32, #tpu.memory_space<vmem>>) target_semaphore(%arg10 : memref<!tpu.dma_semaphore, #tpu.memory_space<semaphore_mem>>)
          %slice3A_349 = vector.extract_strided_slice %get3A_182 {offsets = [12], sizes = [1], strides = [1]} : vector<16xi32> to vector<1xi32>
          %squeeze3A_350 = vector.extract %slice3A_349[0] : i32 from vector<1xi32>
          %mul3A_351 = arith.constant 16 : i32
          %mul3A_352 = arith.muli %scan3A_175, %mul3A_351 : i32
          %add3A_353 = arith.constant 12 : i32
          %add3A_354 = arith.addi %mul3A_352, %add3A_353 : i32
          %dma_start3A_355 = arith.constant 0 : i32
          %dma_start3A_356 = tpu.memref_slice %arg6[%add3A_354, %dma_start3A_355] : memref<80x64xf32, #tpu.memory_space<vmem>> -> memref<1x64xf32, #tpu.memory_space<vmem>>
          %dma_start3A_357 = arith.constant 0 : i32
          %dma_start3A_358 = tpu.memref_slice %arg3[%squeeze3A_350, %dma_start3A_357] : memref<1000000x64xf32, #tpu.memory_space<hbm>> -> memref<1x64xf32, #tpu.memory_space<hbm>>
          %dma_start3A_359 = arith.constant 0 : i32
          %dma_start3A_360 = tpu.memref_slice %arg6[%add3A_354, %dma_start3A_359] : memref<80x64xf32, #tpu.memory_space<vmem>> -> memref<1x64xf32, #tpu.memory_space<vmem>>
          %dma_start3A_361 = arith.constant 0 : i32
          %dma_start3A_362 = tpu.memref_slice %arg3[%squeeze3A_350, %dma_start3A_361] : memref<1000000x64xf32, #tpu.memory_space<hbm>> -> memref<1x64xf32, #tpu.memory_space<hbm>>
          tpu.enqueue_dma source(%dma_start3A_362 : memref<1x64xf32, #tpu.memory_space<hbm>>) target(%dma_start3A_360 : memref<1x64xf32, #tpu.memory_space<vmem>>) target_semaphore(%arg10 : memref<!tpu.dma_semaphore, #tpu.memory_space<semaphore_mem>>)
          %slice3A_363 = vector.extract_strided_slice %get3A_182 {offsets = [13], sizes = [1], strides = [1]} : vector<16xi32> to vector<1xi32>
          %squeeze3A_364 = vector.extract %slice3A_363[0] : i32 from vector<1xi32>
          %mul3A_365 = arith.constant 16 : i32
          %mul3A_366 = arith.muli %scan3A_175, %mul3A_365 : i32
          %add3A_367 = arith.constant 13 : i32
          %add3A_368 = arith.addi %mul3A_366, %add3A_367 : i32
          %dma_start3A_369 = arith.constant 0 : i32
          %dma_start3A_370 = tpu.memref_slice %arg6[%add3A_368, %dma_start3A_369] : memref<80x64xf32, #tpu.memory_space<vmem>> -> memref<1x64xf32, #tpu.memory_space<vmem>>
          %dma_start3A_371 = arith.constant 0 : i32
          %dma_start3A_372 = tpu.memref_slice %arg3[%squeeze3A_364, %dma_start3A_371] : memref<1000000x64xf32, #tpu.memory_space<hbm>> -> memref<1x64xf32, #tpu.memory_space<hbm>>
          %dma_start3A_373 = arith.constant 0 : i32
          %dma_start3A_374 = tpu.memref_slice %arg6[%add3A_368, %dma_start3A_373] : memref<80x64xf32, #tpu.memory_space<vmem>> -> memref<1x64xf32, #tpu.memory_space<vmem>>
          %dma_start3A_375 = arith.constant 0 : i32
          %dma_start3A_376 = tpu.memref_slice %arg3[%squeeze3A_364, %dma_start3A_375] : memref<1000000x64xf32, #tpu.memory_space<hbm>> -> memref<1x64xf32, #tpu.memory_space<hbm>>
          tpu.enqueue_dma source(%dma_start3A_376 : memref<1x64xf32, #tpu.memory_space<hbm>>) target(%dma_start3A_374 : memref<1x64xf32, #tpu.memory_space<vmem>>) target_semaphore(%arg10 : memref<!tpu.dma_semaphore, #tpu.memory_space<semaphore_mem>>)
          %slice3A_377 = vector.extract_strided_slice %get3A_182 {offsets = [14], sizes = [1], strides = [1]} : vector<16xi32> to vector<1xi32>
          %squeeze3A_378 = vector.extract %slice3A_377[0] : i32 from vector<1xi32>
          %mul3A_379 = arith.constant 16 : i32
          %mul3A_380 = arith.muli %scan3A_175, %mul3A_379 : i32
          %add3A_381 = arith.constant 14 : i32
          %add3A_382 = arith.addi %mul3A_380, %add3A_381 : i32
          %dma_start3A_383 = arith.constant 0 : i32
          %dma_start3A_384 = tpu.memref_slice %arg6[%add3A_382, %dma_start3A_383] : memref<80x64xf32, #tpu.memory_space<vmem>> -> memref<1x64xf32, #tpu.memory_space<vmem>>
          %dma_start3A_385 = arith.constant 0 : i32
          %dma_start3A_386 = tpu.memref_slice %arg3[%squeeze3A_378, %dma_start3A_385] : memref<1000000x64xf32, #tpu.memory_space<hbm>> -> memref<1x64xf32, #tpu.memory_space<hbm>>
          %dma_start3A_387 = arith.constant 0 : i32
          %dma_start3A_388 = tpu.memref_slice %arg6[%add3A_382, %dma_start3A_387] : memref<80x64xf32, #tpu.memory_space<vmem>> -> memref<1x64xf32, #tpu.memory_space<vmem>>
          %dma_start3A_389 = arith.constant 0 : i32
          %dma_start3A_390 = tpu.memref_slice %arg3[%squeeze3A_378, %dma_start3A_389] : memref<1000000x64xf32, #tpu.memory_space<hbm>> -> memref<1x64xf32, #tpu.memory_space<hbm>>
          tpu.enqueue_dma source(%dma_start3A_390 : memref<1x64xf32, #tpu.memory_space<hbm>>) target(%dma_start3A_388 : memref<1x64xf32, #tpu.memory_space<vmem>>) target_semaphore(%arg10 : memref<!tpu.dma_semaphore, #tpu.memory_space<semaphore_mem>>)
          %slice3A_391 = vector.extract_strided_slice %get3A_182 {offsets = [15], sizes = [1], strides = [1]} : vector<16xi32> to vector<1xi32>
          %squeeze3A_392 = vector.extract %slice3A_391[0] : i32 from vector<1xi32>
          %mul3A_393 = arith.constant 16 : i32
          %mul3A_394 = arith.muli %scan3A_175, %mul3A_393 : i32
          %add3A_395 = arith.constant 15 : i32
          %add3A_396 = arith.addi %mul3A_394, %add3A_395 : i32
          %dma_start3A_397 = arith.constant 0 : i32
          %dma_start3A_398 = tpu.memref_slice %arg6[%add3A_396, %dma_start3A_397] : memref<80x64xf32, #tpu.memory_space<vmem>> -> memref<1x64xf32, #tpu.memory_space<vmem>>
          %dma_start3A_399 = arith.constant 0 : i32
          %dma_start3A_400 = tpu.memref_slice %arg3[%squeeze3A_392, %dma_start3A_399] : memref<1000000x64xf32, #tpu.memory_space<hbm>> -> memref<1x64xf32, #tpu.memory_space<hbm>>
          %dma_start3A_401 = arith.constant 0 : i32
          %dma_start3A_402 = tpu.memref_slice %arg6[%add3A_396, %dma_start3A_401] : memref<80x64xf32, #tpu.memory_space<vmem>> -> memref<1x64xf32, #tpu.memory_space<vmem>>
          %dma_start3A_403 = arith.constant 0 : i32
          %dma_start3A_404 = tpu.memref_slice %arg3[%squeeze3A_392, %dma_start3A_403] : memref<1000000x64xf32, #tpu.memory_space<hbm>> -> memref<1x64xf32, #tpu.memory_space<hbm>>
          tpu.enqueue_dma source(%dma_start3A_404 : memref<1x64xf32, #tpu.memory_space<hbm>>) target(%dma_start3A_402 : memref<1x64xf32, #tpu.memory_space<vmem>>) target_semaphore(%arg10 : memref<!tpu.dma_semaphore, #tpu.memory_space<semaphore_mem>>)
        }
        %scan3A_174 = arith.constant 5 : i32
      } else {
      }
      %mul3A_97 = arith.constant 4 : i32
      %mul3A_98 = arith.muli %mul3A_97, %scan3A_31 : i32
      %add3A_99 = arith.constant 2 : i32
      %add3A_100 = arith.addi %mul3A_98, %add3A_99 : i32
      %dma_wait3A_101 = arith.constant 0 : i32
      %dma_wait3A_102 = arith.constant 0 : i32
      %dma_wait3A_103 = tpu.memref_slice %arg3[%dma_wait3A_101, %dma_wait3A_102] : memref<1000000x64xf32, #tpu.memory_space<hbm>> -> memref<80x64xf32, #tpu.memory_space<hbm>>
      %dma_wait3A_104 = arith.constant 0 : i32
      %dma_wait3A_105 = arith.constant 0 : i32
      %dma_wait3A_106 = tpu.memref_slice %arg3[%dma_wait3A_104, %dma_wait3A_105] : memref<1000000x64xf32, #tpu.memory_space<hbm>> -> memref<80x64xf32, #tpu.memory_space<hbm>>
      tpu.wait_dma2 semaphore(%arg12 : memref<!tpu.dma_semaphore, #tpu.memory_space<semaphore_mem>>) src(%dma_wait3A_106 : memref<80x64xf32, #tpu.memory_space<hbm>>) dst(%arg8 : memref<80x64xf32, #tpu.memory_space<vmem>>)
      %scan3A_107 = arith.constant 0 : i32
      %scan3A_108 = arith.constant 0 : i32
      %scan3A_109 = arith.constant 10 : i32
      %scan3A_110 = arith.addi %scan3A_108, %scan3A_109 : i32
      %scan3A_111 = arith.constant 1 : i32
      scf.for %scan3A_167 = %scan3A_108 to %scan3A_110 step %scan3A_111  : i32 {
        %mul3A_168 = arith.constant 8 : i32
        %mul3A_169 = arith.muli %scan3A_167, %mul3A_168 : i32
        %add3A_170 = arith.constant 0 : i32
        %add3A_171 = arith.addi %mul3A_169, %add3A_170 : i32
        %get3A = arith.index_cast %add3A_171 : i32 to index
        %get3A_172 = arith.constant 0 : index
        %get3A_173 = tpu.vector_load %arg8[%get3A, %get3A_172] {strides = array<i32>} : memref<80x64xf32, #tpu.memory_space<vmem>>, vector<1x16xf32>,
        %get3A_174 = vector.shape_cast %get3A_173 : vector<1x16xf32> to vector<16xf32>
        %mul3A_175 = arith.constant 8.000000e+00 : f32
        %mul3A_176 = vector.broadcast %mul3A_175 : f32 to vector<16xf32>
        %mul3A_177 = arith.mulf %get3A_174, %mul3A_176 : vector<16xf32>
        %add3A_178 = arith.constant 0 : i32
        %add3A_179 = arith.addi %mul3A_169, %add3A_178 : i32
        %swap3A = arith.index_cast %add3A_179 : i32 to index
        %swap3A_180 = arith.constant 0 : index
        %swap3A_181 = tpu.vector_load %arg8[%swap3A, %swap3A_180] {strides = array<i32>} : memref<80x64xf32, #tpu.memory_space<vmem>>, vector<1x16xf32>,
        %swap3A_182 = vector.shape_cast %swap3A_181 : vector<1x16xf32> to vector<16xf32>
        %swap3A_183 = vector.shape_cast %mul3A_177 : vector<16xf32> to vector<1x16xf32>
        tpu.vector_store %arg8[%swap3A, %swap3A_180], %swap3A_183 {strides = array<i32>} : memref<80x64xf32, #tpu.memory_space<vmem>>, vector<1x16xf32>,
        %add3A_184 = arith.constant 0 : i32
        %add3A_185 = arith.addi %mul3A_169, %add3A_184 : i32
        %get3A_186 = arith.index_cast %add3A_185 : i32 to index
        %get3A_187 = arith.constant 16 : index
        %get3A_188 = tpu.vector_load %arg8[%get3A_186, %get3A_187] {strides = array<i32>} : memref<80x64xf32, #tpu.memory_space<vmem>>, vector<1x16xf32>,
        %get3A_189 = vector.shape_cast %get3A_188 : vector<1x16xf32> to vector<16xf32>
        %mul3A_190 = arith.constant 8.000000e+00 : f32
        %mul3A_191 = vector.broadcast %mul3A_190 : f32 to vector<16xf32>
        %mul3A_192 = arith.mulf %get3A_189, %mul3A_191 : vector<16xf32>
        %add3A_193 = arith.constant 0 : i32
        %add3A_194 = arith.addi %mul3A_169, %add3A_193 : i32
        %swap3A_195 = arith.index_cast %add3A_194 : i32 to index
        %swap3A_196 = arith.constant 16 : index
        %swap3A_197 = tpu.vector_load %arg8[%swap3A_195, %swap3A_196] {strides = array<i32>} : memref<80x64xf32, #tpu.memory_space<vmem>>, vector<1x16xf32>,
        %swap3A_198 = vector.shape_cast %swap3A_197 : vector<1x16xf32> to vector<16xf32>
        %swap3A_199 = vector.shape_cast %mul3A_192 : vector<16xf32> to vector<1x16xf32>
        tpu.vector_store %arg8[%swap3A_195, %swap3A_196], %swap3A_199 {strides = array<i32>} : memref<80x64xf32, #tpu.memory_space<vmem>>, vector<1x16xf32>,
        %add3A_200 = arith.constant 0 : i32
        %add3A_201 = arith.addi %mul3A_169, %add3A_200 : i32
        %get3A_202 = arith.index_cast %add3A_201 : i32 to index
        %get3A_203 = arith.constant 32 : index
        %get3A_204 = tpu.vector_load %arg8[%get3A_202, %get3A_203] {strides = array<i32>} : memref<80x64xf32, #tpu.memory_space<vmem>>, vector<1x16xf32>,
        %get3A_205 = vector.shape_cast %get3A_204 : vector<1x16xf32> to vector<16xf32>
        %mul3A_206 = arith.constant 8.000000e+00 : f32
        %mul3A_207 = vector.broadcast %mul3A_206 : f32 to vector<16xf32>
        %mul3A_208 = arith.mulf %get3A_205, %mul3A_207 : vector<16xf32>
        %add3A_209 = arith.constant 0 : i32
        %add3A_210 = arith.addi %mul3A_169, %add3A_209 : i32
        %swap3A_211 = arith.index_cast %add3A_210 : i32 to index
        %swap3A_212 = arith.constant 32 : index
        %swap3A_213 = tpu.vector_load %arg8[%swap3A_211, %swap3A_212] {strides = array<i32>} : memref<80x64xf32, #tpu.memory_space<vmem>>, vector<1x16xf32>,
        %swap3A_214 = vector.shape_cast %swap3A_213 : vector<1x16xf32> to vector<16xf32>
        %swap3A_215 = vector.shape_cast %mul3A_208 : vector<16xf32> to vector<1x16xf32>
        tpu.vector_store %arg8[%swap3A_211, %swap3A_212], %swap3A_215 {strides = array<i32>} : memref<80x64xf32, #tpu.memory_space<vmem>>, vector<1x16xf32>,
        %add3A_216 = arith.constant 0 : i32
        %add3A_217 = arith.addi %mul3A_169, %add3A_216 : i32
        %get3A_218 = arith.index_cast %add3A_217 : i32 to index
        %get3A_219 = arith.constant 48 : index
        %get3A_220 = tpu.vector_load %arg8[%get3A_218, %get3A_219] {strides = array<i32>} : memref<80x64xf32, #tpu.memory_space<vmem>>, vector<1x16xf32>,
        %get3A_221 = vector.shape_cast %get3A_220 : vector<1x16xf32> to vector<16xf32>
        %mul3A_222 = arith.constant 8.000000e+00 : f32
        %mul3A_223 = vector.broadcast %mul3A_222 : f32 to vector<16xf32>
        %mul3A_224 = arith.mulf %get3A_221, %mul3A_223 : vector<16xf32>
        %add3A_225 = arith.constant 0 : i32
        %add3A_226 = arith.addi %mul3A_169, %add3A_225 : i32
        %swap3A_227 = arith.index_cast %add3A_226 : i32 to index
        %swap3A_228 = arith.constant 48 : index
        %swap3A_229 = tpu.vector_load %arg8[%swap3A_227, %swap3A_228] {strides = array<i32>} : memref<80x64xf32, #tpu.memory_space<vmem>>, vector<1x16xf32>,
        %swap3A_230 = vector.shape_cast %swap3A_229 : vector<1x16xf32> to vector<16xf32>
        %swap3A_231 = vector.shape_cast %mul3A_224 : vector<16xf32> to vector<1x16xf32>
        tpu.vector_store %arg8[%swap3A_227, %swap3A_228], %swap3A_231 {strides = array<i32>} : memref<80x64xf32, #tpu.memory_space<vmem>>, vector<1x16xf32>,
        %add3A_232 = arith.constant 1 : i32
        %add3A_233 = arith.addi %mul3A_169, %add3A_232 : i32
        %get3A_234 = arith.index_cast %add3A_233 : i32 to index
        %get3A_235 = arith.constant 0 : index
        %get3A_236 = tpu.vector_load %arg8[%get3A_234, %get3A_235] {strides = array<i32>} : memref<80x64xf32, #tpu.memory_space<vmem>>, vector<1x16xf32>,
        %get3A_237 = vector.shape_cast %get3A_236 : vector<1x16xf32> to vector<16xf32>
        %mul3A_238 = arith.constant 8.000000e+00 : f32
        %mul3A_239 = vector.broadcast %mul3A_238 : f32 to vector<16xf32>
        %mul3A_240 = arith.mulf %get3A_237, %mul3A_239 : vector<16xf32>
        %add3A_241 = arith.constant 1 : i32
        %add3A_242 = arith.addi %mul3A_169, %add3A_241 : i32
        %swap3A_243 = arith.index_cast %add3A_242 : i32 to index
        %swap3A_244 = arith.constant 0 : index
        %swap3A_245 = tpu.vector_load %arg8[%swap3A_243, %swap3A_244] {strides = array<i32>} : memref<80x64xf32, #tpu.memory_space<vmem>>, vector<1x16xf32>,
        %swap3A_246 = vector.shape_cast %swap3A_245 : vector<1x16xf32> to vector<16xf32>
        %swap3A_247 = vector.shape_cast %mul3A_240 : vector<16xf32> to vector<1x16xf32>
        tpu.vector_store %arg8[%swap3A_243, %swap3A_244], %swap3A_247 {strides = array<i32>} : memref<80x64xf32, #tpu.memory_space<vmem>>, vector<1x16xf32>,
        %add3A_248 = arith.constant 1 : i32
        %add3A_249 = arith.addi %mul3A_169, %add3A_248 : i32
        %get3A_250 = arith.index_cast %add3A_249 : i32 to index
        %get3A_251 = arith.constant 16 : index
        %get3A_252 = tpu.vector_load %arg8[%get3A_250, %get3A_251] {strides = array<i32>} : memref<80x64xf32, #tpu.memory_space<vmem>>, vector<1x16xf32>,
        %get3A_253 = vector.shape_cast %get3A_252 : vector<1x16xf32> to vector<16xf32>
        %mul3A_254 = arith.constant 8.000000e+00 : f32
        %mul3A_255 = vector.broadcast %mul3A_254 : f32 to vector<16xf32>
        %mul3A_256 = arith.mulf %get3A_253, %mul3A_255 : vector<16xf32>
        %add3A_257 = arith.constant 1 : i32
        %add3A_258 = arith.addi %mul3A_169, %add3A_257 : i32
        %swap3A_259 = arith.index_cast %add3A_258 : i32 to index
        %swap3A_260 = arith.constant 16 : index
        %swap3A_261 = tpu.vector_load %arg8[%swap3A_259, %swap3A_260] {strides = array<i32>} : memref<80x64xf32, #tpu.memory_space<vmem>>, vector<1x16xf32>,
        %swap3A_262 = vector.shape_cast %swap3A_261 : vector<1x16xf32> to vector<16xf32>
        %swap3A_263 = vector.shape_cast %mul3A_256 : vector<16xf32> to vector<1x16xf32>
        tpu.vector_store %arg8[%swap3A_259, %swap3A_260], %swap3A_263 {strides = array<i32>} : memref<80x64xf32, #tpu.memory_space<vmem>>, vector<1x16xf32>,
        %add3A_264 = arith.constant 1 : i32
        %add3A_265 = arith.addi %mul3A_169, %add3A_264 : i32
        %get3A_266 = arith.index_cast %add3A_265 : i32 to index
        %get3A_267 = arith.constant 32 : index
        %get3A_268 = tpu.vector_load %arg8[%get3A_266, %get3A_267] {strides = array<i32>} : memref<80x64xf32, #tpu.memory_space<vmem>>, vector<1x16xf32>,
        %get3A_269 = vector.shape_cast %get3A_268 : vector<1x16xf32> to vector<16xf32>
        %mul3A_270 = arith.constant 8.000000e+00 : f32
        %mul3A_271 = vector.broadcast %mul3A_270 : f32 to vector<16xf32>
        %mul3A_272 = arith.mulf %get3A_269, %mul3A_271 : vector<16xf32>
        %add3A_273 = arith.constant 1 : i32
        %add3A_274 = arith.addi %mul3A_169, %add3A_273 : i32
        %swap3A_275 = arith.index_cast %add3A_274 : i32 to index
        %swap3A_276 = arith.constant 32 : index
        %swap3A_277 = tpu.vector_load %arg8[%swap3A_275, %swap3A_276] {strides = array<i32>} : memref<80x64xf32, #tpu.memory_space<vmem>>, vector<1x16xf32>,
        %swap3A_278 = vector.shape_cast %swap3A_277 : vector<1x16xf32> to vector<16xf32>
        %swap3A_279 = vector.shape_cast %mul3A_272 : vector<16xf32> to vector<1x16xf32>
        tpu.vector_store %arg8[%swap3A_275, %swap3A_276], %swap3A_279 {strides = array<i32>} : memref<80x64xf32, #tpu.memory_space<vmem>>, vector<1x16xf32>,
        %add3A_280 = arith.constant 1 : i32
        %add3A_281 = arith.addi %mul3A_169, %add3A_280 : i32
        %get3A_282 = arith.index_cast %add3A_281 : i32 to index
        %get3A_283 = arith.constant 48 : index
        %get3A_284 = tpu.vector_load %arg8[%get3A_282, %get3A_283] {strides = array<i32>} : memref<80x64xf32, #tpu.memory_space<vmem>>, vector<1x16xf32>,
        %get3A_285 = vector.shape_cast %get3A_284 : vector<1x16xf32> to vector<16xf32>
        %mul3A_286 = arith.constant 8.000000e+00 : f32
        %mul3A_287 = vector.broadcast %mul3A_286 : f32 to vector<16xf32>
        %mul3A_288 = arith.mulf %get3A_285, %mul3A_287 : vector<16xf32>
        %add3A_289 = arith.constant 1 : i32
        %add3A_290 = arith.addi %mul3A_169, %add3A_289 : i32
        %swap3A_291 = arith.index_cast %add3A_290 : i32 to index
        %swap3A_292 = arith.constant 48 : index
        %swap3A_293 = tpu.vector_load %arg8[%swap3A_291, %swap3A_292] {strides = array<i32>} : memref<80x64xf32, #tpu.memory_space<vmem>>, vector<1x16xf32>,
        %swap3A_294 = vector.shape_cast %swap3A_293 : vector<1x16xf32> to vector<16xf32>
        %swap3A_295 = vector.shape_cast %mul3A_288 : vector<16xf32> to vector<1x16xf32>
        tpu.vector_store %arg8[%swap3A_291, %swap3A_292], %swap3A_295 {strides = array<i32>} : memref<80x64xf32, #tpu.memory_space<vmem>>, vector<1x16xf32>,
        %add3A_296 = arith.constant 2 : i32
        %add3A_297 = arith.addi %mul3A_169, %add3A_296 : i32
        %get3A_298 = arith.index_cast %add3A_297 : i32 to index
        %get3A_299 = arith.constant 0 : index
        %get3A_300 = tpu.vector_load %arg8[%get3A_298, %get3A_299] {strides = array<i32>} : memref<80x64xf32, #tpu.memory_space<vmem>>, vector<1x16xf32>,
        %get3A_301 = vector.shape_cast %get3A_300 : vector<1x16xf32> to vector<16xf32>
        %mul3A_302 = arith.constant 8.000000e+00 : f32
        %mul3A_303 = vector.broadcast %mul3A_302 : f32 to vector<16xf32>
        %mul3A_304 = arith.mulf %get3A_301, %mul3A_303 : vector<16xf32>
        %add3A_305 = arith.constant 2 : i32
        %add3A_306 = arith.addi %mul3A_169, %add3A_305 : i32
        %swap3A_307 = arith.index_cast %add3A_306 : i32 to index
        %swap3A_308 = arith.constant 0 : index
        %swap3A_309 = tpu.vector_load %arg8[%swap3A_307, %swap3A_308] {strides = array<i32>} : memref<80x64xf32, #tpu.memory_space<vmem>>, vector<1x16xf32>,
        %swap3A_310 = vector.shape_cast %swap3A_309 : vector<1x16xf32> to vector<16xf32>
        %swap3A_311 = vector.shape_cast %mul3A_304 : vector<16xf32> to vector<1x16xf32>
        tpu.vector_store %arg8[%swap3A_307, %swap3A_308], %swap3A_311 {strides = array<i32>} : memref<80x64xf32, #tpu.memory_space<vmem>>, vector<1x16xf32>,
        %add3A_312 = arith.constant 2 : i32
        %add3A_313 = arith.addi %mul3A_169, %add3A_312 : i32
        %get3A_314 = arith.index_cast %add3A_313 : i32 to index
        %get3A_315 = arith.constant 16 : index
        %get3A_316 = tpu.vector_load %arg8[%get3A_314, %get3A_315] {strides = array<i32>} : memref<80x64xf32, #tpu.memory_space<vmem>>, vector<1x16xf32>,
        %get3A_317 = vector.shape_cast %get3A_316 : vector<1x16xf32> to vector<16xf32>
        %mul3A_318 = arith.constant 8.000000e+00 : f32
        %mul3A_319 = vector.broadcast %mul3A_318 : f32 to vector<16xf32>
        %mul3A_320 = arith.mulf %get3A_317, %mul3A_319 : vector<16xf32>
        %add3A_321 = arith.constant 2 : i32
        %add3A_322 = arith.addi %mul3A_169, %add3A_321 : i32
        %swap3A_323 = arith.index_cast %add3A_322 : i32 to index
        %swap3A_324 = arith.constant 16 : index
        %swap3A_325 = tpu.vector_load %arg8[%swap3A_323, %swap3A_324] {strides = array<i32>} : memref<80x64xf32, #tpu.memory_space<vmem>>, vector<1x16xf32>,
        %swap3A_326 = vector.shape_cast %swap3A_325 : vector<1x16xf32> to vector<16xf32>
        %swap3A_327 = vector.shape_cast %mul3A_320 : vector<16xf32> to vector<1x16xf32>
        tpu.vector_store %arg8[%swap3A_323, %swap3A_324], %swap3A_327 {strides = array<i32>} : memref<80x64xf32, #tpu.memory_space<vmem>>, vector<1x16xf32>,
        %add3A_328 = arith.constant 2 : i32
        %add3A_329 = arith.addi %mul3A_169, %add3A_328 : i32
        %get3A_330 = arith.index_cast %add3A_329 : i32 to index
        %get3A_331 = arith.constant 32 : index
        %get3A_332 = tpu.vector_load %arg8[%get3A_330, %get3A_331] {strides = array<i32>} : memref<80x64xf32, #tpu.memory_space<vmem>>, vector<1x16xf32>,
        %get3A_333 = vector.shape_cast %get3A_332 : vector<1x16xf32> to vector<16xf32>
        %mul3A_334 = arith.constant 8.000000e+00 : f32
        %mul3A_335 = vector.broadcast %mul3A_334 : f32 to vector<16xf32>
        %mul3A_336 = arith.mulf %get3A_333, %mul3A_335 : vector<16xf32>
        %add3A_337 = arith.constant 2 : i32
        %add3A_338 = arith.addi %mul3A_169, %add3A_337 : i32
        %swap3A_339 = arith.index_cast %add3A_338 : i32 to index
        %swap3A_340 = arith.constant 32 : index
        %swap3A_341 = tpu.vector_load %arg8[%swap3A_339, %swap3A_340] {strides = array<i32>} : memref<80x64xf32, #tpu.memory_space<vmem>>, vector<1x16xf32>,
        %swap3A_342 = vector.shape_cast %swap3A_341 : vector<1x16xf32> to vector<16xf32>
        %swap3A_343 = vector.shape_cast %mul3A_336 : vector<16xf32> to vector<1x16xf32>
        tpu.vector_store %arg8[%swap3A_339, %swap3A_340], %swap3A_343 {strides = array<i32>} : memref<80x64xf32, #tpu.memory_space<vmem>>, vector<1x16xf32>,
        %add3A_344 = arith.constant 2 : i32
        %add3A_345 = arith.addi %mul3A_169, %add3A_344 : i32
        %get3A_346 = arith.index_cast %add3A_345 : i32 to index
        %get3A_347 = arith.constant 48 : index
        %get3A_348 = tpu.vector_load %arg8[%get3A_346, %get3A_347] {strides = array<i32>} : memref<80x64xf32, #tpu.memory_space<vmem>>, vector<1x16xf32>,
        %get3A_349 = vector.shape_cast %get3A_348 : vector<1x16xf32> to vector<16xf32>
        %mul3A_350 = arith.constant 8.000000e+00 : f32
        %mul3A_351 = vector.broadcast %mul3A_350 : f32 to vector<16xf32>
        %mul3A_352 = arith.mulf %get3A_349, %mul3A_351 : vector<16xf32>
        %add3A_353 = arith.constant 2 : i32
        %add3A_354 = arith.addi %mul3A_169, %add3A_353 : i32
        %swap3A_355 = arith.index_cast %add3A_354 : i32 to index
        %swap3A_356 = arith.constant 48 : index
        %swap3A_357 = tpu.vector_load %arg8[%swap3A_355, %swap3A_356] {strides = array<i32>} : memref<80x64xf32, #tpu.memory_space<vmem>>, vector<1x16xf32>,
        %swap3A_358 = vector.shape_cast %swap3A_357 : vector<1x16xf32> to vector<16xf32>
        %swap3A_359 = vector.shape_cast %mul3A_352 : vector<16xf32> to vector<1x16xf32>
        tpu.vector_store %arg8[%swap3A_355, %swap3A_356], %swap3A_359 {strides = array<i32>} : memref<80x64xf32, #tpu.memory_space<vmem>>, vector<1x16xf32>,
        %add3A_360 = arith.constant 3 : i32
        %add3A_361 = arith.addi %mul3A_169, %add3A_360 : i32
        %get3A_362 = arith.index_cast %add3A_361 : i32 to index
        %get3A_363 = arith.constant 0 : index
        %get3A_364 = tpu.vector_load %arg8[%get3A_362, %get3A_363] {strides = array<i32>} : memref<80x64xf32, #tpu.memory_space<vmem>>, vector<1x16xf32>,
        %get3A_365 = vector.shape_cast %get3A_364 : vector<1x16xf32> to vector<16xf32>
        %mul3A_366 = arith.constant 8.000000e+00 : f32
        %mul3A_367 = vector.broadcast %mul3A_366 : f32 to vector<16xf32>
        %mul3A_368 = arith.mulf %get3A_365, %mul3A_367 : vector<16xf32>
        %add3A_369 = arith.constant 3 : i32
        %add3A_370 = arith.addi %mul3A_169, %add3A_369 : i32
        %swap3A_371 = arith.index_cast %add3A_370 : i32 to index
        %swap3A_372 = arith.constant 0 : index
        %swap3A_373 = tpu.vector_load %arg8[%swap3A_371, %swap3A_372] {strides = array<i32>} : memref<80x64xf32, #tpu.memory_space<vmem>>, vector<1x16xf32>,
        %swap3A_374 = vector.shape_cast %swap3A_373 : vector<1x16xf32> to vector<16xf32>
        %swap3A_375 = vector.shape_cast %mul3A_368 : vector<16xf32> to vector<1x16xf32>
        tpu.vector_store %arg8[%swap3A_371, %swap3A_372], %swap3A_375 {strides = array<i32>} : memref<80x64xf32, #tpu.memory_space<vmem>>, vector<1x16xf32>,
        %add3A_376 = arith.constant 3 : i32
        %add3A_377 = arith.addi %mul3A_169, %add3A_376 : i32
        %get3A_378 = arith.index_cast %add3A_377 : i32 to index
        %get3A_379 = arith.constant 16 : index
        %get3A_380 = tpu.vector_load %arg8[%get3A_378, %get3A_379] {strides = array<i32>} : memref<80x64xf32, #tpu.memory_space<vmem>>, vector<1x16xf32>,
        %get3A_381 = vector.shape_cast %get3A_380 : vector<1x16xf32> to vector<16xf32>
        %mul3A_382 = arith.constant 8.000000e+00 : f32
        %mul3A_383 = vector.broadcast %mul3A_382 : f32 to vector<16xf32>
        %mul3A_384 = arith.mulf %get3A_381, %mul3A_383 : vector<16xf32>
        %add3A_385 = arith.constant 3 : i32
        %add3A_386 = arith.addi %mul3A_169, %add3A_385 : i32
        %swap3A_387 = arith.index_cast %add3A_386 : i32 to index
        %swap3A_388 = arith.constant 16 : index
        %swap3A_389 = tpu.vector_load %arg8[%swap3A_387, %swap3A_388] {strides = array<i32>} : memref<80x64xf32, #tpu.memory_space<vmem>>, vector<1x16xf32>,
        %swap3A_390 = vector.shape_cast %swap3A_389 : vector<1x16xf32> to vector<16xf32>
        %swap3A_391 = vector.shape_cast %mul3A_384 : vector<16xf32> to vector<1x16xf32>
        tpu.vector_store %arg8[%swap3A_387, %swap3A_388], %swap3A_391 {strides = array<i32>} : memref<80x64xf32, #tpu.memory_space<vmem>>, vector<1x16xf32>,
        %add3A_392 = arith.constant 3 : i32
        %add3A_393 = arith.addi %mul3A_169, %add3A_392 : i32
        %get3A_394 = arith.index_cast %add3A_393 : i32 to index
        %get3A_395 = arith.constant 32 : index
        %get3A_396 = tpu.vector_load %arg8[%get3A_394, %get3A_395] {strides = array<i32>} : memref<80x64xf32, #tpu.memory_space<vmem>>, vector<1x16xf32>,
        %get3A_397 = vector.shape_cast %get3A_396 : vector<1x16xf32> to vector<16xf32>
        %mul3A_398 = arith.constant 8.000000e+00 : f32
        %mul3A_399 = vector.broadcast %mul3A_398 : f32 to vector<16xf32>
        %mul3A_400 = arith.mulf %get3A_397, %mul3A_399 : vector<16xf32>
        %add3A_401 = arith.constant 3 : i32
        %add3A_402 = arith.addi %mul3A_169, %add3A_401 : i32
        %swap3A_403 = arith.index_cast %add3A_402 : i32 to index
        %swap3A_404 = arith.constant 32 : index
        %swap3A_405 = tpu.vector_load %arg8[%swap3A_403, %swap3A_404] {strides = array<i32>} : memref<80x64xf32, #tpu.memory_space<vmem>>, vector<1x16xf32>,
        %swap3A_406 = vector.shape_cast %swap3A_405 : vector<1x16xf32> to vector<16xf32>
        %swap3A_407 = vector.shape_cast %mul3A_400 : vector<16xf32> to vector<1x16xf32>
        tpu.vector_store %arg8[%swap3A_403, %swap3A_404], %swap3A_407 {strides = array<i32>} : memref<80x64xf32, #tpu.memory_space<vmem>>, vector<1x16xf32>,
        %add3A_408 = arith.constant 3 : i32
        %add3A_409 = arith.addi %mul3A_169, %add3A_408 : i32
        %get3A_410 = arith.index_cast %add3A_409 : i32 to index
        %get3A_411 = arith.constant 48 : index
        %get3A_412 = tpu.vector_load %arg8[%get3A_410, %get3A_411] {strides = array<i32>} : memref<80x64xf32, #tpu.memory_space<vmem>>, vector<1x16xf32>,
        %get3A_413 = vector.shape_cast %get3A_412 : vector<1x16xf32> to vector<16xf32>
        %mul3A_414 = arith.constant 8.000000e+00 : f32
        %mul3A_415 = vector.broadcast %mul3A_414 : f32 to vector<16xf32>
        %mul3A_416 = arith.mulf %get3A_413, %mul3A_415 : vector<16xf32>
        %add3A_417 = arith.constant 3 : i32
        %add3A_418 = arith.addi %mul3A_169, %add3A_417 : i32
        %swap3A_419 = arith.index_cast %add3A_418 : i32 to index
        %swap3A_420 = arith.constant 48 : index
        %swap3A_421 = tpu.vector_load %arg8[%swap3A_419, %swap3A_420] {strides = array<i32>} : memref<80x64xf32, #tpu.memory_space<vmem>>, vector<1x16xf32>,
        %swap3A_422 = vector.shape_cast %swap3A_421 : vector<1x16xf32> to vector<16xf32>
        %swap3A_423 = vector.shape_cast %mul3A_416 : vector<16xf32> to vector<1x16xf32>
        tpu.vector_store %arg8[%swap3A_419, %swap3A_420], %swap3A_423 {strides = array<i32>} : memref<80x64xf32, #tpu.memory_space<vmem>>, vector<1x16xf32>,
        %add3A_424 = arith.constant 4 : i32
        %add3A_425 = arith.addi %mul3A_169, %add3A_424 : i32
        %get3A_426 = arith.index_cast %add3A_425 : i32 to index
        %get3A_427 = arith.constant 0 : index
        %get3A_428 = tpu.vector_load %arg8[%get3A_426, %get3A_427] {strides = array<i32>} : memref<80x64xf32, #tpu.memory_space<vmem>>, vector<1x16xf32>,
        %get3A_429 = vector.shape_cast %get3A_428 : vector<1x16xf32> to vector<16xf32>
        %mul3A_430 = arith.constant 8.000000e+00 : f32
        %mul3A_431 = vector.broadcast %mul3A_430 : f32 to vector<16xf32>
        %mul3A_432 = arith.mulf %get3A_429, %mul3A_431 : vector<16xf32>
        %add3A_433 = arith.constant 4 : i32
        %add3A_434 = arith.addi %mul3A_169, %add3A_433 : i32
        %swap3A_435 = arith.index_cast %add3A_434 : i32 to index
        %swap3A_436 = arith.constant 0 : index
        %swap3A_437 = tpu.vector_load %arg8[%swap3A_435, %swap3A_436] {strides = array<i32>} : memref<80x64xf32, #tpu.memory_space<vmem>>, vector<1x16xf32>,
        %swap3A_438 = vector.shape_cast %swap3A_437 : vector<1x16xf32> to vector<16xf32>
        %swap3A_439 = vector.shape_cast %mul3A_432 : vector<16xf32> to vector<1x16xf32>
        tpu.vector_store %arg8[%swap3A_435, %swap3A_436], %swap3A_439 {strides = array<i32>} : memref<80x64xf32, #tpu.memory_space<vmem>>, vector<1x16xf32>,
        %add3A_440 = arith.constant 4 : i32
        %add3A_441 = arith.addi %mul3A_169, %add3A_440 : i32
        %get3A_442 = arith.index_cast %add3A_441 : i32 to index
        %get3A_443 = arith.constant 16 : index
        %get3A_444 = tpu.vector_load %arg8[%get3A_442, %get3A_443] {strides = array<i32>} : memref<80x64xf32, #tpu.memory_space<vmem>>, vector<1x16xf32>,
        %get3A_445 = vector.shape_cast %get3A_444 : vector<1x16xf32> to vector<16xf32>
        %mul3A_446 = arith.constant 8.000000e+00 : f32
        %mul3A_447 = vector.broadcast %mul3A_446 : f32 to vector<16xf32>
        %mul3A_448 = arith.mulf %get3A_445, %mul3A_447 : vector<16xf32>
        %add3A_449 = arith.constant 4 : i32
        %add3A_450 = arith.addi %mul3A_169, %add3A_449 : i32
        %swap3A_451 = arith.index_cast %add3A_450 : i32 to index
        %swap3A_452 = arith.constant 16 : index
        %swap3A_453 = tpu.vector_load %arg8[%swap3A_451, %swap3A_452] {strides = array<i32>} : memref<80x64xf32, #tpu.memory_space<vmem>>, vector<1x16xf32>,
        %swap3A_454 = vector.shape_cast %swap3A_453 : vector<1x16xf32> to vector<16xf32>
        %swap3A_455 = vector.shape_cast %mul3A_448 : vector<16xf32> to vector<1x16xf32>
        tpu.vector_store %arg8[%swap3A_451, %swap3A_452], %swap3A_455 {strides = array<i32>} : memref<80x64xf32, #tpu.memory_space<vmem>>, vector<1x16xf32>,
        %add3A_456 = arith.constant 4 : i32
        %add3A_457 = arith.addi %mul3A_169, %add3A_456 : i32
        %get3A_458 = arith.index_cast %add3A_457 : i32 to index
        %get3A_459 = arith.constant 32 : index
        %get3A_460 = tpu.vector_load %arg8[%get3A_458, %get3A_459] {strides = array<i32>} : memref<80x64xf32, #tpu.memory_space<vmem>>, vector<1x16xf32>,
        %get3A_461 = vector.shape_cast %get3A_460 : vector<1x16xf32> to vector<16xf32>
        %mul3A_462 = arith.constant 8.000000e+00 : f32
        %mul3A_463 = vector.broadcast %mul3A_462 : f32 to vector<16xf32>
        %mul3A_464 = arith.mulf %get3A_461, %mul3A_463 : vector<16xf32>
        %add3A_465 = arith.constant 4 : i32
        %add3A_466 = arith.addi %mul3A_169, %add3A_465 : i32
        %swap3A_467 = arith.index_cast %add3A_466 : i32 to index
        %swap3A_468 = arith.constant 32 : index
        %swap3A_469 = tpu.vector_load %arg8[%swap3A_467, %swap3A_468] {strides = array<i32>} : memref<80x64xf32, #tpu.memory_space<vmem>>, vector<1x16xf32>,
        %swap3A_470 = vector.shape_cast %swap3A_469 : vector<1x16xf32> to vector<16xf32>
        %swap3A_471 = vector.shape_cast %mul3A_464 : vector<16xf32> to vector<1x16xf32>
        tpu.vector_store %arg8[%swap3A_467, %swap3A_468], %swap3A_471 {strides = array<i32>} : memref<80x64xf32, #tpu.memory_space<vmem>>, vector<1x16xf32>,
        %add3A_472 = arith.constant 4 : i32
        %add3A_473 = arith.addi %mul3A_169, %add3A_472 : i32
        %get3A_474 = arith.index_cast %add3A_473 : i32 to index
        %get3A_475 = arith.constant 48 : index
        %get3A_476 = tpu.vector_load %arg8[%get3A_474, %get3A_475] {strides = array<i32>} : memref<80x64xf32, #tpu.memory_space<vmem>>, vector<1x16xf32>,
        %get3A_477 = vector.shape_cast %get3A_476 : vector<1x16xf32> to vector<16xf32>
        %mul3A_478 = arith.constant 8.000000e+00 : f32
        %mul3A_479 = vector.broadcast %mul3A_478 : f32 to vector<16xf32>
        %mul3A_480 = arith.mulf %get3A_477, %mul3A_479 : vector<16xf32>
        %add3A_481 = arith.constant 4 : i32
        %add3A_482 = arith.addi %mul3A_169, %add3A_481 : i32
        %swap3A_483 = arith.index_cast %add3A_482 : i32 to index
        %swap3A_484 = arith.constant 48 : index
        %swap3A_485 = tpu.vector_load %arg8[%swap3A_483, %swap3A_484] {strides = array<i32>} : memref<80x64xf32, #tpu.memory_space<vmem>>, vector<1x16xf32>,
        %swap3A_486 = vector.shape_cast %swap3A_485 : vector<1x16xf32> to vector<16xf32>
        %swap3A_487 = vector.shape_cast %mul3A_480 : vector<16xf32> to vector<1x16xf32>
        tpu.vector_store %arg8[%swap3A_483, %swap3A_484], %swap3A_487 {strides = array<i32>} : memref<80x64xf32, #tpu.memory_space<vmem>>, vector<1x16xf32>,
        %add3A_488 = arith.constant 5 : i32
        %add3A_489 = arith.addi %mul3A_169, %add3A_488 : i32
        %get3A_490 = arith.index_cast %add3A_489 : i32 to index
        %get3A_491 = arith.constant 0 : index
        %get3A_492 = tpu.vector_load %arg8[%get3A_490, %get3A_491] {strides = array<i32>} : memref<80x64xf32, #tpu.memory_space<vmem>>, vector<1x16xf32>,
        %get3A_493 = vector.shape_cast %get3A_492 : vector<1x16xf32> to vector<16xf32>
        %mul3A_494 = arith.constant 8.000000e+00 : f32
        %mul3A_495 = vector.broadcast %mul3A_494 : f32 to vector<16xf32>
        %mul3A_496 = arith.mulf %get3A_493, %mul3A_495 : vector<16xf32>
        %add3A_497 = arith.constant 5 : i32
        %add3A_498 = arith.addi %mul3A_169, %add3A_497 : i32
        %swap3A_499 = arith.index_cast %add3A_498 : i32 to index
        %swap3A_500 = arith.constant 0 : index
        %swap3A_501 = tpu.vector_load %arg8[%swap3A_499, %swap3A_500] {strides = array<i32>} : memref<80x64xf32, #tpu.memory_space<vmem>>, vector<1x16xf32>,
        %swap3A_502 = vector.shape_cast %swap3A_501 : vector<1x16xf32> to vector<16xf32>
        %swap3A_503 = vector.shape_cast %mul3A_496 : vector<16xf32> to vector<1x16xf32>
        tpu.vector_store %arg8[%swap3A_499, %swap3A_500], %swap3A_503 {strides = array<i32>} : memref<80x64xf32, #tpu.memory_space<vmem>>, vector<1x16xf32>,
        %add3A_504 = arith.constant 5 : i32
        %add3A_505 = arith.addi %mul3A_169, %add3A_504 : i32
        %get3A_506 = arith.index_cast %add3A_505 : i32 to index
        %get3A_507 = arith.constant 16 : index
        %get3A_508 = tpu.vector_load %arg8[%get3A_506, %get3A_507] {strides = array<i32>} : memref<80x64xf32, #tpu.memory_space<vmem>>, vector<1x16xf32>,
        %get3A_509 = vector.shape_cast %get3A_508 : vector<1x16xf32> to vector<16xf32>
        %mul3A_510 = arith.constant 8.000000e+00 : f32
        %mul3A_511 = vector.broadcast %mul3A_510 : f32 to vector<16xf32>
        %mul3A_512 = arith.mulf %get3A_509, %mul3A_511 : vector<16xf32>
        %add3A_513 = arith.constant 5 : i32
        %add3A_514 = arith.addi %mul3A_169, %add3A_513 : i32
        %swap3A_515 = arith.index_cast %add3A_514 : i32 to index
        %swap3A_516 = arith.constant 16 : index
        %swap3A_517 = tpu.vector_load %arg8[%swap3A_515, %swap3A_516] {strides = array<i32>} : memref<80x64xf32, #tpu.memory_space<vmem>>, vector<1x16xf32>,
        %swap3A_518 = vector.shape_cast %swap3A_517 : vector<1x16xf32> to vector<16xf32>
        %swap3A_519 = vector.shape_cast %mul3A_512 : vector<16xf32> to vector<1x16xf32>
        tpu.vector_store %arg8[%swap3A_515, %swap3A_516], %swap3A_519 {strides = array<i32>} : memref<80x64xf32, #tpu.memory_space<vmem>>, vector<1x16xf32>,
        %add3A_520 = arith.constant 5 : i32
        %add3A_521 = arith.addi %mul3A_169, %add3A_520 : i32
        %get3A_522 = arith.index_cast %add3A_521 : i32 to index
        %get3A_523 = arith.constant 32 : index
        %get3A_524 = tpu.vector_load %arg8[%get3A_522, %get3A_523] {strides = array<i32>} : memref<80x64xf32, #tpu.memory_space<vmem>>, vector<1x16xf32>,
        %get3A_525 = vector.shape_cast %get3A_524 : vector<1x16xf32> to vector<16xf32>
        %mul3A_526 = arith.constant 8.000000e+00 : f32
        %mul3A_527 = vector.broadcast %mul3A_526 : f32 to vector<16xf32>
        %mul3A_528 = arith.mulf %get3A_525, %mul3A_527 : vector<16xf32>
        %add3A_529 = arith.constant 5 : i32
        %add3A_530 = arith.addi %mul3A_169, %add3A_529 : i32
        %swap3A_531 = arith.index_cast %add3A_530 : i32 to index
        %swap3A_532 = arith.constant 32 : index
        %swap3A_533 = tpu.vector_load %arg8[%swap3A_531, %swap3A_532] {strides = array<i32>} : memref<80x64xf32, #tpu.memory_space<vmem>>, vector<1x16xf32>,
        %swap3A_534 = vector.shape_cast %swap3A_533 : vector<1x16xf32> to vector<16xf32>
        %swap3A_535 = vector.shape_cast %mul3A_528 : vector<16xf32> to vector<1x16xf32>
        tpu.vector_store %arg8[%swap3A_531, %swap3A_532], %swap3A_535 {strides = array<i32>} : memref<80x64xf32, #tpu.memory_space<vmem>>, vector<1x16xf32>,
        %add3A_536 = arith.constant 5 : i32
        %add3A_537 = arith.addi %mul3A_169, %add3A_536 : i32
        %get3A_538 = arith.index_cast %add3A_537 : i32 to index
        %get3A_539 = arith.constant 48 : index
        %get3A_540 = tpu.vector_load %arg8[%get3A_538, %get3A_539] {strides = array<i32>} : memref<80x64xf32, #tpu.memory_space<vmem>>, vector<1x16xf32>,
        %get3A_541 = vector.shape_cast %get3A_540 : vector<1x16xf32> to vector<16xf32>
        %mul3A_542 = arith.constant 8.000000e+00 : f32
        %mul3A_543 = vector.broadcast %mul3A_542 : f32 to vector<16xf32>
        %mul3A_544 = arith.mulf %get3A_541, %mul3A_543 : vector<16xf32>
        %add3A_545 = arith.constant 5 : i32
        %add3A_546 = arith.addi %mul3A_169, %add3A_545 : i32
        %swap3A_547 = arith.index_cast %add3A_546 : i32 to index
        %swap3A_548 = arith.constant 48 : index
        %swap3A_549 = tpu.vector_load %arg8[%swap3A_547, %swap3A_548] {strides = array<i32>} : memref<80x64xf32, #tpu.memory_space<vmem>>, vector<1x16xf32>,
        %swap3A_550 = vector.shape_cast %swap3A_549 : vector<1x16xf32> to vector<16xf32>
        %swap3A_551 = vector.shape_cast %mul3A_544 : vector<16xf32> to vector<1x16xf32>
        tpu.vector_store %arg8[%swap3A_547, %swap3A_548], %swap3A_551 {strides = array<i32>} : memref<80x64xf32, #tpu.memory_space<vmem>>, vector<1x16xf32>,
        %add3A_552 = arith.constant 6 : i32
        %add3A_553 = arith.addi %mul3A_169, %add3A_552 : i32
        %get3A_554 = arith.index_cast %add3A_553 : i32 to index
        %get3A_555 = arith.constant 0 : index
        %get3A_556 = tpu.vector_load %arg8[%get3A_554, %get3A_555] {strides = array<i32>} : memref<80x64xf32, #tpu.memory_space<vmem>>, vector<1x16xf32>,
        %get3A_557 = vector.shape_cast %get3A_556 : vector<1x16xf32> to vector<16xf32>
        %mul3A_558 = arith.constant 8.000000e+00 : f32
        %mul3A_559 = vector.broadcast %mul3A_558 : f32 to vector<16xf32>
        %mul3A_560 = arith.mulf %get3A_557, %mul3A_559 : vector<16xf32>
        %add3A_561 = arith.constant 6 : i32
        %add3A_562 = arith.addi %mul3A_169, %add3A_561 : i32
        %swap3A_563 = arith.index_cast %add3A_562 : i32 to index
        %swap3A_564 = arith.constant 0 : index
        %swap3A_565 = tpu.vector_load %arg8[%swap3A_563, %swap3A_564] {strides = array<i32>} : memref<80x64xf32, #tpu.memory_space<vmem>>, vector<1x16xf32>,
        %swap3A_566 = vector.shape_cast %swap3A_565 : vector<1x16xf32> to vector<16xf32>
        %swap3A_567 = vector.shape_cast %mul3A_560 : vector<16xf32> to vector<1x16xf32>
        tpu.vector_store %arg8[%swap3A_563, %swap3A_564], %swap3A_567 {strides = array<i32>} : memref<80x64xf32, #tpu.memory_space<vmem>>, vector<1x16xf32>,
        %add3A_568 = arith.constant 6 : i32
        %add3A_569 = arith.addi %mul3A_169, %add3A_568 : i32
        %get3A_570 = arith.index_cast %add3A_569 : i32 to index
        %get3A_571 = arith.constant 16 : index
        %get3A_572 = tpu.vector_load %arg8[%get3A_570, %get3A_571] {strides = array<i32>} : memref<80x64xf32, #tpu.memory_space<vmem>>, vector<1x16xf32>,
        %get3A_573 = vector.shape_cast %get3A_572 : vector<1x16xf32> to vector<16xf32>
        %mul3A_574 = arith.constant 8.000000e+00 : f32
        %mul3A_575 = vector.broadcast %mul3A_574 : f32 to vector<16xf32>
        %mul3A_576 = arith.mulf %get3A_573, %mul3A_575 : vector<16xf32>
        %add3A_577 = arith.constant 6 : i32
        %add3A_578 = arith.addi %mul3A_169, %add3A_577 : i32
        %swap3A_579 = arith.index_cast %add3A_578 : i32 to index
        %swap3A_580 = arith.constant 16 : index
        %swap3A_581 = tpu.vector_load %arg8[%swap3A_579, %swap3A_580] {strides = array<i32>} : memref<80x64xf32, #tpu.memory_space<vmem>>, vector<1x16xf32>,
        %swap3A_582 = vector.shape_cast %swap3A_581 : vector<1x16xf32> to vector<16xf32>
        %swap3A_583 = vector.shape_cast %mul3A_576 : vector<16xf32> to vector<1x16xf32>
        tpu.vector_store %arg8[%swap3A_579, %swap3A_580], %swap3A_583 {strides = array<i32>} : memref<80x64xf32, #tpu.memory_space<vmem>>, vector<1x16xf32>,
        %add3A_584 = arith.constant 6 : i32
        %add3A_585 = arith.addi %mul3A_169, %add3A_584 : i32
        %get3A_586 = arith.index_cast %add3A_585 : i32 to index
        %get3A_587 = arith.constant 32 : index
        %get3A_588 = tpu.vector_load %arg8[%get3A_586, %get3A_587] {strides = array<i32>} : memref<80x64xf32, #tpu.memory_space<vmem>>, vector<1x16xf32>,
        %get3A_589 = vector.shape_cast %get3A_588 : vector<1x16xf32> to vector<16xf32>
        %mul3A_590 = arith.constant 8.000000e+00 : f32
        %mul3A_591 = vector.broadcast %mul3A_590 : f32 to vector<16xf32>
        %mul3A_592 = arith.mulf %get3A_589, %mul3A_591 : vector<16xf32>
        %add3A_593 = arith.constant 6 : i32
        %add3A_594 = arith.addi %mul3A_169, %add3A_593 : i32
        %swap3A_595 = arith.index_cast %add3A_594 : i32 to index
        %swap3A_596 = arith.constant 32 : index
        %swap3A_597 = tpu.vector_load %arg8[%swap3A_595, %swap3A_596] {strides = array<i32>} : memref<80x64xf32, #tpu.memory_space<vmem>>, vector<1x16xf32>,
        %swap3A_598 = vector.shape_cast %swap3A_597 : vector<1x16xf32> to vector<16xf32>
        %swap3A_599 = vector.shape_cast %mul3A_592 : vector<16xf32> to vector<1x16xf32>
        tpu.vector_store %arg8[%swap3A_595, %swap3A_596], %swap3A_599 {strides = array<i32>} : memref<80x64xf32, #tpu.memory_space<vmem>>, vector<1x16xf32>,
        %add3A_600 = arith.constant 6 : i32
        %add3A_601 = arith.addi %mul3A_169, %add3A_600 : i32
        %get3A_602 = arith.index_cast %add3A_601 : i32 to index
        %get3A_603 = arith.constant 48 : index
        %get3A_604 = tpu.vector_load %arg8[%get3A_602, %get3A_603] {strides = array<i32>} : memref<80x64xf32, #tpu.memory_space<vmem>>, vector<1x16xf32>,
        %get3A_605 = vector.shape_cast %get3A_604 : vector<1x16xf32> to vector<16xf32>
        %mul3A_606 = arith.constant 8.000000e+00 : f32
        %mul3A_607 = vector.broadcast %mul3A_606 : f32 to vector<16xf32>
        %mul3A_608 = arith.mulf %get3A_605, %mul3A_607 : vector<16xf32>
        %add3A_609 = arith.constant 6 : i32
        %add3A_610 = arith.addi %mul3A_169, %add3A_609 : i32
        %swap3A_611 = arith.index_cast %add3A_610 : i32 to index
        %swap3A_612 = arith.constant 48 : index
        %swap3A_613 = tpu.vector_load %arg8[%swap3A_611, %swap3A_612] {strides = array<i32>} : memref<80x64xf32, #tpu.memory_space<vmem>>, vector<1x16xf32>,
        %swap3A_614 = vector.shape_cast %swap3A_613 : vector<1x16xf32> to vector<16xf32>
        %swap3A_615 = vector.shape_cast %mul3A_608 : vector<16xf32> to vector<1x16xf32>
        tpu.vector_store %arg8[%swap3A_611, %swap3A_612], %swap3A_615 {strides = array<i32>} : memref<80x64xf32, #tpu.memory_space<vmem>>, vector<1x16xf32>,
        %add3A_616 = arith.constant 7 : i32
        %add3A_617 = arith.addi %mul3A_169, %add3A_616 : i32
        %get3A_618 = arith.index_cast %add3A_617 : i32 to index
        %get3A_619 = arith.constant 0 : index
        %get3A_620 = tpu.vector_load %arg8[%get3A_618, %get3A_619] {strides = array<i32>} : memref<80x64xf32, #tpu.memory_space<vmem>>, vector<1x16xf32>,
        %get3A_621 = vector.shape_cast %get3A_620 : vector<1x16xf32> to vector<16xf32>
        %mul3A_622 = arith.constant 8.000000e+00 : f32
        %mul3A_623 = vector.broadcast %mul3A_622 : f32 to vector<16xf32>
        %mul3A_624 = arith.mulf %get3A_621, %mul3A_623 : vector<16xf32>
        %add3A_625 = arith.constant 7 : i32
        %add3A_626 = arith.addi %mul3A_169, %add3A_625 : i32
        %swap3A_627 = arith.index_cast %add3A_626 : i32 to index
        %swap3A_628 = arith.constant 0 : index
        %swap3A_629 = tpu.vector_load %arg8[%swap3A_627, %swap3A_628] {strides = array<i32>} : memref<80x64xf32, #tpu.memory_space<vmem>>, vector<1x16xf32>,
        %swap3A_630 = vector.shape_cast %swap3A_629 : vector<1x16xf32> to vector<16xf32>
        %swap3A_631 = vector.shape_cast %mul3A_624 : vector<16xf32> to vector<1x16xf32>
        tpu.vector_store %arg8[%swap3A_627, %swap3A_628], %swap3A_631 {strides = array<i32>} : memref<80x64xf32, #tpu.memory_space<vmem>>, vector<1x16xf32>,
        %add3A_632 = arith.constant 7 : i32
        %add3A_633 = arith.addi %mul3A_169, %add3A_632 : i32
        %get3A_634 = arith.index_cast %add3A_633 : i32 to index
        %get3A_635 = arith.constant 16 : index
        %get3A_636 = tpu.vector_load %arg8[%get3A_634, %get3A_635] {strides = array<i32>} : memref<80x64xf32, #tpu.memory_space<vmem>>, vector<1x16xf32>,
        %get3A_637 = vector.shape_cast %get3A_636 : vector<1x16xf32> to vector<16xf32>
        %mul3A_638 = arith.constant 8.000000e+00 : f32
        %mul3A_639 = vector.broadcast %mul3A_638 : f32 to vector<16xf32>
        %mul3A_640 = arith.mulf %get3A_637, %mul3A_639 : vector<16xf32>
        %add3A_641 = arith.constant 7 : i32
        %add3A_642 = arith.addi %mul3A_169, %add3A_641 : i32
        %swap3A_643 = arith.index_cast %add3A_642 : i32 to index
        %swap3A_644 = arith.constant 16 : index
        %swap3A_645 = tpu.vector_load %arg8[%swap3A_643, %swap3A_644] {strides = array<i32>} : memref<80x64xf32, #tpu.memory_space<vmem>>, vector<1x16xf32>,
        %swap3A_646 = vector.shape_cast %swap3A_645 : vector<1x16xf32> to vector<16xf32>
        %swap3A_647 = vector.shape_cast %mul3A_640 : vector<16xf32> to vector<1x16xf32>
        tpu.vector_store %arg8[%swap3A_643, %swap3A_644], %swap3A_647 {strides = array<i32>} : memref<80x64xf32, #tpu.memory_space<vmem>>, vector<1x16xf32>,
        %add3A_648 = arith.constant 7 : i32
        %add3A_649 = arith.addi %mul3A_169, %add3A_648 : i32
        %get3A_650 = arith.index_cast %add3A_649 : i32 to index
        %get3A_651 = arith.constant 32 : index
        %get3A_652 = tpu.vector_load %arg8[%get3A_650, %get3A_651] {strides = array<i32>} : memref<80x64xf32, #tpu.memory_space<vmem>>, vector<1x16xf32>,
        %get3A_653 = vector.shape_cast %get3A_652 : vector<1x16xf32> to vector<16xf32>
        %mul3A_654 = arith.constant 8.000000e+00 : f32
        %mul3A_655 = vector.broadcast %mul3A_654 : f32 to vector<16xf32>
        %mul3A_656 = arith.mulf %get3A_653, %mul3A_655 : vector<16xf32>
        %add3A_657 = arith.constant 7 : i32
        %add3A_658 = arith.addi %mul3A_169, %add3A_657 : i32
        %swap3A_659 = arith.index_cast %add3A_658 : i32 to index
        %swap3A_660 = arith.constant 32 : index
        %swap3A_661 = tpu.vector_load %arg8[%swap3A_659, %swap3A_660] {strides = array<i32>} : memref<80x64xf32, #tpu.memory_space<vmem>>, vector<1x16xf32>,
        %swap3A_662 = vector.shape_cast %swap3A_661 : vector<1x16xf32> to vector<16xf32>
        %swap3A_663 = vector.shape_cast %mul3A_656 : vector<16xf32> to vector<1x16xf32>
        tpu.vector_store %arg8[%swap3A_659, %swap3A_660], %swap3A_663 {strides = array<i32>} : memref<80x64xf32, #tpu.memory_space<vmem>>, vector<1x16xf32>,
        %add3A_664 = arith.constant 7 : i32
        %add3A_665 = arith.addi %mul3A_169, %add3A_664 : i32
        %get3A_666 = arith.index_cast %add3A_665 : i32 to index
        %get3A_667 = arith.constant 48 : index
        %get3A_668 = tpu.vector_load %arg8[%get3A_666, %get3A_667] {strides = array<i32>} : memref<80x64xf32, #tpu.memory_space<vmem>>, vector<1x16xf32>,
        %get3A_669 = vector.shape_cast %get3A_668 : vector<1x16xf32> to vector<16xf32>
        %mul3A_670 = arith.constant 8.000000e+00 : f32
        %mul3A_671 = vector.broadcast %mul3A_670 : f32 to vector<16xf32>
        %mul3A_672 = arith.mulf %get3A_669, %mul3A_671 : vector<16xf32>
        %add3A_673 = arith.constant 7 : i32
        %add3A_674 = arith.addi %mul3A_169, %add3A_673 : i32
        %swap3A_675 = arith.index_cast %add3A_674 : i32 to index
        %swap3A_676 = arith.constant 48 : index
        %swap3A_677 = tpu.vector_load %arg8[%swap3A_675, %swap3A_676] {strides = array<i32>} : memref<80x64xf32, #tpu.memory_space<vmem>>, vector<1x16xf32>,
        %swap3A_678 = vector.shape_cast %swap3A_677 : vector<1x16xf32> to vector<16xf32>
        %swap3A_679 = vector.shape_cast %mul3A_672 : vector<16xf32> to vector<1x16xf32>
        tpu.vector_store %arg8[%swap3A_675, %swap3A_676], %swap3A_679 {strides = array<i32>} : memref<80x64xf32, #tpu.memory_space<vmem>>, vector<1x16xf32>,
      }
      %scan3A_112 = arith.constant 10 : i32
      %mul3A_113 = arith.constant 80 : i32
      %mul3A_114 = arith.muli %add3A_100, %mul3A_113 : i32
      %add3A_115 = arith.addi %mul3A_2, %mul3A_114 : i32
      %dma_start3A_116 = arith.constant 0 : i32
      %dma_start3A_117 = tpu.memref_slice %arg4[%add3A_115, %dma_start3A_116] : memref<819200x64xf32, #tpu.memory_space<hbm>> -> memref<80x64xf32, #tpu.memory_space<hbm>>
      %dma_start3A_118 = arith.constant 0 : i32
      %dma_start3A_119 = tpu.memref_slice %arg4[%add3A_115, %dma_start3A_118] : memref<819200x64xf32, #tpu.memory_space<hbm>> -> memref<80x64xf32, #tpu.memory_space<hbm>>
      tpu.enqueue_dma source(%arg8 : memref<80x64xf32, #tpu.memory_space<vmem>>) target(%dma_start3A_119 : memref<80x64xf32, #tpu.memory_space<hbm>>) target_semaphore(%arg16 : memref<!tpu.dma_semaphore, #tpu.memory_space<semaphore_mem>>)
      %ge3A_120 = arith.constant 1 : i32
      %ge3A_121 = arith.cmpi sge, %add3A_100, %ge3A_120 : i32
      %convert_element_type3A_122 = arith.extui %ge3A_121 : i1 to i32
      %cond3A_123 = arith.constant 0 : i32
      %cond3A_124 = arith.cmpi ne, %convert_element_type3A_122, %cond3A_123 : i32
      scf.if %cond3A_124 {
        %sub3A = arith.constant 1 : i32
        %sub3A_167 = arith.subi %add3A_100, %sub3A : i32
        %mul3A_168 = arith.constant 80 : i32
        %mul3A_169 = arith.muli %sub3A_167, %mul3A_168 : i32
        %add3A_170 = arith.addi %mul3A_2, %mul3A_169 : i32
        %dma_wait3A_171 = arith.constant 0 : i32
        %dma_wait3A_172 = tpu.memref_slice %arg4[%add3A_170, %dma_wait3A_171] : memref<819200x64xf32, #tpu.memory_space<hbm>> -> memref<80x64xf32, #tpu.memory_space<hbm>>
        %dma_wait3A_173 = arith.constant 0 : i32
        %dma_wait3A_174 = tpu.memref_slice %arg4[%add3A_170, %dma_wait3A_173] : memref<819200x64xf32, #tpu.memory_space<hbm>> -> memref<80x64xf32, #tpu.memory_space<hbm>>
        tpu.wait_dma2 semaphore(%arg15 : memref<!tpu.dma_semaphore, #tpu.memory_space<semaphore_mem>>) src(%arg7 : memref<80x64xf32, #tpu.memory_space<vmem>>) dst(%dma_wait3A_174 : memref<80x64xf32, #tpu.memory_space<hbm>>)
      } else {
      }
      %add3A_125 = arith.constant 3 : i32
      %add3A_126 = arith.addi %add3A_100, %add3A_125 : i32
      %lt3A_127 = arith.constant 320 : i32
      %lt3A_128 = arith.cmpi slt, %add3A_126, %lt3A_127 : i32
      %convert_element_type3A_129 = arith.extui %lt3A_128 : i1 to i32
      %cond3A_130 = arith.constant 0 : i32
      %cond3A_131 = arith.cmpi ne, %convert_element_type3A_129, %cond3A_130 : i32
      scf.if %cond3A_131 {
        %add3A_167 = arith.constant 3 : i32
        %add3A_168 = arith.addi %add3A_100, %add3A_167 : i32
        %scan3A_169 = arith.constant 0 : i32
        %scan3A_170 = arith.constant 0 : i32
        %scan3A_171 = arith.constant 5 : i32
        %scan3A_172 = arith.addi %scan3A_170, %scan3A_171 : i32
        %scan3A_173 = arith.constant 1 : i32
        scf.for %scan3A_175 = %scan3A_170 to %scan3A_172 step %scan3A_173  : i32 {
          %mul3A_176 = arith.constant 80 : i32
          %mul3A_177 = arith.muli %add3A_168, %mul3A_176 : i32
          %mul3A_178 = arith.constant 16 : i32
          %mul3A_179 = arith.muli %scan3A_175, %mul3A_178 : i32
          %add3A_180 = arith.addi %mul3A_177, %mul3A_179 : i32
          %get3A = arith.index_cast %add3A_180 : i32 to index
          %get3A_181 = tpu.vector_load %arg5[%get3A] {strides = array<i32>} : memref<25600xi32, #tpu.memory_space<vmem>>, vector<16xi32>,
          %get3A_182 = vector.shape_cast %get3A_181 : vector<16xi32> to vector<16xi32>
          %slice3A = vector.extract_strided_slice %get3A_182 {offsets = [0], sizes = [1], strides = [1]} : vector<16xi32> to vector<1xi32>
          %squeeze3A = vector.extract %slice3A[0] : i32 from vector<1xi32>
          %mul3A_183 = arith.constant 16 : i32
          %mul3A_184 = arith.muli %scan3A_175, %mul3A_183 : i32
          %add3A_185 = arith.constant 0 : i32
          %add3A_186 = arith.addi %mul3A_184, %add3A_185 : i32
          %dma_start3A_187 = arith.constant 0 : i32
          %dma_start3A_188 = tpu.memref_slice %arg7[%add3A_186, %dma_start3A_187] : memref<80x64xf32, #tpu.memory_space<vmem>> -> memref<1x64xf32, #tpu.memory_space<vmem>>
          %dma_start3A_189 = arith.constant 0 : i32
          %dma_start3A_190 = tpu.memref_slice %arg3[%squeeze3A, %dma_start3A_189] : memref<1000000x64xf32, #tpu.memory_space<hbm>> -> memref<1x64xf32, #tpu.memory_space<hbm>>
          %dma_start3A_191 = arith.constant 0 : i32
          %dma_start3A_192 = tpu.memref_slice %arg7[%add3A_186, %dma_start3A_191] : memref<80x64xf32, #tpu.memory_space<vmem>> -> memref<1x64xf32, #tpu.memory_space<vmem>>
          %dma_start3A_193 = arith.constant 0 : i32
          %dma_start3A_194 = tpu.memref_slice %arg3[%squeeze3A, %dma_start3A_193] : memref<1000000x64xf32, #tpu.memory_space<hbm>> -> memref<1x64xf32, #tpu.memory_space<hbm>>
          tpu.enqueue_dma source(%dma_start3A_194 : memref<1x64xf32, #tpu.memory_space<hbm>>) target(%dma_start3A_192 : memref<1x64xf32, #tpu.memory_space<vmem>>) target_semaphore(%arg11 : memref<!tpu.dma_semaphore, #tpu.memory_space<semaphore_mem>>)
          %slice3A_195 = vector.extract_strided_slice %get3A_182 {offsets = [1], sizes = [1], strides = [1]} : vector<16xi32> to vector<1xi32>
          %squeeze3A_196 = vector.extract %slice3A_195[0] : i32 from vector<1xi32>
          %mul3A_197 = arith.constant 16 : i32
          %mul3A_198 = arith.muli %scan3A_175, %mul3A_197 : i32
          %add3A_199 = arith.constant 1 : i32
          %add3A_200 = arith.addi %mul3A_198, %add3A_199 : i32
          %dma_start3A_201 = arith.constant 0 : i32
          %dma_start3A_202 = tpu.memref_slice %arg7[%add3A_200, %dma_start3A_201] : memref<80x64xf32, #tpu.memory_space<vmem>> -> memref<1x64xf32, #tpu.memory_space<vmem>>
          %dma_start3A_203 = arith.constant 0 : i32
          %dma_start3A_204 = tpu.memref_slice %arg3[%squeeze3A_196, %dma_start3A_203] : memref<1000000x64xf32, #tpu.memory_space<hbm>> -> memref<1x64xf32, #tpu.memory_space<hbm>>
          %dma_start3A_205 = arith.constant 0 : i32
          %dma_start3A_206 = tpu.memref_slice %arg7[%add3A_200, %dma_start3A_205] : memref<80x64xf32, #tpu.memory_space<vmem>> -> memref<1x64xf32, #tpu.memory_space<vmem>>
          %dma_start3A_207 = arith.constant 0 : i32
          %dma_start3A_208 = tpu.memref_slice %arg3[%squeeze3A_196, %dma_start3A_207] : memref<1000000x64xf32, #tpu.memory_space<hbm>> -> memref<1x64xf32, #tpu.memory_space<hbm>>
          tpu.enqueue_dma source(%dma_start3A_208 : memref<1x64xf32, #tpu.memory_space<hbm>>) target(%dma_start3A_206 : memref<1x64xf32, #tpu.memory_space<vmem>>) target_semaphore(%arg11 : memref<!tpu.dma_semaphore, #tpu.memory_space<semaphore_mem>>)
          %slice3A_209 = vector.extract_strided_slice %get3A_182 {offsets = [2], sizes = [1], strides = [1]} : vector<16xi32> to vector<1xi32>
          %squeeze3A_210 = vector.extract %slice3A_209[0] : i32 from vector<1xi32>
          %mul3A_211 = arith.constant 16 : i32
          %mul3A_212 = arith.muli %scan3A_175, %mul3A_211 : i32
          %add3A_213 = arith.constant 2 : i32
          %add3A_214 = arith.addi %mul3A_212, %add3A_213 : i32
          %dma_start3A_215 = arith.constant 0 : i32
          %dma_start3A_216 = tpu.memref_slice %arg7[%add3A_214, %dma_start3A_215] : memref<80x64xf32, #tpu.memory_space<vmem>> -> memref<1x64xf32, #tpu.memory_space<vmem>>
          %dma_start3A_217 = arith.constant 0 : i32
          %dma_start3A_218 = tpu.memref_slice %arg3[%squeeze3A_210, %dma_start3A_217] : memref<1000000x64xf32, #tpu.memory_space<hbm>> -> memref<1x64xf32, #tpu.memory_space<hbm>>
          %dma_start3A_219 = arith.constant 0 : i32
          %dma_start3A_220 = tpu.memref_slice %arg7[%add3A_214, %dma_start3A_219] : memref<80x64xf32, #tpu.memory_space<vmem>> -> memref<1x64xf32, #tpu.memory_space<vmem>>
          %dma_start3A_221 = arith.constant 0 : i32
          %dma_start3A_222 = tpu.memref_slice %arg3[%squeeze3A_210, %dma_start3A_221] : memref<1000000x64xf32, #tpu.memory_space<hbm>> -> memref<1x64xf32, #tpu.memory_space<hbm>>
          tpu.enqueue_dma source(%dma_start3A_222 : memref<1x64xf32, #tpu.memory_space<hbm>>) target(%dma_start3A_220 : memref<1x64xf32, #tpu.memory_space<vmem>>) target_semaphore(%arg11 : memref<!tpu.dma_semaphore, #tpu.memory_space<semaphore_mem>>)
          %slice3A_223 = vector.extract_strided_slice %get3A_182 {offsets = [3], sizes = [1], strides = [1]} : vector<16xi32> to vector<1xi32>
          %squeeze3A_224 = vector.extract %slice3A_223[0] : i32 from vector<1xi32>
          %mul3A_225 = arith.constant 16 : i32
          %mul3A_226 = arith.muli %scan3A_175, %mul3A_225 : i32
          %add3A_227 = arith.constant 3 : i32
          %add3A_228 = arith.addi %mul3A_226, %add3A_227 : i32
          %dma_start3A_229 = arith.constant 0 : i32
          %dma_start3A_230 = tpu.memref_slice %arg7[%add3A_228, %dma_start3A_229] : memref<80x64xf32, #tpu.memory_space<vmem>> -> memref<1x64xf32, #tpu.memory_space<vmem>>
          %dma_start3A_231 = arith.constant 0 : i32
          %dma_start3A_232 = tpu.memref_slice %arg3[%squeeze3A_224, %dma_start3A_231] : memref<1000000x64xf32, #tpu.memory_space<hbm>> -> memref<1x64xf32, #tpu.memory_space<hbm>>
          %dma_start3A_233 = arith.constant 0 : i32
          %dma_start3A_234 = tpu.memref_slice %arg7[%add3A_228, %dma_start3A_233] : memref<80x64xf32, #tpu.memory_space<vmem>> -> memref<1x64xf32, #tpu.memory_space<vmem>>
          %dma_start3A_235 = arith.constant 0 : i32
          %dma_start3A_236 = tpu.memref_slice %arg3[%squeeze3A_224, %dma_start3A_235] : memref<1000000x64xf32, #tpu.memory_space<hbm>> -> memref<1x64xf32, #tpu.memory_space<hbm>>
          tpu.enqueue_dma source(%dma_start3A_236 : memref<1x64xf32, #tpu.memory_space<hbm>>) target(%dma_start3A_234 : memref<1x64xf32, #tpu.memory_space<vmem>>) target_semaphore(%arg11 : memref<!tpu.dma_semaphore, #tpu.memory_space<semaphore_mem>>)
          %slice3A_237 = vector.extract_strided_slice %get3A_182 {offsets = [4], sizes = [1], strides = [1]} : vector<16xi32> to vector<1xi32>
          %squeeze3A_238 = vector.extract %slice3A_237[0] : i32 from vector<1xi32>
          %mul3A_239 = arith.constant 16 : i32
          %mul3A_240 = arith.muli %scan3A_175, %mul3A_239 : i32
          %add3A_241 = arith.constant 4 : i32
          %add3A_242 = arith.addi %mul3A_240, %add3A_241 : i32
          %dma_start3A_243 = arith.constant 0 : i32
          %dma_start3A_244 = tpu.memref_slice %arg7[%add3A_242, %dma_start3A_243] : memref<80x64xf32, #tpu.memory_space<vmem>> -> memref<1x64xf32, #tpu.memory_space<vmem>>
          %dma_start3A_245 = arith.constant 0 : i32
          %dma_start3A_246 = tpu.memref_slice %arg3[%squeeze3A_238, %dma_start3A_245] : memref<1000000x64xf32, #tpu.memory_space<hbm>> -> memref<1x64xf32, #tpu.memory_space<hbm>>
          %dma_start3A_247 = arith.constant 0 : i32
          %dma_start3A_248 = tpu.memref_slice %arg7[%add3A_242, %dma_start3A_247] : memref<80x64xf32, #tpu.memory_space<vmem>> -> memref<1x64xf32, #tpu.memory_space<vmem>>
          %dma_start3A_249 = arith.constant 0 : i32
          %dma_start3A_250 = tpu.memref_slice %arg3[%squeeze3A_238, %dma_start3A_249] : memref<1000000x64xf32, #tpu.memory_space<hbm>> -> memref<1x64xf32, #tpu.memory_space<hbm>>
          tpu.enqueue_dma source(%dma_start3A_250 : memref<1x64xf32, #tpu.memory_space<hbm>>) target(%dma_start3A_248 : memref<1x64xf32, #tpu.memory_space<vmem>>) target_semaphore(%arg11 : memref<!tpu.dma_semaphore, #tpu.memory_space<semaphore_mem>>)
          %slice3A_251 = vector.extract_strided_slice %get3A_182 {offsets = [5], sizes = [1], strides = [1]} : vector<16xi32> to vector<1xi32>
          %squeeze3A_252 = vector.extract %slice3A_251[0] : i32 from vector<1xi32>
          %mul3A_253 = arith.constant 16 : i32
          %mul3A_254 = arith.muli %scan3A_175, %mul3A_253 : i32
          %add3A_255 = arith.constant 5 : i32
          %add3A_256 = arith.addi %mul3A_254, %add3A_255 : i32
          %dma_start3A_257 = arith.constant 0 : i32
          %dma_start3A_258 = tpu.memref_slice %arg7[%add3A_256, %dma_start3A_257] : memref<80x64xf32, #tpu.memory_space<vmem>> -> memref<1x64xf32, #tpu.memory_space<vmem>>
          %dma_start3A_259 = arith.constant 0 : i32
          %dma_start3A_260 = tpu.memref_slice %arg3[%squeeze3A_252, %dma_start3A_259] : memref<1000000x64xf32, #tpu.memory_space<hbm>> -> memref<1x64xf32, #tpu.memory_space<hbm>>
          %dma_start3A_261 = arith.constant 0 : i32
          %dma_start3A_262 = tpu.memref_slice %arg7[%add3A_256, %dma_start3A_261] : memref<80x64xf32, #tpu.memory_space<vmem>> -> memref<1x64xf32, #tpu.memory_space<vmem>>
          %dma_start3A_263 = arith.constant 0 : i32
          %dma_start3A_264 = tpu.memref_slice %arg3[%squeeze3A_252, %dma_start3A_263] : memref<1000000x64xf32, #tpu.memory_space<hbm>> -> memref<1x64xf32, #tpu.memory_space<hbm>>
          tpu.enqueue_dma source(%dma_start3A_264 : memref<1x64xf32, #tpu.memory_space<hbm>>) target(%dma_start3A_262 : memref<1x64xf32, #tpu.memory_space<vmem>>) target_semaphore(%arg11 : memref<!tpu.dma_semaphore, #tpu.memory_space<semaphore_mem>>)
          %slice3A_265 = vector.extract_strided_slice %get3A_182 {offsets = [6], sizes = [1], strides = [1]} : vector<16xi32> to vector<1xi32>
          %squeeze3A_266 = vector.extract %slice3A_265[0] : i32 from vector<1xi32>
          %mul3A_267 = arith.constant 16 : i32
          %mul3A_268 = arith.muli %scan3A_175, %mul3A_267 : i32
          %add3A_269 = arith.constant 6 : i32
          %add3A_270 = arith.addi %mul3A_268, %add3A_269 : i32
          %dma_start3A_271 = arith.constant 0 : i32
          %dma_start3A_272 = tpu.memref_slice %arg7[%add3A_270, %dma_start3A_271] : memref<80x64xf32, #tpu.memory_space<vmem>> -> memref<1x64xf32, #tpu.memory_space<vmem>>
          %dma_start3A_273 = arith.constant 0 : i32
          %dma_start3A_274 = tpu.memref_slice %arg3[%squeeze3A_266, %dma_start3A_273] : memref<1000000x64xf32, #tpu.memory_space<hbm>> -> memref<1x64xf32, #tpu.memory_space<hbm>>
          %dma_start3A_275 = arith.constant 0 : i32
          %dma_start3A_276 = tpu.memref_slice %arg7[%add3A_270, %dma_start3A_275] : memref<80x64xf32, #tpu.memory_space<vmem>> -> memref<1x64xf32, #tpu.memory_space<vmem>>
          %dma_start3A_277 = arith.constant 0 : i32
          %dma_start3A_278 = tpu.memref_slice %arg3[%squeeze3A_266, %dma_start3A_277] : memref<1000000x64xf32, #tpu.memory_space<hbm>> -> memref<1x64xf32, #tpu.memory_space<hbm>>
          tpu.enqueue_dma source(%dma_start3A_278 : memref<1x64xf32, #tpu.memory_space<hbm>>) target(%dma_start3A_276 : memref<1x64xf32, #tpu.memory_space<vmem>>) target_semaphore(%arg11 : memref<!tpu.dma_semaphore, #tpu.memory_space<semaphore_mem>>)
          %slice3A_279 = vector.extract_strided_slice %get3A_182 {offsets = [7], sizes = [1], strides = [1]} : vector<16xi32> to vector<1xi32>
          %squeeze3A_280 = vector.extract %slice3A_279[0] : i32 from vector<1xi32>
          %mul3A_281 = arith.constant 16 : i32
          %mul3A_282 = arith.muli %scan3A_175, %mul3A_281 : i32
          %add3A_283 = arith.constant 7 : i32
          %add3A_284 = arith.addi %mul3A_282, %add3A_283 : i32
          %dma_start3A_285 = arith.constant 0 : i32
          %dma_start3A_286 = tpu.memref_slice %arg7[%add3A_284, %dma_start3A_285] : memref<80x64xf32, #tpu.memory_space<vmem>> -> memref<1x64xf32, #tpu.memory_space<vmem>>
          %dma_start3A_287 = arith.constant 0 : i32
          %dma_start3A_288 = tpu.memref_slice %arg3[%squeeze3A_280, %dma_start3A_287] : memref<1000000x64xf32, #tpu.memory_space<hbm>> -> memref<1x64xf32, #tpu.memory_space<hbm>>
          %dma_start3A_289 = arith.constant 0 : i32
          %dma_start3A_290 = tpu.memref_slice %arg7[%add3A_284, %dma_start3A_289] : memref<80x64xf32, #tpu.memory_space<vmem>> -> memref<1x64xf32, #tpu.memory_space<vmem>>
          %dma_start3A_291 = arith.constant 0 : i32
          %dma_start3A_292 = tpu.memref_slice %arg3[%squeeze3A_280, %dma_start3A_291] : memref<1000000x64xf32, #tpu.memory_space<hbm>> -> memref<1x64xf32, #tpu.memory_space<hbm>>
          tpu.enqueue_dma source(%dma_start3A_292 : memref<1x64xf32, #tpu.memory_space<hbm>>) target(%dma_start3A_290 : memref<1x64xf32, #tpu.memory_space<vmem>>) target_semaphore(%arg11 : memref<!tpu.dma_semaphore, #tpu.memory_space<semaphore_mem>>)
          %slice3A_293 = vector.extract_strided_slice %get3A_182 {offsets = [8], sizes = [1], strides = [1]} : vector<16xi32> to vector<1xi32>
          %squeeze3A_294 = vector.extract %slice3A_293[0] : i32 from vector<1xi32>
          %mul3A_295 = arith.constant 16 : i32
          %mul3A_296 = arith.muli %scan3A_175, %mul3A_295 : i32
          %add3A_297 = arith.constant 8 : i32
          %add3A_298 = arith.addi %mul3A_296, %add3A_297 : i32
          %dma_start3A_299 = arith.constant 0 : i32
          %dma_start3A_300 = tpu.memref_slice %arg7[%add3A_298, %dma_start3A_299] : memref<80x64xf32, #tpu.memory_space<vmem>> -> memref<1x64xf32, #tpu.memory_space<vmem>>
          %dma_start3A_301 = arith.constant 0 : i32
          %dma_start3A_302 = tpu.memref_slice %arg3[%squeeze3A_294, %dma_start3A_301] : memref<1000000x64xf32, #tpu.memory_space<hbm>> -> memref<1x64xf32, #tpu.memory_space<hbm>>
          %dma_start3A_303 = arith.constant 0 : i32
          %dma_start3A_304 = tpu.memref_slice %arg7[%add3A_298, %dma_start3A_303] : memref<80x64xf32, #tpu.memory_space<vmem>> -> memref<1x64xf32, #tpu.memory_space<vmem>>
          %dma_start3A_305 = arith.constant 0 : i32
          %dma_start3A_306 = tpu.memref_slice %arg3[%squeeze3A_294, %dma_start3A_305] : memref<1000000x64xf32, #tpu.memory_space<hbm>> -> memref<1x64xf32, #tpu.memory_space<hbm>>
          tpu.enqueue_dma source(%dma_start3A_306 : memref<1x64xf32, #tpu.memory_space<hbm>>) target(%dma_start3A_304 : memref<1x64xf32, #tpu.memory_space<vmem>>) target_semaphore(%arg11 : memref<!tpu.dma_semaphore, #tpu.memory_space<semaphore_mem>>)
          %slice3A_307 = vector.extract_strided_slice %get3A_182 {offsets = [9], sizes = [1], strides = [1]} : vector<16xi32> to vector<1xi32>
          %squeeze3A_308 = vector.extract %slice3A_307[0] : i32 from vector<1xi32>
          %mul3A_309 = arith.constant 16 : i32
          %mul3A_310 = arith.muli %scan3A_175, %mul3A_309 : i32
          %add3A_311 = arith.constant 9 : i32
          %add3A_312 = arith.addi %mul3A_310, %add3A_311 : i32
          %dma_start3A_313 = arith.constant 0 : i32
          %dma_start3A_314 = tpu.memref_slice %arg7[%add3A_312, %dma_start3A_313] : memref<80x64xf32, #tpu.memory_space<vmem>> -> memref<1x64xf32, #tpu.memory_space<vmem>>
          %dma_start3A_315 = arith.constant 0 : i32
          %dma_start3A_316 = tpu.memref_slice %arg3[%squeeze3A_308, %dma_start3A_315] : memref<1000000x64xf32, #tpu.memory_space<hbm>> -> memref<1x64xf32, #tpu.memory_space<hbm>>
          %dma_start3A_317 = arith.constant 0 : i32
          %dma_start3A_318 = tpu.memref_slice %arg7[%add3A_312, %dma_start3A_317] : memref<80x64xf32, #tpu.memory_space<vmem>> -> memref<1x64xf32, #tpu.memory_space<vmem>>
          %dma_start3A_319 = arith.constant 0 : i32
          %dma_start3A_320 = tpu.memref_slice %arg3[%squeeze3A_308, %dma_start3A_319] : memref<1000000x64xf32, #tpu.memory_space<hbm>> -> memref<1x64xf32, #tpu.memory_space<hbm>>
          tpu.enqueue_dma source(%dma_start3A_320 : memref<1x64xf32, #tpu.memory_space<hbm>>) target(%dma_start3A_318 : memref<1x64xf32, #tpu.memory_space<vmem>>) target_semaphore(%arg11 : memref<!tpu.dma_semaphore, #tpu.memory_space<semaphore_mem>>)
          %slice3A_321 = vector.extract_strided_slice %get3A_182 {offsets = [10], sizes = [1], strides = [1]} : vector<16xi32> to vector<1xi32>
          %squeeze3A_322 = vector.extract %slice3A_321[0] : i32 from vector<1xi32>
          %mul3A_323 = arith.constant 16 : i32
          %mul3A_324 = arith.muli %scan3A_175, %mul3A_323 : i32
          %add3A_325 = arith.constant 10 : i32
          %add3A_326 = arith.addi %mul3A_324, %add3A_325 : i32
          %dma_start3A_327 = arith.constant 0 : i32
          %dma_start3A_328 = tpu.memref_slice %arg7[%add3A_326, %dma_start3A_327] : memref<80x64xf32, #tpu.memory_space<vmem>> -> memref<1x64xf32, #tpu.memory_space<vmem>>
          %dma_start3A_329 = arith.constant 0 : i32
          %dma_start3A_330 = tpu.memref_slice %arg3[%squeeze3A_322, %dma_start3A_329] : memref<1000000x64xf32, #tpu.memory_space<hbm>> -> memref<1x64xf32, #tpu.memory_space<hbm>>
          %dma_start3A_331 = arith.constant 0 : i32
          %dma_start3A_332 = tpu.memref_slice %arg7[%add3A_326, %dma_start3A_331] : memref<80x64xf32, #tpu.memory_space<vmem>> -> memref<1x64xf32, #tpu.memory_space<vmem>>
          %dma_start3A_333 = arith.constant 0 : i32
          %dma_start3A_334 = tpu.memref_slice %arg3[%squeeze3A_322, %dma_start3A_333] : memref<1000000x64xf32, #tpu.memory_space<hbm>> -> memref<1x64xf32, #tpu.memory_space<hbm>>
          tpu.enqueue_dma source(%dma_start3A_334 : memref<1x64xf32, #tpu.memory_space<hbm>>) target(%dma_start3A_332 : memref<1x64xf32, #tpu.memory_space<vmem>>) target_semaphore(%arg11 : memref<!tpu.dma_semaphore, #tpu.memory_space<semaphore_mem>>)
          %slice3A_335 = vector.extract_strided_slice %get3A_182 {offsets = [11], sizes = [1], strides = [1]} : vector<16xi32> to vector<1xi32>
          %squeeze3A_336 = vector.extract %slice3A_335[0] : i32 from vector<1xi32>
          %mul3A_337 = arith.constant 16 : i32
          %mul3A_338 = arith.muli %scan3A_175, %mul3A_337 : i32
          %add3A_339 = arith.constant 11 : i32
          %add3A_340 = arith.addi %mul3A_338, %add3A_339 : i32
          %dma_start3A_341 = arith.constant 0 : i32
          %dma_start3A_342 = tpu.memref_slice %arg7[%add3A_340, %dma_start3A_341] : memref<80x64xf32, #tpu.memory_space<vmem>> -> memref<1x64xf32, #tpu.memory_space<vmem>>
          %dma_start3A_343 = arith.constant 0 : i32
          %dma_start3A_344 = tpu.memref_slice %arg3[%squeeze3A_336, %dma_start3A_343] : memref<1000000x64xf32, #tpu.memory_space<hbm>> -> memref<1x64xf32, #tpu.memory_space<hbm>>
          %dma_start3A_345 = arith.constant 0 : i32
          %dma_start3A_346 = tpu.memref_slice %arg7[%add3A_340, %dma_start3A_345] : memref<80x64xf32, #tpu.memory_space<vmem>> -> memref<1x64xf32, #tpu.memory_space<vmem>>
          %dma_start3A_347 = arith.constant 0 : i32
          %dma_start3A_348 = tpu.memref_slice %arg3[%squeeze3A_336, %dma_start3A_347] : memref<1000000x64xf32, #tpu.memory_space<hbm>> -> memref<1x64xf32, #tpu.memory_space<hbm>>
          tpu.enqueue_dma source(%dma_start3A_348 : memref<1x64xf32, #tpu.memory_space<hbm>>) target(%dma_start3A_346 : memref<1x64xf32, #tpu.memory_space<vmem>>) target_semaphore(%arg11 : memref<!tpu.dma_semaphore, #tpu.memory_space<semaphore_mem>>)
          %slice3A_349 = vector.extract_strided_slice %get3A_182 {offsets = [12], sizes = [1], strides = [1]} : vector<16xi32> to vector<1xi32>
          %squeeze3A_350 = vector.extract %slice3A_349[0] : i32 from vector<1xi32>
          %mul3A_351 = arith.constant 16 : i32
          %mul3A_352 = arith.muli %scan3A_175, %mul3A_351 : i32
          %add3A_353 = arith.constant 12 : i32
          %add3A_354 = arith.addi %mul3A_352, %add3A_353 : i32
          %dma_start3A_355 = arith.constant 0 : i32
          %dma_start3A_356 = tpu.memref_slice %arg7[%add3A_354, %dma_start3A_355] : memref<80x64xf32, #tpu.memory_space<vmem>> -> memref<1x64xf32, #tpu.memory_space<vmem>>
          %dma_start3A_357 = arith.constant 0 : i32
          %dma_start3A_358 = tpu.memref_slice %arg3[%squeeze3A_350, %dma_start3A_357] : memref<1000000x64xf32, #tpu.memory_space<hbm>> -> memref<1x64xf32, #tpu.memory_space<hbm>>
          %dma_start3A_359 = arith.constant 0 : i32
          %dma_start3A_360 = tpu.memref_slice %arg7[%add3A_354, %dma_start3A_359] : memref<80x64xf32, #tpu.memory_space<vmem>> -> memref<1x64xf32, #tpu.memory_space<vmem>>
          %dma_start3A_361 = arith.constant 0 : i32
          %dma_start3A_362 = tpu.memref_slice %arg3[%squeeze3A_350, %dma_start3A_361] : memref<1000000x64xf32, #tpu.memory_space<hbm>> -> memref<1x64xf32, #tpu.memory_space<hbm>>
          tpu.enqueue_dma source(%dma_start3A_362 : memref<1x64xf32, #tpu.memory_space<hbm>>) target(%dma_start3A_360 : memref<1x64xf32, #tpu.memory_space<vmem>>) target_semaphore(%arg11 : memref<!tpu.dma_semaphore, #tpu.memory_space<semaphore_mem>>)
          %slice3A_363 = vector.extract_strided_slice %get3A_182 {offsets = [13], sizes = [1], strides = [1]} : vector<16xi32> to vector<1xi32>
          %squeeze3A_364 = vector.extract %slice3A_363[0] : i32 from vector<1xi32>
          %mul3A_365 = arith.constant 16 : i32
          %mul3A_366 = arith.muli %scan3A_175, %mul3A_365 : i32
          %add3A_367 = arith.constant 13 : i32
          %add3A_368 = arith.addi %mul3A_366, %add3A_367 : i32
          %dma_start3A_369 = arith.constant 0 : i32
          %dma_start3A_370 = tpu.memref_slice %arg7[%add3A_368, %dma_start3A_369] : memref<80x64xf32, #tpu.memory_space<vmem>> -> memref<1x64xf32, #tpu.memory_space<vmem>>
          %dma_start3A_371 = arith.constant 0 : i32
          %dma_start3A_372 = tpu.memref_slice %arg3[%squeeze3A_364, %dma_start3A_371] : memref<1000000x64xf32, #tpu.memory_space<hbm>> -> memref<1x64xf32, #tpu.memory_space<hbm>>
          %dma_start3A_373 = arith.constant 0 : i32
          %dma_start3A_374 = tpu.memref_slice %arg7[%add3A_368, %dma_start3A_373] : memref<80x64xf32, #tpu.memory_space<vmem>> -> memref<1x64xf32, #tpu.memory_space<vmem>>
          %dma_start3A_375 = arith.constant 0 : i32
          %dma_start3A_376 = tpu.memref_slice %arg3[%squeeze3A_364, %dma_start3A_375] : memref<1000000x64xf32, #tpu.memory_space<hbm>> -> memref<1x64xf32, #tpu.memory_space<hbm>>
          tpu.enqueue_dma source(%dma_start3A_376 : memref<1x64xf32, #tpu.memory_space<hbm>>) target(%dma_start3A_374 : memref<1x64xf32, #tpu.memory_space<vmem>>) target_semaphore(%arg11 : memref<!tpu.dma_semaphore, #tpu.memory_space<semaphore_mem>>)
          %slice3A_377 = vector.extract_strided_slice %get3A_182 {offsets = [14], sizes = [1], strides = [1]} : vector<16xi32> to vector<1xi32>
          %squeeze3A_378 = vector.extract %slice3A_377[0] : i32 from vector<1xi32>
          %mul3A_379 = arith.constant 16 : i32
          %mul3A_380 = arith.muli %scan3A_175, %mul3A_379 : i32
          %add3A_381 = arith.constant 14 : i32
          %add3A_382 = arith.addi %mul3A_380, %add3A_381 : i32
          %dma_start3A_383 = arith.constant 0 : i32
          %dma_start3A_384 = tpu.memref_slice %arg7[%add3A_382, %dma_start3A_383] : memref<80x64xf32, #tpu.memory_space<vmem>> -> memref<1x64xf32, #tpu.memory_space<vmem>>
          %dma_start3A_385 = arith.constant 0 : i32
          %dma_start3A_386 = tpu.memref_slice %arg3[%squeeze3A_378, %dma_start3A_385] : memref<1000000x64xf32, #tpu.memory_space<hbm>> -> memref<1x64xf32, #tpu.memory_space<hbm>>
          %dma_start3A_387 = arith.constant 0 : i32
          %dma_start3A_388 = tpu.memref_slice %arg7[%add3A_382, %dma_start3A_387] : memref<80x64xf32, #tpu.memory_space<vmem>> -> memref<1x64xf32, #tpu.memory_space<vmem>>
          %dma_start3A_389 = arith.constant 0 : i32
          %dma_start3A_390 = tpu.memref_slice %arg3[%squeeze3A_378, %dma_start3A_389] : memref<1000000x64xf32, #tpu.memory_space<hbm>> -> memref<1x64xf32, #tpu.memory_space<hbm>>
          tpu.enqueue_dma source(%dma_start3A_390 : memref<1x64xf32, #tpu.memory_space<hbm>>) target(%dma_start3A_388 : memref<1x64xf32, #tpu.memory_space<vmem>>) target_semaphore(%arg11 : memref<!tpu.dma_semaphore, #tpu.memory_space<semaphore_mem>>)
          %slice3A_391 = vector.extract_strided_slice %get3A_182 {offsets = [15], sizes = [1], strides = [1]} : vector<16xi32> to vector<1xi32>
          %squeeze3A_392 = vector.extract %slice3A_391[0] : i32 from vector<1xi32>
          %mul3A_393 = arith.constant 16 : i32
          %mul3A_394 = arith.muli %scan3A_175, %mul3A_393 : i32
          %add3A_395 = arith.constant 15 : i32
          %add3A_396 = arith.addi %mul3A_394, %add3A_395 : i32
          %dma_start3A_397 = arith.constant 0 : i32
          %dma_start3A_398 = tpu.memref_slice %arg7[%add3A_396, %dma_start3A_397] : memref<80x64xf32, #tpu.memory_space<vmem>> -> memref<1x64xf32, #tpu.memory_space<vmem>>
          %dma_start3A_399 = arith.constant 0 : i32
          %dma_start3A_400 = tpu.memref_slice %arg3[%squeeze3A_392, %dma_start3A_399] : memref<1000000x64xf32, #tpu.memory_space<hbm>> -> memref<1x64xf32, #tpu.memory_space<hbm>>
          %dma_start3A_401 = arith.constant 0 : i32
          %dma_start3A_402 = tpu.memref_slice %arg7[%add3A_396, %dma_start3A_401] : memref<80x64xf32, #tpu.memory_space<vmem>> -> memref<1x64xf32, #tpu.memory_space<vmem>>
          %dma_start3A_403 = arith.constant 0 : i32
          %dma_start3A_404 = tpu.memref_slice %arg3[%squeeze3A_392, %dma_start3A_403] : memref<1000000x64xf32, #tpu.memory_space<hbm>> -> memref<1x64xf32, #tpu.memory_space<hbm>>
          tpu.enqueue_dma source(%dma_start3A_404 : memref<1x64xf32, #tpu.memory_space<hbm>>) target(%dma_start3A_402 : memref<1x64xf32, #tpu.memory_space<vmem>>) target_semaphore(%arg11 : memref<!tpu.dma_semaphore, #tpu.memory_space<semaphore_mem>>)
        }
        %scan3A_174 = arith.constant 5 : i32
      } else {
      }
      %mul3A_132 = arith.constant 4 : i32
      %mul3A_133 = arith.muli %mul3A_132, %scan3A_31 : i32
      %add3A_134 = arith.constant 3 : i32
      %add3A_135 = arith.addi %mul3A_133, %add3A_134 : i32
      %dma_wait3A_136 = arith.constant 0 : i32
      %dma_wait3A_137 = arith.constant 0 : i32
      %dma_wait3A_138 = tpu.memref_slice %arg3[%dma_wait3A_136, %dma_wait3A_137] : memref<1000000x64xf32, #tpu.memory_space<hbm>> -> memref<80x64xf32, #tpu.memory_space<hbm>>
      %dma_wait3A_139 = arith.constant 0 : i32
      %dma_wait3A_140 = arith.constant 0 : i32
      %dma_wait3A_141 = tpu.memref_slice %arg3[%dma_wait3A_139, %dma_wait3A_140] : memref<1000000x64xf32, #tpu.memory_space<hbm>> -> memref<80x64xf32, #tpu.memory_space<hbm>>
      tpu.wait_dma2 semaphore(%arg13 : memref<!tpu.dma_semaphore, #tpu.memory_space<semaphore_mem>>) src(%dma_wait3A_141 : memref<80x64xf32, #tpu.memory_space<hbm>>) dst(%arg9 : memref<80x64xf32, #tpu.memory_space<vmem>>)
      %scan3A_142 = arith.constant 0 : i32
      %scan3A_143 = arith.constant 0 : i32
      %scan3A_144 = arith.constant 10 : i32
      %scan3A_145 = arith.addi %scan3A_143, %scan3A_144 : i32
      %scan3A_146 = arith.constant 1 : i32
      scf.for %scan3A_167 = %scan3A_143 to %scan3A_145 step %scan3A_146  : i32 {
        %mul3A_168 = arith.constant 8 : i32
        %mul3A_169 = arith.muli %scan3A_167, %mul3A_168 : i32
        %add3A_170 = arith.constant 0 : i32
        %add3A_171 = arith.addi %mul3A_169, %add3A_170 : i32
        %get3A = arith.index_cast %add3A_171 : i32 to index
        %get3A_172 = arith.constant 0 : index
        %get3A_173 = tpu.vector_load %arg9[%get3A, %get3A_172] {strides = array<i32>} : memref<80x64xf32, #tpu.memory_space<vmem>>, vector<1x16xf32>,
        %get3A_174 = vector.shape_cast %get3A_173 : vector<1x16xf32> to vector<16xf32>
        %mul3A_175 = arith.constant 8.000000e+00 : f32
        %mul3A_176 = vector.broadcast %mul3A_175 : f32 to vector<16xf32>
        %mul3A_177 = arith.mulf %get3A_174, %mul3A_176 : vector<16xf32>
        %add3A_178 = arith.constant 0 : i32
        %add3A_179 = arith.addi %mul3A_169, %add3A_178 : i32
        %swap3A = arith.index_cast %add3A_179 : i32 to index
        %swap3A_180 = arith.constant 0 : index
        %swap3A_181 = tpu.vector_load %arg9[%swap3A, %swap3A_180] {strides = array<i32>} : memref<80x64xf32, #tpu.memory_space<vmem>>, vector<1x16xf32>,
        %swap3A_182 = vector.shape_cast %swap3A_181 : vector<1x16xf32> to vector<16xf32>
        %swap3A_183 = vector.shape_cast %mul3A_177 : vector<16xf32> to vector<1x16xf32>
        tpu.vector_store %arg9[%swap3A, %swap3A_180], %swap3A_183 {strides = array<i32>} : memref<80x64xf32, #tpu.memory_space<vmem>>, vector<1x16xf32>,
        %add3A_184 = arith.constant 0 : i32
        %add3A_185 = arith.addi %mul3A_169, %add3A_184 : i32
        %get3A_186 = arith.index_cast %add3A_185 : i32 to index
        %get3A_187 = arith.constant 16 : index
        %get3A_188 = tpu.vector_load %arg9[%get3A_186, %get3A_187] {strides = array<i32>} : memref<80x64xf32, #tpu.memory_space<vmem>>, vector<1x16xf32>,
        %get3A_189 = vector.shape_cast %get3A_188 : vector<1x16xf32> to vector<16xf32>
        %mul3A_190 = arith.constant 8.000000e+00 : f32
        %mul3A_191 = vector.broadcast %mul3A_190 : f32 to vector<16xf32>
        %mul3A_192 = arith.mulf %get3A_189, %mul3A_191 : vector<16xf32>
        %add3A_193 = arith.constant 0 : i32
        %add3A_194 = arith.addi %mul3A_169, %add3A_193 : i32
        %swap3A_195 = arith.index_cast %add3A_194 : i32 to index
        %swap3A_196 = arith.constant 16 : index
        %swap3A_197 = tpu.vector_load %arg9[%swap3A_195, %swap3A_196] {strides = array<i32>} : memref<80x64xf32, #tpu.memory_space<vmem>>, vector<1x16xf32>,
        %swap3A_198 = vector.shape_cast %swap3A_197 : vector<1x16xf32> to vector<16xf32>
        %swap3A_199 = vector.shape_cast %mul3A_192 : vector<16xf32> to vector<1x16xf32>
        tpu.vector_store %arg9[%swap3A_195, %swap3A_196], %swap3A_199 {strides = array<i32>} : memref<80x64xf32, #tpu.memory_space<vmem>>, vector<1x16xf32>,
        %add3A_200 = arith.constant 0 : i32
        %add3A_201 = arith.addi %mul3A_169, %add3A_200 : i32
        %get3A_202 = arith.index_cast %add3A_201 : i32 to index
        %get3A_203 = arith.constant 32 : index
        %get3A_204 = tpu.vector_load %arg9[%get3A_202, %get3A_203] {strides = array<i32>} : memref<80x64xf32, #tpu.memory_space<vmem>>, vector<1x16xf32>,
        %get3A_205 = vector.shape_cast %get3A_204 : vector<1x16xf32> to vector<16xf32>
        %mul3A_206 = arith.constant 8.000000e+00 : f32
        %mul3A_207 = vector.broadcast %mul3A_206 : f32 to vector<16xf32>
        %mul3A_208 = arith.mulf %get3A_205, %mul3A_207 : vector<16xf32>
        %add3A_209 = arith.constant 0 : i32
        %add3A_210 = arith.addi %mul3A_169, %add3A_209 : i32
        %swap3A_211 = arith.index_cast %add3A_210 : i32 to index
        %swap3A_212 = arith.constant 32 : index
        %swap3A_213 = tpu.vector_load %arg9[%swap3A_211, %swap3A_212] {strides = array<i32>} : memref<80x64xf32, #tpu.memory_space<vmem>>, vector<1x16xf32>,
        %swap3A_214 = vector.shape_cast %swap3A_213 : vector<1x16xf32> to vector<16xf32>
        %swap3A_215 = vector.shape_cast %mul3A_208 : vector<16xf32> to vector<1x16xf32>
        tpu.vector_store %arg9[%swap3A_211, %swap3A_212], %swap3A_215 {strides = array<i32>} : memref<80x64xf32, #tpu.memory_space<vmem>>, vector<1x16xf32>,
        %add3A_216 = arith.constant 0 : i32
        %add3A_217 = arith.addi %mul3A_169, %add3A_216 : i32
        %get3A_218 = arith.index_cast %add3A_217 : i32 to index
        %get3A_219 = arith.constant 48 : index
        %get3A_220 = tpu.vector_load %arg9[%get3A_218, %get3A_219] {strides = array<i32>} : memref<80x64xf32, #tpu.memory_space<vmem>>, vector<1x16xf32>,
        %get3A_221 = vector.shape_cast %get3A_220 : vector<1x16xf32> to vector<16xf32>
        %mul3A_222 = arith.constant 8.000000e+00 : f32
        %mul3A_223 = vector.broadcast %mul3A_222 : f32 to vector<16xf32>
        %mul3A_224 = arith.mulf %get3A_221, %mul3A_223 : vector<16xf32>
        %add3A_225 = arith.constant 0 : i32
        %add3A_226 = arith.addi %mul3A_169, %add3A_225 : i32
        %swap3A_227 = arith.index_cast %add3A_226 : i32 to index
        %swap3A_228 = arith.constant 48 : index
        %swap3A_229 = tpu.vector_load %arg9[%swap3A_227, %swap3A_228] {strides = array<i32>} : memref<80x64xf32, #tpu.memory_space<vmem>>, vector<1x16xf32>,
        %swap3A_230 = vector.shape_cast %swap3A_229 : vector<1x16xf32> to vector<16xf32>
        %swap3A_231 = vector.shape_cast %mul3A_224 : vector<16xf32> to vector<1x16xf32>
        tpu.vector_store %arg9[%swap3A_227, %swap3A_228], %swap3A_231 {strides = array<i32>} : memref<80x64xf32, #tpu.memory_space<vmem>>, vector<1x16xf32>,
        %add3A_232 = arith.constant 1 : i32
        %add3A_233 = arith.addi %mul3A_169, %add3A_232 : i32
        %get3A_234 = arith.index_cast %add3A_233 : i32 to index
        %get3A_235 = arith.constant 0 : index
        %get3A_236 = tpu.vector_load %arg9[%get3A_234, %get3A_235] {strides = array<i32>} : memref<80x64xf32, #tpu.memory_space<vmem>>, vector<1x16xf32>,
        %get3A_237 = vector.shape_cast %get3A_236 : vector<1x16xf32> to vector<16xf32>
        %mul3A_238 = arith.constant 8.000000e+00 : f32
        %mul3A_239 = vector.broadcast %mul3A_238 : f32 to vector<16xf32>
        %mul3A_240 = arith.mulf %get3A_237, %mul3A_239 : vector<16xf32>
        %add3A_241 = arith.constant 1 : i32
        %add3A_242 = arith.addi %mul3A_169, %add3A_241 : i32
        %swap3A_243 = arith.index_cast %add3A_242 : i32 to index
        %swap3A_244 = arith.constant 0 : index
        %swap3A_245 = tpu.vector_load %arg9[%swap3A_243, %swap3A_244] {strides = array<i32>} : memref<80x64xf32, #tpu.memory_space<vmem>>, vector<1x16xf32>,
        %swap3A_246 = vector.shape_cast %swap3A_245 : vector<1x16xf32> to vector<16xf32>
        %swap3A_247 = vector.shape_cast %mul3A_240 : vector<16xf32> to vector<1x16xf32>
        tpu.vector_store %arg9[%swap3A_243, %swap3A_244], %swap3A_247 {strides = array<i32>} : memref<80x64xf32, #tpu.memory_space<vmem>>, vector<1x16xf32>,
        %add3A_248 = arith.constant 1 : i32
        %add3A_249 = arith.addi %mul3A_169, %add3A_248 : i32
        %get3A_250 = arith.index_cast %add3A_249 : i32 to index
        %get3A_251 = arith.constant 16 : index
        %get3A_252 = tpu.vector_load %arg9[%get3A_250, %get3A_251] {strides = array<i32>} : memref<80x64xf32, #tpu.memory_space<vmem>>, vector<1x16xf32>,
        %get3A_253 = vector.shape_cast %get3A_252 : vector<1x16xf32> to vector<16xf32>
        %mul3A_254 = arith.constant 8.000000e+00 : f32
        %mul3A_255 = vector.broadcast %mul3A_254 : f32 to vector<16xf32>
        %mul3A_256 = arith.mulf %get3A_253, %mul3A_255 : vector<16xf32>
        %add3A_257 = arith.constant 1 : i32
        %add3A_258 = arith.addi %mul3A_169, %add3A_257 : i32
        %swap3A_259 = arith.index_cast %add3A_258 : i32 to index
        %swap3A_260 = arith.constant 16 : index
        %swap3A_261 = tpu.vector_load %arg9[%swap3A_259, %swap3A_260] {strides = array<i32>} : memref<80x64xf32, #tpu.memory_space<vmem>>, vector<1x16xf32>,
        %swap3A_262 = vector.shape_cast %swap3A_261 : vector<1x16xf32> to vector<16xf32>
        %swap3A_263 = vector.shape_cast %mul3A_256 : vector<16xf32> to vector<1x16xf32>
        tpu.vector_store %arg9[%swap3A_259, %swap3A_260], %swap3A_263 {strides = array<i32>} : memref<80x64xf32, #tpu.memory_space<vmem>>, vector<1x16xf32>,
        %add3A_264 = arith.constant 1 : i32
        %add3A_265 = arith.addi %mul3A_169, %add3A_264 : i32
        %get3A_266 = arith.index_cast %add3A_265 : i32 to index
        %get3A_267 = arith.constant 32 : index
        %get3A_268 = tpu.vector_load %arg9[%get3A_266, %get3A_267] {strides = array<i32>} : memref<80x64xf32, #tpu.memory_space<vmem>>, vector<1x16xf32>,
        %get3A_269 = vector.shape_cast %get3A_268 : vector<1x16xf32> to vector<16xf32>
        %mul3A_270 = arith.constant 8.000000e+00 : f32
        %mul3A_271 = vector.broadcast %mul3A_270 : f32 to vector<16xf32>
        %mul3A_272 = arith.mulf %get3A_269, %mul3A_271 : vector<16xf32>
        %add3A_273 = arith.constant 1 : i32
        %add3A_274 = arith.addi %mul3A_169, %add3A_273 : i32
        %swap3A_275 = arith.index_cast %add3A_274 : i32 to index
        %swap3A_276 = arith.constant 32 : index
        %swap3A_277 = tpu.vector_load %arg9[%swap3A_275, %swap3A_276] {strides = array<i32>} : memref<80x64xf32, #tpu.memory_space<vmem>>, vector<1x16xf32>,
        %swap3A_278 = vector.shape_cast %swap3A_277 : vector<1x16xf32> to vector<16xf32>
        %swap3A_279 = vector.shape_cast %mul3A_272 : vector<16xf32> to vector<1x16xf32>
        tpu.vector_store %arg9[%swap3A_275, %swap3A_276], %swap3A_279 {strides = array<i32>} : memref<80x64xf32, #tpu.memory_space<vmem>>, vector<1x16xf32>,
        %add3A_280 = arith.constant 1 : i32
        %add3A_281 = arith.addi %mul3A_169, %add3A_280 : i32
        %get3A_282 = arith.index_cast %add3A_281 : i32 to index
        %get3A_283 = arith.constant 48 : index
        %get3A_284 = tpu.vector_load %arg9[%get3A_282, %get3A_283] {strides = array<i32>} : memref<80x64xf32, #tpu.memory_space<vmem>>, vector<1x16xf32>,
        %get3A_285 = vector.shape_cast %get3A_284 : vector<1x16xf32> to vector<16xf32>
        %mul3A_286 = arith.constant 8.000000e+00 : f32
        %mul3A_287 = vector.broadcast %mul3A_286 : f32 to vector<16xf32>
        %mul3A_288 = arith.mulf %get3A_285, %mul3A_287 : vector<16xf32>
        %add3A_289 = arith.constant 1 : i32
        %add3A_290 = arith.addi %mul3A_169, %add3A_289 : i32
        %swap3A_291 = arith.index_cast %add3A_290 : i32 to index
        %swap3A_292 = arith.constant 48 : index
        %swap3A_293 = tpu.vector_load %arg9[%swap3A_291, %swap3A_292] {strides = array<i32>} : memref<80x64xf32, #tpu.memory_space<vmem>>, vector<1x16xf32>,
        %swap3A_294 = vector.shape_cast %swap3A_293 : vector<1x16xf32> to vector<16xf32>
        %swap3A_295 = vector.shape_cast %mul3A_288 : vector<16xf32> to vector<1x16xf32>
        tpu.vector_store %arg9[%swap3A_291, %swap3A_292], %swap3A_295 {strides = array<i32>} : memref<80x64xf32, #tpu.memory_space<vmem>>, vector<1x16xf32>,
        %add3A_296 = arith.constant 2 : i32
        %add3A_297 = arith.addi %mul3A_169, %add3A_296 : i32
        %get3A_298 = arith.index_cast %add3A_297 : i32 to index
        %get3A_299 = arith.constant 0 : index
        %get3A_300 = tpu.vector_load %arg9[%get3A_298, %get3A_299] {strides = array<i32>} : memref<80x64xf32, #tpu.memory_space<vmem>>, vector<1x16xf32>,
        %get3A_301 = vector.shape_cast %get3A_300 : vector<1x16xf32> to vector<16xf32>
        %mul3A_302 = arith.constant 8.000000e+00 : f32
        %mul3A_303 = vector.broadcast %mul3A_302 : f32 to vector<16xf32>
        %mul3A_304 = arith.mulf %get3A_301, %mul3A_303 : vector<16xf32>
        %add3A_305 = arith.constant 2 : i32
        %add3A_306 = arith.addi %mul3A_169, %add3A_305 : i32
        %swap3A_307 = arith.index_cast %add3A_306 : i32 to index
        %swap3A_308 = arith.constant 0 : index
        %swap3A_309 = tpu.vector_load %arg9[%swap3A_307, %swap3A_308] {strides = array<i32>} : memref<80x64xf32, #tpu.memory_space<vmem>>, vector<1x16xf32>,
        %swap3A_310 = vector.shape_cast %swap3A_309 : vector<1x16xf32> to vector<16xf32>
        %swap3A_311 = vector.shape_cast %mul3A_304 : vector<16xf32> to vector<1x16xf32>
        tpu.vector_store %arg9[%swap3A_307, %swap3A_308], %swap3A_311 {strides = array<i32>} : memref<80x64xf32, #tpu.memory_space<vmem>>, vector<1x16xf32>,
        %add3A_312 = arith.constant 2 : i32
        %add3A_313 = arith.addi %mul3A_169, %add3A_312 : i32
        %get3A_314 = arith.index_cast %add3A_313 : i32 to index
        %get3A_315 = arith.constant 16 : index
        %get3A_316 = tpu.vector_load %arg9[%get3A_314, %get3A_315] {strides = array<i32>} : memref<80x64xf32, #tpu.memory_space<vmem>>, vector<1x16xf32>,
        %get3A_317 = vector.shape_cast %get3A_316 : vector<1x16xf32> to vector<16xf32>
        %mul3A_318 = arith.constant 8.000000e+00 : f32
        %mul3A_319 = vector.broadcast %mul3A_318 : f32 to vector<16xf32>
        %mul3A_320 = arith.mulf %get3A_317, %mul3A_319 : vector<16xf32>
        %add3A_321 = arith.constant 2 : i32
        %add3A_322 = arith.addi %mul3A_169, %add3A_321 : i32
        %swap3A_323 = arith.index_cast %add3A_322 : i32 to index
        %swap3A_324 = arith.constant 16 : index
        %swap3A_325 = tpu.vector_load %arg9[%swap3A_323, %swap3A_324] {strides = array<i32>} : memref<80x64xf32, #tpu.memory_space<vmem>>, vector<1x16xf32>,
        %swap3A_326 = vector.shape_cast %swap3A_325 : vector<1x16xf32> to vector<16xf32>
        %swap3A_327 = vector.shape_cast %mul3A_320 : vector<16xf32> to vector<1x16xf32>
        tpu.vector_store %arg9[%swap3A_323, %swap3A_324], %swap3A_327 {strides = array<i32>} : memref<80x64xf32, #tpu.memory_space<vmem>>, vector<1x16xf32>,
        %add3A_328 = arith.constant 2 : i32
        %add3A_329 = arith.addi %mul3A_169, %add3A_328 : i32
        %get3A_330 = arith.index_cast %add3A_329 : i32 to index
        %get3A_331 = arith.constant 32 : index
        %get3A_332 = tpu.vector_load %arg9[%get3A_330, %get3A_331] {strides = array<i32>} : memref<80x64xf32, #tpu.memory_space<vmem>>, vector<1x16xf32>,
        %get3A_333 = vector.shape_cast %get3A_332 : vector<1x16xf32> to vector<16xf32>
        %mul3A_334 = arith.constant 8.000000e+00 : f32
        %mul3A_335 = vector.broadcast %mul3A_334 : f32 to vector<16xf32>
        %mul3A_336 = arith.mulf %get3A_333, %mul3A_335 : vector<16xf32>
        %add3A_337 = arith.constant 2 : i32
        %add3A_338 = arith.addi %mul3A_169, %add3A_337 : i32
        %swap3A_339 = arith.index_cast %add3A_338 : i32 to index
        %swap3A_340 = arith.constant 32 : index
        %swap3A_341 = tpu.vector_load %arg9[%swap3A_339, %swap3A_340] {strides = array<i32>} : memref<80x64xf32, #tpu.memory_space<vmem>>, vector<1x16xf32>,
        %swap3A_342 = vector.shape_cast %swap3A_341 : vector<1x16xf32> to vector<16xf32>
        %swap3A_343 = vector.shape_cast %mul3A_336 : vector<16xf32> to vector<1x16xf32>
        tpu.vector_store %arg9[%swap3A_339, %swap3A_340], %swap3A_343 {strides = array<i32>} : memref<80x64xf32, #tpu.memory_space<vmem>>, vector<1x16xf32>,
        %add3A_344 = arith.constant 2 : i32
        %add3A_345 = arith.addi %mul3A_169, %add3A_344 : i32
        %get3A_346 = arith.index_cast %add3A_345 : i32 to index
        %get3A_347 = arith.constant 48 : index
        %get3A_348 = tpu.vector_load %arg9[%get3A_346, %get3A_347] {strides = array<i32>} : memref<80x64xf32, #tpu.memory_space<vmem>>, vector<1x16xf32>,
        %get3A_349 = vector.shape_cast %get3A_348 : vector<1x16xf32> to vector<16xf32>
        %mul3A_350 = arith.constant 8.000000e+00 : f32
        %mul3A_351 = vector.broadcast %mul3A_350 : f32 to vector<16xf32>
        %mul3A_352 = arith.mulf %get3A_349, %mul3A_351 : vector<16xf32>
        %add3A_353 = arith.constant 2 : i32
        %add3A_354 = arith.addi %mul3A_169, %add3A_353 : i32
        %swap3A_355 = arith.index_cast %add3A_354 : i32 to index
        %swap3A_356 = arith.constant 48 : index
        %swap3A_357 = tpu.vector_load %arg9[%swap3A_355, %swap3A_356] {strides = array<i32>} : memref<80x64xf32, #tpu.memory_space<vmem>>, vector<1x16xf32>,
        %swap3A_358 = vector.shape_cast %swap3A_357 : vector<1x16xf32> to vector<16xf32>
        %swap3A_359 = vector.shape_cast %mul3A_352 : vector<16xf32> to vector<1x16xf32>
        tpu.vector_store %arg9[%swap3A_355, %swap3A_356], %swap3A_359 {strides = array<i32>} : memref<80x64xf32, #tpu.memory_space<vmem>>, vector<1x16xf32>,
        %add3A_360 = arith.constant 3 : i32
        %add3A_361 = arith.addi %mul3A_169, %add3A_360 : i32
        %get3A_362 = arith.index_cast %add3A_361 : i32 to index
        %get3A_363 = arith.constant 0 : index
        %get3A_364 = tpu.vector_load %arg9[%get3A_362, %get3A_363] {strides = array<i32>} : memref<80x64xf32, #tpu.memory_space<vmem>>, vector<1x16xf32>,
        %get3A_365 = vector.shape_cast %get3A_364 : vector<1x16xf32> to vector<16xf32>
        %mul3A_366 = arith.constant 8.000000e+00 : f32
        %mul3A_367 = vector.broadcast %mul3A_366 : f32 to vector<16xf32>
        %mul3A_368 = arith.mulf %get3A_365, %mul3A_367 : vector<16xf32>
        %add3A_369 = arith.constant 3 : i32
        %add3A_370 = arith.addi %mul3A_169, %add3A_369 : i32
        %swap3A_371 = arith.index_cast %add3A_370 : i32 to index
        %swap3A_372 = arith.constant 0 : index
        %swap3A_373 = tpu.vector_load %arg9[%swap3A_371, %swap3A_372] {strides = array<i32>} : memref<80x64xf32, #tpu.memory_space<vmem>>, vector<1x16xf32>,
        %swap3A_374 = vector.shape_cast %swap3A_373 : vector<1x16xf32> to vector<16xf32>
        %swap3A_375 = vector.shape_cast %mul3A_368 : vector<16xf32> to vector<1x16xf32>
        tpu.vector_store %arg9[%swap3A_371, %swap3A_372], %swap3A_375 {strides = array<i32>} : memref<80x64xf32, #tpu.memory_space<vmem>>, vector<1x16xf32>,
        %add3A_376 = arith.constant 3 : i32
        %add3A_377 = arith.addi %mul3A_169, %add3A_376 : i32
        %get3A_378 = arith.index_cast %add3A_377 : i32 to index
        %get3A_379 = arith.constant 16 : index
        %get3A_380 = tpu.vector_load %arg9[%get3A_378, %get3A_379] {strides = array<i32>} : memref<80x64xf32, #tpu.memory_space<vmem>>, vector<1x16xf32>,
        %get3A_381 = vector.shape_cast %get3A_380 : vector<1x16xf32> to vector<16xf32>
        %mul3A_382 = arith.constant 8.000000e+00 : f32
        %mul3A_383 = vector.broadcast %mul3A_382 : f32 to vector<16xf32>
        %mul3A_384 = arith.mulf %get3A_381, %mul3A_383 : vector<16xf32>
        %add3A_385 = arith.constant 3 : i32
        %add3A_386 = arith.addi %mul3A_169, %add3A_385 : i32
        %swap3A_387 = arith.index_cast %add3A_386 : i32 to index
        %swap3A_388 = arith.constant 16 : index
        %swap3A_389 = tpu.vector_load %arg9[%swap3A_387, %swap3A_388] {strides = array<i32>} : memref<80x64xf32, #tpu.memory_space<vmem>>, vector<1x16xf32>,
        %swap3A_390 = vector.shape_cast %swap3A_389 : vector<1x16xf32> to vector<16xf32>
        %swap3A_391 = vector.shape_cast %mul3A_384 : vector<16xf32> to vector<1x16xf32>
        tpu.vector_store %arg9[%swap3A_387, %swap3A_388], %swap3A_391 {strides = array<i32>} : memref<80x64xf32, #tpu.memory_space<vmem>>, vector<1x16xf32>,
        %add3A_392 = arith.constant 3 : i32
        %add3A_393 = arith.addi %mul3A_169, %add3A_392 : i32
        %get3A_394 = arith.index_cast %add3A_393 : i32 to index
        %get3A_395 = arith.constant 32 : index
        %get3A_396 = tpu.vector_load %arg9[%get3A_394, %get3A_395] {strides = array<i32>} : memref<80x64xf32, #tpu.memory_space<vmem>>, vector<1x16xf32>,
        %get3A_397 = vector.shape_cast %get3A_396 : vector<1x16xf32> to vector<16xf32>
        %mul3A_398 = arith.constant 8.000000e+00 : f32
        %mul3A_399 = vector.broadcast %mul3A_398 : f32 to vector<16xf32>
        %mul3A_400 = arith.mulf %get3A_397, %mul3A_399 : vector<16xf32>
        %add3A_401 = arith.constant 3 : i32
        %add3A_402 = arith.addi %mul3A_169, %add3A_401 : i32
        %swap3A_403 = arith.index_cast %add3A_402 : i32 to index
        %swap3A_404 = arith.constant 32 : index
        %swap3A_405 = tpu.vector_load %arg9[%swap3A_403, %swap3A_404] {strides = array<i32>} : memref<80x64xf32, #tpu.memory_space<vmem>>, vector<1x16xf32>,
        %swap3A_406 = vector.shape_cast %swap3A_405 : vector<1x16xf32> to vector<16xf32>
        %swap3A_407 = vector.shape_cast %mul3A_400 : vector<16xf32> to vector<1x16xf32>
        tpu.vector_store %arg9[%swap3A_403, %swap3A_404], %swap3A_407 {strides = array<i32>} : memref<80x64xf32, #tpu.memory_space<vmem>>, vector<1x16xf32>,
        %add3A_408 = arith.constant 3 : i32
        %add3A_409 = arith.addi %mul3A_169, %add3A_408 : i32
        %get3A_410 = arith.index_cast %add3A_409 : i32 to index
        %get3A_411 = arith.constant 48 : index
        %get3A_412 = tpu.vector_load %arg9[%get3A_410, %get3A_411] {strides = array<i32>} : memref<80x64xf32, #tpu.memory_space<vmem>>, vector<1x16xf32>,
        %get3A_413 = vector.shape_cast %get3A_412 : vector<1x16xf32> to vector<16xf32>
        %mul3A_414 = arith.constant 8.000000e+00 : f32
        %mul3A_415 = vector.broadcast %mul3A_414 : f32 to vector<16xf32>
        %mul3A_416 = arith.mulf %get3A_413, %mul3A_415 : vector<16xf32>
        %add3A_417 = arith.constant 3 : i32
        %add3A_418 = arith.addi %mul3A_169, %add3A_417 : i32
        %swap3A_419 = arith.index_cast %add3A_418 : i32 to index
        %swap3A_420 = arith.constant 48 : index
        %swap3A_421 = tpu.vector_load %arg9[%swap3A_419, %swap3A_420] {strides = array<i32>} : memref<80x64xf32, #tpu.memory_space<vmem>>, vector<1x16xf32>,
        %swap3A_422 = vector.shape_cast %swap3A_421 : vector<1x16xf32> to vector<16xf32>
        %swap3A_423 = vector.shape_cast %mul3A_416 : vector<16xf32> to vector<1x16xf32>
        tpu.vector_store %arg9[%swap3A_419, %swap3A_420], %swap3A_423 {strides = array<i32>} : memref<80x64xf32, #tpu.memory_space<vmem>>, vector<1x16xf32>,
        %add3A_424 = arith.constant 4 : i32
        %add3A_425 = arith.addi %mul3A_169, %add3A_424 : i32
        %get3A_426 = arith.index_cast %add3A_425 : i32 to index
        %get3A_427 = arith.constant 0 : index
        %get3A_428 = tpu.vector_load %arg9[%get3A_426, %get3A_427] {strides = array<i32>} : memref<80x64xf32, #tpu.memory_space<vmem>>, vector<1x16xf32>,
        %get3A_429 = vector.shape_cast %get3A_428 : vector<1x16xf32> to vector<16xf32>
        %mul3A_430 = arith.constant 8.000000e+00 : f32
        %mul3A_431 = vector.broadcast %mul3A_430 : f32 to vector<16xf32>
        %mul3A_432 = arith.mulf %get3A_429, %mul3A_431 : vector<16xf32>
        %add3A_433 = arith.constant 4 : i32
        %add3A_434 = arith.addi %mul3A_169, %add3A_433 : i32
        %swap3A_435 = arith.index_cast %add3A_434 : i32 to index
        %swap3A_436 = arith.constant 0 : index
        %swap3A_437 = tpu.vector_load %arg9[%swap3A_435, %swap3A_436] {strides = array<i32>} : memref<80x64xf32, #tpu.memory_space<vmem>>, vector<1x16xf32>,
        %swap3A_438 = vector.shape_cast %swap3A_437 : vector<1x16xf32> to vector<16xf32>
        %swap3A_439 = vector.shape_cast %mul3A_432 : vector<16xf32> to vector<1x16xf32>
        tpu.vector_store %arg9[%swap3A_435, %swap3A_436], %swap3A_439 {strides = array<i32>} : memref<80x64xf32, #tpu.memory_space<vmem>>, vector<1x16xf32>,
        %add3A_440 = arith.constant 4 : i32
        %add3A_441 = arith.addi %mul3A_169, %add3A_440 : i32
        %get3A_442 = arith.index_cast %add3A_441 : i32 to index
        %get3A_443 = arith.constant 16 : index
        %get3A_444 = tpu.vector_load %arg9[%get3A_442, %get3A_443] {strides = array<i32>} : memref<80x64xf32, #tpu.memory_space<vmem>>, vector<1x16xf32>,
        %get3A_445 = vector.shape_cast %get3A_444 : vector<1x16xf32> to vector<16xf32>
        %mul3A_446 = arith.constant 8.000000e+00 : f32
        %mul3A_447 = vector.broadcast %mul3A_446 : f32 to vector<16xf32>
        %mul3A_448 = arith.mulf %get3A_445, %mul3A_447 : vector<16xf32>
        %add3A_449 = arith.constant 4 : i32
        %add3A_450 = arith.addi %mul3A_169, %add3A_449 : i32
        %swap3A_451 = arith.index_cast %add3A_450 : i32 to index
        %swap3A_452 = arith.constant 16 : index
        %swap3A_453 = tpu.vector_load %arg9[%swap3A_451, %swap3A_452] {strides = array<i32>} : memref<80x64xf32, #tpu.memory_space<vmem>>, vector<1x16xf32>,
        %swap3A_454 = vector.shape_cast %swap3A_453 : vector<1x16xf32> to vector<16xf32>
        %swap3A_455 = vector.shape_cast %mul3A_448 : vector<16xf32> to vector<1x16xf32>
        tpu.vector_store %arg9[%swap3A_451, %swap3A_452], %swap3A_455 {strides = array<i32>} : memref<80x64xf32, #tpu.memory_space<vmem>>, vector<1x16xf32>,
        %add3A_456 = arith.constant 4 : i32
        %add3A_457 = arith.addi %mul3A_169, %add3A_456 : i32
        %get3A_458 = arith.index_cast %add3A_457 : i32 to index
        %get3A_459 = arith.constant 32 : index
        %get3A_460 = tpu.vector_load %arg9[%get3A_458, %get3A_459] {strides = array<i32>} : memref<80x64xf32, #tpu.memory_space<vmem>>, vector<1x16xf32>,
        %get3A_461 = vector.shape_cast %get3A_460 : vector<1x16xf32> to vector<16xf32>
        %mul3A_462 = arith.constant 8.000000e+00 : f32
        %mul3A_463 = vector.broadcast %mul3A_462 : f32 to vector<16xf32>
        %mul3A_464 = arith.mulf %get3A_461, %mul3A_463 : vector<16xf32>
        %add3A_465 = arith.constant 4 : i32
        %add3A_466 = arith.addi %mul3A_169, %add3A_465 : i32
        %swap3A_467 = arith.index_cast %add3A_466 : i32 to index
        %swap3A_468 = arith.constant 32 : index
        %swap3A_469 = tpu.vector_load %arg9[%swap3A_467, %swap3A_468] {strides = array<i32>} : memref<80x64xf32, #tpu.memory_space<vmem>>, vector<1x16xf32>,
        %swap3A_470 = vector.shape_cast %swap3A_469 : vector<1x16xf32> to vector<16xf32>
        %swap3A_471 = vector.shape_cast %mul3A_464 : vector<16xf32> to vector<1x16xf32>
        tpu.vector_store %arg9[%swap3A_467, %swap3A_468], %swap3A_471 {strides = array<i32>} : memref<80x64xf32, #tpu.memory_space<vmem>>, vector<1x16xf32>,
        %add3A_472 = arith.constant 4 : i32
        %add3A_473 = arith.addi %mul3A_169, %add3A_472 : i32
        %get3A_474 = arith.index_cast %add3A_473 : i32 to index
        %get3A_475 = arith.constant 48 : index
        %get3A_476 = tpu.vector_load %arg9[%get3A_474, %get3A_475] {strides = array<i32>} : memref<80x64xf32, #tpu.memory_space<vmem>>, vector<1x16xf32>,
        %get3A_477 = vector.shape_cast %get3A_476 : vector<1x16xf32> to vector<16xf32>
        %mul3A_478 = arith.constant 8.000000e+00 : f32
        %mul3A_479 = vector.broadcast %mul3A_478 : f32 to vector<16xf32>
        %mul3A_480 = arith.mulf %get3A_477, %mul3A_479 : vector<16xf32>
        %add3A_481 = arith.constant 4 : i32
        %add3A_482 = arith.addi %mul3A_169, %add3A_481 : i32
        %swap3A_483 = arith.index_cast %add3A_482 : i32 to index
        %swap3A_484 = arith.constant 48 : index
        %swap3A_485 = tpu.vector_load %arg9[%swap3A_483, %swap3A_484] {strides = array<i32>} : memref<80x64xf32, #tpu.memory_space<vmem>>, vector<1x16xf32>,
        %swap3A_486 = vector.shape_cast %swap3A_485 : vector<1x16xf32> to vector<16xf32>
        %swap3A_487 = vector.shape_cast %mul3A_480 : vector<16xf32> to vector<1x16xf32>
        tpu.vector_store %arg9[%swap3A_483, %swap3A_484], %swap3A_487 {strides = array<i32>} : memref<80x64xf32, #tpu.memory_space<vmem>>, vector<1x16xf32>,
        %add3A_488 = arith.constant 5 : i32
        %add3A_489 = arith.addi %mul3A_169, %add3A_488 : i32
        %get3A_490 = arith.index_cast %add3A_489 : i32 to index
        %get3A_491 = arith.constant 0 : index
        %get3A_492 = tpu.vector_load %arg9[%get3A_490, %get3A_491] {strides = array<i32>} : memref<80x64xf32, #tpu.memory_space<vmem>>, vector<1x16xf32>,
        %get3A_493 = vector.shape_cast %get3A_492 : vector<1x16xf32> to vector<16xf32>
        %mul3A_494 = arith.constant 8.000000e+00 : f32
        %mul3A_495 = vector.broadcast %mul3A_494 : f32 to vector<16xf32>
        %mul3A_496 = arith.mulf %get3A_493, %mul3A_495 : vector<16xf32>
        %add3A_497 = arith.constant 5 : i32
        %add3A_498 = arith.addi %mul3A_169, %add3A_497 : i32
        %swap3A_499 = arith.index_cast %add3A_498 : i32 to index
        %swap3A_500 = arith.constant 0 : index
        %swap3A_501 = tpu.vector_load %arg9[%swap3A_499, %swap3A_500] {strides = array<i32>} : memref<80x64xf32, #tpu.memory_space<vmem>>, vector<1x16xf32>,
        %swap3A_502 = vector.shape_cast %swap3A_501 : vector<1x16xf32> to vector<16xf32>
        %swap3A_503 = vector.shape_cast %mul3A_496 : vector<16xf32> to vector<1x16xf32>
        tpu.vector_store %arg9[%swap3A_499, %swap3A_500], %swap3A_503 {strides = array<i32>} : memref<80x64xf32, #tpu.memory_space<vmem>>, vector<1x16xf32>,
        %add3A_504 = arith.constant 5 : i32
        %add3A_505 = arith.addi %mul3A_169, %add3A_504 : i32
        %get3A_506 = arith.index_cast %add3A_505 : i32 to index
        %get3A_507 = arith.constant 16 : index
        %get3A_508 = tpu.vector_load %arg9[%get3A_506, %get3A_507] {strides = array<i32>} : memref<80x64xf32, #tpu.memory_space<vmem>>, vector<1x16xf32>,
        %get3A_509 = vector.shape_cast %get3A_508 : vector<1x16xf32> to vector<16xf32>
        %mul3A_510 = arith.constant 8.000000e+00 : f32
        %mul3A_511 = vector.broadcast %mul3A_510 : f32 to vector<16xf32>
        %mul3A_512 = arith.mulf %get3A_509, %mul3A_511 : vector<16xf32>
        %add3A_513 = arith.constant 5 : i32
        %add3A_514 = arith.addi %mul3A_169, %add3A_513 : i32
        %swap3A_515 = arith.index_cast %add3A_514 : i32 to index
        %swap3A_516 = arith.constant 16 : index
        %swap3A_517 = tpu.vector_load %arg9[%swap3A_515, %swap3A_516] {strides = array<i32>} : memref<80x64xf32, #tpu.memory_space<vmem>>, vector<1x16xf32>,
        %swap3A_518 = vector.shape_cast %swap3A_517 : vector<1x16xf32> to vector<16xf32>
        %swap3A_519 = vector.shape_cast %mul3A_512 : vector<16xf32> to vector<1x16xf32>
        tpu.vector_store %arg9[%swap3A_515, %swap3A_516], %swap3A_519 {strides = array<i32>} : memref<80x64xf32, #tpu.memory_space<vmem>>, vector<1x16xf32>,
        %add3A_520 = arith.constant 5 : i32
        %add3A_521 = arith.addi %mul3A_169, %add3A_520 : i32
        %get3A_522 = arith.index_cast %add3A_521 : i32 to index
        %get3A_523 = arith.constant 32 : index
        %get3A_524 = tpu.vector_load %arg9[%get3A_522, %get3A_523] {strides = array<i32>} : memref<80x64xf32, #tpu.memory_space<vmem>>, vector<1x16xf32>,
        %get3A_525 = vector.shape_cast %get3A_524 : vector<1x16xf32> to vector<16xf32>
        %mul3A_526 = arith.constant 8.000000e+00 : f32
        %mul3A_527 = vector.broadcast %mul3A_526 : f32 to vector<16xf32>
        %mul3A_528 = arith.mulf %get3A_525, %mul3A_527 : vector<16xf32>
        %add3A_529 = arith.constant 5 : i32
        %add3A_530 = arith.addi %mul3A_169, %add3A_529 : i32
        %swap3A_531 = arith.index_cast %add3A_530 : i32 to index
        %swap3A_532 = arith.constant 32 : index
        %swap3A_533 = tpu.vector_load %arg9[%swap3A_531, %swap3A_532] {strides = array<i32>} : memref<80x64xf32, #tpu.memory_space<vmem>>, vector<1x16xf32>,
        %swap3A_534 = vector.shape_cast %swap3A_533 : vector<1x16xf32> to vector<16xf32>
        %swap3A_535 = vector.shape_cast %mul3A_528 : vector<16xf32> to vector<1x16xf32>
        tpu.vector_store %arg9[%swap3A_531, %swap3A_532], %swap3A_535 {strides = array<i32>} : memref<80x64xf32, #tpu.memory_space<vmem>>, vector<1x16xf32>,
        %add3A_536 = arith.constant 5 : i32
        %add3A_537 = arith.addi %mul3A_169, %add3A_536 : i32
        %get3A_538 = arith.index_cast %add3A_537 : i32 to index
        %get3A_539 = arith.constant 48 : index
        %get3A_540 = tpu.vector_load %arg9[%get3A_538, %get3A_539] {strides = array<i32>} : memref<80x64xf32, #tpu.memory_space<vmem>>, vector<1x16xf32>,
        %get3A_541 = vector.shape_cast %get3A_540 : vector<1x16xf32> to vector<16xf32>
        %mul3A_542 = arith.constant 8.000000e+00 : f32
        %mul3A_543 = vector.broadcast %mul3A_542 : f32 to vector<16xf32>
        %mul3A_544 = arith.mulf %get3A_541, %mul3A_543 : vector<16xf32>
        %add3A_545 = arith.constant 5 : i32
        %add3A_546 = arith.addi %mul3A_169, %add3A_545 : i32
        %swap3A_547 = arith.index_cast %add3A_546 : i32 to index
        %swap3A_548 = arith.constant 48 : index
        %swap3A_549 = tpu.vector_load %arg9[%swap3A_547, %swap3A_548] {strides = array<i32>} : memref<80x64xf32, #tpu.memory_space<vmem>>, vector<1x16xf32>,
        %swap3A_550 = vector.shape_cast %swap3A_549 : vector<1x16xf32> to vector<16xf32>
        %swap3A_551 = vector.shape_cast %mul3A_544 : vector<16xf32> to vector<1x16xf32>
        tpu.vector_store %arg9[%swap3A_547, %swap3A_548], %swap3A_551 {strides = array<i32>} : memref<80x64xf32, #tpu.memory_space<vmem>>, vector<1x16xf32>,
        %add3A_552 = arith.constant 6 : i32
        %add3A_553 = arith.addi %mul3A_169, %add3A_552 : i32
        %get3A_554 = arith.index_cast %add3A_553 : i32 to index
        %get3A_555 = arith.constant 0 : index
        %get3A_556 = tpu.vector_load %arg9[%get3A_554, %get3A_555] {strides = array<i32>} : memref<80x64xf32, #tpu.memory_space<vmem>>, vector<1x16xf32>,
        %get3A_557 = vector.shape_cast %get3A_556 : vector<1x16xf32> to vector<16xf32>
        %mul3A_558 = arith.constant 8.000000e+00 : f32
        %mul3A_559 = vector.broadcast %mul3A_558 : f32 to vector<16xf32>
        %mul3A_560 = arith.mulf %get3A_557, %mul3A_559 : vector<16xf32>
        %add3A_561 = arith.constant 6 : i32
        %add3A_562 = arith.addi %mul3A_169, %add3A_561 : i32
        %swap3A_563 = arith.index_cast %add3A_562 : i32 to index
        %swap3A_564 = arith.constant 0 : index
        %swap3A_565 = tpu.vector_load %arg9[%swap3A_563, %swap3A_564] {strides = array<i32>} : memref<80x64xf32, #tpu.memory_space<vmem>>, vector<1x16xf32>,
        %swap3A_566 = vector.shape_cast %swap3A_565 : vector<1x16xf32> to vector<16xf32>
        %swap3A_567 = vector.shape_cast %mul3A_560 : vector<16xf32> to vector<1x16xf32>
        tpu.vector_store %arg9[%swap3A_563, %swap3A_564], %swap3A_567 {strides = array<i32>} : memref<80x64xf32, #tpu.memory_space<vmem>>, vector<1x16xf32>,
        %add3A_568 = arith.constant 6 : i32
        %add3A_569 = arith.addi %mul3A_169, %add3A_568 : i32
        %get3A_570 = arith.index_cast %add3A_569 : i32 to index
        %get3A_571 = arith.constant 16 : index
        %get3A_572 = tpu.vector_load %arg9[%get3A_570, %get3A_571] {strides = array<i32>} : memref<80x64xf32, #tpu.memory_space<vmem>>, vector<1x16xf32>,
        %get3A_573 = vector.shape_cast %get3A_572 : vector<1x16xf32> to vector<16xf32>
        %mul3A_574 = arith.constant 8.000000e+00 : f32
        %mul3A_575 = vector.broadcast %mul3A_574 : f32 to vector<16xf32>
        %mul3A_576 = arith.mulf %get3A_573, %mul3A_575 : vector<16xf32>
        %add3A_577 = arith.constant 6 : i32
        %add3A_578 = arith.addi %mul3A_169, %add3A_577 : i32
        %swap3A_579 = arith.index_cast %add3A_578 : i32 to index
        %swap3A_580 = arith.constant 16 : index
        %swap3A_581 = tpu.vector_load %arg9[%swap3A_579, %swap3A_580] {strides = array<i32>} : memref<80x64xf32, #tpu.memory_space<vmem>>, vector<1x16xf32>,
        %swap3A_582 = vector.shape_cast %swap3A_581 : vector<1x16xf32> to vector<16xf32>
        %swap3A_583 = vector.shape_cast %mul3A_576 : vector<16xf32> to vector<1x16xf32>
        tpu.vector_store %arg9[%swap3A_579, %swap3A_580], %swap3A_583 {strides = array<i32>} : memref<80x64xf32, #tpu.memory_space<vmem>>, vector<1x16xf32>,
        %add3A_584 = arith.constant 6 : i32
        %add3A_585 = arith.addi %mul3A_169, %add3A_584 : i32
        %get3A_586 = arith.index_cast %add3A_585 : i32 to index
        %get3A_587 = arith.constant 32 : index
        %get3A_588 = tpu.vector_load %arg9[%get3A_586, %get3A_587] {strides = array<i32>} : memref<80x64xf32, #tpu.memory_space<vmem>>, vector<1x16xf32>,
        %get3A_589 = vector.shape_cast %get3A_588 : vector<1x16xf32> to vector<16xf32>
        %mul3A_590 = arith.constant 8.000000e+00 : f32
        %mul3A_591 = vector.broadcast %mul3A_590 : f32 to vector<16xf32>
        %mul3A_592 = arith.mulf %get3A_589, %mul3A_591 : vector<16xf32>
        %add3A_593 = arith.constant 6 : i32
        %add3A_594 = arith.addi %mul3A_169, %add3A_593 : i32
        %swap3A_595 = arith.index_cast %add3A_594 : i32 to index
        %swap3A_596 = arith.constant 32 : index
        %swap3A_597 = tpu.vector_load %arg9[%swap3A_595, %swap3A_596] {strides = array<i32>} : memref<80x64xf32, #tpu.memory_space<vmem>>, vector<1x16xf32>,
        %swap3A_598 = vector.shape_cast %swap3A_597 : vector<1x16xf32> to vector<16xf32>
        %swap3A_599 = vector.shape_cast %mul3A_592 : vector<16xf32> to vector<1x16xf32>
        tpu.vector_store %arg9[%swap3A_595, %swap3A_596], %swap3A_599 {strides = array<i32>} : memref<80x64xf32, #tpu.memory_space<vmem>>, vector<1x16xf32>,
        %add3A_600 = arith.constant 6 : i32
        %add3A_601 = arith.addi %mul3A_169, %add3A_600 : i32
        %get3A_602 = arith.index_cast %add3A_601 : i32 to index
        %get3A_603 = arith.constant 48 : index
        %get3A_604 = tpu.vector_load %arg9[%get3A_602, %get3A_603] {strides = array<i32>} : memref<80x64xf32, #tpu.memory_space<vmem>>, vector<1x16xf32>,
        %get3A_605 = vector.shape_cast %get3A_604 : vector<1x16xf32> to vector<16xf32>
        %mul3A_606 = arith.constant 8.000000e+00 : f32
        %mul3A_607 = vector.broadcast %mul3A_606 : f32 to vector<16xf32>
        %mul3A_608 = arith.mulf %get3A_605, %mul3A_607 : vector<16xf32>
        %add3A_609 = arith.constant 6 : i32
        %add3A_610 = arith.addi %mul3A_169, %add3A_609 : i32
        %swap3A_611 = arith.index_cast %add3A_610 : i32 to index
        %swap3A_612 = arith.constant 48 : index
        %swap3A_613 = tpu.vector_load %arg9[%swap3A_611, %swap3A_612] {strides = array<i32>} : memref<80x64xf32, #tpu.memory_space<vmem>>, vector<1x16xf32>,
        %swap3A_614 = vector.shape_cast %swap3A_613 : vector<1x16xf32> to vector<16xf32>
        %swap3A_615 = vector.shape_cast %mul3A_608 : vector<16xf32> to vector<1x16xf32>
        tpu.vector_store %arg9[%swap3A_611, %swap3A_612], %swap3A_615 {strides = array<i32>} : memref<80x64xf32, #tpu.memory_space<vmem>>, vector<1x16xf32>,
        %add3A_616 = arith.constant 7 : i32
        %add3A_617 = arith.addi %mul3A_169, %add3A_616 : i32
        %get3A_618 = arith.index_cast %add3A_617 : i32 to index
        %get3A_619 = arith.constant 0 : index
        %get3A_620 = tpu.vector_load %arg9[%get3A_618, %get3A_619] {strides = array<i32>} : memref<80x64xf32, #tpu.memory_space<vmem>>, vector<1x16xf32>,
        %get3A_621 = vector.shape_cast %get3A_620 : vector<1x16xf32> to vector<16xf32>
        %mul3A_622 = arith.constant 8.000000e+00 : f32
        %mul3A_623 = vector.broadcast %mul3A_622 : f32 to vector<16xf32>
        %mul3A_624 = arith.mulf %get3A_621, %mul3A_623 : vector<16xf32>
        %add3A_625 = arith.constant 7 : i32
        %add3A_626 = arith.addi %mul3A_169, %add3A_625 : i32
        %swap3A_627 = arith.index_cast %add3A_626 : i32 to index
        %swap3A_628 = arith.constant 0 : index
        %swap3A_629 = tpu.vector_load %arg9[%swap3A_627, %swap3A_628] {strides = array<i32>} : memref<80x64xf32, #tpu.memory_space<vmem>>, vector<1x16xf32>,
        %swap3A_630 = vector.shape_cast %swap3A_629 : vector<1x16xf32> to vector<16xf32>
        %swap3A_631 = vector.shape_cast %mul3A_624 : vector<16xf32> to vector<1x16xf32>
        tpu.vector_store %arg9[%swap3A_627, %swap3A_628], %swap3A_631 {strides = array<i32>} : memref<80x64xf32, #tpu.memory_space<vmem>>, vector<1x16xf32>,
        %add3A_632 = arith.constant 7 : i32
        %add3A_633 = arith.addi %mul3A_169, %add3A_632 : i32
        %get3A_634 = arith.index_cast %add3A_633 : i32 to index
        %get3A_635 = arith.constant 16 : index
        %get3A_636 = tpu.vector_load %arg9[%get3A_634, %get3A_635] {strides = array<i32>} : memref<80x64xf32, #tpu.memory_space<vmem>>, vector<1x16xf32>,
        %get3A_637 = vector.shape_cast %get3A_636 : vector<1x16xf32> to vector<16xf32>
        %mul3A_638 = arith.constant 8.000000e+00 : f32
        %mul3A_639 = vector.broadcast %mul3A_638 : f32 to vector<16xf32>
        %mul3A_640 = arith.mulf %get3A_637, %mul3A_639 : vector<16xf32>
        %add3A_641 = arith.constant 7 : i32
        %add3A_642 = arith.addi %mul3A_169, %add3A_641 : i32
        %swap3A_643 = arith.index_cast %add3A_642 : i32 to index
        %swap3A_644 = arith.constant 16 : index
        %swap3A_645 = tpu.vector_load %arg9[%swap3A_643, %swap3A_644] {strides = array<i32>} : memref<80x64xf32, #tpu.memory_space<vmem>>, vector<1x16xf32>,
        %swap3A_646 = vector.shape_cast %swap3A_645 : vector<1x16xf32> to vector<16xf32>
        %swap3A_647 = vector.shape_cast %mul3A_640 : vector<16xf32> to vector<1x16xf32>
        tpu.vector_store %arg9[%swap3A_643, %swap3A_644], %swap3A_647 {strides = array<i32>} : memref<80x64xf32, #tpu.memory_space<vmem>>, vector<1x16xf32>,
        %add3A_648 = arith.constant 7 : i32
        %add3A_649 = arith.addi %mul3A_169, %add3A_648 : i32
        %get3A_650 = arith.index_cast %add3A_649 : i32 to index
        %get3A_651 = arith.constant 32 : index
        %get3A_652 = tpu.vector_load %arg9[%get3A_650, %get3A_651] {strides = array<i32>} : memref<80x64xf32, #tpu.memory_space<vmem>>, vector<1x16xf32>,
        %get3A_653 = vector.shape_cast %get3A_652 : vector<1x16xf32> to vector<16xf32>
        %mul3A_654 = arith.constant 8.000000e+00 : f32
        %mul3A_655 = vector.broadcast %mul3A_654 : f32 to vector<16xf32>
        %mul3A_656 = arith.mulf %get3A_653, %mul3A_655 : vector<16xf32>
        %add3A_657 = arith.constant 7 : i32
        %add3A_658 = arith.addi %mul3A_169, %add3A_657 : i32
        %swap3A_659 = arith.index_cast %add3A_658 : i32 to index
        %swap3A_660 = arith.constant 32 : index
        %swap3A_661 = tpu.vector_load %arg9[%swap3A_659, %swap3A_660] {strides = array<i32>} : memref<80x64xf32, #tpu.memory_space<vmem>>, vector<1x16xf32>,
        %swap3A_662 = vector.shape_cast %swap3A_661 : vector<1x16xf32> to vector<16xf32>
        %swap3A_663 = vector.shape_cast %mul3A_656 : vector<16xf32> to vector<1x16xf32>
        tpu.vector_store %arg9[%swap3A_659, %swap3A_660], %swap3A_663 {strides = array<i32>} : memref<80x64xf32, #tpu.memory_space<vmem>>, vector<1x16xf32>,
        %add3A_664 = arith.constant 7 : i32
        %add3A_665 = arith.addi %mul3A_169, %add3A_664 : i32
        %get3A_666 = arith.index_cast %add3A_665 : i32 to index
        %get3A_667 = arith.constant 48 : index
        %get3A_668 = tpu.vector_load %arg9[%get3A_666, %get3A_667] {strides = array<i32>} : memref<80x64xf32, #tpu.memory_space<vmem>>, vector<1x16xf32>,
        %get3A_669 = vector.shape_cast %get3A_668 : vector<1x16xf32> to vector<16xf32>
        %mul3A_670 = arith.constant 8.000000e+00 : f32
        %mul3A_671 = vector.broadcast %mul3A_670 : f32 to vector<16xf32>
        %mul3A_672 = arith.mulf %get3A_669, %mul3A_671 : vector<16xf32>
        %add3A_673 = arith.constant 7 : i32
        %add3A_674 = arith.addi %mul3A_169, %add3A_673 : i32
        %swap3A_675 = arith.index_cast %add3A_674 : i32 to index
        %swap3A_676 = arith.constant 48 : index
        %swap3A_677 = tpu.vector_load %arg9[%swap3A_675, %swap3A_676] {strides = array<i32>} : memref<80x64xf32, #tpu.memory_space<vmem>>, vector<1x16xf32>,
        %swap3A_678 = vector.shape_cast %swap3A_677 : vector<1x16xf32> to vector<16xf32>
        %swap3A_679 = vector.shape_cast %mul3A_672 : vector<16xf32> to vector<1x16xf32>
        tpu.vector_store %arg9[%swap3A_675, %swap3A_676], %swap3A_679 {strides = array<i32>} : memref<80x64xf32, #tpu.memory_space<vmem>>, vector<1x16xf32>,
      }
      %scan3A_147 = arith.constant 10 : i32
      %mul3A_148 = arith.constant 80 : i32
      %mul3A_149 = arith.muli %add3A_135, %mul3A_148 : i32
      %add3A_150 = arith.addi %mul3A_2, %mul3A_149 : i32
      %dma_start3A_151 = arith.constant 0 : i32
      %dma_start3A_152 = tpu.memref_slice %arg4[%add3A_150, %dma_start3A_151] : memref<819200x64xf32, #tpu.memory_space<hbm>> -> memref<80x64xf32, #tpu.memory_space<hbm>>
      %dma_start3A_153 = arith.constant 0 : i32
      %dma_start3A_154 = tpu.memref_slice %arg4[%add3A_150, %dma_start3A_153] : memref<819200x64xf32, #tpu.memory_space<hbm>> -> memref<80x64xf32, #tpu.memory_space<hbm>>
      tpu.enqueue_dma source(%arg9 : memref<80x64xf32, #tpu.memory_space<vmem>>) target(%dma_start3A_154 : memref<80x64xf32, #tpu.memory_space<hbm>>) target_semaphore(%arg17 : memref<!tpu.dma_semaphore, #tpu.memory_space<semaphore_mem>>)
      %ge3A_155 = arith.constant 1 : i32
      %ge3A_156 = arith.cmpi sge, %add3A_135, %ge3A_155 : i32
      %convert_element_type3A_157 = arith.extui %ge3A_156 : i1 to i32
      %cond3A_158 = arith.constant 0 : i32
      %cond3A_159 = arith.cmpi ne, %convert_element_type3A_157, %cond3A_158 : i32
      scf.if %cond3A_159 {
        %sub3A = arith.constant 1 : i32
        %sub3A_167 = arith.subi %add3A_135, %sub3A : i32
        %mul3A_168 = arith.constant 80 : i32
        %mul3A_169 = arith.muli %sub3A_167, %mul3A_168 : i32
        %add3A_170 = arith.addi %mul3A_2, %mul3A_169 : i32
        %dma_wait3A_171 = arith.constant 0 : i32
        %dma_wait3A_172 = tpu.memref_slice %arg4[%add3A_170, %dma_wait3A_171] : memref<819200x64xf32, #tpu.memory_space<hbm>> -> memref<80x64xf32, #tpu.memory_space<hbm>>
        %dma_wait3A_173 = arith.constant 0 : i32
        %dma_wait3A_174 = tpu.memref_slice %arg4[%add3A_170, %dma_wait3A_173] : memref<819200x64xf32, #tpu.memory_space<hbm>> -> memref<80x64xf32, #tpu.memory_space<hbm>>
        tpu.wait_dma2 semaphore(%arg16 : memref<!tpu.dma_semaphore, #tpu.memory_space<semaphore_mem>>) src(%arg8 : memref<80x64xf32, #tpu.memory_space<vmem>>) dst(%dma_wait3A_174 : memref<80x64xf32, #tpu.memory_space<hbm>>)
      } else {
      }
      %add3A_160 = arith.constant 3 : i32
      %add3A_161 = arith.addi %add3A_135, %add3A_160 : i32
      %lt3A_162 = arith.constant 320 : i32
      %lt3A_163 = arith.cmpi slt, %add3A_161, %lt3A_162 : i32
      %convert_element_type3A_164 = arith.extui %lt3A_163 : i1 to i32
      %cond3A_165 = arith.constant 0 : i32
      %cond3A_166 = arith.cmpi ne, %convert_element_type3A_164, %cond3A_165 : i32
      scf.if %cond3A_166 {
        %add3A_167 = arith.constant 3 : i32
        %add3A_168 = arith.addi %add3A_135, %add3A_167 : i32
        %scan3A_169 = arith.constant 0 : i32
        %scan3A_170 = arith.constant 0 : i32
        %scan3A_171 = arith.constant 5 : i32
        %scan3A_172 = arith.addi %scan3A_170, %scan3A_171 : i32
        %scan3A_173 = arith.constant 1 : i32
        scf.for %scan3A_175 = %scan3A_170 to %scan3A_172 step %scan3A_173  : i32 {
          %mul3A_176 = arith.constant 80 : i32
          %mul3A_177 = arith.muli %add3A_168, %mul3A_176 : i32
          %mul3A_178 = arith.constant 16 : i32
          %mul3A_179 = arith.muli %scan3A_175, %mul3A_178 : i32
          %add3A_180 = arith.addi %mul3A_177, %mul3A_179 : i32
          %get3A = arith.index_cast %add3A_180 : i32 to index
          %get3A_181 = tpu.vector_load %arg5[%get3A] {strides = array<i32>} : memref<25600xi32, #tpu.memory_space<vmem>>, vector<16xi32>,
          %get3A_182 = vector.shape_cast %get3A_181 : vector<16xi32> to vector<16xi32>
          %slice3A = vector.extract_strided_slice %get3A_182 {offsets = [0], sizes = [1], strides = [1]} : vector<16xi32> to vector<1xi32>
          %squeeze3A = vector.extract %slice3A[0] : i32 from vector<1xi32>
          %mul3A_183 = arith.constant 16 : i32
          %mul3A_184 = arith.muli %scan3A_175, %mul3A_183 : i32
          %add3A_185 = arith.constant 0 : i32
          %add3A_186 = arith.addi %mul3A_184, %add3A_185 : i32
          %dma_start3A_187 = arith.constant 0 : i32
          %dma_start3A_188 = tpu.memref_slice %arg8[%add3A_186, %dma_start3A_187] : memref<80x64xf32, #tpu.memory_space<vmem>> -> memref<1x64xf32, #tpu.memory_space<vmem>>
          %dma_start3A_189 = arith.constant 0 : i32
          %dma_start3A_190 = tpu.memref_slice %arg3[%squeeze3A, %dma_start3A_189] : memref<1000000x64xf32, #tpu.memory_space<hbm>> -> memref<1x64xf32, #tpu.memory_space<hbm>>
          %dma_start3A_191 = arith.constant 0 : i32
          %dma_start3A_192 = tpu.memref_slice %arg8[%add3A_186, %dma_start3A_191] : memref<80x64xf32, #tpu.memory_space<vmem>> -> memref<1x64xf32, #tpu.memory_space<vmem>>
          %dma_start3A_193 = arith.constant 0 : i32
          %dma_start3A_194 = tpu.memref_slice %arg3[%squeeze3A, %dma_start3A_193] : memref<1000000x64xf32, #tpu.memory_space<hbm>> -> memref<1x64xf32, #tpu.memory_space<hbm>>
          tpu.enqueue_dma source(%dma_start3A_194 : memref<1x64xf32, #tpu.memory_space<hbm>>) target(%dma_start3A_192 : memref<1x64xf32, #tpu.memory_space<vmem>>) target_semaphore(%arg12 : memref<!tpu.dma_semaphore, #tpu.memory_space<semaphore_mem>>)
          %slice3A_195 = vector.extract_strided_slice %get3A_182 {offsets = [1], sizes = [1], strides = [1]} : vector<16xi32> to vector<1xi32>
          %squeeze3A_196 = vector.extract %slice3A_195[0] : i32 from vector<1xi32>
          %mul3A_197 = arith.constant 16 : i32
          %mul3A_198 = arith.muli %scan3A_175, %mul3A_197 : i32
          %add3A_199 = arith.constant 1 : i32
          %add3A_200 = arith.addi %mul3A_198, %add3A_199 : i32
          %dma_start3A_201 = arith.constant 0 : i32
          %dma_start3A_202 = tpu.memref_slice %arg8[%add3A_200, %dma_start3A_201] : memref<80x64xf32, #tpu.memory_space<vmem>> -> memref<1x64xf32, #tpu.memory_space<vmem>>
          %dma_start3A_203 = arith.constant 0 : i32
          %dma_start3A_204 = tpu.memref_slice %arg3[%squeeze3A_196, %dma_start3A_203] : memref<1000000x64xf32, #tpu.memory_space<hbm>> -> memref<1x64xf32, #tpu.memory_space<hbm>>
          %dma_start3A_205 = arith.constant 0 : i32
          %dma_start3A_206 = tpu.memref_slice %arg8[%add3A_200, %dma_start3A_205] : memref<80x64xf32, #tpu.memory_space<vmem>> -> memref<1x64xf32, #tpu.memory_space<vmem>>
          %dma_start3A_207 = arith.constant 0 : i32
          %dma_start3A_208 = tpu.memref_slice %arg3[%squeeze3A_196, %dma_start3A_207] : memref<1000000x64xf32, #tpu.memory_space<hbm>> -> memref<1x64xf32, #tpu.memory_space<hbm>>
          tpu.enqueue_dma source(%dma_start3A_208 : memref<1x64xf32, #tpu.memory_space<hbm>>) target(%dma_start3A_206 : memref<1x64xf32, #tpu.memory_space<vmem>>) target_semaphore(%arg12 : memref<!tpu.dma_semaphore, #tpu.memory_space<semaphore_mem>>)
          %slice3A_209 = vector.extract_strided_slice %get3A_182 {offsets = [2], sizes = [1], strides = [1]} : vector<16xi32> to vector<1xi32>
          %squeeze3A_210 = vector.extract %slice3A_209[0] : i32 from vector<1xi32>
          %mul3A_211 = arith.constant 16 : i32
          %mul3A_212 = arith.muli %scan3A_175, %mul3A_211 : i32
          %add3A_213 = arith.constant 2 : i32
          %add3A_214 = arith.addi %mul3A_212, %add3A_213 : i32
          %dma_start3A_215 = arith.constant 0 : i32
          %dma_start3A_216 = tpu.memref_slice %arg8[%add3A_214, %dma_start3A_215] : memref<80x64xf32, #tpu.memory_space<vmem>> -> memref<1x64xf32, #tpu.memory_space<vmem>>
          %dma_start3A_217 = arith.constant 0 : i32
          %dma_start3A_218 = tpu.memref_slice %arg3[%squeeze3A_210, %dma_start3A_217] : memref<1000000x64xf32, #tpu.memory_space<hbm>> -> memref<1x64xf32, #tpu.memory_space<hbm>>
          %dma_start3A_219 = arith.constant 0 : i32
          %dma_start3A_220 = tpu.memref_slice %arg8[%add3A_214, %dma_start3A_219] : memref<80x64xf32, #tpu.memory_space<vmem>> -> memref<1x64xf32, #tpu.memory_space<vmem>>
          %dma_start3A_221 = arith.constant 0 : i32
          %dma_start3A_222 = tpu.memref_slice %arg3[%squeeze3A_210, %dma_start3A_221] : memref<1000000x64xf32, #tpu.memory_space<hbm>> -> memref<1x64xf32, #tpu.memory_space<hbm>>
          tpu.enqueue_dma source(%dma_start3A_222 : memref<1x64xf32, #tpu.memory_space<hbm>>) target(%dma_start3A_220 : memref<1x64xf32, #tpu.memory_space<vmem>>) target_semaphore(%arg12 : memref<!tpu.dma_semaphore, #tpu.memory_space<semaphore_mem>>)
          %slice3A_223 = vector.extract_strided_slice %get3A_182 {offsets = [3], sizes = [1], strides = [1]} : vector<16xi32> to vector<1xi32>
          %squeeze3A_224 = vector.extract %slice3A_223[0] : i32 from vector<1xi32>
          %mul3A_225 = arith.constant 16 : i32
          %mul3A_226 = arith.muli %scan3A_175, %mul3A_225 : i32
          %add3A_227 = arith.constant 3 : i32
          %add3A_228 = arith.addi %mul3A_226, %add3A_227 : i32
          %dma_start3A_229 = arith.constant 0 : i32
          %dma_start3A_230 = tpu.memref_slice %arg8[%add3A_228, %dma_start3A_229] : memref<80x64xf32, #tpu.memory_space<vmem>> -> memref<1x64xf32, #tpu.memory_space<vmem>>
          %dma_start3A_231 = arith.constant 0 : i32
          %dma_start3A_232 = tpu.memref_slice %arg3[%squeeze3A_224, %dma_start3A_231] : memref<1000000x64xf32, #tpu.memory_space<hbm>> -> memref<1x64xf32, #tpu.memory_space<hbm>>
          %dma_start3A_233 = arith.constant 0 : i32
          %dma_start3A_234 = tpu.memref_slice %arg8[%add3A_228, %dma_start3A_233] : memref<80x64xf32, #tpu.memory_space<vmem>> -> memref<1x64xf32, #tpu.memory_space<vmem>>
          %dma_start3A_235 = arith.constant 0 : i32
          %dma_start3A_236 = tpu.memref_slice %arg3[%squeeze3A_224, %dma_start3A_235] : memref<1000000x64xf32, #tpu.memory_space<hbm>> -> memref<1x64xf32, #tpu.memory_space<hbm>>
          tpu.enqueue_dma source(%dma_start3A_236 : memref<1x64xf32, #tpu.memory_space<hbm>>) target(%dma_start3A_234 : memref<1x64xf32, #tpu.memory_space<vmem>>) target_semaphore(%arg12 : memref<!tpu.dma_semaphore, #tpu.memory_space<semaphore_mem>>)
          %slice3A_237 = vector.extract_strided_slice %get3A_182 {offsets = [4], sizes = [1], strides = [1]} : vector<16xi32> to vector<1xi32>
          %squeeze3A_238 = vector.extract %slice3A_237[0] : i32 from vector<1xi32>
          %mul3A_239 = arith.constant 16 : i32
          %mul3A_240 = arith.muli %scan3A_175, %mul3A_239 : i32
          %add3A_241 = arith.constant 4 : i32
          %add3A_242 = arith.addi %mul3A_240, %add3A_241 : i32
          %dma_start3A_243 = arith.constant 0 : i32
          %dma_start3A_244 = tpu.memref_slice %arg8[%add3A_242, %dma_start3A_243] : memref<80x64xf32, #tpu.memory_space<vmem>> -> memref<1x64xf32, #tpu.memory_space<vmem>>
          %dma_start3A_245 = arith.constant 0 : i32
          %dma_start3A_246 = tpu.memref_slice %arg3[%squeeze3A_238, %dma_start3A_245] : memref<1000000x64xf32, #tpu.memory_space<hbm>> -> memref<1x64xf32, #tpu.memory_space<hbm>>
          %dma_start3A_247 = arith.constant 0 : i32
          %dma_start3A_248 = tpu.memref_slice %arg8[%add3A_242, %dma_start3A_247] : memref<80x64xf32, #tpu.memory_space<vmem>> -> memref<1x64xf32, #tpu.memory_space<vmem>>
          %dma_start3A_249 = arith.constant 0 : i32
          %dma_start3A_250 = tpu.memref_slice %arg3[%squeeze3A_238, %dma_start3A_249] : memref<1000000x64xf32, #tpu.memory_space<hbm>> -> memref<1x64xf32, #tpu.memory_space<hbm>>
          tpu.enqueue_dma source(%dma_start3A_250 : memref<1x64xf32, #tpu.memory_space<hbm>>) target(%dma_start3A_248 : memref<1x64xf32, #tpu.memory_space<vmem>>) target_semaphore(%arg12 : memref<!tpu.dma_semaphore, #tpu.memory_space<semaphore_mem>>)
          %slice3A_251 = vector.extract_strided_slice %get3A_182 {offsets = [5], sizes = [1], strides = [1]} : vector<16xi32> to vector<1xi32>
          %squeeze3A_252 = vector.extract %slice3A_251[0] : i32 from vector<1xi32>
          %mul3A_253 = arith.constant 16 : i32
          %mul3A_254 = arith.muli %scan3A_175, %mul3A_253 : i32
          %add3A_255 = arith.constant 5 : i32
          %add3A_256 = arith.addi %mul3A_254, %add3A_255 : i32
          %dma_start3A_257 = arith.constant 0 : i32
          %dma_start3A_258 = tpu.memref_slice %arg8[%add3A_256, %dma_start3A_257] : memref<80x64xf32, #tpu.memory_space<vmem>> -> memref<1x64xf32, #tpu.memory_space<vmem>>
          %dma_start3A_259 = arith.constant 0 : i32
          %dma_start3A_260 = tpu.memref_slice %arg3[%squeeze3A_252, %dma_start3A_259] : memref<1000000x64xf32, #tpu.memory_space<hbm>> -> memref<1x64xf32, #tpu.memory_space<hbm>>
          %dma_start3A_261 = arith.constant 0 : i32
          %dma_start3A_262 = tpu.memref_slice %arg8[%add3A_256, %dma_start3A_261] : memref<80x64xf32, #tpu.memory_space<vmem>> -> memref<1x64xf32, #tpu.memory_space<vmem>>
          %dma_start3A_263 = arith.constant 0 : i32
          %dma_start3A_264 = tpu.memref_slice %arg3[%squeeze3A_252, %dma_start3A_263] : memref<1000000x64xf32, #tpu.memory_space<hbm>> -> memref<1x64xf32, #tpu.memory_space<hbm>>
          tpu.enqueue_dma source(%dma_start3A_264 : memref<1x64xf32, #tpu.memory_space<hbm>>) target(%dma_start3A_262 : memref<1x64xf32, #tpu.memory_space<vmem>>) target_semaphore(%arg12 : memref<!tpu.dma_semaphore, #tpu.memory_space<semaphore_mem>>)
          %slice3A_265 = vector.extract_strided_slice %get3A_182 {offsets = [6], sizes = [1], strides = [1]} : vector<16xi32> to vector<1xi32>
          %squeeze3A_266 = vector.extract %slice3A_265[0] : i32 from vector<1xi32>
          %mul3A_267 = arith.constant 16 : i32
          %mul3A_268 = arith.muli %scan3A_175, %mul3A_267 : i32
          %add3A_269 = arith.constant 6 : i32
          %add3A_270 = arith.addi %mul3A_268, %add3A_269 : i32
          %dma_start3A_271 = arith.constant 0 : i32
          %dma_start3A_272 = tpu.memref_slice %arg8[%add3A_270, %dma_start3A_271] : memref<80x64xf32, #tpu.memory_space<vmem>> -> memref<1x64xf32, #tpu.memory_space<vmem>>
          %dma_start3A_273 = arith.constant 0 : i32
          %dma_start3A_274 = tpu.memref_slice %arg3[%squeeze3A_266, %dma_start3A_273] : memref<1000000x64xf32, #tpu.memory_space<hbm>> -> memref<1x64xf32, #tpu.memory_space<hbm>>
          %dma_start3A_275 = arith.constant 0 : i32
          %dma_start3A_276 = tpu.memref_slice %arg8[%add3A_270, %dma_start3A_275] : memref<80x64xf32, #tpu.memory_space<vmem>> -> memref<1x64xf32, #tpu.memory_space<vmem>>
          %dma_start3A_277 = arith.constant 0 : i32
          %dma_start3A_278 = tpu.memref_slice %arg3[%squeeze3A_266, %dma_start3A_277] : memref<1000000x64xf32, #tpu.memory_space<hbm>> -> memref<1x64xf32, #tpu.memory_space<hbm>>
          tpu.enqueue_dma source(%dma_start3A_278 : memref<1x64xf32, #tpu.memory_space<hbm>>) target(%dma_start3A_276 : memref<1x64xf32, #tpu.memory_space<vmem>>) target_semaphore(%arg12 : memref<!tpu.dma_semaphore, #tpu.memory_space<semaphore_mem>>)
          %slice3A_279 = vector.extract_strided_slice %get3A_182 {offsets = [7], sizes = [1], strides = [1]} : vector<16xi32> to vector<1xi32>
          %squeeze3A_280 = vector.extract %slice3A_279[0] : i32 from vector<1xi32>
          %mul3A_281 = arith.constant 16 : i32
          %mul3A_282 = arith.muli %scan3A_175, %mul3A_281 : i32
          %add3A_283 = arith.constant 7 : i32
          %add3A_284 = arith.addi %mul3A_282, %add3A_283 : i32
          %dma_start3A_285 = arith.constant 0 : i32
          %dma_start3A_286 = tpu.memref_slice %arg8[%add3A_284, %dma_start3A_285] : memref<80x64xf32, #tpu.memory_space<vmem>> -> memref<1x64xf32, #tpu.memory_space<vmem>>
          %dma_start3A_287 = arith.constant 0 : i32
          %dma_start3A_288 = tpu.memref_slice %arg3[%squeeze3A_280, %dma_start3A_287] : memref<1000000x64xf32, #tpu.memory_space<hbm>> -> memref<1x64xf32, #tpu.memory_space<hbm>>
          %dma_start3A_289 = arith.constant 0 : i32
          %dma_start3A_290 = tpu.memref_slice %arg8[%add3A_284, %dma_start3A_289] : memref<80x64xf32, #tpu.memory_space<vmem>> -> memref<1x64xf32, #tpu.memory_space<vmem>>
          %dma_start3A_291 = arith.constant 0 : i32
          %dma_start3A_292 = tpu.memref_slice %arg3[%squeeze3A_280, %dma_start3A_291] : memref<1000000x64xf32, #tpu.memory_space<hbm>> -> memref<1x64xf32, #tpu.memory_space<hbm>>
          tpu.enqueue_dma source(%dma_start3A_292 : memref<1x64xf32, #tpu.memory_space<hbm>>) target(%dma_start3A_290 : memref<1x64xf32, #tpu.memory_space<vmem>>) target_semaphore(%arg12 : memref<!tpu.dma_semaphore, #tpu.memory_space<semaphore_mem>>)
          %slice3A_293 = vector.extract_strided_slice %get3A_182 {offsets = [8], sizes = [1], strides = [1]} : vector<16xi32> to vector<1xi32>
          %squeeze3A_294 = vector.extract %slice3A_293[0] : i32 from vector<1xi32>
          %mul3A_295 = arith.constant 16 : i32
          %mul3A_296 = arith.muli %scan3A_175, %mul3A_295 : i32
          %add3A_297 = arith.constant 8 : i32
          %add3A_298 = arith.addi %mul3A_296, %add3A_297 : i32
          %dma_start3A_299 = arith.constant 0 : i32
          %dma_start3A_300 = tpu.memref_slice %arg8[%add3A_298, %dma_start3A_299] : memref<80x64xf32, #tpu.memory_space<vmem>> -> memref<1x64xf32, #tpu.memory_space<vmem>>
          %dma_start3A_301 = arith.constant 0 : i32
          %dma_start3A_302 = tpu.memref_slice %arg3[%squeeze3A_294, %dma_start3A_301] : memref<1000000x64xf32, #tpu.memory_space<hbm>> -> memref<1x64xf32, #tpu.memory_space<hbm>>
          %dma_start3A_303 = arith.constant 0 : i32
          %dma_start3A_304 = tpu.memref_slice %arg8[%add3A_298, %dma_start3A_303] : memref<80x64xf32, #tpu.memory_space<vmem>> -> memref<1x64xf32, #tpu.memory_space<vmem>>
          %dma_start3A_305 = arith.constant 0 : i32
          %dma_start3A_306 = tpu.memref_slice %arg3[%squeeze3A_294, %dma_start3A_305] : memref<1000000x64xf32, #tpu.memory_space<hbm>> -> memref<1x64xf32, #tpu.memory_space<hbm>>
          tpu.enqueue_dma source(%dma_start3A_306 : memref<1x64xf32, #tpu.memory_space<hbm>>) target(%dma_start3A_304 : memref<1x64xf32, #tpu.memory_space<vmem>>) target_semaphore(%arg12 : memref<!tpu.dma_semaphore, #tpu.memory_space<semaphore_mem>>)
          %slice3A_307 = vector.extract_strided_slice %get3A_182 {offsets = [9], sizes = [1], strides = [1]} : vector<16xi32> to vector<1xi32>
          %squeeze3A_308 = vector.extract %slice3A_307[0] : i32 from vector<1xi32>
          %mul3A_309 = arith.constant 16 : i32
          %mul3A_310 = arith.muli %scan3A_175, %mul3A_309 : i32
          %add3A_311 = arith.constant 9 : i32
          %add3A_312 = arith.addi %mul3A_310, %add3A_311 : i32
          %dma_start3A_313 = arith.constant 0 : i32
          %dma_start3A_314 = tpu.memref_slice %arg8[%add3A_312, %dma_start3A_313] : memref<80x64xf32, #tpu.memory_space<vmem>> -> memref<1x64xf32, #tpu.memory_space<vmem>>
          %dma_start3A_315 = arith.constant 0 : i32
          %dma_start3A_316 = tpu.memref_slice %arg3[%squeeze3A_308, %dma_start3A_315] : memref<1000000x64xf32, #tpu.memory_space<hbm>> -> memref<1x64xf32, #tpu.memory_space<hbm>>
          %dma_start3A_317 = arith.constant 0 : i32
          %dma_start3A_318 = tpu.memref_slice %arg8[%add3A_312, %dma_start3A_317] : memref<80x64xf32, #tpu.memory_space<vmem>> -> memref<1x64xf32, #tpu.memory_space<vmem>>
          %dma_start3A_319 = arith.constant 0 : i32
          %dma_start3A_320 = tpu.memref_slice %arg3[%squeeze3A_308, %dma_start3A_319] : memref<1000000x64xf32, #tpu.memory_space<hbm>> -> memref<1x64xf32, #tpu.memory_space<hbm>>
          tpu.enqueue_dma source(%dma_start3A_320 : memref<1x64xf32, #tpu.memory_space<hbm>>) target(%dma_start3A_318 : memref<1x64xf32, #tpu.memory_space<vmem>>) target_semaphore(%arg12 : memref<!tpu.dma_semaphore, #tpu.memory_space<semaphore_mem>>)
          %slice3A_321 = vector.extract_strided_slice %get3A_182 {offsets = [10], sizes = [1], strides = [1]} : vector<16xi32> to vector<1xi32>
          %squeeze3A_322 = vector.extract %slice3A_321[0] : i32 from vector<1xi32>
          %mul3A_323 = arith.constant 16 : i32
          %mul3A_324 = arith.muli %scan3A_175, %mul3A_323 : i32
          %add3A_325 = arith.constant 10 : i32
          %add3A_326 = arith.addi %mul3A_324, %add3A_325 : i32
          %dma_start3A_327 = arith.constant 0 : i32
          %dma_start3A_328 = tpu.memref_slice %arg8[%add3A_326, %dma_start3A_327] : memref<80x64xf32, #tpu.memory_space<vmem>> -> memref<1x64xf32, #tpu.memory_space<vmem>>
          %dma_start3A_329 = arith.constant 0 : i32
          %dma_start3A_330 = tpu.memref_slice %arg3[%squeeze3A_322, %dma_start3A_329] : memref<1000000x64xf32, #tpu.memory_space<hbm>> -> memref<1x64xf32, #tpu.memory_space<hbm>>
          %dma_start3A_331 = arith.constant 0 : i32
          %dma_start3A_332 = tpu.memref_slice %arg8[%add3A_326, %dma_start3A_331] : memref<80x64xf32, #tpu.memory_space<vmem>> -> memref<1x64xf32, #tpu.memory_space<vmem>>
          %dma_start3A_333 = arith.constant 0 : i32
          %dma_start3A_334 = tpu.memref_slice %arg3[%squeeze3A_322, %dma_start3A_333] : memref<1000000x64xf32, #tpu.memory_space<hbm>> -> memref<1x64xf32, #tpu.memory_space<hbm>>
          tpu.enqueue_dma source(%dma_start3A_334 : memref<1x64xf32, #tpu.memory_space<hbm>>) target(%dma_start3A_332 : memref<1x64xf32, #tpu.memory_space<vmem>>) target_semaphore(%arg12 : memref<!tpu.dma_semaphore, #tpu.memory_space<semaphore_mem>>)
          %slice3A_335 = vector.extract_strided_slice %get3A_182 {offsets = [11], sizes = [1], strides = [1]} : vector<16xi32> to vector<1xi32>
          %squeeze3A_336 = vector.extract %slice3A_335[0] : i32 from vector<1xi32>
          %mul3A_337 = arith.constant 16 : i32
          %mul3A_338 = arith.muli %scan3A_175, %mul3A_337 : i32
          %add3A_339 = arith.constant 11 : i32
          %add3A_340 = arith.addi %mul3A_338, %add3A_339 : i32
          %dma_start3A_341 = arith.constant 0 : i32
          %dma_start3A_342 = tpu.memref_slice %arg8[%add3A_340, %dma_start3A_341] : memref<80x64xf32, #tpu.memory_space<vmem>> -> memref<1x64xf32, #tpu.memory_space<vmem>>
          %dma_start3A_343 = arith.constant 0 : i32
          %dma_start3A_344 = tpu.memref_slice %arg3[%squeeze3A_336, %dma_start3A_343] : memref<1000000x64xf32, #tpu.memory_space<hbm>> -> memref<1x64xf32, #tpu.memory_space<hbm>>
          %dma_start3A_345 = arith.constant 0 : i32
          %dma_start3A_346 = tpu.memref_slice %arg8[%add3A_340, %dma_start3A_345] : memref<80x64xf32, #tpu.memory_space<vmem>> -> memref<1x64xf32, #tpu.memory_space<vmem>>
          %dma_start3A_347 = arith.constant 0 : i32
          %dma_start3A_348 = tpu.memref_slice %arg3[%squeeze3A_336, %dma_start3A_347] : memref<1000000x64xf32, #tpu.memory_space<hbm>> -> memref<1x64xf32, #tpu.memory_space<hbm>>
          tpu.enqueue_dma source(%dma_start3A_348 : memref<1x64xf32, #tpu.memory_space<hbm>>) target(%dma_start3A_346 : memref<1x64xf32, #tpu.memory_space<vmem>>) target_semaphore(%arg12 : memref<!tpu.dma_semaphore, #tpu.memory_space<semaphore_mem>>)
          %slice3A_349 = vector.extract_strided_slice %get3A_182 {offsets = [12], sizes = [1], strides = [1]} : vector<16xi32> to vector<1xi32>
          %squeeze3A_350 = vector.extract %slice3A_349[0] : i32 from vector<1xi32>
          %mul3A_351 = arith.constant 16 : i32
          %mul3A_352 = arith.muli %scan3A_175, %mul3A_351 : i32
          %add3A_353 = arith.constant 12 : i32
          %add3A_354 = arith.addi %mul3A_352, %add3A_353 : i32
          %dma_start3A_355 = arith.constant 0 : i32
          %dma_start3A_356 = tpu.memref_slice %arg8[%add3A_354, %dma_start3A_355] : memref<80x64xf32, #tpu.memory_space<vmem>> -> memref<1x64xf32, #tpu.memory_space<vmem>>
          %dma_start3A_357 = arith.constant 0 : i32
          %dma_start3A_358 = tpu.memref_slice %arg3[%squeeze3A_350, %dma_start3A_357] : memref<1000000x64xf32, #tpu.memory_space<hbm>> -> memref<1x64xf32, #tpu.memory_space<hbm>>
          %dma_start3A_359 = arith.constant 0 : i32
          %dma_start3A_360 = tpu.memref_slice %arg8[%add3A_354, %dma_start3A_359] : memref<80x64xf32, #tpu.memory_space<vmem>> -> memref<1x64xf32, #tpu.memory_space<vmem>>
          %dma_start3A_361 = arith.constant 0 : i32
          %dma_start3A_362 = tpu.memref_slice %arg3[%squeeze3A_350, %dma_start3A_361] : memref<1000000x64xf32, #tpu.memory_space<hbm>> -> memref<1x64xf32, #tpu.memory_space<hbm>>
          tpu.enqueue_dma source(%dma_start3A_362 : memref<1x64xf32, #tpu.memory_space<hbm>>) target(%dma_start3A_360 : memref<1x64xf32, #tpu.memory_space<vmem>>) target_semaphore(%arg12 : memref<!tpu.dma_semaphore, #tpu.memory_space<semaphore_mem>>)
          %slice3A_363 = vector.extract_strided_slice %get3A_182 {offsets = [13], sizes = [1], strides = [1]} : vector<16xi32> to vector<1xi32>
          %squeeze3A_364 = vector.extract %slice3A_363[0] : i32 from vector<1xi32>
          %mul3A_365 = arith.constant 16 : i32
          %mul3A_366 = arith.muli %scan3A_175, %mul3A_365 : i32
          %add3A_367 = arith.constant 13 : i32
          %add3A_368 = arith.addi %mul3A_366, %add3A_367 : i32
          %dma_start3A_369 = arith.constant 0 : i32
          %dma_start3A_370 = tpu.memref_slice %arg8[%add3A_368, %dma_start3A_369] : memref<80x64xf32, #tpu.memory_space<vmem>> -> memref<1x64xf32, #tpu.memory_space<vmem>>
          %dma_start3A_371 = arith.constant 0 : i32
          %dma_start3A_372 = tpu.memref_slice %arg3[%squeeze3A_364, %dma_start3A_371] : memref<1000000x64xf32, #tpu.memory_space<hbm>> -> memref<1x64xf32, #tpu.memory_space<hbm>>
          %dma_start3A_373 = arith.constant 0 : i32
          %dma_start3A_374 = tpu.memref_slice %arg8[%add3A_368, %dma_start3A_373] : memref<80x64xf32, #tpu.memory_space<vmem>> -> memref<1x64xf32, #tpu.memory_space<vmem>>
          %dma_start3A_375 = arith.constant 0 : i32
          %dma_start3A_376 = tpu.memref_slice %arg3[%squeeze3A_364, %dma_start3A_375] : memref<1000000x64xf32, #tpu.memory_space<hbm>> -> memref<1x64xf32, #tpu.memory_space<hbm>>
          tpu.enqueue_dma source(%dma_start3A_376 : memref<1x64xf32, #tpu.memory_space<hbm>>) target(%dma_start3A_374 : memref<1x64xf32, #tpu.memory_space<vmem>>) target_semaphore(%arg12 : memref<!tpu.dma_semaphore, #tpu.memory_space<semaphore_mem>>)
          %slice3A_377 = vector.extract_strided_slice %get3A_182 {offsets = [14], sizes = [1], strides = [1]} : vector<16xi32> to vector<1xi32>
          %squeeze3A_378 = vector.extract %slice3A_377[0] : i32 from vector<1xi32>
          %mul3A_379 = arith.constant 16 : i32
          %mul3A_380 = arith.muli %scan3A_175, %mul3A_379 : i32
          %add3A_381 = arith.constant 14 : i32
          %add3A_382 = arith.addi %mul3A_380, %add3A_381 : i32
          %dma_start3A_383 = arith.constant 0 : i32
          %dma_start3A_384 = tpu.memref_slice %arg8[%add3A_382, %dma_start3A_383] : memref<80x64xf32, #tpu.memory_space<vmem>> -> memref<1x64xf32, #tpu.memory_space<vmem>>
          %dma_start3A_385 = arith.constant 0 : i32
          %dma_start3A_386 = tpu.memref_slice %arg3[%squeeze3A_378, %dma_start3A_385] : memref<1000000x64xf32, #tpu.memory_space<hbm>> -> memref<1x64xf32, #tpu.memory_space<hbm>>
          %dma_start3A_387 = arith.constant 0 : i32
          %dma_start3A_388 = tpu.memref_slice %arg8[%add3A_382, %dma_start3A_387] : memref<80x64xf32, #tpu.memory_space<vmem>> -> memref<1x64xf32, #tpu.memory_space<vmem>>
          %dma_start3A_389 = arith.constant 0 : i32
          %dma_start3A_390 = tpu.memref_slice %arg3[%squeeze3A_378, %dma_start3A_389] : memref<1000000x64xf32, #tpu.memory_space<hbm>> -> memref<1x64xf32, #tpu.memory_space<hbm>>
          tpu.enqueue_dma source(%dma_start3A_390 : memref<1x64xf32, #tpu.memory_space<hbm>>) target(%dma_start3A_388 : memref<1x64xf32, #tpu.memory_space<vmem>>) target_semaphore(%arg12 : memref<!tpu.dma_semaphore, #tpu.memory_space<semaphore_mem>>)
          %slice3A_391 = vector.extract_strided_slice %get3A_182 {offsets = [15], sizes = [1], strides = [1]} : vector<16xi32> to vector<1xi32>
          %squeeze3A_392 = vector.extract %slice3A_391[0] : i32 from vector<1xi32>
          %mul3A_393 = arith.constant 16 : i32
          %mul3A_394 = arith.muli %scan3A_175, %mul3A_393 : i32
          %add3A_395 = arith.constant 15 : i32
          %add3A_396 = arith.addi %mul3A_394, %add3A_395 : i32
          %dma_start3A_397 = arith.constant 0 : i32
          %dma_start3A_398 = tpu.memref_slice %arg8[%add3A_396, %dma_start3A_397] : memref<80x64xf32, #tpu.memory_space<vmem>> -> memref<1x64xf32, #tpu.memory_space<vmem>>
          %dma_start3A_399 = arith.constant 0 : i32
          %dma_start3A_400 = tpu.memref_slice %arg3[%squeeze3A_392, %dma_start3A_399] : memref<1000000x64xf32, #tpu.memory_space<hbm>> -> memref<1x64xf32, #tpu.memory_space<hbm>>
          %dma_start3A_401 = arith.constant 0 : i32
          %dma_start3A_402 = tpu.memref_slice %arg8[%add3A_396, %dma_start3A_401] : memref<80x64xf32, #tpu.memory_space<vmem>> -> memref<1x64xf32, #tpu.memory_space<vmem>>
          %dma_start3A_403 = arith.constant 0 : i32
          %dma_start3A_404 = tpu.memref_slice %arg3[%squeeze3A_392, %dma_start3A_403] : memref<1000000x64xf32, #tpu.memory_space<hbm>> -> memref<1x64xf32, #tpu.memory_space<hbm>>
          tpu.enqueue_dma source(%dma_start3A_404 : memref<1x64xf32, #tpu.memory_space<hbm>>) target(%dma_start3A_402 : memref<1x64xf32, #tpu.memory_space<vmem>>) target_semaphore(%arg12 : memref<!tpu.dma_semaphore, #tpu.memory_space<semaphore_mem>>)
        }
        %scan3A_174 = arith.constant 5 : i32
      } else {
      }
    }
    %scan3A_25 = arith.constant 80 : i32
    %add3A_26 = arith.constant 25520 : i32
    %add3A_27 = arith.addi %mul3A_2, %add3A_26 : i32
    %dma_wait3A = arith.constant 0 : i32
    %dma_wait3A_28 = tpu.memref_slice %arg4[%add3A_27, %dma_wait3A] : memref<819200x64xf32, #tpu.memory_space<hbm>> -> memref<80x64xf32, #tpu.memory_space<hbm>>
    %dma_wait3A_29 = arith.constant 0 : i32
    %dma_wait3A_30 = tpu.memref_slice %arg4[%add3A_27, %dma_wait3A_29] : memref<819200x64xf32, #tpu.memory_space<hbm>> -> memref<80x64xf32, #tpu.memory_space<hbm>>
    tpu.wait_dma2 semaphore(%arg17 : memref<!tpu.dma_semaphore, #tpu.memory_space<semaphore_mem>>) src(%arg9 : memref<80x64xf32, #tpu.memory_space<vmem>>) dst(%dma_wait3A_30 : memref<80x64xf32, #tpu.memory_space<hbm>>)
    return
  }
}

</mosaic_0001>

<sc_bundles>
// kernel: _emb_call.3.cloned.1.call-start
scs
__scs_entry_jumppad:
0x0: {  	(pc) =	sbr.rel $0x88, $3  }
0x1: {  	(tag) =	ssettag $0x0;
	lr =	simm.s32 $0x1  }
0x2: {  	[smem:$0x3F9F] =	sst lr;
	_ =	strace $0xD0000000  }
0x3: {  	_ = 	snop  }
0x4: {  	_ = 	snop  }
0x5: {  	_ = 	snop  }
0x6: {  	_ = 	snop  }
0x7: {  	_ = 	snop  }
__scs_overlays_trampoline_lowered:
0x8: {  	[smem:$0x3FAE] =	sst s0  }
0x9: {  	[smem:$0x3FAF] =	sst s1  }
0xa: {  	[smem:$0x3FB0] =	sst s2  }
0xb: {  	[smem:$0x3FB1] =	sst s3  }
0xc: {  	[smem:$0x3FB2] =	sst s4  }
0xd: {  	[smem:$0x3FB3] =	sst s5  }
0xe: {  	[smem:$0x3FB4] =	sst s6  }
0xf: {  	[smem:$0x3FB5] =	sst s7  }
0x10: {  	[smem:$0x3FB6] =	sst s8  }
0x11: {  	[smem:$0x3FB7] =	sst s9;
	s0 =	simm.s32 @!p0 $0x0  }
0x12: {  	s1 =	sld [smem:$0x3F9D];
	s0 =	simm.s32 @p0 $0x1  }
0x13: {  	[smem:$0x3FB8] =	sst s0;
	s0 =	simm.s32 @!p1 $0x0  }
0x14: {  	s2 =	sld [smem:$0x3F9C];
	s0 =	simm.s32 @p1 $0x1  }
0x15: {  	[smem:$0x3FB9] =	sst s0;
	s0 =	simm.s32 @!p2 $0x0  }
0x16: {  	s3 =	sld [smem:$0x3FDB];
	s0 =	simm.s32 @p2 $0x1  }
0x17: {  	s4 =	simm.s32 $0x1BF5;
	[smem:$0x3FBB] =	sst s0  }
0x18: {  	s0 =	sld [smem:$0x3F9E];
	_ =	swait.ge [sflag:s4], $0x0  }
0x19: {  	s7 =	sld [smem:$0x3F9F]  }
0x1a: {  	s8 =	sadd.s32 $0xFFFFE003, lr  }
0x1b: {  	s9 =	sadd.s32 $0xFFFFFEF7, lr;
	s5 =	simm.s32 $0xFFFFFFFF;
	p2 =	slt.u32 s8, $0xFFFFF086  }
0x1c: {  	p1 =	slt.u32 s9, $0xF7A;
	s5 =	simm.s32 @!p2 $0x0  }
0x1d: {  	s5 =	simm.s32 @p1 $0x1;
	p0 =	seq.s32 s7, s2  }
0x1e: {  	s7 =	smul.u32 @!p0 $0xF7A, s2;
	p2 =	seq.s32 @!p0 s5, $0x0  }
0x1f: {  	s9 =	smul.u32 $0xF7A, s1;
	s8 =	simm.s32 @!p0 $0x1BF5;
	p2 =	por !p2, p0  }
0x20: {  	[sflag:s8] =	ssyncset.s32 @!p0 $0xFFFFF086;
	s6 =	sadd.s32 @!p0 s3, s7;
	s7 =	simm.s32 @!p0 $0x108  }
0x21: {  	s3 =	sadd.s32 s3, s9;
	s6 =	sadd.s32 @!p0 $0x88, s6;
	s7 =	simm.s32 @p2 $0x1082  }
0x22: {  	[simem:s7], [sflag:s8] =	dma.local @!p0 [hbm:s6], $0xF7A  }
0x23: {  	s9 =	sor.u32 $0xD0000000, s2;
	s6 =	simm.s32 $0x108;
	_ =	swait.ge @!p0 [sflag:s8], $0x0  }
0x24: {  	s3 =	sadd.s32 $0x88, s3;
	s6 =	simm.s32 @!p1 $0x1082;
	[sflag:s4] =	ssyncset.s32 $0xFFFFF086  }
0x25: {  	[simem:s6], [sflag:s4] =	dma.local [hbm:s3], $0xF7A  }
0x26: {  	[smem:$0x3F9F] =	sst s1;
	(tag) =	ssettag s2;
	_ =	strace s9  }
0x27: {  	s1 =	sld [smem:$0x3FAF]  }
0x28: {  	s2 =	sld [smem:$0x3FB0]  }
0x29: {  	s4 =	sld [smem:$0x3FB2]  }
0x2a: {  	p0 =	seq.s32 s5, $0x0;
	s5 =	sld [smem:$0x3FB3]  }
0x2b: {  	s6 =	sld [smem:$0x3FB4]  }
0x2c: {  	s7 =	sld [smem:$0x3FB5]  }
0x2d: {  	s3 =	simm.s32 $0x108;
	s8 =	sld [smem:$0x3FB6]  }
0x2e: {  	s3 =	simm.s32 @!p0 $0x1082;
	s9 =	sld [smem:$0x3FB7]  }
0x2f: {  	lr =	sadd.s32 s0, s3;
	s0 =	sld [smem:$0x3FAE]  }
0x30: {  	s3 =	sld [smem:$0x3FB1]  }
0x31: {  	[smem:$0x3FBA] =	sst s10  }
0x32: {  	s10 =	sld [smem:$0x3FB8];
	_ =	sdelay $0x3  }
0x33: {  	p0 =	seq.s32 s10, $0x1;
	s10 =	sld [smem:$0x3FBA];
	_ =	sdelay $0x3  }
0x34: {  	[smem:$0x3FBA] =	sst s10  }
0x35: {  	s10 =	sld [smem:$0x3FB9];
	_ =	sdelay $0x3  }
0x36: {  	p1 =	seq.s32 s10, $0x1;
	s10 =	sld [smem:$0x3FBA];
	_ =	sdelay $0x3  }
0x37: {  	[smem:$0x3FBA] =	sst s10  }
0x38: {  	s10 =	sld [smem:$0x3FBB]  }
0x39: {  	_ = 	snop;
	(pc) =	sbr.ind lr, $3  }
0x3a: {  	_ = 	snop  }
0x3b: {  	_ = 	snop  }
0x3c: {  	p2 =	seq.s32 s10, $0x1;
	s10 =	sld [smem:$0x3FBA]  }
0x3d: {  	_ =	shalt  }
0x3e: {  	_ =	shalt  }
0x3f: {  	_ =	shalt  }
0x40: {  	_ =	shalt  }
0x41: {  	_ =	shalt  }
0x42: {  	_ =	shalt  }
0x43: {  	_ =	shalt  }
0x44: {  	_ =	shalt  }
0x45: {  	_ =	shalt  }
0x46: {  	_ =	shalt  }
0x47: {  	_ =	shalt  }
0x48: {  	_ =	shalt  }
0x49: {  	_ =	shalt  }
0x4a: {  	_ =	shalt  }
0x4b: {  	_ =	shalt  }
0x4c: {  	_ =	shalt  }
0x4d: {  	_ =	shalt  }
0x4e: {  	_ =	shalt  }
0x4f: {  	_ =	shalt  }
0x50: {  	_ =	shalt  }
0x51: {  	_ =	shalt  }
0x52: {  	_ =	shalt  }
0x53: {  	_ =	shalt  }
0x54: {  	_ =	shalt  }
0x55: {  	_ =	shalt  }
0x56: {  	_ =	shalt  }
0x57: {  	_ =	shalt  }
0x58: {  	_ =	shalt  }
0x59: {  	_ =	shalt  }
0x5a: {  	_ =	shalt  }
0x5b: {  	_ =	shalt  }
0x5c: {  	_ =	shalt  }
0x5d: {  	_ =	shalt  }
0x5e: {  	_ =	shalt  }
0x5f: {  	_ =	shalt  }
0x60: {  	_ =	shalt  }
0x61: {  	_ =	shalt  }
0x62: {  	_ =	shalt  }
0x63: {  	_ =	shalt  }
0x64: {  	_ =	shalt  }
0x65: {  	_ =	shalt  }
0x66: {  	_ =	shalt  }
0x67: {  	_ =	shalt  }
0x68: {  	_ =	shalt  }
0x69: {  	_ =	shalt  }
0x6a: {  	_ =	shalt  }
0x6b: {  	_ =	shalt  }
0x6c: {  	_ =	shalt  }
0x6d: {  	_ =	shalt  }
0x6e: {  	_ =	shalt  }
0x6f: {  	_ =	shalt  }
0x70: {  	_ =	shalt  }
0x71: {  	_ =	shalt  }
0x72: {  	_ =	shalt  }
0x73: {  	_ =	shalt  }
0x74: {  	_ =	shalt  }
0x75: {  	_ =	shalt  }
0x76: {  	_ =	shalt  }
0x77: {  	_ =	shalt  }
0x78: {  	_ =	shalt  }
0x79: {  	_ =	shalt  }
0x7a: {  	_ =	shalt  }
0x7b: {  	_ =	shalt  }
0x7c: {  	_ =	shalt  }
0x7d: {  	_ =	shalt  }
0x7e: {  	_ =	shalt  }
0x7f: {  	_ =	shalt  }
0x80: {  	_ =	shalt  }
0x81: {  	_ =	shalt  }
0x82: {  	_ =	shalt  }
0x83: {  	_ =	shalt  }
0x84: {  	_ =	shalt  }
0x85: {  	_ =	shalt  }
0x86: {  	_ =	shalt  }
0x87: {  	_ =	shalt  }
.Lfunc_end0:
.L_simem_size_0:
called_computation_lowered:
.L_overlay_start_0:
0x88: {  	s2 =	sld [smem:$0x3FD9]  }
0x89: {  	s3 =	sld [smem:$0x3FFE];
	_ =	sdelay $0x1  }
0x8a: {  	s1 =	srdreg.scid  }
0x8b: {  	s0 =	sand.u32 $0x1, s1  }
0x8c: {  	s17 =	sshll.u32 s0, $0xA;
	s2 =	sadd.s32 s3, s2  }
0x8d: {  	s2 =	sadd.s32 s2, s17  }
0x8e: {  	[smem:$0x3FC6] =	sst s2  }
0x8f: {  	_ = 	snop  }
0x90: {  	s2 =	sld [smem:$0x3FC8];
	(tm) =	ssettm $0x1  }
0x91: {  	s18 =	sld [smem:$0x3FFB];
	_ =	sdelay $0x3  }
0x92: {  	_ =	strace s18  }
0x93: {  	s3 =	sld [smem:$0x3FFC];
	_ =	sdelay $0x3  }
0x94: {  	_ =	strace s3  }
0x95: {  	s3 =	sld [smem:$0x3FFD];
	_ =	sdelay $0x3  }
0x96: {  	_ =	strace s3  }
0x97: {  	_ =	strace $0x8FFFFFFF  }
0x98: {  	s19 =	sld [smem:$0x3FDB];
	_ =	sdelay $0x1  }
0x99: {  	s4 =	simm.s32 $_scs_section_size  }
0x9a: {  	s5 =	simm.s32 $_size__tile_overlayer_lowered;
	s6 =	simm.s32 $_tile_overlayer_lowered  }
0x9b: {  	s22 =	simm.s32 $0x1BFF;
	s21 =	sshll.u32 s6, $0x1;
	s3 =	sadd.s32 s4, s19  }
0x9c: {  	s7 =	simm.s32 $0x0;
	s20 =	sshll.u32 s5, $0x1;
	s5 =	sadd.s32 s21, s3  }
0x9d: {  	[timem:s7], [sflag:s22] =	dma.local [hbm:s5], s20  }
0x9e: {  	_ =	swait.ge [sflag:s22], s20  }
0x9f: {  	s4 =	ssub.s32 $0x0, s20;
	[sflag:s22] =	ssyncset.done $0x0  }
0xa0: {  	[sflag:s22] =	ssyncadd.s32 s4;
	_ =	sdelay $0x1  }
0xa1: {  	s23 =	simm.s32 $0x1B8B  }
0xa2: {  	_ =	swait.ge [sflag:s23], $0x1  }
0xa3: {  	[sflag:s23] =	ssyncset.done $0x0  }
0xa4: {  	s25 =	simm.s32 $0x1B8E;
	s24 =	sld [smem:$0x3FFE];
	[sflag:s23] =	ssyncadd.s32 $0xFFFFFFFF  }
0xa5: {  	s26 =	simm.s32 $execute0_lowered;
	[smem:$0x3FD2] =	sst s25  }
0xa6: {  	s5 =	sshll.u32 s26, $0x1;
	_ =	strace $0x80000046;
	[dreg:$0x1] =	wrdreg $0xFFFFFFFF  }
0xa7: {  	s28 =	simm.s32 $_size_execute0_lowered;
	s3 =	sadd.s32 s3, s5;
	[dreg:$0x0] =	wrdreg $0x0  }
0xa8: {  	s5 =	sshll.u32 s28, $0x1;
	[dreg:$0x2] =	wrdreg s3  }
0xa9: {  	[dreg:$0x3] =	wrdreg s5  }
0xaa: {  	[dreg:$0x4] =	wrdreg $0xC0  }
0xab: {  	_ =	task [dreg:s7], $0x5FFFF  }
0xac: {  	[dreg:$0x1] =	wrdreg $0xFFFFFFFF  }
0xad: {  	[dreg:$0x0] =	wrdreg $0x60  }
0xae: {  	[dreg:$0x2] =	wrdreg s2  }
0xaf: {  	[dreg:$0x3] =	wrdreg s24  }
0xb0: {  	[dreg:$0x4] =	wrdreg $0x9  }
0xb1: {  	_ =	task.clear_ibuf [dreg:s7], $0x5FFFF;
	_ =	strace $0x90000046  }
0xb2: {  	s29 =	simm.s32 $0x9;
	_ =	strace $0x80000048  }
0xb3: {  	_ =	swait.ge [sflag:s29], $0x1  }
0xb4: {  	[sflag:s29] =	ssyncadd.s32 $0xFFFFFFFF  }
0xb5: {  	_ =	strace $0x90000048  }
0xb6: {  	_ =	sfence  }
0xb7: {  	s30 =	sld [smem:$0x0];
	_ =	sdelay $0x2  }
0xb8: {  	s31 =	sshll.u32 s1, $0xD;
	s1 =	sshrl.u32 s1, $0x2  }
0xb9: {  	s3 =	sand.u32 $0x4000, s31;
	s1 =	sadd.s32 s1, s30  }
0xba: {  	s0 =	sor.u32 s3, s0;
	s1 =	sshll.u32 s1, $0x11  }
0xbb: {  	s0 =	sor.u32 s1, s0  }
0xbc: {  	s0 =	sadd.s32 $0x8F2B, s0  }
0xbd: {  	[sflag:s0] =	ssyncadd.remote.s32 $0x1  }
0xbe: {  	_ =	sfence.sel $0xFFFF  }
0xbf: {  	[dreg:$0x0] =	wrdreg $0xFFFFFFFF;
	(pc) =	sbr.abs _section_cstart, $3  }
0xc0: {  	[dreg:$0x1] =	wrdreg $0xFFFFFFFF  }
0xc1: {  	_ =	task.clear_ibuf [dreg:s7], $0x2FFFF;
	_ =	strace $0x9FFFFFFF  }
0xc2: {  	(tm) =	ssettm $0x7FFFFFFF  }
0xc3: {  	_ =	shalt  }
tec
execute0_lowered:
.L_overlay_start_1:
0x0: {  	(tag) =	ssettag $0x1  }
0x1: {  	s1 =	srdreg.scid;
	s2 =	stileid.u32  }
0x2: {  	s1 =	sand.u32 $0x1, s1;
	s3 =	sshll.u32 s2, $0x1  }
0x3: {  	s0 =	rddreg [dreg:$0x0];
	s2 =	simm.s32 $0x0;
	s3 =	sor.u32 s1, s3  }
0x4: {  	[smem:$0x7FF] =	sst s2;
	s3 =	smul.u32 $0x6400, s3  }
0x5: {  	s5 =	rddreg [dreg:$0x1];
	s1 =	ssub.s32 $0x2, s1;
	_ =	strace $0x80000047  }
.Ltmp0:
0x6: {  	s6 =	sshrl.u32 s1, $0x1;
	s29 =	sor.u32 $0x50, s3;
	(pc) =	sbr.rel .LBB2_1-.Ltmp0, $4  }
0x7: {  	s1 =	ssub.s32 s1, s6;
	s30 =	sor.u32 $0xA0, s3;
	[dreg:$0x4] =	wrdreg s29  }
0x8: {  	s28 =	sshrl.u32 s3, $0x3;
	s31 =	smax.u32 s1, $0x1;
	[dreg:$0x5] =	wrdreg s30  }
0x9: {  	s4 =	sadd.s32 $0x400, s5;
	s0 =	sadd.s32 s0, s28;
	[dreg:$0x6] =	wrdreg s31  }
0xa: {  	s5 =	sadd.s32 $0xF42800, s5;
	s6 =	simm.s32 $0x0;
	[dreg:$0x3] =	wrdreg s0  }
.LBB2_30:
0xb: {  	s1 =	simm.s32 $0x8  }
0xc: {  	_ =	swait.ge [sflag:s1], $0x2800  }
0xd: {  	s6 =	rddreg [dreg:$0x7]  }
0xe: {  	s0 =	rddreg [dreg:$0x6];
	s6 =	sadd.s32 $0x1, s6  }
0xf: {  	p0 =	sne.s32 s6, s0  }
.Ltmp1:
0x10: {  	_ = 	snop;
	(pc) =	sbr.rel @!p0 .LBB2_31-.Ltmp1, $3  }
0x11: {  	_ =	sdelay $0x1  }
0x12: {  	[sflag:s1] =	ssyncset.done $0x0  }
0x13: {  	[sflag:s1] =	ssyncadd.s32 $0xFFFFD800  }
.LBB2_1:
0x14: {  	[dreg:$0x7] =	wrdreg s6  }
0x15: {  	s0 =	rddreg [dreg:$0x3];
	s31 =	simm.s32 $0x9  }
0x16: {  	[tilespmem:s2], [sflag:$0x9] =	stream.linear.gather [hbm4b:s0+s2], $0x6400, $0x38;
	[tilespmem:$0x10400] =	vst v63  }
0x17: {  	_ =	swait.ge [sflag:s31], $0x6400  }
0x18: {  	[sflag:s31] =	ssyncset.done $0x0  }
0x19: {  	[sflag:s31] =	ssyncadd.s32 $0xFFFF9C00  }
0x1a: {  	v0 =	vld [tilespmem:s2+$0x0];
	_ =	sdelay $0x4  }
0x1b: {  	v0 =	vshll.u32 v0, $0x4  }
0x1c: {  	(v2sf) =	vpush v0, $0x0  }
0x1d: {  	(v2sf) =	vpush v0, $0x1  }
0x1e: {  	(v2sf) =	vpush v0, $0x2;
	_ =	sdelay $0x1  }
0x1f: {  	(v2sf) =	vpush v0, $0x4;
	_ =	sdelay $0x1  }
0x20: {  	(v2sf) =	vpush v0, $0x3  }
0x21: {  	(v2sf) =	vpush v0, $0x5  }
0x22: {  	s25 =	simm.s32 $0x2000;
	s1 =	simm.s32 $0x0;
	s0 =	simm.s32 $0x0;
	(v2sf) =	vpush v0, $0x6  }
.LBB2_2:
0x23: {  	p0 =	sne.s32 s25, $0x8000  }
0x24: {  	s7 =	sadd.s32 $0x6480, s1;
	s28 =	sadd.s32 $0x6980, s1;
	s6 =	smov.u32 s25  }
0x25: {  	s25 =	sadd.s32 $0x2000, s25;
	s12 =	sadd.s32 $0x6780, s1;
	s9 =	sadd.s32 $0x6A00, s1;
	(v2sf) =	vpush v0, $0x7  }
0x26: {  	s17 =	sadd.s32 $0x6680, s1;
	s10 =	sadd.s32 $0x6800, s1;
	s26 =	sadd.s32 $0x6A80, s1  }
0x27: {  	s20 =	sadd.s32 $0x6400, s1;
	s23 =	sadd.s32 $0x6600, s1;
	(v2sf) =	vpush v0, $0x8  }
0x28: {  	s24 =	simm.s32 $0x0;
	s29 =	sadd.s32 $0x6700, s1;
	s0 =	sadd.s32 $0x10, s0  }
0x29: {  	s30 =	sadd.s32 $0x6500, s1;
	s22 =	sadd.s32 $0x6900, s1;
	s14 =	spop (v2sf);
	(v2sf) =	vpush v0, $0x9  }
0x2a: {  	s31 =	sand.u32 $0x1FFFFFF0, s14;
	s14 =	sadd.s32 $0x6880, s1;
	s8 =	spop (v2sf)  }
0x2b: {  	s31 =	sadd.s32 s4, s31;
	s8 =	sand.u32 $0x1FFFFFF0, s8;
	s11 =	spop (v2sf);
	(v2sf) =	vpush v0, $0xA  }
0x2c: {  	[tilespmem:s20], [sflag:$0x1] =	stream.linear.gather [hbm4b:s31+s24], $0x80, $0x38;
	[tilespmem:$0x10400] =	vst v63  }
0x2d: {  	s8 =	sadd.s32 s4, s8;
	s20 =	sadd.s32 $0x6580, s1;
	s31 =	spop (v2sf);
	(v2sf) =	vpush v0, $0xB  }
0x2e: {  	[tilespmem:s7], [sflag:$0x1] =	stream.linear.gather [hbm4b:s8+s24], $0x80, $0x38;
	[tilespmem:$0x10400] =	vst v63  }
0x2f: {  	s7 =	sand.u32 $0x1FFFFFF0, s11;
	s8 =	sand.u32 $0x1FFFFFF0, s31;
	s11 =	spop (v2sf);
	(v2sf) =	vpush v0, $0xC  }
0x30: {  	s7 =	sadd.s32 s4, s7;
	s11 =	sand.u32 $0x1FFFFFF0, s11;
	s31 =	spop (v2sf)  }
0x31: {  	[tilespmem:s30], [sflag:$0x1] =	stream.linear.gather [hbm4b:s7+s24], $0x80, $0x38;
	(v2sf) =	vpush v0, $0xD;
	[tilespmem:$0x10400] =	vst v63  }
0x32: {  	s7 =	sadd.s32 s4, s11;
	s11 =	sand.u32 $0x1FFFFFF0, s31;
	s30 =	spop (v2sf)  }
0x33: {  	[tilespmem:s20], [sflag:$0x1] =	stream.linear.gather [hbm4b:s7+s24], $0x80, $0x38;
	(v2sf) =	vpush v0, $0xE;
	[tilespmem:$0x10400] =	vst v63  }
0x34: {  	s7 =	sadd.s32 s4, s8;
	s8 =	sand.u32 $0x1FFFFFF0, s30;
	s20 =	spop (v2sf)  }
0x35: {  	[tilespmem:s23], [sflag:$0x1] =	stream.linear.gather [hbm4b:s7+s24], $0x80, $0x38;
	(v2sf) =	vpush v0, $0xF;
	[tilespmem:$0x10400] =	vst v63  }
0x36: {  	s7 =	sadd.s32 s4, s11;
	s11 =	sand.u32 $0x1FFFFFF0, s20;
	s20 =	spop (v2sf)  }
0x37: {  	[tilespmem:s17], [sflag:$0x1] =	stream.linear.gather [hbm4b:s7+s24], $0x80, $0x38;
	[tilespmem:$0x10400] =	vst v63  }
0x38: {  	s7 =	sadd.s32 s4, s8;
	s8 =	sand.u32 $0x1FFFFFF0, s20;
	s17 =	spop (v2sf)  }
0x39: {  	[tilespmem:s29], [sflag:$0x1] =	stream.linear.gather [hbm4b:s7+s24], $0x80, $0x38;
	[tilespmem:$0x10400] =	vst v63  }
0x3a: {  	s7 =	sadd.s32 s4, s11;
	s11 =	sand.u32 $0x1FFFFFF0, s17;
	s17 =	spop (v2sf)  }
0x3b: {  	[tilespmem:s12], [sflag:$0x1] =	stream.linear.gather [hbm4b:s7+s24], $0x80, $0x38;
	[tilespmem:$0x10400] =	vst v63  }
0x3c: {  	s7 =	sadd.s32 s4, s8;
	s8 =	sand.u32 $0x1FFFFFF0, s17;
	s12 =	spop (v2sf)  }
0x3d: {  	[tilespmem:s10], [sflag:$0x1] =	stream.linear.gather [hbm4b:s7+s24], $0x80, $0x38;
	[tilespmem:$0x10400] =	vst v63  }
0x3e: {  	s7 =	sadd.s32 s4, s11;
	s10 =	sand.u32 $0x1FFFFFF0, s12;
	s11 =	spop (v2sf)  }
0x3f: {  	[tilespmem:s14], [sflag:$0x1] =	stream.linear.gather [hbm4b:s7+s24], $0x80, $0x38;
	[tilespmem:$0x10400] =	vst v63  }
0x40: {  	s7 =	sadd.s32 s4, s8;
	s8 =	sand.u32 $0x1FFFFFF0, s11;
	s11 =	spop (v2sf)  }
0x41: {  	[tilespmem:s22], [sflag:$0x1] =	stream.linear.gather [hbm4b:s7+s24], $0x80, $0x38;
	[tilespmem:$0x10400] =	vst v63  }
0x42: {  	s7 =	sadd.s32 s4, s10;
	s10 =	sand.u32 $0x1FFFFFF0, s11;
	s11 =	spop (v2sf)  }
0x43: {  	[tilespmem:s28], [sflag:$0x1] =	stream.linear.gather [hbm4b:s7+s24], $0x80, $0x38;
	[tilespmem:$0x10400] =	vst v63  }
0x44: {  	s7 =	sadd.s32 s4, s8;
	s8 =	sand.u32 $0x1FFFFFF0, s11;
	s11 =	spop (v2sf)  }
0x45: {  	[tilespmem:s9], [sflag:$0x1] =	stream.linear.gather [hbm4b:s7+s24], $0x80, $0x38;
	[tilespmem:$0x10400] =	vst v63  }
0x46: {  	s7 =	sadd.s32 s4, s10;
	s9 =	sand.u32 $0x1FFFFFF0, s11  }
0x47: {  	[tilespmem:s26], [sflag:$0x1] =	stream.linear.gather [hbm4b:s7+s24], $0x80, $0x38;
	[tilespmem:$0x10400] =	vst v63  }
0x48: {  	s8 =	sadd.s32 s4, s8;
	s7 =	sadd.s32 $0x6B00, s1  }
0x49: {  	[tilespmem:s7], [sflag:$0x1] =	stream.linear.gather [hbm4b:s8+s24], $0x80, $0x38;
	[tilespmem:$0x10400] =	vst v63  }
0x4a: {  	s1 =	sadd.s32 $0x6B80, s1;
	s7 =	sadd.s32 s4, s9  }
0x4b: {  	[tilespmem:s1], [sflag:$0x1] =	stream.linear.gather [hbm4b:s7+s24], $0x80, $0x38;
	[tilespmem:$0x10400] =	vst v63  }
0x4c: {  	v0 =	vld [tilespmem:s0+$0x0];
	_ =	sdelay $0x4  }
0x4d: {  	v0 =	vshll.u32 v0, $0x4  }
0x4e: {  	(v2sf) =	vpush v0, $0x0  }
0x4f: {  	(v2sf) =	vpush v0, $0x1  }
0x50: {  	(v2sf) =	vpush v0, $0x2;
	_ =	sdelay $0x1  }
0x51: {  	(v2sf) =	vpush v0, $0x4  }
.Ltmp2:
0x52: {  	(pc) =	sbr.rel @p0 .LBB2_2-.Ltmp2, $3  }
0x53: {  	(v2sf) =	vpush v0, $0x3  }
0x54: {  	(v2sf) =	vpush v0, $0x5;
	_ =	sdelay $0x1  }
0x55: {  	s1 =	sshra.s32 s6, $0x2;
	(v2sf) =	vpush v0, $0x6  }
0x56: {  	_ =	sdelay $0x1  }
0x57: {  	s7 =	sadd.s32 $0x6480, s1;
	s9 =	sadd.s32 $0x6980, s1  }
0x58: {  	s8 =	sadd.s32 $0x6780, s1;
	s0 =	sadd.s32 $0x6A00, s1;
	(v2sf) =	vpush v0, $0x7;
	s10 =	sadd.s32 $0x6680, s1  }
0x59: {  	s11 =	sadd.s32 $0x6800, s1;
	s6 =	sadd.s32 $0x6A80, s1;
	s12 =	sadd.s32 $0x6400, s1  }
0x5a: {  	s14 =	sadd.s32 $0x6600, s1;
	s17 =	sadd.s32 $0x6700, s1;
	(v2sf) =	vpush v0, $0x8;
	s20 =	spop (v2sf)  }
0x5b: {  	s22 =	sadd.s32 $0x6500, s1;
	s20 =	sand.u32 $0x1FFFFFF0, s20;
	s23 =	spop (v2sf)  }
0x5c: {  	(v2sf) =	vpush v0, $0x9;
	s20 =	sadd.s32 s4, s20;
	s23 =	sand.u32 $0x1FFFFFF0, s23;
	s25 =	spop (v2sf)  }
0x5d: {  	[tilespmem:s12], [sflag:$0x1] =	stream.linear.gather [hbm4b:s20+s24], $0x80, $0x38;
	[tilespmem:$0x10400] =	vst v63  }
0x5e: {  	s26 =	sadd.s32 $0x6580, s1;
	(v2sf) =	vpush v0, $0xA;
	s13 =	sadd.s32 s4, s23;
	s15 =	spop (v2sf)  }
0x5f: {  	[tilespmem:s7], [sflag:$0x1] =	stream.linear.gather [hbm4b:s13+s24], $0x80, $0x38;
	[tilespmem:$0x10400] =	vst v63  }
0x60: {  	s12 =	sadd.s32 $0x6900, s1;
	s16 =	sand.u32 $0x1FFFFFF0, s25;
	(v2sf) =	vpush v0, $0xB;
	s18 =	spop (v2sf)  }
0x61: {  	s20 =	sadd.s32 s4, s16;
	s7 =	sadd.s32 $0x6880, s1;
	s25 =	sand.u32 $0x1FFFFFF0, s18  }
0x62: {  	(v2sf) =	vpush v0, $0xC;
	[tilespmem:s22], [sflag:$0x1] =	stream.linear.gather [hbm4b:s20+s24], $0x80, $0x38;
	[tilespmem:$0x10400] =	vst v63  }
0x63: {  	s19 =	sand.u32 $0x1FFFFFF0, s15;
	s21 =	spop (v2sf);
	s25 =	sadd.s32 s4, s25  }
0x64: {  	(v2sf) =	vpush v0, $0xD;
	[tilespmem:s26], [sflag:$0x1] =	stream.linear.gather [hbm4b:s25+s24], $0x80, $0x38;
	[tilespmem:$0x10400] =	vst v63  }
0x65: {  	s20 =	sadd.s32 s4, s19;
	s22 =	sand.u32 $0x1FFFFFF0, s21;
	s26 =	spop (v2sf)  }
0x66: {  	(v2sf) =	vpush v0, $0xE;
	[tilespmem:s14], [sflag:$0x1] =	stream.linear.gather [hbm4b:s20+s24], $0x80, $0x38;
	[tilespmem:$0x10400] =	vst v63  }
0x67: {  	s22 =	sadd.s32 s4, s22;
	s28 =	sand.u32 $0x1FFFFFF0, s26;
	s29 =	spop (v2sf)  }
0x68: {  	(v2sf) =	vpush v0, $0xF;
	[tilespmem:s10], [sflag:$0x1] =	stream.linear.gather [hbm4b:s22+s24], $0x80, $0x38;
	[tilespmem:$0x10400] =	vst v63  }
0x69: {  	s30 =	sand.u32 $0x1FFFFFF0, s29;
	s31 =	spop (v2sf);
	s14 =	sadd.s32 s4, s28  }
0x6a: {  	[tilespmem:s17], [sflag:$0x1] =	stream.linear.gather [hbm4b:s14+s24], $0x80, $0x38;
	[tilespmem:$0x10400] =	vst v63  }
0x6b: {  	s13 =	sand.u32 $0x1FFFFFF0, s31;
	s10 =	sadd.s32 s4, s30;
	s15 =	spop (v2sf)  }
0x6c: {  	[tilespmem:s8], [sflag:$0x1] =	stream.linear.gather [hbm4b:s10+s24], $0x80, $0x38;
	[tilespmem:$0x10400] =	vst v63  }
0x6d: {  	s14 =	sadd.s32 s4, s13;
	s16 =	sand.u32 $0x1FFFFFF0, s15;
	s17 =	spop (v2sf)  }
0x6e: {  	[tilespmem:s11], [sflag:$0x1] =	stream.linear.gather [hbm4b:s14+s24], $0x80, $0x38;
	[tilespmem:$0x10400] =	vst v63  }
0x6f: {  	s10 =	sand.u32 $0x1FFFFFF0, s17;
	s8 =	sadd.s32 s4, s16;
	s18 =	spop (v2sf)  }
0x70: {  	[tilespmem:s7], [sflag:$0x1] =	stream.linear.gather [hbm4b:s8+s24], $0x80, $0x38;
	[tilespmem:$0x10400] =	vst v63  }
0x71: {  	s10 =	sadd.s32 s4, s10;
	s19 =	sand.u32 $0x1FFFFFF0, s18;
	s20 =	spop (v2sf)  }
0x72: {  	[tilespmem:s12], [sflag:$0x1] =	stream.linear.gather [hbm4b:s10+s24], $0x80, $0x38;
	[tilespmem:$0x10400] =	vst v63  }
0x73: {  	s7 =	sadd.s32 s4, s19;
	s8 =	sand.u32 $0x1FFFFFF0, s20;
	s21 =	spop (v2sf)  }
0x74: {  	[tilespmem:s9], [sflag:$0x1] =	stream.linear.gather [hbm4b:s7+s24], $0x80, $0x38;
	[tilespmem:$0x10400] =	vst v63  }
0x75: {  	s22 =	sand.u32 $0x1FFFFFF0, s21;
	s8 =	sadd.s32 s4, s8;
	s23 =	spop (v2sf)  }
0x76: {  	[tilespmem:s0], [sflag:$0x1] =	stream.linear.gather [hbm4b:s8+s24], $0x80, $0x38;
	[tilespmem:$0x10400] =	vst v63  }
0x77: {  	s25 =	sand.u32 $0x1FFFFFF0, s23;
	s26 =	spop (v2sf);
	s7 =	sadd.s32 s4, s22  }
0x78: {  	[tilespmem:s6], [sflag:$0x1] =	stream.linear.gather [hbm4b:s7+s24], $0x80, $0x38;
	[tilespmem:$0x10400] =	vst v63  }
0x79: {  	s29 =	sadd.s32 $0x6B00, s1;
	s28 =	sand.u32 $0x1FFFFFF0, s26;
	s0 =	sadd.s32 s4, s25  }
0x7a: {  	[tilespmem:s29], [sflag:$0x1] =	stream.linear.gather [hbm4b:s0+s24], $0x80, $0x38;
	[tilespmem:$0x10400] =	vst v63  }
0x7b: {  	s30 =	sadd.s32 $0x6B80, s1;
	s31 =	sadd.s32 s4, s28;
	s25 =	simm.s32 $0x50  }
0x7c: {  	[tilespmem:s30], [sflag:$0x1] =	stream.linear.gather [hbm4b:s31+s24], $0x80, $0x38;
	[tilespmem:$0x10400] =	vst v63  }
0x7d: {  	v0 =	vld [tilespmem:s25+$0x0];
	_ =	sdelay $0x4  }
0x7e: {  	v0 =	vshll.u32 v0, $0x4  }
0x7f: {  	(v2sf) =	vpush v0, $0x0  }
0x80: {  	(v2sf) =	vpush v0, $0x1  }
0x81: {  	(v2sf) =	vpush v0, $0x2;
	_ =	sdelay $0x1  }
0x82: {  	(v2sf) =	vpush v0, $0x4;
	_ =	sdelay $0x1  }
0x83: {  	(v2sf) =	vpush v0, $0x3  }
0x84: {  	(v2sf) =	vpush v0, $0x5  }
0x85: {  	s1 =	simm.s32 $0x0;
	s0 =	simm.s32 $0x2000;
	(v2sf) =	vpush v0, $0x6  }
.LBB2_4:
0x86: {  	p0 =	sne.s32 s0, $0x8000  }
0x87: {  	s7 =	sadd.s32 $0x8C80, s1;
	s10 =	sadd.s32 $0x9180, s1;
	s6 =	smov.u32 s0  }
0x88: {  	s0 =	sadd.s32 $0x2000, s0;
	s14 =	sadd.s32 $0x8F80, s1;
	s9 =	sadd.s32 $0x9200, s1;
	(v2sf) =	vpush v0, $0x7  }
0x89: {  	s20 =	sadd.s32 $0x8E80, s1;
	s12 =	sadd.s32 $0x9000, s1;
	s26 =	sadd.s32 $0x9280, s1  }
0x8a: {  	s8 =	sadd.s32 $0x8C00, s1;
	s11 =	sadd.s32 $0x8E00, s1;
	(v2sf) =	vpush v0, $0x8  }
0x8b: {  	s23 =	sadd.s32 $0x8F00, s1;
	s25 =	sadd.s32 $0x10, s25  }
0x8c: {  	s28 =	sadd.s32 $0x8D00, s1;
	s22 =	sadd.s32 $0x9100, s1;
	s17 =	spop (v2sf);
	(v2sf) =	vpush v0, $0x9  }
0x8d: {  	s29 =	sand.u32 $0x1FFFFFF0, s17;
	s17 =	sadd.s32 $0x9080, s1;
	s30 =	spop (v2sf)  }
0x8e: {  	s29 =	sadd.s32 s4, s29;
	s30 =	sand.u32 $0x1FFFFFF0, s30;
	s31 =	spop (v2sf);
	(v2sf) =	vpush v0, $0xA  }
0x8f: {  	[tilespmem:s8], [sflag:$0x2] =	stream.linear.gather [hbm4b:s29+s24], $0x80, $0x38;
	[tilespmem:$0x10400] =	vst v63  }
0x90: {  	s8 =	sadd.s32 s4, s30;
	s29 =	sadd.s32 $0x8D80, s1;
	s30 =	spop (v2sf);
	(v2sf) =	vpush v0, $0xB  }
0x91: {  	[tilespmem:s7], [sflag:$0x2] =	stream.linear.gather [hbm4b:s8+s24], $0x80, $0x38;
	[tilespmem:$0x10400] =	vst v63  }
0x92: {  	s7 =	sand.u32 $0x1FFFFFF0, s31;
	s8 =	sand.u32 $0x1FFFFFF0, s30;
	s30 =	spop (v2sf);
	(v2sf) =	vpush v0, $0xC  }
0x93: {  	s7 =	sadd.s32 s4, s7;
	s30 =	sand.u32 $0x1FFFFFF0, s30;
	s31 =	spop (v2sf)  }
0x94: {  	[tilespmem:s28], [sflag:$0x2] =	stream.linear.gather [hbm4b:s7+s24], $0x80, $0x38;
	(v2sf) =	vpush v0, $0xD;
	[tilespmem:$0x10400] =	vst v63  }
0x95: {  	s7 =	sadd.s32 s4, s30;
	s28 =	sand.u32 $0x1FFFFFF0, s31;
	s30 =	spop (v2sf)  }
0x96: {  	[tilespmem:s29], [sflag:$0x2] =	stream.linear.gather [hbm4b:s7+s24], $0x80, $0x38;
	(v2sf) =	vpush v0, $0xE;
	[tilespmem:$0x10400] =	vst v63  }
0x97: {  	s7 =	sadd.s32 s4, s8;
	s8 =	sand.u32 $0x1FFFFFF0, s30;
	s29 =	spop (v2sf)  }
0x98: {  	[tilespmem:s11], [sflag:$0x2] =	stream.linear.gather [hbm4b:s7+s24], $0x80, $0x38;
	(v2sf) =	vpush v0, $0xF;
	[tilespmem:$0x10400] =	vst v63  }
0x99: {  	s7 =	sadd.s32 s4, s28;
	s11 =	sand.u32 $0x1FFFFFF0, s29;
	s28 =	spop (v2sf)  }
0x9a: {  	[tilespmem:s20], [sflag:$0x2] =	stream.linear.gather [hbm4b:s7+s24], $0x80, $0x38;
	[tilespmem:$0x10400] =	vst v63  }
0x9b: {  	s7 =	sadd.s32 s4, s8;
	s8 =	sand.u32 $0x1FFFFFF0, s28;
	s20 =	spop (v2sf)  }
0x9c: {  	[tilespmem:s23], [sflag:$0x2] =	stream.linear.gather [hbm4b:s7+s24], $0x80, $0x38;
	[tilespmem:$0x10400] =	vst v63  }
0x9d: {  	s7 =	sadd.s32 s4, s11;
	s11 =	sand.u32 $0x1FFFFFF0, s20;
	s20 =	spop (v2sf)  }
0x9e: {  	[tilespmem:s14], [sflag:$0x2] =	stream.linear.gather [hbm4b:s7+s24], $0x80, $0x38;
	[tilespmem:$0x10400] =	vst v63  }
0x9f: {  	s7 =	sadd.s32 s4, s8;
	s8 =	sand.u32 $0x1FFFFFF0, s20;
	s14 =	spop (v2sf)  }
0xa0: {  	[tilespmem:s12], [sflag:$0x2] =	stream.linear.gather [hbm4b:s7+s24], $0x80, $0x38;
	[tilespmem:$0x10400] =	vst v63  }
0xa1: {  	s7 =	sadd.s32 s4, s11;
	s11 =	sand.u32 $0x1FFFFFF0, s14;
	s12 =	spop (v2sf)  }
0xa2: {  	[tilespmem:s17], [sflag:$0x2] =	stream.linear.gather [hbm4b:s7+s24], $0x80, $0x38;
	[tilespmem:$0x10400] =	vst v63  }
0xa3: {  	s7 =	sadd.s32 s4, s8;
	s8 =	sand.u32 $0x1FFFFFF0, s12;
	s12 =	spop (v2sf)  }
0xa4: {  	[tilespmem:s22], [sflag:$0x2] =	stream.linear.gather [hbm4b:s7+s24], $0x80, $0x38;
	[tilespmem:$0x10400] =	vst v63  }
0xa5: {  	s7 =	sadd.s32 s4, s11;
	s11 =	sand.u32 $0x1FFFFFF0, s12;
	s12 =	spop (v2sf)  }
0xa6: {  	[tilespmem:s10], [sflag:$0x2] =	stream.linear.gather [hbm4b:s7+s24], $0x80, $0x38;
	[tilespmem:$0x10400] =	vst v63  }
0xa7: {  	s7 =	sadd.s32 s4, s8;
	s8 =	sand.u32 $0x1FFFFFF0, s12;
	s10 =	spop (v2sf)  }
0xa8: {  	[tilespmem:s9], [sflag:$0x2] =	stream.linear.gather [hbm4b:s7+s24], $0x80, $0x38;
	[tilespmem:$0x10400] =	vst v63  }
0xa9: {  	s7 =	sadd.s32 s4, s11;
	s9 =	sand.u32 $0x1FFFFFF0, s10  }
0xaa: {  	[tilespmem:s26], [sflag:$0x2] =	stream.linear.gather [hbm4b:s7+s24], $0x80, $0x38;
	[tilespmem:$0x10400] =	vst v63  }
0xab: {  	s8 =	sadd.s32 s4, s8;
	s7 =	sadd.s32 $0x9300, s1  }
0xac: {  	[tilespmem:s7], [sflag:$0x2] =	stream.linear.gather [hbm4b:s8+s24], $0x80, $0x38;
	[tilespmem:$0x10400] =	vst v63  }
0xad: {  	s1 =	sadd.s32 $0x9380, s1;
	s7 =	sadd.s32 s4, s9  }
0xae: {  	[tilespmem:s1], [sflag:$0x2] =	stream.linear.gather [hbm4b:s7+s24], $0x80, $0x38;
	[tilespmem:$0x10400] =	vst v63  }
0xaf: {  	v0 =	vld [tilespmem:s25+$0x0];
	_ =	sdelay $0x4  }
0xb0: {  	v0 =	vshll.u32 v0, $0x4  }
0xb1: {  	(v2sf) =	vpush v0, $0x0  }
0xb2: {  	(v2sf) =	vpush v0, $0x1  }
0xb3: {  	(v2sf) =	vpush v0, $0x2;
	_ =	sdelay $0x1  }
0xb4: {  	(v2sf) =	vpush v0, $0x4  }
.Ltmp3:
0xb5: {  	(pc) =	sbr.rel @p0 .LBB2_4-.Ltmp3, $3  }
0xb6: {  	(v2sf) =	vpush v0, $0x3  }
0xb7: {  	(v2sf) =	vpush v0, $0x5;
	_ =	sdelay $0x1  }
0xb8: {  	s1 =	sshra.s32 s6, $0x2;
	(v2sf) =	vpush v0, $0x6  }
0xb9: {  	_ =	sdelay $0x1  }
0xba: {  	s7 =	sadd.s32 $0x8C80, s1;
	s9 =	sadd.s32 $0x9180, s1  }
0xbb: {  	s8 =	sadd.s32 $0x8F80, s1;
	s0 =	sadd.s32 $0x9200, s1;
	(v2sf) =	vpush v0, $0x7;
	s10 =	sadd.s32 $0x8E80, s1  }
0xbc: {  	s11 =	sadd.s32 $0x9000, s1;
	s6 =	sadd.s32 $0x9280, s1;
	s12 =	sadd.s32 $0x8C00, s1  }
0xbd: {  	s14 =	sadd.s32 $0x8E00, s1;
	s17 =	sadd.s32 $0x8F00, s1;
	(v2sf) =	vpush v0, $0x8;
	s20 =	spop (v2sf)  }
0xbe: {  	s22 =	sadd.s32 $0x8D00, s1;
	s20 =	sand.u32 $0x1FFFFFF0, s20;
	s23 =	spop (v2sf)  }
0xbf: {  	(v2sf) =	vpush v0, $0x9;
	s20 =	sadd.s32 s4, s20;
	s23 =	sand.u32 $0x1FFFFFF0, s23;
	s25 =	spop (v2sf)  }
0xc0: {  	[tilespmem:s12], [sflag:$0x2] =	stream.linear.gather [hbm4b:s20+s24], $0x80, $0x38;
	[tilespmem:$0x10400] =	vst v63  }
0xc1: {  	s26 =	sadd.s32 $0x8D80, s1;
	(v2sf) =	vpush v0, $0xA;
	s13 =	sadd.s32 s4, s23;
	s15 =	spop (v2sf)  }
0xc2: {  	[tilespmem:s7], [sflag:$0x2] =	stream.linear.gather [hbm4b:s13+s24], $0x80, $0x38;
	[tilespmem:$0x10400] =	vst v63  }
0xc3: {  	s12 =	sadd.s32 $0x9100, s1;
	s16 =	sand.u32 $0x1FFFFFF0, s25;
	(v2sf) =	vpush v0, $0xB;
	s18 =	spop (v2sf)  }
0xc4: {  	s20 =	sadd.s32 s4, s16;
	s7 =	sadd.s32 $0x9080, s1;
	s25 =	sand.u32 $0x1FFFFFF0, s18  }
0xc5: {  	(v2sf) =	vpush v0, $0xC;
	[tilespmem:s22], [sflag:$0x2] =	stream.linear.gather [hbm4b:s20+s24], $0x80, $0x38;
	[tilespmem:$0x10400] =	vst v63  }
0xc6: {  	s19 =	sand.u32 $0x1FFFFFF0, s15;
	s21 =	spop (v2sf);
	s25 =	sadd.s32 s4, s25  }
0xc7: {  	(v2sf) =	vpush v0, $0xD;
	[tilespmem:s26], [sflag:$0x2] =	stream.linear.gather [hbm4b:s25+s24], $0x80, $0x38;
	[tilespmem:$0x10400] =	vst v63  }
0xc8: {  	s20 =	sadd.s32 s4, s19;
	s22 =	sand.u32 $0x1FFFFFF0, s21;
	s26 =	spop (v2sf)  }
0xc9: {  	(v2sf) =	vpush v0, $0xE;
	[tilespmem:s14], [sflag:$0x2] =	stream.linear.gather [hbm4b:s20+s24], $0x80, $0x38;
	[tilespmem:$0x10400] =	vst v63  }
0xca: {  	s22 =	sadd.s32 s4, s22;
	s28 =	sand.u32 $0x1FFFFFF0, s26;
	s29 =	spop (v2sf)  }
0xcb: {  	(v2sf) =	vpush v0, $0xF;
	[tilespmem:s10], [sflag:$0x2] =	stream.linear.gather [hbm4b:s22+s24], $0x80, $0x38;
	[tilespmem:$0x10400] =	vst v63  }
0xcc: {  	s30 =	sand.u32 $0x1FFFFFF0, s29;
	s31 =	spop (v2sf);
	s14 =	sadd.s32 s4, s28  }
0xcd: {  	[tilespmem:s17], [sflag:$0x2] =	stream.linear.gather [hbm4b:s14+s24], $0x80, $0x38;
	[tilespmem:$0x10400] =	vst v63  }
0xce: {  	s13 =	sand.u32 $0x1FFFFFF0, s31;
	s10 =	sadd.s32 s4, s30;
	s15 =	spop (v2sf)  }
0xcf: {  	[tilespmem:s8], [sflag:$0x2] =	stream.linear.gather [hbm4b:s10+s24], $0x80, $0x38;
	[tilespmem:$0x10400] =	vst v63  }
0xd0: {  	s14 =	sadd.s32 s4, s13;
	s16 =	sand.u32 $0x1FFFFFF0, s15;
	s17 =	spop (v2sf)  }
0xd1: {  	[tilespmem:s11], [sflag:$0x2] =	stream.linear.gather [hbm4b:s14+s24], $0x80, $0x38;
	[tilespmem:$0x10400] =	vst v63  }
0xd2: {  	s10 =	sand.u32 $0x1FFFFFF0, s17;
	s8 =	sadd.s32 s4, s16;
	s18 =	spop (v2sf)  }
0xd3: {  	[tilespmem:s7], [sflag:$0x2] =	stream.linear.gather [hbm4b:s8+s24], $0x80, $0x38;
	[tilespmem:$0x10400] =	vst v63  }
0xd4: {  	s10 =	sadd.s32 s4, s10;
	s19 =	sand.u32 $0x1FFFFFF0, s18;
	s20 =	spop (v2sf)  }
0xd5: {  	[tilespmem:s12], [sflag:$0x2] =	stream.linear.gather [hbm4b:s10+s24], $0x80, $0x38;
	[tilespmem:$0x10400] =	vst v63  }
0xd6: {  	s7 =	sadd.s32 s4, s19;
	s8 =	sand.u32 $0x1FFFFFF0, s20;
	s21 =	spop (v2sf)  }
0xd7: {  	[tilespmem:s9], [sflag:$0x2] =	stream.linear.gather [hbm4b:s7+s24], $0x80, $0x38;
	[tilespmem:$0x10400] =	vst v63  }
0xd8: {  	s22 =	sand.u32 $0x1FFFFFF0, s21;
	s8 =	sadd.s32 s4, s8;
	s23 =	spop (v2sf)  }
0xd9: {  	[tilespmem:s0], [sflag:$0x2] =	stream.linear.gather [hbm4b:s8+s24], $0x80, $0x38;
	[tilespmem:$0x10400] =	vst v63  }
0xda: {  	s25 =	sand.u32 $0x1FFFFFF0, s23;
	s26 =	spop (v2sf);
	s7 =	sadd.s32 s4, s22  }
0xdb: {  	[tilespmem:s6], [sflag:$0x2] =	stream.linear.gather [hbm4b:s7+s24], $0x80, $0x38;
	[tilespmem:$0x10400] =	vst v63  }
0xdc: {  	s29 =	sadd.s32 $0x9300, s1;
	s28 =	sand.u32 $0x1FFFFFF0, s26;
	s0 =	sadd.s32 s4, s25  }
0xdd: {  	[tilespmem:s29], [sflag:$0x2] =	stream.linear.gather [hbm4b:s0+s24], $0x80, $0x38;
	[tilespmem:$0x10400] =	vst v63  }
0xde: {  	s30 =	sadd.s32 $0x9380, s1;
	s31 =	sadd.s32 s4, s28;
	s25 =	simm.s32 $0xA0  }
0xdf: {  	[tilespmem:s30], [sflag:$0x2] =	stream.linear.gather [hbm4b:s31+s24], $0x80, $0x38;
	[tilespmem:$0x10400] =	vst v63  }
0xe0: {  	v0 =	vld [tilespmem:s25+$0x0];
	_ =	sdelay $0x4  }
0xe1: {  	v0 =	vshll.u32 v0, $0x4  }
0xe2: {  	(v2sf) =	vpush v0, $0x0  }
0xe3: {  	(v2sf) =	vpush v0, $0x1  }
0xe4: {  	(v2sf) =	vpush v0, $0x2;
	_ =	sdelay $0x1  }
0xe5: {  	(v2sf) =	vpush v0, $0x4;
	_ =	sdelay $0x1  }
0xe6: {  	(v2sf) =	vpush v0, $0x3  }
0xe7: {  	(v2sf) =	vpush v0, $0x5  }
0xe8: {  	s1 =	simm.s32 $0x0;
	s0 =	simm.s32 $0x2000;
	(v2sf) =	vpush v0, $0x6  }
.LBB2_6:
0xe9: {  	p0 =	sne.s32 s0, $0x8000  }
0xea: {  	s7 =	sadd.s32 $0xB480, s1;
	s28 =	sadd.s32 $0xB980, s1;
	s6 =	smov.u32 s0  }
0xeb: {  	s0 =	sadd.s32 $0x2000, s0;
	s12 =	sadd.s32 $0xB780, s1;
	s9 =	sadd.s32 $0xBA00, s1;
	(v2sf) =	vpush v0, $0x7  }
0xec: {  	s17 =	sadd.s32 $0xB680, s1;
	s10 =	sadd.s32 $0xB800, s1;
	s26 =	sadd.s32 $0xBA80, s1  }
0xed: {  	s8 =	sadd.s32 $0xB400, s1;
	s11 =	sadd.s32 $0xB600, s1;
	(v2sf) =	vpush v0, $0x8  }
0xee: {  	s24 =	simm.s32 $0x0;
	s20 =	sadd.s32 $0xB700, s1;
	s25 =	sadd.s32 $0x10, s25  }
0xef: {  	s23 =	sadd.s32 $0xB500, s1;
	s22 =	sadd.s32 $0xB900, s1;
	s14 =	spop (v2sf);
	(v2sf) =	vpush v0, $0x9  }
0xf0: {  	s29 =	sand.u32 $0x1FFFFFF0, s14;
	s14 =	sadd.s32 $0xB880, s1;
	s30 =	spop (v2sf)  }
0xf1: {  	s29 =	sadd.s32 s4, s29;
	s30 =	sand.u32 $0x1FFFFFF0, s30;
	s31 =	spop (v2sf);
	(v2sf) =	vpush v0, $0xA  }
0xf2: {  	[tilespmem:s8], [sflag:$0x3] =	stream.linear.gather [hbm4b:s29+s24], $0x80, $0x38;
	[tilespmem:$0x10400] =	vst v63  }
0xf3: {  	s8 =	sadd.s32 s4, s30;
	s29 =	sadd.s32 $0xB580, s1;
	s30 =	spop (v2sf);
	(v2sf) =	vpush v0, $0xB  }
0xf4: {  	[tilespmem:s7], [sflag:$0x3] =	stream.linear.gather [hbm4b:s8+s24], $0x80, $0x38;
	[tilespmem:$0x10400] =	vst v63  }
0xf5: {  	s7 =	sand.u32 $0x1FFFFFF0, s31;
	s8 =	sand.u32 $0x1FFFFFF0, s30;
	s30 =	spop (v2sf);
	(v2sf) =	vpush v0, $0xC  }
0xf6: {  	s7 =	sadd.s32 s4, s7;
	s30 =	sand.u32 $0x1FFFFFF0, s30;
	s31 =	spop (v2sf)  }
0xf7: {  	[tilespmem:s23], [sflag:$0x3] =	stream.linear.gather [hbm4b:s7+s24], $0x80, $0x38;
	(v2sf) =	vpush v0, $0xD;
	[tilespmem:$0x10400] =	vst v63  }
0xf8: {  	s7 =	sadd.s32 s4, s30;
	s23 =	sand.u32 $0x1FFFFFF0, s31;
	s30 =	spop (v2sf)  }
0xf9: {  	[tilespmem:s29], [sflag:$0x3] =	stream.linear.gather [hbm4b:s7+s24], $0x80, $0x38;
	(v2sf) =	vpush v0, $0xE;
	[tilespmem:$0x10400] =	vst v63  }
0xfa: {  	s7 =	sadd.s32 s4, s8;
	s8 =	sand.u32 $0x1FFFFFF0, s30;
	s29 =	spop (v2sf)  }
0xfb: {  	[tilespmem:s11], [sflag:$0x3] =	stream.linear.gather [hbm4b:s7+s24], $0x80, $0x38;
	(v2sf) =	vpush v0, $0xF;
	[tilespmem:$0x10400] =	vst v63  }
0xfc: {  	s7 =	sadd.s32 s4, s23;
	s11 =	sand.u32 $0x1FFFFFF0, s29;
	s23 =	spop (v2sf)  }
0xfd: {  	[tilespmem:s17], [sflag:$0x3] =	stream.linear.gather [hbm4b:s7+s24], $0x80, $0x38;
	[tilespmem:$0x10400] =	vst v63  }
0xfe: {  	s7 =	sadd.s32 s4, s8;
	s8 =	sand.u32 $0x1FFFFFF0, s23;
	s17 =	spop (v2sf)  }
0xff: {  	[tilespmem:s20], [sflag:$0x3] =	stream.linear.gather [hbm4b:s7+s24], $0x80, $0x38;
	[tilespmem:$0x10400] =	vst v63  }
0x100: {  	s7 =	sadd.s32 s4, s11;
	s11 =	sand.u32 $0x1FFFFFF0, s17;
	s17 =	spop (v2sf)  }
0x101: {  	[tilespmem:s12], [sflag:$0x3] =	stream.linear.gather [hbm4b:s7+s24], $0x80, $0x38;
	[tilespmem:$0x10400] =	vst v63  }
0x102: {  	s7 =	sadd.s32 s4, s8;
	s8 =	sand.u32 $0x1FFFFFF0, s17;
	s12 =	spop (v2sf)  }
0x103: {  	[tilespmem:s10], [sflag:$0x3] =	stream.linear.gather [hbm4b:s7+s24], $0x80, $0x38;
	[tilespmem:$0x10400] =	vst v63  }
0x104: {  	s7 =	sadd.s32 s4, s11;
	s10 =	sand.u32 $0x1FFFFFF0, s12;
	s11 =	spop (v2sf)  }
0x105: {  	[tilespmem:s14], [sflag:$0x3] =	stream.linear.gather [hbm4b:s7+s24], $0x80, $0x38;
	[tilespmem:$0x10400] =	vst v63  }
0x106: {  	s7 =	sadd.s32 s4, s8;
	s8 =	sand.u32 $0x1FFFFFF0, s11;
	s11 =	spop (v2sf)  }
0x107: {  	[tilespmem:s22], [sflag:$0x3] =	stream.linear.gather [hbm4b:s7+s24], $0x80, $0x38;
	[tilespmem:$0x10400] =	vst v63  }
0x108: {  	s7 =	sadd.s32 s4, s10;
	s10 =	sand.u32 $0x1FFFFFF0, s11;
	s11 =	spop (v2sf)  }
0x109: {  	[tilespmem:s28], [sflag:$0x3] =	stream.linear.gather [hbm4b:s7+s24], $0x80, $0x38;
	[tilespmem:$0x10400] =	vst v63  }
0x10a: {  	s7 =	sadd.s32 s4, s8;
	s8 =	sand.u32 $0x1FFFFFF0, s11;
	s11 =	spop (v2sf)  }
0x10b: {  	[tilespmem:s9], [sflag:$0x3] =	stream.linear.gather [hbm4b:s7+s24], $0x80, $0x38;
	[tilespmem:$0x10400] =	vst v63  }
0x10c: {  	s7 =	sadd.s32 s4, s10;
	s9 =	sand.u32 $0x1FFFFFF0, s11  }
0x10d: {  	[tilespmem:s26], [sflag:$0x3] =	stream.linear.gather [hbm4b:s7+s24], $0x80, $0x38;
	[tilespmem:$0x10400] =	vst v63  }
0x10e: {  	s8 =	sadd.s32 s4, s8;
	s7 =	sadd.s32 $0xBB00, s1  }
0x10f: {  	[tilespmem:s7], [sflag:$0x3] =	stream.linear.gather [hbm4b:s8+s24], $0x80, $0x38;
	[tilespmem:$0x10400] =	vst v63  }
0x110: {  	s1 =	sadd.s32 $0xBB80, s1;
	s7 =	sadd.s32 s4, s9  }
0x111: {  	[tilespmem:s1], [sflag:$0x3] =	stream.linear.gather [hbm4b:s7+s24], $0x80, $0x38;
	[tilespmem:$0x10400] =	vst v63  }
0x112: {  	v0 =	vld [tilespmem:s25+$0x0];
	_ =	sdelay $0x4  }
0x113: {  	v0 =	vshll.u32 v0, $0x4  }
0x114: {  	(v2sf) =	vpush v0, $0x0  }
0x115: {  	(v2sf) =	vpush v0, $0x1  }
0x116: {  	(v2sf) =	vpush v0, $0x2;
	_ =	sdelay $0x1  }
0x117: {  	(v2sf) =	vpush v0, $0x4  }
.Ltmp4:
0x118: {  	(pc) =	sbr.rel @p0 .LBB2_6-.Ltmp4, $3  }
0x119: {  	(v2sf) =	vpush v0, $0x3  }
0x11a: {  	(v2sf) =	vpush v0, $0x5;
	_ =	sdelay $0x1  }
0x11b: {  	s1 =	sshra.s32 s6, $0x2;
	(v2sf) =	vpush v0, $0x6  }
0x11c: {  	_ =	sdelay $0x1  }
0x11d: {  	s7 =	sadd.s32 $0xB480, s1;
	s9 =	sadd.s32 $0xB980, s1;
	(v2sf) =	vpush v0, $0x7  }
0x11e: {  	s8 =	sadd.s32 $0xB780, s1;
	s0 =	sadd.s32 $0xBA00, s1;
	s10 =	sadd.s32 $0xB680, s1  }
0x11f: {  	s11 =	sadd.s32 $0xB800, s1;
	s6 =	sadd.s32 $0xBA80, s1;
	s12 =	sadd.s32 $0xB400, s1;
	(v2sf) =	vpush v0, $0x8  }
0x120: {  	s14 =	sadd.s32 $0xB600, s1;
	s17 =	sadd.s32 $0xB700, s1;
	s20 =	spop (v2sf)  }
0x121: {  	s22 =	sadd.s32 $0xB500, s1;
	s20 =	sand.u32 $0x1FFFFFF0, s20;
	s23 =	spop (v2sf)  }
0x122: {  	s20 =	sadd.s32 s4, s20;
	s23 =	sand.u32 $0x1FFFFFF0, s23;
	s25 =	spop (v2sf)  }
0x123: {  	(v2sf) =	vpush v0, $0x9;
	[tilespmem:s12], [sflag:$0x3] =	stream.linear.gather [hbm4b:s20+s24], $0x80, $0x38;
	[tilespmem:$0x10400] =	vst v63  }
0x124: {  	s28 =	simm.s32 $0x190;
	s26 =	sadd.s32 s4, s23;
	s30 =	spop (v2sf)  }
0x125: {  	(v2sf) =	vpush v0, $0xA;
	[tilespmem:s7], [sflag:$0x3] =	stream.linear.gather [hbm4b:s26+s24], $0x80, $0x38;
	[tilespmem:$0x10400] =	vst v63  }
0x126: {  	s29 =	simm.s32 $0x1E0;
	s31 =	sand.u32 $0x1FFFFFF0, s25;
	s13 =	spop (v2sf)  }
0x127: {  	s12 =	sadd.s32 $0xB900, s1;
	(v2sf) =	vpush v0, $0xB;
	s20 =	sadd.s32 s4, s31;
	s25 =	sand.u32 $0x1FFFFFF0, s13  }
0x128: {  	[tilespmem:s22], [sflag:$0x3] =	stream.linear.gather [hbm4b:s20+s24], $0x80, $0x38;
	[tilespmem:$0x10400] =	vst v63  }
0x129: {  	s26 =	sadd.s32 $0xB580, s1;
	(v2sf) =	vpush v0, $0xC;
	s16 =	spop (v2sf);
	s18 =	sadd.s32 s4, s25  }
0x12a: {  	[tilespmem:s26], [sflag:$0x3] =	stream.linear.gather [hbm4b:s18+s24], $0x80, $0x38;
	[tilespmem:$0x10400] =	vst v63  }
0x12b: {  	s7 =	sadd.s32 $0xB880, s1;
	s15 =	sand.u32 $0x1FFFFFF0, s30;
	(v2sf) =	vpush v0, $0xD;
	s19 =	spop (v2sf)  }
0x12c: {  	s20 =	sadd.s32 s4, s15;
	s22 =	sand.u32 $0x1FFFFFF0, s16;
	s23 =	spop (v2sf)  }
0x12d: {  	(v2sf) =	vpush v0, $0xE;
	[tilespmem:s14], [sflag:$0x3] =	stream.linear.gather [hbm4b:s20+s24], $0x80, $0x38;
	[tilespmem:$0x10400] =	vst v63  }
0x12e: {  	s22 =	sadd.s32 s4, s22;
	s21 =	sand.u32 $0x1FFFFFF0, s19;
	s26 =	spop (v2sf)  }
0x12f: {  	(v2sf) =	vpush v0, $0xF;
	[tilespmem:s10], [sflag:$0x3] =	stream.linear.gather [hbm4b:s22+s24], $0x80, $0x38;
	[tilespmem:$0x10400] =	vst v63  }
0x130: {  	s25 =	sand.u32 $0x1FFFFFF0, s23;
	s14 =	sadd.s32 s4, s21;
	s30 =	sand.u32 $0x1FFFFFF0, s26  }
0x131: {  	[tilespmem:s17], [sflag:$0x3] =	stream.linear.gather [hbm4b:s14+s24], $0x80, $0x38;
	[tilespmem:$0x10400] =	vst v63  }
0x132: {  	s26 =	sadd.s32 $0xBB00, s1;
	s10 =	sadd.s32 s4, s25;
	s31 =	spop (v2sf)  }
0x133: {  	[tilespmem:s8], [sflag:$0x3] =	stream.linear.gather [hbm4b:s10+s24], $0x80, $0x38;
	[tilespmem:$0x10400] =	vst v63  }
0x134: {  	s14 =	sadd.s32 s4, s30;
	s13 =	sand.u32 $0x1FFFFFF0, s31;
	s15 =	spop (v2sf)  }
0x135: {  	[tilespmem:s11], [sflag:$0x3] =	stream.linear.gather [hbm4b:s14+s24], $0x80, $0x38;
	[tilespmem:$0x10400] =	vst v63  }
0x136: {  	s10 =	sand.u32 $0x1FFFFFF0, s15;
	s8 =	sadd.s32 s4, s13;
	s16 =	spop (v2sf)  }
0x137: {  	[tilespmem:s7], [sflag:$0x3] =	stream.linear.gather [hbm4b:s8+s24], $0x80, $0x38;
	[tilespmem:$0x10400] =	vst v63  }
0x138: {  	s10 =	sadd.s32 s4, s10;
	s17 =	sand.u32 $0x1FFFFFF0, s16;
	s18 =	spop (v2sf)  }
0x139: {  	[tilespmem:s12], [sflag:$0x3] =	stream.linear.gather [hbm4b:s10+s24], $0x80, $0x38;
	[tilespmem:$0x10400] =	vst v63  }
0x13a: {  	s7 =	sadd.s32 s4, s17;
	s8 =	sand.u32 $0x1FFFFFF0, s18;
	s19 =	spop (v2sf)  }
0x13b: {  	[tilespmem:s9], [sflag:$0x3] =	stream.linear.gather [hbm4b:s7+s24], $0x80, $0x38;
	[tilespmem:$0x10400] =	vst v63  }
0x13c: {  	s20 =	sand.u32 $0x1FFFFFF0, s19;
	s8 =	sadd.s32 s4, s8;
	s21 =	spop (v2sf)  }
0x13d: {  	[tilespmem:s0], [sflag:$0x3] =	stream.linear.gather [hbm4b:s8+s24], $0x80, $0x38;
	[tilespmem:$0x10400] =	vst v63  }
0x13e: {  	s22 =	sand.u32 $0x1FFFFFF0, s21;
	s23 =	spop (v2sf);
	s7 =	sadd.s32 s4, s20  }
0x13f: {  	[tilespmem:s6], [sflag:$0x3] =	stream.linear.gather [hbm4b:s7+s24], $0x80, $0x38;
	[tilespmem:$0x10400] =	vst v63  }
0x140: {  	s30 =	sadd.s32 $0xBB80, s1;
	s25 =	sand.u32 $0x1FFFFFF0, s23;
	s0 =	sadd.s32 s4, s22  }
0x141: {  	[tilespmem:s26], [sflag:$0x3] =	stream.linear.gather [hbm4b:s0+s24], $0x80, $0x38;
	[tilespmem:$0x10400] =	vst v63  }
0x142: {  	s31 =	sadd.s32 s4, s25;
	s6 =	simm.s32 $0xF0;
	s26 =	simm.s32 $0x140  }
0x143: {  	[tilespmem:s30], [sflag:$0x3] =	stream.linear.gather [hbm4b:s31+s24], $0x80, $0x38;
	[tilespmem:$0x10400] =	vst v63  }
.LBB2_8:
0x144: {  	s0 =	simm.s32 $0x1  }
0x145: {  	_ =	swait.ge [sflag:s0], $0x2800  }
0x146: {  	[sflag:s0] =	ssyncset.done $0x0  }
0x147: {  	s30 =	simm.s32 $0x0;
	[sflag:s0] =	ssyncadd.s32 $0xFFFFD800  }
0x148: {  	v0 =	vld [tilespmem:s30+$0x6400]  }
0x149: {  	v1 =	vld [tilespmem:s30+$0x6410]  }
0x14a: {  	v2 =	vld [tilespmem:s30+$0x6420]  }
0x14b: {  	v3 =	vld [tilespmem:s30+$0x6430]  }
0x14c: {  	v4 =	vld [tilespmem:s30+$0x6480]  }
0x14d: {  	v5 =	vld [tilespmem:s30+$0x6490];
	v0 =	vmul.f32 $8.000000000e+00, v0  }
0x14e: {  	v6 =	vld [tilespmem:s30+$0x64A0];
	v1 =	vmul.f32 $8.000000000e+00, v1  }
0x14f: {  	v2 =	vmul.f32 $8.000000000e+00, v2;
	[tilespmem:s30+$0x6400] =	vst v0;
	v0 =	vld [tilespmem:s30+$0x64B0]  }
0x150: {  	v3 =	vmul.f32 $8.000000000e+00, v3;
	[tilespmem:s30+$0x6410] =	vst v1;
	v1 =	vld [tilespmem:s30+$0x6500]  }
0x151: {  	v4 =	vmul.f32 $8.000000000e+00, v4;
	[tilespmem:s30+$0x6420] =	vst v2;
	v2 =	vld [tilespmem:s30+$0x6510]  }
0x152: {  	v5 =	vmul.f32 $8.000000000e+00, v5;
	[tilespmem:s30+$0x6430] =	vst v3;
	v3 =	vld [tilespmem:s30+$0x6520]  }
0x153: {  	v6 =	vmul.f32 $8.000000000e+00, v6;
	[tilespmem:s30+$0x6480] =	vst v4;
	v4 =	vld [tilespmem:s30+$0x6530]  }
0x154: {  	[tilespmem:s30+$0x6490] =	vst v5;
	v5 =	vld [tilespmem:s30+$0x6580];
	v0 =	vmul.f32 $8.000000000e+00, v0  }
0x155: {  	[tilespmem:s30+$0x64A0] =	vst v6;
	v6 =	vld [tilespmem:s30+$0x6590];
	v1 =	vmul.f32 $8.000000000e+00, v1  }
0x156: {  	v2 =	vmul.f32 $8.000000000e+00, v2;
	[tilespmem:s30+$0x64B0] =	vst v0;
	v0 =	vld [tilespmem:s30+$0x65A0]  }
0x157: {  	v3 =	vmul.f32 $8.000000000e+00, v3;
	[tilespmem:s30+$0x6500] =	vst v1;
	v1 =	vld [tilespmem:s30+$0x65B0]  }
0x158: {  	v4 =	vmul.f32 $8.000000000e+00, v4;
	[tilespmem:s30+$0x6510] =	vst v2;
	v2 =	vld [tilespmem:s30+$0x6600]  }
0x159: {  	v5 =	vmul.f32 $8.000000000e+00, v5;
	[tilespmem:s30+$0x6520] =	vst v3;
	v3 =	vld [tilespmem:s30+$0x6610]  }
0x15a: {  	v6 =	vmul.f32 $8.000000000e+00, v6;
	[tilespmem:s30+$0x6530] =	vst v4;
	v4 =	vld [tilespmem:s30+$0x6620]  }
0x15b: {  	[tilespmem:s30+$0x6580] =	vst v5;
	v5 =	vld [tilespmem:s30+$0x6630];
	v0 =	vmul.f32 $8.000000000e+00, v0  }
0x15c: {  	[tilespmem:s30+$0x6590] =	vst v6;
	v6 =	vld [tilespmem:s30+$0x6680]  }
0x15d: {  	v1 =	vmul.f32 $8.000000000e+00, v1;
	[tilespmem:s30+$0x65A0] =	vst v0;
	v0 =	vld [tilespmem:s30+$0x6690]  }
0x15e: {  	v2 =	vmul.f32 $8.000000000e+00, v2  }
0x15f: {  	[tilespmem:s30+$0x65B0] =	vst v1;
	v1 =	vmul.f32 $8.000000000e+00, v3;
	v3 =	vld [tilespmem:s30+$0x66B0]  }
0x160: {  	v7 =	vld [tilespmem:s30+$0x66A0];
	[tilespmem:s30+$0x6600] =	vst v2;
	v2 =	vmul.f32 $8.000000000e+00, v4  }
0x161: {  	v4 =	vld [tilespmem:s30+$0x6700];
	[tilespmem:s30+$0x6610] =	vst v1;
	v1 =	vmul.f32 $8.000000000e+00, v5  }
0x162: {  	[tilespmem:s30+$0x6620] =	vst v2;
	v5 =	vld [tilespmem:s30+$0x6710];
	v2 =	vmul.f32 $8.000000000e+00, v6;
	v6 =	vmul.f32 $8.000000000e+00, v0  }
0x163: {  	[tilespmem:s30+$0x6630] =	vst v1;
	v1 =	vld [tilespmem:s30+$0x6720]  }
0x164: {  	v0 =	vld [tilespmem:s30+$0x6730];
	[tilespmem:s30+$0x6690] =	vst v6;
	v6 =	vmul.f32 $8.000000000e+00, v3  }
0x165: {  	v7 =	vmul.f32 $8.000000000e+00, v7;
	[tilespmem:s30+$0x6680] =	vst v2;
	v2 =	vld [tilespmem:s30+$0x6780]  }
0x166: {  	v3 =	vld [tilespmem:s30+$0x6790];
	[tilespmem:s30+$0x66B0] =	vst v6;
	v6 =	vmul.f32 $8.000000000e+00, v4  }
0x167: {  	s0 =	simm.s32 $0x1000;
	[tilespmem:s30+$0x66A0] =	vst v7;
	v5 =	vmul.f32 $8.000000000e+00, v5;
	v4 =	vld [tilespmem:s30+$0x67A0]  }
.LBB2_9:
0x168: {  	s1 =	sshra.s32 s0, $0x2;
	p0 =	sne.s32 s0, $0x9000;
	[tilespmem:s30+$0x6700] =	vst v6;
	v1 =	vmul.f32 $8.000000000e+00, v1;
	v6 =	vld [tilespmem:s30+$0x67B0]  }
0x169: {  	v7 =	vld [tilespmem:s1+$0x6400];
	[tilespmem:s30+$0x6710] =	vst v5;
	v0 =	vmul.f32 $8.000000000e+00, v0  }
0x16a: {  	v5 =	vld [tilespmem:s1+$0x6410];
	[tilespmem:s30+$0x6720] =	vst v1;
	v1 =	vmul.f32 $8.000000000e+00, v2  }
0x16b: {  	v2 =	vld [tilespmem:s1+$0x6420];
	[tilespmem:s30+$0x6730] =	vst v0;
	v0 =	vmul.f32 $8.000000000e+00, v3  }
0x16c: {  	v3 =	vld [tilespmem:s1+$0x6430];
	[tilespmem:s30+$0x6780] =	vst v1;
	v1 =	vmul.f32 $8.000000000e+00, v4  }
0x16d: {  	v4 =	vld [tilespmem:s1+$0x6480];
	[tilespmem:s30+$0x6790] =	vst v0;
	v0 =	vmul.f32 $8.000000000e+00, v6  }
0x16e: {  	v6 =	vmul.f32 $8.000000000e+00, v7;
	v7 =	vld [tilespmem:s1+$0x6490];
	[tilespmem:s30+$0x67A0] =	vst v1  }
0x16f: {  	v1 =	vmul.f32 $8.000000000e+00, v5;
	v5 =	vld [tilespmem:s1+$0x64A0];
	[tilespmem:s30+$0x67B0] =	vst v0;
	s30 =	smov.u32 s1  }
0x170: {  	[tilespmem:s30+$0x6400] =	vst v6;
	v0 =	vmul.f32 $8.000000000e+00, v2;
	v2 =	vld [tilespmem:s30+$0x64B0]  }
0x171: {  	[tilespmem:s30+$0x6410] =	vst v1;
	v1 =	vmul.f32 $8.000000000e+00, v3;
	v3 =	vld [tilespmem:s30+$0x6500]  }
0x172: {  	[tilespmem:s30+$0x6420] =	vst v0;
	v0 =	vmul.f32 $8.000000000e+00, v4;
	v4 =	vld [tilespmem:s30+$0x6510]  }
0x173: {  	[tilespmem:s30+$0x6430] =	vst v1;
	v1 =	vmul.f32 $8.000000000e+00, v7;
	v6 =	vld [tilespmem:s30+$0x6520]  }
0x174: {  	[tilespmem:s30+$0x6480] =	vst v0;
	v0 =	vmul.f32 $8.000000000e+00, v5;
	v5 =	vld [tilespmem:s30+$0x6530]  }
0x175: {  	[tilespmem:s30+$0x6490] =	vst v1;
	v1 =	vmul.f32 $8.000000000e+00, v2;
	v2 =	vld [tilespmem:s30+$0x6580]  }
0x176: {  	[tilespmem:s30+$0x64A0] =	vst v0;
	v0 =	vmul.f32 $8.000000000e+00, v3;
	v3 =	vld [tilespmem:s30+$0x6590]  }
0x177: {  	[tilespmem:s30+$0x64B0] =	vst v1;
	v1 =	vmul.f32 $8.000000000e+00, v4;
	v4 =	vld [tilespmem:s30+$0x65A0]  }
0x178: {  	[tilespmem:s30+$0x6500] =	vst v0;
	v0 =	vmul.f32 $8.000000000e+00, v6;
	v6 =	vld [tilespmem:s30+$0x65B0]  }
0x179: {  	[tilespmem:s30+$0x6510] =	vst v1;
	v1 =	vmul.f32 $8.000000000e+00, v5;
	v5 =	vld [tilespmem:s30+$0x6600]  }
0x17a: {  	[tilespmem:s30+$0x6520] =	vst v0;
	v0 =	vmul.f32 $8.000000000e+00, v2;
	v2 =	vld [tilespmem:s30+$0x6610]  }
0x17b: {  	[tilespmem:s30+$0x6530] =	vst v1;
	v1 =	vmul.f32 $8.000000000e+00, v3;
	v3 =	vld [tilespmem:s30+$0x6620]  }
0x17c: {  	[tilespmem:s30+$0x6580] =	vst v0;
	v0 =	vmul.f32 $8.000000000e+00, v4;
	v4 =	vld [tilespmem:s30+$0x6630]  }
0x17d: {  	[tilespmem:s30+$0x6590] =	vst v1;
	v1 =	vmul.f32 $8.000000000e+00, v6;
	v6 =	vld [tilespmem:s30+$0x6680]  }
0x17e: {  	[tilespmem:s30+$0x65A0] =	vst v0;
	v0 =	vmul.f32 $8.000000000e+00, v5;
	v5 =	vld [tilespmem:s30+$0x6690]  }
0x17f: {  	[tilespmem:s30+$0x65B0] =	vst v1;
	v1 =	vmul.f32 $8.000000000e+00, v2;
	v2 =	vld [tilespmem:s30+$0x66A0]  }
0x180: {  	[tilespmem:s30+$0x6600] =	vst v0;
	v0 =	vmul.f32 $8.000000000e+00, v3;
	v3 =	vld [tilespmem:s30+$0x66B0]  }
0x181: {  	[tilespmem:s30+$0x6610] =	vst v1;
	v1 =	vmul.f32 $8.000000000e+00, v4;
	v4 =	vld [tilespmem:s30+$0x6700]  }
0x182: {  	[tilespmem:s30+$0x6620] =	vst v0;
	v0 =	vmul.f32 $8.000000000e+00, v6;
	v7 =	vld [tilespmem:s30+$0x6710]  }
.Ltmp5:
0x183: {  	[tilespmem:s30+$0x6630] =	vst v1;
	v5 =	vmul.f32 $8.000000000e+00, v5;
	v1 =	vld [tilespmem:s30+$0x6720];
	(pc) =	sbr.rel @p0 .LBB2_9-.Ltmp5, $4  }
0x184: {  	[tilespmem:s30+$0x6680] =	vst v0;
	v6 =	vmul.f32 $8.000000000e+00, v2;
	v0 =	vld [tilespmem:s30+$0x6730]  }
0x185: {  	[tilespmem:s30+$0x6690] =	vst v5;
	v5 =	vmul.f32 $8.000000000e+00, v3;
	v2 =	vld [tilespmem:s30+$0x6780]  }
0x186: {  	[tilespmem:s30+$0x66A0] =	vst v6;
	v6 =	vmul.f32 $8.000000000e+00, v4;
	v3 =	vld [tilespmem:s30+$0x6790]  }
0x187: {  	s0 =	sadd.s32 $0x1000, s0;
	[tilespmem:s30+$0x66B0] =	vst v5;
	v5 =	vmul.f32 $8.000000000e+00, v7;
	v4 =	vld [tilespmem:s30+$0x67A0]  }
0x188: {  	[tilespmem:s30+$0x6700] =	vst v6;
	v1 =	vmul.f32 $8.000000000e+00, v1;
	v63 =	vld [tilespmem:s30+$0x67B0]  }
0x189: {  	[tilespmem:s30+$0x6710] =	vst v5;
	v0 =	vmul.f32 $8.000000000e+00, v0  }
0x18a: {  	[tilespmem:s30+$0x6720] =	vst v1;
	v1 =	vmul.f32 $8.000000000e+00, v2  }
0x18b: {  	s31 =	smul.u32 $0x140, s24;
	[tilespmem:s30+$0x6730] =	vst v0;
	v0 =	vmul.f32 $8.000000000e+00, v3  }
0x18c: {  	[tilespmem:s30+$0x6780] =	vst v1;
	v1 =	vmul.f32 $8.000000000e+00, v4  }
0x18d: {  	s0 =	sadd.s32 s3, s31;
	[tilespmem:s30+$0x6790] =	vst v0;
	v0 =	vmul.f32 $8.000000000e+00, v63  }
0x18e: {  	s0 =	sshll.u32 s0, $0x4;
	[tilespmem:s30+$0x67A0] =	vst v1  }
0x18f: {  	s1 =	simm.s32 $0x6400;
	p0 =	seq.s32 s24, $0x0;
	s0 =	sadd.s32 s5, s0;
	[tilespmem:s30+$0x67B0] =	vst v0  }
0x190: {  	[hbm4b:s0+s2] =	stream.linear.scatter [tilespmem:s1], [sflag:$0x5], $0x2800, $0x38;
	[tilespmem:$0x10400] =	vst v63  }
0x191: {  	s0 =	simm.s32 @!p0 $0x8  }
0x192: {  	_ =	swait.ge @!p0 [sflag:s0], $0x2800  }
0x193: {  	[sflag:s0] =	ssyncset.done @!p0 $0x0  }
0x194: {  	[sflag:s0] =	ssyncadd.s32 @!p0 $0xFFFFD800  }
0x195: {  	v0 =	vld [tilespmem:s6+$0x0];
	_ =	sdelay $0x4  }
0x196: {  	v0 =	vshll.u32 v0, $0x4  }
0x197: {  	(v2sf) =	vpush v0, $0x0  }
0x198: {  	(v2sf) =	vpush v0, $0x1  }
0x199: {  	(v2sf) =	vpush v0, $0x2;
	_ =	sdelay $0x1  }
0x19a: {  	(v2sf) =	vpush v0, $0x4;
	_ =	sdelay $0x1  }
0x19b: {  	s25 =	sshll.u32 s24, $0x2;
	(v2sf) =	vpush v0, $0x3  }
0x19c: {  	s30 =	sor.u32 $0x3, s25;
	(v2sf) =	vpush v0, $0x5  }
0x19d: {  	s25 =	smov.u32 s6;
	s1 =	simm.s32 $0x0;
	s0 =	simm.s32 $0x2000;
	(v2sf) =	vpush v0, $0x6  }
.LBB2_11:
0x19e: {  	p0 =	sne.s32 s0, $0x8000  }
0x19f: {  	s8 =	sadd.s32 $0xDC80, s1;
	s23 =	sadd.s32 $0xE180, s1;
	s9 =	smov.u32 s0  }
0x1a0: {  	s0 =	sadd.s32 $0x2000, s0;
	s17 =	sadd.s32 $0xDF80, s1;
	s10 =	sadd.s32 $0xE200, s1;
	(v2sf) =	vpush v0, $0x7  }
0x1a1: {  	s7 =	sadd.s32 $0xDE80, s1;
	s14 =	sadd.s32 $0xE000, s1;
	s22 =	sadd.s32 $0xE280, s1  }
0x1a2: {  	s11 =	sadd.s32 $0xDC00, s1;
	s13 =	sadd.s32 $0xDE00, s1;
	(v2sf) =	vpush v0, $0x8  }
0x1a3: {  	s15 =	sadd.s32 $0xDF00, s1;
	s25 =	sadd.s32 $0x10, s25  }
0x1a4: {  	s16 =	sadd.s32 $0xDD00, s1;
	s12 =	sadd.s32 $0xE100, s1;
	s20 =	spop (v2sf);
	(v2sf) =	vpush v0, $0x9  }
0x1a5: {  	s18 =	sand.u32 $0x1FFFFFF0, s20;
	s20 =	sadd.s32 $0xE080, s1;
	s19 =	spop (v2sf)  }
0x1a6: {  	s18 =	sadd.s32 s4, s18;
	s19 =	sand.u32 $0x1FFFFFF0, s19;
	s21 =	spop (v2sf);
	(v2sf) =	vpush v0, $0xA  }
0x1a7: {  	[tilespmem:s11], [sflag:$0x4] =	stream.linear.gather [hbm4b:s18+s2], $0x80, $0x38;
	[tilespmem:$0x10400] =	vst v63  }
0x1a8: {  	s11 =	sadd.s32 s4, s19;
	s18 =	sadd.s32 $0xDD80, s1;
	s19 =	spop (v2sf);
	(v2sf) =	vpush v0, $0xB  }
0x1a9: {  	[tilespmem:s8], [sflag:$0x4] =	stream.linear.gather [hbm4b:s11+s2], $0x80, $0x38;
	[tilespmem:$0x10400] =	vst v63  }
0x1aa: {  	s8 =	sand.u32 $0x1FFFFFF0, s21;
	s11 =	sand.u32 $0x1FFFFFF0, s19;
	s19 =	spop (v2sf);
	(v2sf) =	vpush v0, $0xC  }
0x1ab: {  	s8 =	sadd.s32 s4, s8;
	s19 =	sand.u32 $0x1FFFFFF0, s19;
	s21 =	spop (v2sf)  }
0x1ac: {  	[tilespmem:s16], [sflag:$0x4] =	stream.linear.gather [hbm4b:s8+s2], $0x80, $0x38;
	(v2sf) =	vpush v0, $0xD;
	[tilespmem:$0x10400] =	vst v63  }
0x1ad: {  	s8 =	sadd.s32 s4, s19;
	s16 =	sand.u32 $0x1FFFFFF0, s21;
	s19 =	spop (v2sf)  }
0x1ae: {  	[tilespmem:s18], [sflag:$0x4] =	stream.linear.gather [hbm4b:s8+s2], $0x80, $0x38;
	(v2sf) =	vpush v0, $0xE;
	[tilespmem:$0x10400] =	vst v63  }
0x1af: {  	s8 =	sadd.s32 s4, s11;
	s11 =	sand.u32 $0x1FFFFFF0, s19;
	s18 =	spop (v2sf)  }
0x1b0: {  	[tilespmem:s13], [sflag:$0x4] =	stream.linear.gather [hbm4b:s8+s2], $0x80, $0x38;
	(v2sf) =	vpush v0, $0xF;
	[tilespmem:$0x10400] =	vst v63  }
0x1b1: {  	s8 =	sadd.s32 s4, s16;
	s13 =	sand.u32 $0x1FFFFFF0, s18;
	s16 =	spop (v2sf)  }
0x1b2: {  	[tilespmem:s7], [sflag:$0x4] =	stream.linear.gather [hbm4b:s8+s2], $0x80, $0x38;
	[tilespmem:$0x10400] =	vst v63  }
0x1b3: {  	s7 =	sadd.s32 s4, s11;
	s8 =	sand.u32 $0x1FFFFFF0, s16;
	s11 =	spop (v2sf)  }
0x1b4: {  	[tilespmem:s15], [sflag:$0x4] =	stream.linear.gather [hbm4b:s7+s2], $0x80, $0x38;
	[tilespmem:$0x10400] =	vst v63  }
0x1b5: {  	s7 =	sadd.s32 s4, s13;
	s11 =	sand.u32 $0x1FFFFFF0, s11;
	s13 =	spop (v2sf)  }
0x1b6: {  	[tilespmem:s17], [sflag:$0x4] =	stream.linear.gather [hbm4b:s7+s2], $0x80, $0x38;
	[tilespmem:$0x10400] =	vst v63  }
0x1b7: {  	s7 =	sadd.s32 s4, s8;
	s8 =	sand.u32 $0x1FFFFFF0, s13;
	s13 =	spop (v2sf)  }
0x1b8: {  	[tilespmem:s14], [sflag:$0x4] =	stream.linear.gather [hbm4b:s7+s2], $0x80, $0x38;
	[tilespmem:$0x10400] =	vst v63  }
0x1b9: {  	s7 =	sadd.s32 s4, s11;
	s11 =	sand.u32 $0x1FFFFFF0, s13;
	s13 =	spop (v2sf)  }
0x1ba: {  	[tilespmem:s20], [sflag:$0x4] =	stream.linear.gather [hbm4b:s7+s2], $0x80, $0x38;
	[tilespmem:$0x10400] =	vst v63  }
0x1bb: {  	s7 =	sadd.s32 s4, s8;
	s8 =	sand.u32 $0x1FFFFFF0, s13;
	s13 =	spop (v2sf)  }
0x1bc: {  	[tilespmem:s12], [sflag:$0x4] =	stream.linear.gather [hbm4b:s7+s2], $0x80, $0x38;
	[tilespmem:$0x10400] =	vst v63  }
0x1bd: {  	s7 =	sadd.s32 s4, s11;
	s11 =	sand.u32 $0x1FFFFFF0, s13;
	s12 =	spop (v2sf)  }
0x1be: {  	[tilespmem:s23], [sflag:$0x4] =	stream.linear.gather [hbm4b:s7+s2], $0x80, $0x38;
	[tilespmem:$0x10400] =	vst v63  }
0x1bf: {  	s7 =	sadd.s32 s4, s8;
	s8 =	sand.u32 $0x1FFFFFF0, s12;
	s12 =	spop (v2sf)  }
0x1c0: {  	[tilespmem:s10], [sflag:$0x4] =	stream.linear.gather [hbm4b:s7+s2], $0x80, $0x38;
	[tilespmem:$0x10400] =	vst v63  }
0x1c1: {  	s7 =	sadd.s32 s4, s11;
	s10 =	sand.u32 $0x1FFFFFF0, s12  }
0x1c2: {  	[tilespmem:s22], [sflag:$0x4] =	stream.linear.gather [hbm4b:s7+s2], $0x80, $0x38;
	[tilespmem:$0x10400] =	vst v63  }
0x1c3: {  	s8 =	sadd.s32 s4, s8;
	s7 =	sadd.s32 $0xE300, s1  }
0x1c4: {  	[tilespmem:s7], [sflag:$0x4] =	stream.linear.gather [hbm4b:s8+s2], $0x80, $0x38;
	[tilespmem:$0x10400] =	vst v63  }
0x1c5: {  	s1 =	sadd.s32 $0xE380, s1;
	s7 =	sadd.s32 s4, s10  }
0x1c6: {  	[tilespmem:s1], [sflag:$0x4] =	stream.linear.gather [hbm4b:s7+s2], $0x80, $0x38;
	[tilespmem:$0x10400] =	vst v63  }
0x1c7: {  	v0 =	vld [tilespmem:s25+$0x0];
	_ =	sdelay $0x4  }
0x1c8: {  	v0 =	vshll.u32 v0, $0x4  }
0x1c9: {  	(v2sf) =	vpush v0, $0x0  }
0x1ca: {  	(v2sf) =	vpush v0, $0x1  }
0x1cb: {  	(v2sf) =	vpush v0, $0x2;
	_ =	sdelay $0x1  }
0x1cc: {  	(v2sf) =	vpush v0, $0x4  }
.Ltmp6:
0x1cd: {  	(pc) =	sbr.rel @p0 .LBB2_11-.Ltmp6, $3  }
0x1ce: {  	(v2sf) =	vpush v0, $0x3  }
0x1cf: {  	(v2sf) =	vpush v0, $0x5;
	_ =	sdelay $0x1  }
0x1d0: {  	s1 =	sshra.s32 s9, $0x2;
	(v2sf) =	vpush v0, $0x6  }
0x1d1: {  	_ =	sdelay $0x1  }
0x1d2: {  	s7 =	sadd.s32 $0xDC80, s1;
	s10 =	sadd.s32 $0xE180, s1  }
0x1d3: {  	s8 =	sadd.s32 $0xDF80, s1;
	s0 =	sadd.s32 $0xE200, s1;
	(v2sf) =	vpush v0, $0x7;
	s11 =	sadd.s32 $0xDE80, s1  }
0x1d4: {  	s12 =	sadd.s32 $0xE000, s1;
	s9 =	sadd.s32 $0xE280, s1;
	s13 =	sadd.s32 $0xDC00, s1  }
0x1d5: {  	s14 =	sadd.s32 $0xDE00, s1;
	s15 =	sadd.s32 $0xDF00, s1;
	(v2sf) =	vpush v0, $0x8;
	s16 =	spop (v2sf)  }
0x1d6: {  	s17 =	sadd.s32 $0xDD00, s1;
	s16 =	sand.u32 $0x1FFFFFF0, s16;
	s18 =	spop (v2sf)  }
0x1d7: {  	(v2sf) =	vpush v0, $0x9;
	s16 =	sadd.s32 s4, s16;
	s18 =	sand.u32 $0x1FFFFFF0, s18;
	s19 =	spop (v2sf)  }
0x1d8: {  	[tilespmem:s13], [sflag:$0x4] =	stream.linear.gather [hbm4b:s16+s2], $0x80, $0x38;
	[tilespmem:$0x10400] =	vst v63  }
0x1d9: {  	s20 =	sadd.s32 $0xDD80, s1;
	(v2sf) =	vpush v0, $0xA;
	s23 =	sadd.s32 s4, s18;
	s25 =	spop (v2sf)  }
0x1da: {  	[tilespmem:s7], [sflag:$0x4] =	stream.linear.gather [hbm4b:s23+s2], $0x80, $0x38;
	[tilespmem:$0x10400] =	vst v63  }
0x1db: {  	s13 =	sadd.s32 $0xE100, s1;
	s21 =	sand.u32 $0x1FFFFFF0, s19;
	(v2sf) =	vpush v0, $0xB;
	s22 =	spop (v2sf)  }
0x1dc: {  	s16 =	sadd.s32 s4, s21;
	s7 =	sadd.s32 $0xE080, s1;
	s19 =	sand.u32 $0x1FFFFFF0, s22  }
0x1dd: {  	(v2sf) =	vpush v0, $0xC;
	[tilespmem:s17], [sflag:$0x4] =	stream.linear.gather [hbm4b:s16+s2], $0x80, $0x38;
	[tilespmem:$0x10400] =	vst v63  }
0x1de: {  	s23 =	sand.u32 $0x1FFFFFF0, s25;
	s25 =	spop (v2sf);
	s21 =	sadd.s32 s4, s19  }
0x1df: {  	(v2sf) =	vpush v0, $0xD;
	[tilespmem:s20], [sflag:$0x4] =	stream.linear.gather [hbm4b:s21+s2], $0x80, $0x38;
	[tilespmem:$0x10400] =	vst v63  }
0x1e0: {  	s16 =	sadd.s32 s4, s23;
	s17 =	sand.u32 $0x1FFFFFF0, s25;
	s22 =	spop (v2sf)  }
0x1e1: {  	(v2sf) =	vpush v0, $0xE;
	[tilespmem:s14], [sflag:$0x4] =	stream.linear.gather [hbm4b:s16+s2], $0x80, $0x38;
	[tilespmem:$0x10400] =	vst v63  }
0x1e2: {  	s17 =	sadd.s32 s4, s17;
	s23 =	sand.u32 $0x1FFFFFF0, s22;
	s25 =	spop (v2sf)  }
0x1e3: {  	(v2sf) =	vpush v0, $0xF;
	[tilespmem:s11], [sflag:$0x4] =	stream.linear.gather [hbm4b:s17+s2], $0x80, $0x38;
	[tilespmem:$0x10400] =	vst v63  }
0x1e4: {  	s18 =	sand.u32 $0x1FFFFFF0, s25;
	s19 =	spop (v2sf);
	s14 =	sadd.s32 s4, s23  }
0x1e5: {  	[tilespmem:s15], [sflag:$0x4] =	stream.linear.gather [hbm4b:s14+s2], $0x80, $0x38;
	[tilespmem:$0x10400] =	vst v63  }
0x1e6: {  	s20 =	sand.u32 $0x1FFFFFF0, s19;
	s11 =	sadd.s32 s4, s18;
	s21 =	spop (v2sf)  }
0x1e7: {  	[tilespmem:s8], [sflag:$0x4] =	stream.linear.gather [hbm4b:s11+s2], $0x80, $0x38;
	[tilespmem:$0x10400] =	vst v63  }
0x1e8: {  	s14 =	sadd.s32 s4, s20;
	s22 =	sand.u32 $0x1FFFFFF0, s21;
	s23 =	spop (v2sf)  }
0x1e9: {  	[tilespmem:s12], [sflag:$0x4] =	stream.linear.gather [hbm4b:s14+s2], $0x80, $0x38;
	[tilespmem:$0x10400] =	vst v63  }
0x1ea: {  	s11 =	sand.u32 $0x1FFFFFF0, s23;
	s8 =	sadd.s32 s4, s22;
	s25 =	spop (v2sf)  }
0x1eb: {  	[tilespmem:s7], [sflag:$0x4] =	stream.linear.gather [hbm4b:s8+s2], $0x80, $0x38;
	[tilespmem:$0x10400] =	vst v63  }
0x1ec: {  	s11 =	sadd.s32 s4, s11;
	s12 =	sand.u32 $0x1FFFFFF0, s25;
	s14 =	spop (v2sf)  }
0x1ed: {  	[tilespmem:s13], [sflag:$0x4] =	stream.linear.gather [hbm4b:s11+s2], $0x80, $0x38;
	[tilespmem:$0x10400] =	vst v63  }
0x1ee: {  	s7 =	sadd.s32 s4, s12;
	s8 =	sand.u32 $0x1FFFFFF0, s14;
	s15 =	spop (v2sf)  }
0x1ef: {  	[tilespmem:s10], [sflag:$0x4] =	stream.linear.gather [hbm4b:s7+s2], $0x80, $0x38;
	[tilespmem:$0x10400] =	vst v63  }
0x1f0: {  	s16 =	sand.u32 $0x1FFFFFF0, s15;
	s8 =	sadd.s32 s4, s8;
	s17 =	spop (v2sf)  }
0x1f1: {  	[tilespmem:s0], [sflag:$0x4] =	stream.linear.gather [hbm4b:s8+s2], $0x80, $0x38;
	[tilespmem:$0x10400] =	vst v63  }
0x1f2: {  	s18 =	sand.u32 $0x1FFFFFF0, s17;
	s19 =	spop (v2sf);
	s7 =	sadd.s32 s4, s16  }
0x1f3: {  	[tilespmem:s9], [sflag:$0x4] =	stream.linear.gather [hbm4b:s7+s2], $0x80, $0x38;
	[tilespmem:$0x10400] =	vst v63  }
0x1f4: {  	s21 =	sadd.s32 $0xE300, s1;
	s20 =	sand.u32 $0x1FFFFFF0, s19;
	s0 =	sadd.s32 s4, s18  }
0x1f5: {  	[tilespmem:s21], [sflag:$0x4] =	stream.linear.gather [hbm4b:s0+s2], $0x80, $0x38;
	[tilespmem:$0x10400] =	vst v63  }
0x1f6: {  	s22 =	sadd.s32 $0xE380, s1;
	s25 =	simm.s32 $0x2;
	s23 =	sadd.s32 s4, s20  }
0x1f7: {  	[tilespmem:s22], [sflag:$0x4] =	stream.linear.gather [hbm4b:s23+s2], $0x80, $0x38;
	[tilespmem:$0x10400] =	vst v63  }
0x1f8: {  	_ =	swait.ge [sflag:s25], $0x2800  }
0x1f9: {  	[sflag:s25] =	ssyncset.done $0x0  }
0x1fa: {  	s1 =	simm.s32 $0x0;
	[sflag:s25] =	ssyncadd.s32 $0xFFFFD800  }
0x1fb: {  	v0 =	vld [tilespmem:s1+$0x8C00]  }
0x1fc: {  	v1 =	vld [tilespmem:s1+$0x8C10]  }
0x1fd: {  	v2 =	vld [tilespmem:s1+$0x8C20]  }
0x1fe: {  	v3 =	vld [tilespmem:s1+$0x8C30]  }
0x1ff: {  	v4 =	vld [tilespmem:s1+$0x8C80]  }
0x200: {  	v5 =	vld [tilespmem:s1+$0x8C90];
	v0 =	vmul.f32 $8.000000000e+00, v0  }
0x201: {  	v6 =	vld [tilespmem:s1+$0x8CA0];
	v1 =	vmul.f32 $8.000000000e+00, v1  }
0x202: {  	v2 =	vmul.f32 $8.000000000e+00, v2;
	[tilespmem:s1+$0x8C00] =	vst v0;
	v0 =	vld [tilespmem:s1+$0x8CB0]  }
0x203: {  	v3 =	vmul.f32 $8.000000000e+00, v3;
	[tilespmem:s1+$0x8C10] =	vst v1;
	v1 =	vld [tilespmem:s1+$0x8D00]  }
0x204: {  	v4 =	vmul.f32 $8.000000000e+00, v4;
	[tilespmem:s1+$0x8C20] =	vst v2;
	v2 =	vld [tilespmem:s1+$0x8D10]  }
0x205: {  	v5 =	vmul.f32 $8.000000000e+00, v5;
	[tilespmem:s1+$0x8C30] =	vst v3;
	v3 =	vld [tilespmem:s1+$0x8D20]  }
0x206: {  	v6 =	vmul.f32 $8.000000000e+00, v6;
	[tilespmem:s1+$0x8C80] =	vst v4;
	v4 =	vld [tilespmem:s1+$0x8D30]  }
0x207: {  	[tilespmem:s1+$0x8C90] =	vst v5;
	v5 =	vld [tilespmem:s1+$0x8D80];
	v0 =	vmul.f32 $8.000000000e+00, v0  }
0x208: {  	[tilespmem:s1+$0x8CA0] =	vst v6;
	v6 =	vld [tilespmem:s1+$0x8D90];
	v1 =	vmul.f32 $8.000000000e+00, v1  }
0x209: {  	v2 =	vmul.f32 $8.000000000e+00, v2;
	[tilespmem:s1+$0x8CB0] =	vst v0;
	v0 =	vld [tilespmem:s1+$0x8DA0]  }
0x20a: {  	v3 =	vmul.f32 $8.000000000e+00, v3;
	[tilespmem:s1+$0x8D00] =	vst v1;
	v1 =	vld [tilespmem:s1+$0x8DB0]  }
0x20b: {  	v4 =	vmul.f32 $8.000000000e+00, v4;
	[tilespmem:s1+$0x8D10] =	vst v2;
	v2 =	vld [tilespmem:s1+$0x8E00]  }
0x20c: {  	v5 =	vmul.f32 $8.000000000e+00, v5;
	[tilespmem:s1+$0x8D20] =	vst v3;
	v3 =	vld [tilespmem:s1+$0x8E10]  }
0x20d: {  	v6 =	vmul.f32 $8.000000000e+00, v6;
	[tilespmem:s1+$0x8D30] =	vst v4;
	v4 =	vld [tilespmem:s1+$0x8E20]  }
0x20e: {  	[tilespmem:s1+$0x8D80] =	vst v5;
	v5 =	vld [tilespmem:s1+$0x8E30];
	v0 =	vmul.f32 $8.000000000e+00, v0  }
0x20f: {  	[tilespmem:s1+$0x8D90] =	vst v6;
	v6 =	vld [tilespmem:s1+$0x8E80]  }
0x210: {  	v1 =	vmul.f32 $8.000000000e+00, v1;
	[tilespmem:s1+$0x8DA0] =	vst v0;
	v0 =	vld [tilespmem:s1+$0x8E90]  }
0x211: {  	v2 =	vmul.f32 $8.000000000e+00, v2  }
0x212: {  	[tilespmem:s1+$0x8DB0] =	vst v1;
	v1 =	vmul.f32 $8.000000000e+00, v3;
	v3 =	vld [tilespmem:s1+$0x8EB0]  }
0x213: {  	v7 =	vld [tilespmem:s1+$0x8EA0];
	[tilespmem:s1+$0x8E00] =	vst v2;
	v2 =	vmul.f32 $8.000000000e+00, v4  }
0x214: {  	v4 =	vld [tilespmem:s1+$0x8F00];
	[tilespmem:s1+$0x8E10] =	vst v1;
	v1 =	vmul.f32 $8.000000000e+00, v5  }
0x215: {  	[tilespmem:s1+$0x8E20] =	vst v2;
	v5 =	vld [tilespmem:s1+$0x8F10];
	v2 =	vmul.f32 $8.000000000e+00, v6;
	v6 =	vmul.f32 $8.000000000e+00, v0  }
0x216: {  	[tilespmem:s1+$0x8E30] =	vst v1;
	v1 =	vld [tilespmem:s1+$0x8F20]  }
0x217: {  	v0 =	vld [tilespmem:s1+$0x8F30];
	[tilespmem:s1+$0x8E90] =	vst v6;
	v6 =	vmul.f32 $8.000000000e+00, v3  }
0x218: {  	v7 =	vmul.f32 $8.000000000e+00, v7;
	[tilespmem:s1+$0x8E80] =	vst v2;
	v2 =	vld [tilespmem:s1+$0x8F80]  }
0x219: {  	v3 =	vld [tilespmem:s1+$0x8F90];
	[tilespmem:s1+$0x8EB0] =	vst v6;
	v6 =	vmul.f32 $8.000000000e+00, v4  }
0x21a: {  	s0 =	simm.s32 $0x1000;
	[tilespmem:s1+$0x8EA0] =	vst v7;
	v5 =	vmul.f32 $8.000000000e+00, v5;
	v4 =	vld [tilespmem:s1+$0x8FA0]  }
.LBB2_13:
0x21b: {  	s7 =	sshra.s32 s0, $0x2;
	p0 =	sne.s32 s0, $0x9000;
	[tilespmem:s1+$0x8F00] =	vst v6;
	v1 =	vmul.f32 $8.000000000e+00, v1;
	v6 =	vld [tilespmem:s1+$0x8FB0]  }
0x21c: {  	v7 =	vld [tilespmem:s7+$0x8C00];
	[tilespmem:s1+$0x8F10] =	vst v5;
	v0 =	vmul.f32 $8.000000000e+00, v0  }
0x21d: {  	v5 =	vld [tilespmem:s7+$0x8C10];
	[tilespmem:s1+$0x8F20] =	vst v1;
	v1 =	vmul.f32 $8.000000000e+00, v2  }
0x21e: {  	v2 =	vld [tilespmem:s7+$0x8C20];
	[tilespmem:s1+$0x8F30] =	vst v0;
	v0 =	vmul.f32 $8.000000000e+00, v3  }
0x21f: {  	v3 =	vld [tilespmem:s7+$0x8C30];
	[tilespmem:s1+$0x8F80] =	vst v1;
	v1 =	vmul.f32 $8.000000000e+00, v4  }
0x220: {  	v4 =	vld [tilespmem:s7+$0x8C80];
	[tilespmem:s1+$0x8F90] =	vst v0;
	v0 =	vmul.f32 $8.000000000e+00, v6  }
0x221: {  	v6 =	vmul.f32 $8.000000000e+00, v7;
	v7 =	vld [tilespmem:s7+$0x8C90];
	[tilespmem:s1+$0x8FA0] =	vst v1  }
0x222: {  	v1 =	vmul.f32 $8.000000000e+00, v5;
	v5 =	vld [tilespmem:s7+$0x8CA0];
	[tilespmem:s1+$0x8FB0] =	vst v0;
	s1 =	smov.u32 s7  }
0x223: {  	[tilespmem:s1+$0x8C00] =	vst v6;
	v0 =	vmul.f32 $8.000000000e+00, v2;
	v2 =	vld [tilespmem:s1+$0x8CB0]  }
0x224: {  	[tilespmem:s1+$0x8C10] =	vst v1;
	v1 =	vmul.f32 $8.000000000e+00, v3;
	v3 =	vld [tilespmem:s1+$0x8D00]  }
0x225: {  	[tilespmem:s1+$0x8C20] =	vst v0;
	v0 =	vmul.f32 $8.000000000e+00, v4;
	v4 =	vld [tilespmem:s1+$0x8D10]  }
0x226: {  	[tilespmem:s1+$0x8C30] =	vst v1;
	v1 =	vmul.f32 $8.000000000e+00, v7;
	v6 =	vld [tilespmem:s1+$0x8D20]  }
0x227: {  	[tilespmem:s1+$0x8C80] =	vst v0;
	v0 =	vmul.f32 $8.000000000e+00, v5;
	v5 =	vld [tilespmem:s1+$0x8D30]  }
0x228: {  	[tilespmem:s1+$0x8C90] =	vst v1;
	v1 =	vmul.f32 $8.000000000e+00, v2;
	v2 =	vld [tilespmem:s1+$0x8D80]  }
0x229: {  	[tilespmem:s1+$0x8CA0] =	vst v0;
	v0 =	vmul.f32 $8.000000000e+00, v3;
	v3 =	vld [tilespmem:s1+$0x8D90]  }
0x22a: {  	[tilespmem:s1+$0x8CB0] =	vst v1;
	v1 =	vmul.f32 $8.000000000e+00, v4;
	v4 =	vld [tilespmem:s1+$0x8DA0]  }
0x22b: {  	[tilespmem:s1+$0x8D00] =	vst v0;
	v0 =	vmul.f32 $8.000000000e+00, v6;
	v6 =	vld [tilespmem:s1+$0x8DB0]  }
0x22c: {  	[tilespmem:s1+$0x8D10] =	vst v1;
	v1 =	vmul.f32 $8.000000000e+00, v5;
	v5 =	vld [tilespmem:s1+$0x8E00]  }
0x22d: {  	[tilespmem:s1+$0x8D20] =	vst v0;
	v0 =	vmul.f32 $8.000000000e+00, v2;
	v2 =	vld [tilespmem:s1+$0x8E10]  }
0x22e: {  	[tilespmem:s1+$0x8D30] =	vst v1;
	v1 =	vmul.f32 $8.000000000e+00, v3;
	v3 =	vld [tilespmem:s1+$0x8E20]  }
0x22f: {  	[tilespmem:s1+$0x8D80] =	vst v0;
	v0 =	vmul.f32 $8.000000000e+00, v4;
	v4 =	vld [tilespmem:s1+$0x8E30]  }
0x230: {  	[tilespmem:s1+$0x8D90] =	vst v1;
	v1 =	vmul.f32 $8.000000000e+00, v6;
	v6 =	vld [tilespmem:s1+$0x8E80]  }
0x231: {  	[tilespmem:s1+$0x8DA0] =	vst v0;
	v0 =	vmul.f32 $8.000000000e+00, v5;
	v5 =	vld [tilespmem:s1+$0x8E90]  }
0x232: {  	[tilespmem:s1+$0x8DB0] =	vst v1;
	v1 =	vmul.f32 $8.000000000e+00, v2;
	v2 =	vld [tilespmem:s1+$0x8EA0]  }
0x233: {  	[tilespmem:s1+$0x8E00] =	vst v0;
	v0 =	vmul.f32 $8.000000000e+00, v3;
	v3 =	vld [tilespmem:s1+$0x8EB0]  }
0x234: {  	[tilespmem:s1+$0x8E10] =	vst v1;
	v1 =	vmul.f32 $8.000000000e+00, v4;
	v4 =	vld [tilespmem:s1+$0x8F00]  }
0x235: {  	[tilespmem:s1+$0x8E20] =	vst v0;
	v0 =	vmul.f32 $8.000000000e+00, v6;
	v7 =	vld [tilespmem:s1+$0x8F10]  }
.Ltmp7:
0x236: {  	[tilespmem:s1+$0x8E30] =	vst v1;
	v5 =	vmul.f32 $8.000000000e+00, v5;
	v1 =	vld [tilespmem:s1+$0x8F20];
	(pc) =	sbr.rel @p0 .LBB2_13-.Ltmp7, $4  }
0x237: {  	[tilespmem:s1+$0x8E80] =	vst v0;
	v6 =	vmul.f32 $8.000000000e+00, v2;
	v0 =	vld [tilespmem:s1+$0x8F30]  }
0x238: {  	[tilespmem:s1+$0x8E90] =	vst v5;
	v5 =	vmul.f32 $8.000000000e+00, v3;
	v2 =	vld [tilespmem:s1+$0x8F80]  }
0x239: {  	[tilespmem:s1+$0x8EA0] =	vst v6;
	v6 =	vmul.f32 $8.000000000e+00, v4;
	v3 =	vld [tilespmem:s1+$0x8F90]  }
0x23a: {  	s0 =	sadd.s32 $0x1000, s0;
	[tilespmem:s1+$0x8EB0] =	vst v5;
	v5 =	vmul.f32 $8.000000000e+00, v7;
	v4 =	vld [tilespmem:s1+$0x8FA0]  }
0x23b: {  	[tilespmem:s1+$0x8F00] =	vst v6;
	v1 =	vmul.f32 $8.000000000e+00, v1;
	v59 =	vld [tilespmem:s1+$0x8FB0]  }
0x23c: {  	[tilespmem:s1+$0x8F10] =	vst v5;
	v0 =	vmul.f32 $8.000000000e+00, v0  }
0x23d: {  	[tilespmem:s1+$0x8F20] =	vst v1;
	v60 =	vmul.f32 $8.000000000e+00, v2  }
0x23e: {  	[tilespmem:s1+$0x8F30] =	vst v0;
	v61 =	vmul.f32 $8.000000000e+00, v3  }
0x23f: {  	s0 =	rddreg [dreg:$0x4];
	[tilespmem:s1+$0x8F80] =	vst v60;
	v62 =	vmul.f32 $8.000000000e+00, v4  }
0x240: {  	s23 =	simm.s32 $0x0;
	s0 =	sadd.s32 s31, s0;
	[tilespmem:s1+$0x8F90] =	vst v61;
	v63 =	vmul.f32 $8.000000000e+00, v59  }
0x241: {  	s7 =	simm.s32 $0x8C00;
	p0 =	seq.s32 s24, $0x4F;
	s0 =	sshll.u32 s0, $0x4;
	[tilespmem:s1+$0x8FA0] =	vst v62  }
.Ltmp8:
0x242: {  	s25 =	simm.s32 $0x5;
	s0 =	sadd.s32 s5, s0;
	[tilespmem:s1+$0x8FB0] =	vst v63;
	(pc) =	sbr.rel @p0 .LBB2_18-.Ltmp8, $4  }
0x243: {  	[hbm4b:s0+s23] =	stream.linear.scatter [tilespmem:s7], [sflag:$0x6], $0x2800, $0x38;
	[tilespmem:$0x10400] =	vst v63  }
0x244: {  	_ =	swait.ge [sflag:s25], $0x2800  }
0x245: {  	[sflag:s25] =	ssyncset.done $0x0  }
0x246: {  	[sflag:s25] =	ssyncadd.s32 $0xFFFFD800  }
0x247: {  	v0 =	vld [tilespmem:s26+$0x0];
	_ =	sdelay $0x4  }
0x248: {  	v0 =	vshll.u32 v0, $0x4  }
0x249: {  	(v2sf) =	vpush v0, $0x0  }
0x24a: {  	(v2sf) =	vpush v0, $0x1  }
0x24b: {  	(v2sf) =	vpush v0, $0x2;
	_ =	sdelay $0x1  }
0x24c: {  	(v2sf) =	vpush v0, $0x4;
	_ =	sdelay $0x1  }
0x24d: {  	(v2sf) =	vpush v0, $0x3  }
0x24e: {  	(v2sf) =	vpush v0, $0x5  }
0x24f: {  	s0 =	simm.s32 $0x2000;
	s1 =	simm.s32 $0x0;
	s25 =	smov.u32 s26;
	(v2sf) =	vpush v0, $0x6  }
.LBB2_16:
0x250: {  	p1 =	sne.s32 s0, $0x8000  }
0x251: {  	s8 =	sadd.s32 $0x6480, s1;
	s23 =	sadd.s32 $0x6980, s1;
	s9 =	smov.u32 s0  }
0x252: {  	s0 =	sadd.s32 $0x2000, s0;
	s17 =	sadd.s32 $0x6780, s1;
	s10 =	sadd.s32 $0x6A00, s1;
	(v2sf) =	vpush v0, $0x7  }
0x253: {  	s7 =	sadd.s32 $0x6680, s1;
	s14 =	sadd.s32 $0x6800, s1;
	s22 =	sadd.s32 $0x6A80, s1  }
0x254: {  	s11 =	sadd.s32 $0x6400, s1;
	s13 =	sadd.s32 $0x6600, s1;
	(v2sf) =	vpush v0, $0x8  }
0x255: {  	s15 =	sadd.s32 $0x6700, s1;
	s25 =	sadd.s32 $0x10, s25  }
0x256: {  	s16 =	sadd.s32 $0x6500, s1;
	s12 =	sadd.s32 $0x6900, s1;
	s18 =	spop (v2sf);
	(v2sf) =	vpush v0, $0x9  }
0x257: {  	s20 =	sadd.s32 $0x6880, s1;
	s18 =	sand.u32 $0x1FFFFFF0, s18;
	s19 =	spop (v2sf)  }
0x258: {  	s18 =	sadd.s32 s4, s18;
	s19 =	sand.u32 $0x1FFFFFF0, s19;
	s21 =	spop (v2sf);
	(v2sf) =	vpush v0, $0xA  }
0x259: {  	[tilespmem:s11], [sflag:$0x1] =	stream.linear.gather [hbm4b:s18+s2], $0x80, $0x38;
	[tilespmem:$0x10400] =	vst v63  }
0x25a: {  	s11 =	sadd.s32 s4, s19;
	s18 =	sadd.s32 $0x6580, s1;
	s19 =	spop (v2sf);
	(v2sf) =	vpush v0, $0xB  }
0x25b: {  	[tilespmem:s8], [sflag:$0x1] =	stream.linear.gather [hbm4b:s11+s2], $0x80, $0x38;
	[tilespmem:$0x10400] =	vst v63  }
0x25c: {  	s8 =	sand.u32 $0x1FFFFFF0, s21;
	s11 =	sand.u32 $0x1FFFFFF0, s19;
	s19 =	spop (v2sf);
	(v2sf) =	vpush v0, $0xC  }
0x25d: {  	s8 =	sadd.s32 s4, s8;
	s19 =	sand.u32 $0x1FFFFFF0, s19;
	s21 =	spop (v2sf)  }
0x25e: {  	[tilespmem:s16], [sflag:$0x1] =	stream.linear.gather [hbm4b:s8+s2], $0x80, $0x38;
	(v2sf) =	vpush v0, $0xD;
	[tilespmem:$0x10400] =	vst v63  }
0x25f: {  	s8 =	sadd.s32 s4, s19;
	s16 =	sand.u32 $0x1FFFFFF0, s21;
	s19 =	spop (v2sf)  }
0x260: {  	[tilespmem:s18], [sflag:$0x1] =	stream.linear.gather [hbm4b:s8+s2], $0x80, $0x38;
	(v2sf) =	vpush v0, $0xE;
	[tilespmem:$0x10400] =	vst v63  }
0x261: {  	s8 =	sadd.s32 s4, s11;
	s11 =	sand.u32 $0x1FFFFFF0, s19;
	s18 =	spop (v2sf)  }
0x262: {  	[tilespmem:s13], [sflag:$0x1] =	stream.linear.gather [hbm4b:s8+s2], $0x80, $0x38;
	(v2sf) =	vpush v0, $0xF;
	[tilespmem:$0x10400] =	vst v63  }
0x263: {  	s8 =	sadd.s32 s4, s16;
	s13 =	sand.u32 $0x1FFFFFF0, s18;
	s16 =	spop (v2sf)  }
0x264: {  	[tilespmem:s7], [sflag:$0x1] =	stream.linear.gather [hbm4b:s8+s2], $0x80, $0x38;
	[tilespmem:$0x10400] =	vst v63  }
0x265: {  	s7 =	sadd.s32 s4, s11;
	s8 =	sand.u32 $0x1FFFFFF0, s16;
	s11 =	spop (v2sf)  }
0x266: {  	[tilespmem:s15], [sflag:$0x1] =	stream.linear.gather [hbm4b:s7+s2], $0x80, $0x38;
	[tilespmem:$0x10400] =	vst v63  }
0x267: {  	s7 =	sadd.s32 s4, s13;
	s11 =	sand.u32 $0x1FFFFFF0, s11;
	s13 =	spop (v2sf)  }
0x268: {  	[tilespmem:s17], [sflag:$0x1] =	stream.linear.gather [hbm4b:s7+s2], $0x80, $0x38;
	[tilespmem:$0x10400] =	vst v63  }
0x269: {  	s7 =	sadd.s32 s4, s8;
	s8 =	sand.u32 $0x1FFFFFF0, s13;
	s13 =	spop (v2sf)  }
0x26a: {  	[tilespmem:s14], [sflag:$0x1] =	stream.linear.gather [hbm4b:s7+s2], $0x80, $0x38;
	[tilespmem:$0x10400] =	vst v63  }
0x26b: {  	s7 =	sadd.s32 s4, s11;
	s11 =	sand.u32 $0x1FFFFFF0, s13;
	s13 =	spop (v2sf)  }
0x26c: {  	[tilespmem:s20], [sflag:$0x1] =	stream.linear.gather [hbm4b:s7+s2], $0x80, $0x38;
	[tilespmem:$0x10400] =	vst v63  }
0x26d: {  	s7 =	sadd.s32 s4, s8;
	s8 =	sand.u32 $0x1FFFFFF0, s13;
	s13 =	spop (v2sf)  }
0x26e: {  	[tilespmem:s12], [sflag:$0x1] =	stream.linear.gather [hbm4b:s7+s2], $0x80, $0x38;
	[tilespmem:$0x10400] =	vst v63  }
0x26f: {  	s7 =	sadd.s32 s4, s11;
	s11 =	sand.u32 $0x1FFFFFF0, s13;
	s12 =	spop (v2sf)  }
0x270: {  	[tilespmem:s23], [sflag:$0x1] =	stream.linear.gather [hbm4b:s7+s2], $0x80, $0x38;
	[tilespmem:$0x10400] =	vst v63  }
0x271: {  	s7 =	sadd.s32 s4, s8;
	s8 =	sand.u32 $0x1FFFFFF0, s12;
	s12 =	spop (v2sf)  }
0x272: {  	[tilespmem:s10], [sflag:$0x1] =	stream.linear.gather [hbm4b:s7+s2], $0x80, $0x38;
	[tilespmem:$0x10400] =	vst v63  }
0x273: {  	s7 =	sadd.s32 s4, s11;
	s10 =	sand.u32 $0x1FFFFFF0, s12  }
0x274: {  	[tilespmem:s22], [sflag:$0x1] =	stream.linear.gather [hbm4b:s7+s2], $0x80, $0x38;
	[tilespmem:$0x10400] =	vst v63  }
0x275: {  	s8 =	sadd.s32 s4, s8;
	s7 =	sadd.s32 $0x6B00, s1  }
0x276: {  	[tilespmem:s7], [sflag:$0x1] =	stream.linear.gather [hbm4b:s8+s2], $0x80, $0x38;
	[tilespmem:$0x10400] =	vst v63  }
0x277: {  	s1 =	sadd.s32 $0x6B80, s1;
	s7 =	sadd.s32 s4, s10  }
0x278: {  	[tilespmem:s1], [sflag:$0x1] =	stream.linear.gather [hbm4b:s7+s2], $0x80, $0x38;
	[tilespmem:$0x10400] =	vst v63  }
0x279: {  	v0 =	vld [tilespmem:s25+$0x0];
	_ =	sdelay $0x4  }
0x27a: {  	v0 =	vshll.u32 v0, $0x4  }
0x27b: {  	(v2sf) =	vpush v0, $0x0  }
0x27c: {  	(v2sf) =	vpush v0, $0x1  }
0x27d: {  	(v2sf) =	vpush v0, $0x2;
	_ =	sdelay $0x1  }
0x27e: {  	(v2sf) =	vpush v0, $0x4  }
.Ltmp9:
0x27f: {  	(pc) =	sbr.rel @p1 .LBB2_16-.Ltmp9, $3  }
0x280: {  	(v2sf) =	vpush v0, $0x3  }
0x281: {  	(v2sf) =	vpush v0, $0x5;
	_ =	sdelay $0x1  }
0x282: {  	s1 =	sshra.s32 s9, $0x2;
	(v2sf) =	vpush v0, $0x6  }
0x283: {  	_ =	sdelay $0x1  }
0x284: {  	s7 =	sadd.s32 $0x6480, s1;
	s10 =	sadd.s32 $0x6980, s1  }
0x285: {  	s8 =	sadd.s32 $0x6780, s1;
	s0 =	sadd.s32 $0x6A00, s1;
	(v2sf) =	vpush v0, $0x7;
	s11 =	sadd.s32 $0x6680, s1  }
0x286: {  	s12 =	sadd.s32 $0x6800, s1;
	s9 =	sadd.s32 $0x6A80, s1;
	s13 =	sadd.s32 $0x6400, s1  }
0x287: {  	s14 =	sadd.s32 $0x6600, s1;
	s15 =	sadd.s32 $0x6700, s1;
	(v2sf) =	vpush v0, $0x8;
	s16 =	spop (v2sf)  }
0x288: {  	s17 =	sadd.s32 $0x6500, s1;
	s16 =	sand.u32 $0x1FFFFFF0, s16;
	s18 =	spop (v2sf)  }
0x289: {  	(v2sf) =	vpush v0, $0x9;
	s16 =	sadd.s32 s4, s16;
	s18 =	sand.u32 $0x1FFFFFF0, s18;
	s19 =	spop (v2sf)  }
0x28a: {  	[tilespmem:s13], [sflag:$0x1] =	stream.linear.gather [hbm4b:s16+s2], $0x80, $0x38;
	[tilespmem:$0x10400] =	vst v63  }
0x28b: {  	s20 =	sadd.s32 $0x6580, s1;
	(v2sf) =	vpush v0, $0xA;
	s23 =	sadd.s32 s4, s18;
	s25 =	spop (v2sf)  }
0x28c: {  	[tilespmem:s7], [sflag:$0x1] =	stream.linear.gather [hbm4b:s23+s2], $0x80, $0x38;
	[tilespmem:$0x10400] =	vst v63  }
0x28d: {  	s13 =	sadd.s32 $0x6900, s1;
	s21 =	sand.u32 $0x1FFFFFF0, s19;
	(v2sf) =	vpush v0, $0xB;
	s22 =	spop (v2sf)  }
0x28e: {  	s16 =	sadd.s32 s4, s21;
	s7 =	sadd.s32 $0x6880, s1;
	s19 =	sand.u32 $0x1FFFFFF0, s22  }
0x28f: {  	(v2sf) =	vpush v0, $0xC;
	[tilespmem:s17], [sflag:$0x1] =	stream.linear.gather [hbm4b:s16+s2], $0x80, $0x38;
	[tilespmem:$0x10400] =	vst v63  }
0x290: {  	s23 =	sand.u32 $0x1FFFFFF0, s25;
	s25 =	spop (v2sf);
	s21 =	sadd.s32 s4, s19  }
0x291: {  	(v2sf) =	vpush v0, $0xD;
	[tilespmem:s20], [sflag:$0x1] =	stream.linear.gather [hbm4b:s21+s2], $0x80, $0x38;
	[tilespmem:$0x10400] =	vst v63  }
0x292: {  	s16 =	sadd.s32 s4, s23;
	s17 =	sand.u32 $0x1FFFFFF0, s25;
	s22 =	spop (v2sf)  }
0x293: {  	(v2sf) =	vpush v0, $0xE;
	[tilespmem:s14], [sflag:$0x1] =	stream.linear.gather [hbm4b:s16+s2], $0x80, $0x38;
	[tilespmem:$0x10400] =	vst v63  }
0x294: {  	s17 =	sadd.s32 s4, s17;
	s23 =	sand.u32 $0x1FFFFFF0, s22;
	s25 =	spop (v2sf)  }
0x295: {  	(v2sf) =	vpush v0, $0xF;
	[tilespmem:s11], [sflag:$0x1] =	stream.linear.gather [hbm4b:s17+s2], $0x80, $0x38;
	[tilespmem:$0x10400] =	vst v63  }
0x296: {  	s18 =	sand.u32 $0x1FFFFFF0, s25;
	s19 =	spop (v2sf);
	s14 =	sadd.s32 s4, s23  }
0x297: {  	[tilespmem:s15], [sflag:$0x1] =	stream.linear.gather [hbm4b:s14+s2], $0x80, $0x38;
	[tilespmem:$0x10400] =	vst v63  }
0x298: {  	s20 =	sand.u32 $0x1FFFFFF0, s19;
	s11 =	sadd.s32 s4, s18;
	s21 =	spop (v2sf)  }
0x299: {  	[tilespmem:s8], [sflag:$0x1] =	stream.linear.gather [hbm4b:s11+s2], $0x80, $0x38;
	[tilespmem:$0x10400] =	vst v63  }
0x29a: {  	s14 =	sadd.s32 s4, s20;
	s22 =	sand.u32 $0x1FFFFFF0, s21;
	s23 =	spop (v2sf)  }
0x29b: {  	[tilespmem:s12], [sflag:$0x1] =	stream.linear.gather [hbm4b:s14+s2], $0x80, $0x38;
	[tilespmem:$0x10400] =	vst v63  }
0x29c: {  	s11 =	sand.u32 $0x1FFFFFF0, s23;
	s8 =	sadd.s32 s4, s22;
	s25 =	spop (v2sf)  }
0x29d: {  	[tilespmem:s7], [sflag:$0x1] =	stream.linear.gather [hbm4b:s8+s2], $0x80, $0x38;
	[tilespmem:$0x10400] =	vst v63  }
0x29e: {  	s11 =	sadd.s32 s4, s11;
	s14 =	sand.u32 $0x1FFFFFF0, s25;
	s15 =	spop (v2sf)  }
0x29f: {  	[tilespmem:s13], [sflag:$0x1] =	stream.linear.gather [hbm4b:s11+s2], $0x80, $0x38;
	[tilespmem:$0x10400] =	vst v63  }
0x2a0: {  	s7 =	sadd.s32 s4, s14;
	s8 =	sand.u32 $0x1FFFFFF0, s15;
	s16 =	spop (v2sf)  }
0x2a1: {  	[tilespmem:s10], [sflag:$0x1] =	stream.linear.gather [hbm4b:s7+s2], $0x80, $0x38;
	[tilespmem:$0x10400] =	vst v63  }
0x2a2: {  	s17 =	sand.u32 $0x1FFFFFF0, s16;
	s8 =	sadd.s32 s4, s8;
	s18 =	spop (v2sf)  }
0x2a3: {  	[tilespmem:s0], [sflag:$0x1] =	stream.linear.gather [hbm4b:s8+s2], $0x80, $0x38;
	[tilespmem:$0x10400] =	vst v63  }
0x2a4: {  	s19 =	sand.u32 $0x1FFFFFF0, s18;
	s20 =	spop (v2sf);
	s7 =	sadd.s32 s4, s17  }
0x2a5: {  	[tilespmem:s9], [sflag:$0x1] =	stream.linear.gather [hbm4b:s7+s2], $0x80, $0x38;
	[tilespmem:$0x10400] =	vst v63  }
0x2a6: {  	s22 =	sadd.s32 $0x6B00, s1;
	s21 =	sand.u32 $0x1FFFFFF0, s20;
	s0 =	sadd.s32 s4, s19  }
0x2a7: {  	[tilespmem:s22], [sflag:$0x1] =	stream.linear.gather [hbm4b:s0+s2], $0x80, $0x38;
	[tilespmem:$0x10400] =	vst v63  }
0x2a8: {  	s23 =	sadd.s32 $0x6B80, s1;
	s25 =	sadd.s32 s4, s21  }
0x2a9: {  	[tilespmem:s23], [sflag:$0x1] =	stream.linear.gather [hbm4b:s25+s2], $0x80, $0x38;
	[tilespmem:$0x10400] =	vst v63  }
.LBB2_18:
0x2aa: {  	s0 =	simm.s32 $0x3  }
0x2ab: {  	_ =	swait.ge [sflag:s0], $0x2800  }
0x2ac: {  	[sflag:s0] =	ssyncset.done $0x0  }
0x2ad: {  	s1 =	simm.s32 $0x0;
	[sflag:s0] =	ssyncadd.s32 $0xFFFFD800  }
0x2ae: {  	v0 =	vld [tilespmem:s1+$0xB400]  }
0x2af: {  	v1 =	vld [tilespmem:s1+$0xB410]  }
0x2b0: {  	v2 =	vld [tilespmem:s1+$0xB420]  }
0x2b1: {  	v3 =	vld [tilespmem:s1+$0xB430]  }
0x2b2: {  	v4 =	vld [tilespmem:s1+$0xB480]  }
0x2b3: {  	v5 =	vld [tilespmem:s1+$0xB490];
	v0 =	vmul.f32 $8.000000000e+00, v0  }
0x2b4: {  	v6 =	vld [tilespmem:s1+$0xB4A0];
	v1 =	vmul.f32 $8.000000000e+00, v1  }
0x2b5: {  	v2 =	vmul.f32 $8.000000000e+00, v2;
	[tilespmem:s1+$0xB400] =	vst v0;
	v0 =	vld [tilespmem:s1+$0xB4B0]  }
0x2b6: {  	v3 =	vmul.f32 $8.000000000e+00, v3;
	[tilespmem:s1+$0xB410] =	vst v1;
	v1 =	vld [tilespmem:s1+$0xB500]  }
0x2b7: {  	v4 =	vmul.f32 $8.000000000e+00, v4;
	[tilespmem:s1+$0xB420] =	vst v2;
	v2 =	vld [tilespmem:s1+$0xB510]  }
0x2b8: {  	v5 =	vmul.f32 $8.000000000e+00, v5;
	[tilespmem:s1+$0xB430] =	vst v3;
	v3 =	vld [tilespmem:s1+$0xB520]  }
0x2b9: {  	v6 =	vmul.f32 $8.000000000e+00, v6;
	[tilespmem:s1+$0xB480] =	vst v4;
	v4 =	vld [tilespmem:s1+$0xB530]  }
0x2ba: {  	[tilespmem:s1+$0xB490] =	vst v5;
	v5 =	vld [tilespmem:s1+$0xB580];
	v0 =	vmul.f32 $8.000000000e+00, v0  }
0x2bb: {  	[tilespmem:s1+$0xB4A0] =	vst v6;
	v6 =	vld [tilespmem:s1+$0xB590];
	v1 =	vmul.f32 $8.000000000e+00, v1  }
0x2bc: {  	v2 =	vmul.f32 $8.000000000e+00, v2;
	[tilespmem:s1+$0xB4B0] =	vst v0;
	v0 =	vld [tilespmem:s1+$0xB5A0]  }
0x2bd: {  	v3 =	vmul.f32 $8.000000000e+00, v3;
	[tilespmem:s1+$0xB500] =	vst v1;
	v1 =	vld [tilespmem:s1+$0xB5B0]  }
0x2be: {  	v4 =	vmul.f32 $8.000000000e+00, v4;
	[tilespmem:s1+$0xB510] =	vst v2;
	v2 =	vld [tilespmem:s1+$0xB600]  }
0x2bf: {  	v5 =	vmul.f32 $8.000000000e+00, v5;
	[tilespmem:s1+$0xB520] =	vst v3;
	v3 =	vld [tilespmem:s1+$0xB610]  }
0x2c0: {  	v6 =	vmul.f32 $8.000000000e+00, v6;
	[tilespmem:s1+$0xB530] =	vst v4;
	v4 =	vld [tilespmem:s1+$0xB620]  }
0x2c1: {  	[tilespmem:s1+$0xB580] =	vst v5;
	v5 =	vld [tilespmem:s1+$0xB630];
	v0 =	vmul.f32 $8.000000000e+00, v0  }
0x2c2: {  	[tilespmem:s1+$0xB590] =	vst v6;
	v6 =	vld [tilespmem:s1+$0xB680]  }
0x2c3: {  	v1 =	vmul.f32 $8.000000000e+00, v1;
	[tilespmem:s1+$0xB5A0] =	vst v0;
	v0 =	vld [tilespmem:s1+$0xB690]  }
0x2c4: {  	v2 =	vmul.f32 $8.000000000e+00, v2  }
0x2c5: {  	[tilespmem:s1+$0xB5B0] =	vst v1;
	v1 =	vmul.f32 $8.000000000e+00, v3;
	v3 =	vld [tilespmem:s1+$0xB6B0]  }
0x2c6: {  	v7 =	vld [tilespmem:s1+$0xB6A0];
	[tilespmem:s1+$0xB600] =	vst v2;
	v2 =	vmul.f32 $8.000000000e+00, v4  }
0x2c7: {  	v4 =	vld [tilespmem:s1+$0xB700];
	[tilespmem:s1+$0xB610] =	vst v1;
	v1 =	vmul.f32 $8.000000000e+00, v5  }
0x2c8: {  	[tilespmem:s1+$0xB620] =	vst v2;
	v5 =	vld [tilespmem:s1+$0xB710];
	v2 =	vmul.f32 $8.000000000e+00, v6;
	v6 =	vmul.f32 $8.000000000e+00, v0  }
0x2c9: {  	[tilespmem:s1+$0xB630] =	vst v1;
	v1 =	vld [tilespmem:s1+$0xB720]  }
0x2ca: {  	v0 =	vld [tilespmem:s1+$0xB730];
	[tilespmem:s1+$0xB690] =	vst v6;
	v6 =	vmul.f32 $8.000000000e+00, v3  }
0x2cb: {  	v7 =	vmul.f32 $8.000000000e+00, v7;
	[tilespmem:s1+$0xB680] =	vst v2;
	v2 =	vld [tilespmem:s1+$0xB780]  }
0x2cc: {  	v3 =	vld [tilespmem:s1+$0xB790];
	[tilespmem:s1+$0xB6B0] =	vst v6;
	v6 =	vmul.f32 $8.000000000e+00, v4  }
0x2cd: {  	s0 =	simm.s32 $0x1000;
	[tilespmem:s1+$0xB6A0] =	vst v7;
	v5 =	vmul.f32 $8.000000000e+00, v5;
	v4 =	vld [tilespmem:s1+$0xB7A0]  }
.LBB2_19:
0x2ce: {  	s7 =	sshra.s32 s0, $0x2;
	p1 =	sne.s32 s0, $0x9000;
	[tilespmem:s1+$0xB700] =	vst v6;
	v1 =	vmul.f32 $8.000000000e+00, v1;
	v6 =	vld [tilespmem:s1+$0xB7B0]  }
0x2cf: {  	v7 =	vld [tilespmem:s7+$0xB400];
	[tilespmem:s1+$0xB710] =	vst v5;
	v0 =	vmul.f32 $8.000000000e+00, v0  }
0x2d0: {  	v5 =	vld [tilespmem:s7+$0xB410];
	[tilespmem:s1+$0xB720] =	vst v1;
	v1 =	vmul.f32 $8.000000000e+00, v2  }
0x2d1: {  	v2 =	vld [tilespmem:s7+$0xB420];
	[tilespmem:s1+$0xB730] =	vst v0;
	v0 =	vmul.f32 $8.000000000e+00, v3  }
0x2d2: {  	v3 =	vld [tilespmem:s7+$0xB430];
	[tilespmem:s1+$0xB780] =	vst v1;
	v1 =	vmul.f32 $8.000000000e+00, v4  }
0x2d3: {  	v4 =	vld [tilespmem:s7+$0xB480];
	[tilespmem:s1+$0xB790] =	vst v0;
	v0 =	vmul.f32 $8.000000000e+00, v6  }
0x2d4: {  	v6 =	vmul.f32 $8.000000000e+00, v7;
	v7 =	vld [tilespmem:s7+$0xB490];
	[tilespmem:s1+$0xB7A0] =	vst v1  }
0x2d5: {  	v1 =	vmul.f32 $8.000000000e+00, v5;
	v5 =	vld [tilespmem:s7+$0xB4A0];
	[tilespmem:s1+$0xB7B0] =	vst v0;
	s1 =	smov.u32 s7  }
0x2d6: {  	[tilespmem:s1+$0xB400] =	vst v6;
	v0 =	vmul.f32 $8.000000000e+00, v2;
	v2 =	vld [tilespmem:s1+$0xB4B0]  }
0x2d7: {  	[tilespmem:s1+$0xB410] =	vst v1;
	v1 =	vmul.f32 $8.000000000e+00, v3;
	v3 =	vld [tilespmem:s1+$0xB500]  }
0x2d8: {  	[tilespmem:s1+$0xB420] =	vst v0;
	v0 =	vmul.f32 $8.000000000e+00, v4;
	v4 =	vld [tilespmem:s1+$0xB510]  }
0x2d9: {  	[tilespmem:s1+$0xB430] =	vst v1;
	v1 =	vmul.f32 $8.000000000e+00, v7;
	v6 =	vld [tilespmem:s1+$0xB520]  }
0x2da: {  	[tilespmem:s1+$0xB480] =	vst v0;
	v0 =	vmul.f32 $8.000000000e+00, v5;
	v5 =	vld [tilespmem:s1+$0xB530]  }
0x2db: {  	[tilespmem:s1+$0xB490] =	vst v1;
	v1 =	vmul.f32 $8.000000000e+00, v2;
	v2 =	vld [tilespmem:s1+$0xB580]  }
0x2dc: {  	[tilespmem:s1+$0xB4A0] =	vst v0;
	v0 =	vmul.f32 $8.000000000e+00, v3;
	v3 =	vld [tilespmem:s1+$0xB590]  }
0x2dd: {  	[tilespmem:s1+$0xB4B0] =	vst v1;
	v1 =	vmul.f32 $8.000000000e+00, v4;
	v4 =	vld [tilespmem:s1+$0xB5A0]  }
0x2de: {  	[tilespmem:s1+$0xB500] =	vst v0;
	v0 =	vmul.f32 $8.000000000e+00, v6;
	v6 =	vld [tilespmem:s1+$0xB5B0]  }
0x2df: {  	[tilespmem:s1+$0xB510] =	vst v1;
	v1 =	vmul.f32 $8.000000000e+00, v5;
	v5 =	vld [tilespmem:s1+$0xB600]  }
0x2e0: {  	[tilespmem:s1+$0xB520] =	vst v0;
	v0 =	vmul.f32 $8.000000000e+00, v2;
	v2 =	vld [tilespmem:s1+$0xB610]  }
0x2e1: {  	[tilespmem:s1+$0xB530] =	vst v1;
	v1 =	vmul.f32 $8.000000000e+00, v3;
	v3 =	vld [tilespmem:s1+$0xB620]  }
0x2e2: {  	[tilespmem:s1+$0xB580] =	vst v0;
	v0 =	vmul.f32 $8.000000000e+00, v4;
	v4 =	vld [tilespmem:s1+$0xB630]  }
0x2e3: {  	[tilespmem:s1+$0xB590] =	vst v1;
	v1 =	vmul.f32 $8.000000000e+00, v6;
	v6 =	vld [tilespmem:s1+$0xB680]  }
0x2e4: {  	[tilespmem:s1+$0xB5A0] =	vst v0;
	v0 =	vmul.f32 $8.000000000e+00, v5;
	v5 =	vld [tilespmem:s1+$0xB690]  }
0x2e5: {  	[tilespmem:s1+$0xB5B0] =	vst v1;
	v1 =	vmul.f32 $8.000000000e+00, v2;
	v2 =	vld [tilespmem:s1+$0xB6A0]  }
0x2e6: {  	[tilespmem:s1+$0xB600] =	vst v0;
	v0 =	vmul.f32 $8.000000000e+00, v3;
	v3 =	vld [tilespmem:s1+$0xB6B0]  }
0x2e7: {  	[tilespmem:s1+$0xB610] =	vst v1;
	v1 =	vmul.f32 $8.000000000e+00, v4;
	v4 =	vld [tilespmem:s1+$0xB700]  }
0x2e8: {  	[tilespmem:s1+$0xB620] =	vst v0;
	v0 =	vmul.f32 $8.000000000e+00, v6;
	v7 =	vld [tilespmem:s1+$0xB710]  }
.Ltmp10:
0x2e9: {  	[tilespmem:s1+$0xB630] =	vst v1;
	v5 =	vmul.f32 $8.000000000e+00, v5;
	v1 =	vld [tilespmem:s1+$0xB720];
	(pc) =	sbr.rel @p1 .LBB2_19-.Ltmp10, $4  }
0x2ea: {  	[tilespmem:s1+$0xB680] =	vst v0;
	v6 =	vmul.f32 $8.000000000e+00, v2;
	v0 =	vld [tilespmem:s1+$0xB730]  }
0x2eb: {  	[tilespmem:s1+$0xB690] =	vst v5;
	v5 =	vmul.f32 $8.000000000e+00, v3;
	v2 =	vld [tilespmem:s1+$0xB780]  }
0x2ec: {  	[tilespmem:s1+$0xB6A0] =	vst v6;
	v6 =	vmul.f32 $8.000000000e+00, v4;
	v3 =	vld [tilespmem:s1+$0xB790]  }
0x2ed: {  	s0 =	sadd.s32 $0x1000, s0;
	[tilespmem:s1+$0xB6B0] =	vst v5;
	v5 =	vmul.f32 $8.000000000e+00, v7;
	v4 =	vld [tilespmem:s1+$0xB7A0]  }
0x2ee: {  	[tilespmem:s1+$0xB700] =	vst v6;
	v1 =	vmul.f32 $8.000000000e+00, v1;
	v59 =	vld [tilespmem:s1+$0xB7B0]  }
0x2ef: {  	[tilespmem:s1+$0xB710] =	vst v5;
	v0 =	vmul.f32 $8.000000000e+00, v0  }
0x2f0: {  	[tilespmem:s1+$0xB720] =	vst v1;
	v60 =	vmul.f32 $8.000000000e+00, v2  }
0x2f1: {  	[tilespmem:s1+$0xB730] =	vst v0;
	v61 =	vmul.f32 $8.000000000e+00, v3  }
0x2f2: {  	s0 =	rddreg [dreg:$0x5];
	[tilespmem:s1+$0xB780] =	vst v60;
	v62 =	vmul.f32 $8.000000000e+00, v4  }
0x2f3: {  	s0 =	sadd.s32 s31, s0;
	[tilespmem:s1+$0xB790] =	vst v61;
	v63 =	vmul.f32 $8.000000000e+00, v59  }
0x2f4: {  	s25 =	simm.s32 $0x0;
	s7 =	simm.s32 $0xB400;
	s0 =	sshll.u32 s0, $0x4;
	[tilespmem:s1+$0xB7A0] =	vst v62  }
.Ltmp11:
0x2f5: {  	s31 =	simm.s32 $0x6;
	s0 =	sadd.s32 s5, s0;
	[tilespmem:s1+$0xB7B0] =	vst v63;
	(pc) =	sbr.rel @p0 .LBB2_24-.Ltmp11, $4  }
0x2f6: {  	[hbm4b:s0+s25] =	stream.linear.scatter [tilespmem:s7], [sflag:$0x7], $0x2800, $0x38;
	[tilespmem:$0x10400] =	vst v63  }
0x2f7: {  	_ =	swait.ge [sflag:s31], $0x2800  }
0x2f8: {  	[sflag:s31] =	ssyncset.done $0x0  }
0x2f9: {  	[sflag:s31] =	ssyncadd.s32 $0xFFFFD800  }
0x2fa: {  	v0 =	vld [tilespmem:s28+$0x0];
	_ =	sdelay $0x4  }
0x2fb: {  	v0 =	vshll.u32 v0, $0x4  }
0x2fc: {  	(v2sf) =	vpush v0, $0x0  }
0x2fd: {  	(v2sf) =	vpush v0, $0x1  }
0x2fe: {  	(v2sf) =	vpush v0, $0x2;
	_ =	sdelay $0x1  }
0x2ff: {  	(v2sf) =	vpush v0, $0x4;
	_ =	sdelay $0x1  }
0x300: {  	(v2sf) =	vpush v0, $0x3  }
0x301: {  	(v2sf) =	vpush v0, $0x5  }
0x302: {  	s0 =	simm.s32 $0x2000;
	s1 =	simm.s32 $0x0;
	s25 =	smov.u32 s28;
	(v2sf) =	vpush v0, $0x6  }
.LBB2_22:
0x303: {  	p1 =	sne.s32 s0, $0x8000  }
0x304: {  	s8 =	sadd.s32 $0x8C80, s1;
	s23 =	sadd.s32 $0x9180, s1;
	s9 =	smov.u32 s0  }
0x305: {  	s0 =	sadd.s32 $0x2000, s0;
	s17 =	sadd.s32 $0x8F80, s1;
	s10 =	sadd.s32 $0x9200, s1;
	(v2sf) =	vpush v0, $0x7  }
0x306: {  	s7 =	sadd.s32 $0x8E80, s1;
	s14 =	sadd.s32 $0x9000, s1;
	s22 =	sadd.s32 $0x9280, s1  }
0x307: {  	s11 =	sadd.s32 $0x8C00, s1;
	s13 =	sadd.s32 $0x8E00, s1;
	(v2sf) =	vpush v0, $0x8  }
0x308: {  	s15 =	sadd.s32 $0x8F00, s1;
	s25 =	sadd.s32 $0x10, s25  }
0x309: {  	s16 =	sadd.s32 $0x8D00, s1;
	s12 =	sadd.s32 $0x9100, s1;
	s18 =	spop (v2sf);
	(v2sf) =	vpush v0, $0x9  }
0x30a: {  	s20 =	sadd.s32 $0x9080, s1;
	s18 =	sand.u32 $0x1FFFFFF0, s18;
	s19 =	spop (v2sf)  }
0x30b: {  	s18 =	sadd.s32 s4, s18;
	s19 =	sand.u32 $0x1FFFFFF0, s19;
	s21 =	spop (v2sf);
	(v2sf) =	vpush v0, $0xA  }
0x30c: {  	[tilespmem:s11], [sflag:$0x2] =	stream.linear.gather [hbm4b:s18+s2], $0x80, $0x38;
	[tilespmem:$0x10400] =	vst v63  }
0x30d: {  	s11 =	sadd.s32 s4, s19;
	s18 =	sadd.s32 $0x8D80, s1;
	s19 =	spop (v2sf);
	(v2sf) =	vpush v0, $0xB  }
0x30e: {  	[tilespmem:s8], [sflag:$0x2] =	stream.linear.gather [hbm4b:s11+s2], $0x80, $0x38;
	[tilespmem:$0x10400] =	vst v63  }
0x30f: {  	s8 =	sand.u32 $0x1FFFFFF0, s21;
	s11 =	sand.u32 $0x1FFFFFF0, s19;
	s19 =	spop (v2sf);
	(v2sf) =	vpush v0, $0xC  }
0x310: {  	s8 =	sadd.s32 s4, s8;
	s19 =	sand.u32 $0x1FFFFFF0, s19;
	s21 =	spop (v2sf)  }
0x311: {  	[tilespmem:s16], [sflag:$0x2] =	stream.linear.gather [hbm4b:s8+s2], $0x80, $0x38;
	(v2sf) =	vpush v0, $0xD;
	[tilespmem:$0x10400] =	vst v63  }
0x312: {  	s8 =	sadd.s32 s4, s19;
	s16 =	sand.u32 $0x1FFFFFF0, s21;
	s19 =	spop (v2sf)  }
0x313: {  	[tilespmem:s18], [sflag:$0x2] =	stream.linear.gather [hbm4b:s8+s2], $0x80, $0x38;
	(v2sf) =	vpush v0, $0xE;
	[tilespmem:$0x10400] =	vst v63  }
0x314: {  	s8 =	sadd.s32 s4, s11;
	s11 =	sand.u32 $0x1FFFFFF0, s19;
	s18 =	spop (v2sf)  }
0x315: {  	[tilespmem:s13], [sflag:$0x2] =	stream.linear.gather [hbm4b:s8+s2], $0x80, $0x38;
	(v2sf) =	vpush v0, $0xF;
	[tilespmem:$0x10400] =	vst v63  }
0x316: {  	s8 =	sadd.s32 s4, s16;
	s13 =	sand.u32 $0x1FFFFFF0, s18;
	s16 =	spop (v2sf)  }
0x317: {  	[tilespmem:s7], [sflag:$0x2] =	stream.linear.gather [hbm4b:s8+s2], $0x80, $0x38;
	[tilespmem:$0x10400] =	vst v63  }
0x318: {  	s7 =	sadd.s32 s4, s11;
	s8 =	sand.u32 $0x1FFFFFF0, s16;
	s11 =	spop (v2sf)  }
0x319: {  	[tilespmem:s15], [sflag:$0x2] =	stream.linear.gather [hbm4b:s7+s2], $0x80, $0x38;
	[tilespmem:$0x10400] =	vst v63  }
0x31a: {  	s7 =	sadd.s32 s4, s13;
	s11 =	sand.u32 $0x1FFFFFF0, s11;
	s13 =	spop (v2sf)  }
0x31b: {  	[tilespmem:s17], [sflag:$0x2] =	stream.linear.gather [hbm4b:s7+s2], $0x80, $0x38;
	[tilespmem:$0x10400] =	vst v63  }
0x31c: {  	s7 =	sadd.s32 s4, s8;
	s8 =	sand.u32 $0x1FFFFFF0, s13;
	s13 =	spop (v2sf)  }
0x31d: {  	[tilespmem:s14], [sflag:$0x2] =	stream.linear.gather [hbm4b:s7+s2], $0x80, $0x38;
	[tilespmem:$0x10400] =	vst v63  }
0x31e: {  	s7 =	sadd.s32 s4, s11;
	s11 =	sand.u32 $0x1FFFFFF0, s13;
	s13 =	spop (v2sf)  }
0x31f: {  	[tilespmem:s20], [sflag:$0x2] =	stream.linear.gather [hbm4b:s7+s2], $0x80, $0x38;
	[tilespmem:$0x10400] =	vst v63  }
0x320: {  	s7 =	sadd.s32 s4, s8;
	s8 =	sand.u32 $0x1FFFFFF0, s13;
	s13 =	spop (v2sf)  }
0x321: {  	[tilespmem:s12], [sflag:$0x2] =	stream.linear.gather [hbm4b:s7+s2], $0x80, $0x38;
	[tilespmem:$0x10400] =	vst v63  }
0x322: {  	s7 =	sadd.s32 s4, s11;
	s11 =	sand.u32 $0x1FFFFFF0, s13;
	s12 =	spop (v2sf)  }
0x323: {  	[tilespmem:s23], [sflag:$0x2] =	stream.linear.gather [hbm4b:s7+s2], $0x80, $0x38;
	[tilespmem:$0x10400] =	vst v63  }
0x324: {  	s7 =	sadd.s32 s4, s8;
	s8 =	sand.u32 $0x1FFFFFF0, s12;
	s12 =	spop (v2sf)  }
0x325: {  	[tilespmem:s10], [sflag:$0x2] =	stream.linear.gather [hbm4b:s7+s2], $0x80, $0x38;
	[tilespmem:$0x10400] =	vst v63  }
0x326: {  	s7 =	sadd.s32 s4, s11;
	s10 =	sand.u32 $0x1FFFFFF0, s12  }
0x327: {  	[tilespmem:s22], [sflag:$0x2] =	stream.linear.gather [hbm4b:s7+s2], $0x80, $0x38;
	[tilespmem:$0x10400] =	vst v63  }
0x328: {  	s8 =	sadd.s32 s4, s8;
	s7 =	sadd.s32 $0x9300, s1  }
0x329: {  	[tilespmem:s7], [sflag:$0x2] =	stream.linear.gather [hbm4b:s8+s2], $0x80, $0x38;
	[tilespmem:$0x10400] =	vst v63  }
0x32a: {  	s1 =	sadd.s32 $0x9380, s1;
	s7 =	sadd.s32 s4, s10  }
0x32b: {  	[tilespmem:s1], [sflag:$0x2] =	stream.linear.gather [hbm4b:s7+s2], $0x80, $0x38;
	[tilespmem:$0x10400] =	vst v63  }
0x32c: {  	v0 =	vld [tilespmem:s25+$0x0];
	_ =	sdelay $0x4  }
0x32d: {  	v0 =	vshll.u32 v0, $0x4  }
0x32e: {  	(v2sf) =	vpush v0, $0x0  }
0x32f: {  	(v2sf) =	vpush v0, $0x1  }
0x330: {  	(v2sf) =	vpush v0, $0x2;
	_ =	sdelay $0x1  }
0x331: {  	(v2sf) =	vpush v0, $0x4  }
.Ltmp12:
0x332: {  	(pc) =	sbr.rel @p1 .LBB2_22-.Ltmp12, $3  }
0x333: {  	(v2sf) =	vpush v0, $0x3  }
0x334: {  	(v2sf) =	vpush v0, $0x5;
	_ =	sdelay $0x1  }
0x335: {  	s1 =	sshra.s32 s9, $0x2;
	(v2sf) =	vpush v0, $0x6  }
0x336: {  	_ =	sdelay $0x1  }
0x337: {  	s7 =	sadd.s32 $0x8C80, s1;
	s10 =	sadd.s32 $0x9180, s1  }
0x338: {  	s8 =	sadd.s32 $0x8F80, s1;
	s0 =	sadd.s32 $0x9200, s1;
	(v2sf) =	vpush v0, $0x7;
	s11 =	sadd.s32 $0x8E80, s1  }
0x339: {  	s12 =	sadd.s32 $0x9000, s1;
	s9 =	sadd.s32 $0x9280, s1;
	s13 =	sadd.s32 $0x8C00, s1  }
0x33a: {  	s14 =	sadd.s32 $0x8E00, s1;
	s15 =	sadd.s32 $0x8F00, s1;
	(v2sf) =	vpush v0, $0x8;
	s16 =	spop (v2sf)  }
0x33b: {  	s17 =	sadd.s32 $0x8D00, s1;
	s16 =	sand.u32 $0x1FFFFFF0, s16;
	s18 =	spop (v2sf)  }
0x33c: {  	(v2sf) =	vpush v0, $0x9;
	s16 =	sadd.s32 s4, s16;
	s18 =	sand.u32 $0x1FFFFFF0, s18;
	s19 =	spop (v2sf)  }
0x33d: {  	[tilespmem:s13], [sflag:$0x2] =	stream.linear.gather [hbm4b:s16+s2], $0x80, $0x38;
	[tilespmem:$0x10400] =	vst v63  }
0x33e: {  	s20 =	sadd.s32 $0x8D80, s1;
	(v2sf) =	vpush v0, $0xA;
	s25 =	sadd.s32 s4, s18;
	s31 =	spop (v2sf)  }
0x33f: {  	[tilespmem:s7], [sflag:$0x2] =	stream.linear.gather [hbm4b:s25+s2], $0x80, $0x38;
	[tilespmem:$0x10400] =	vst v63  }
0x340: {  	s13 =	sadd.s32 $0x9100, s1;
	s19 =	sand.u32 $0x1FFFFFF0, s19;
	(v2sf) =	vpush v0, $0xB;
	s21 =	spop (v2sf)  }
0x341: {  	s16 =	sadd.s32 s4, s19;
	s7 =	sadd.s32 $0x9080, s1;
	s19 =	sand.u32 $0x1FFFFFF0, s21  }
0x342: {  	(v2sf) =	vpush v0, $0xC;
	[tilespmem:s17], [sflag:$0x2] =	stream.linear.gather [hbm4b:s16+s2], $0x80, $0x38;
	[tilespmem:$0x10400] =	vst v63  }
0x343: {  	s22 =	sand.u32 $0x1FFFFFF0, s31;
	s23 =	spop (v2sf);
	s25 =	sadd.s32 s4, s19  }
0x344: {  	(v2sf) =	vpush v0, $0xD;
	[tilespmem:s20], [sflag:$0x2] =	stream.linear.gather [hbm4b:s25+s2], $0x80, $0x38;
	[tilespmem:$0x10400] =	vst v63  }
0x345: {  	s16 =	sadd.s32 s4, s22;
	s17 =	sand.u32 $0x1FFFFFF0, s23;
	s31 =	spop (v2sf)  }
0x346: {  	(v2sf) =	vpush v0, $0xE;
	[tilespmem:s14], [sflag:$0x2] =	stream.linear.gather [hbm4b:s16+s2], $0x80, $0x38;
	[tilespmem:$0x10400] =	vst v63  }
0x347: {  	s17 =	sadd.s32 s4, s17;
	s18 =	sand.u32 $0x1FFFFFF0, s31;
	s19 =	spop (v2sf)  }
0x348: {  	(v2sf) =	vpush v0, $0xF;
	[tilespmem:s11], [sflag:$0x2] =	stream.linear.gather [hbm4b:s17+s2], $0x80, $0x38;
	[tilespmem:$0x10400] =	vst v63  }
0x349: {  	s20 =	sand.u32 $0x1FFFFFF0, s19;
	s21 =	spop (v2sf);
	s14 =	sadd.s32 s4, s18  }
0x34a: {  	[tilespmem:s15], [sflag:$0x2] =	stream.linear.gather [hbm4b:s14+s2], $0x80, $0x38;
	[tilespmem:$0x10400] =	vst v63  }
0x34b: {  	s22 =	sand.u32 $0x1FFFFFF0, s21;
	s11 =	sadd.s32 s4, s20;
	s23 =	spop (v2sf)  }
0x34c: {  	[tilespmem:s8], [sflag:$0x2] =	stream.linear.gather [hbm4b:s11+s2], $0x80, $0x38;
	[tilespmem:$0x10400] =	vst v63  }
0x34d: {  	s14 =	sadd.s32 s4, s22;
	s25 =	sand.u32 $0x1FFFFFF0, s23;
	s31 =	spop (v2sf)  }
0x34e: {  	[tilespmem:s12], [sflag:$0x2] =	stream.linear.gather [hbm4b:s14+s2], $0x80, $0x38;
	[tilespmem:$0x10400] =	vst v63  }
0x34f: {  	s11 =	sand.u32 $0x1FFFFFF0, s31;
	s8 =	sadd.s32 s4, s25;
	s14 =	spop (v2sf)  }
0x350: {  	[tilespmem:s7], [sflag:$0x2] =	stream.linear.gather [hbm4b:s8+s2], $0x80, $0x38;
	[tilespmem:$0x10400] =	vst v63  }
0x351: {  	s11 =	sadd.s32 s4, s11;
	s15 =	sand.u32 $0x1FFFFFF0, s14;
	s16 =	spop (v2sf)  }
0x352: {  	[tilespmem:s13], [sflag:$0x2] =	stream.linear.gather [hbm4b:s11+s2], $0x80, $0x38;
	[tilespmem:$0x10400] =	vst v63  }
0x353: {  	s7 =	sadd.s32 s4, s15;
	s8 =	sand.u32 $0x1FFFFFF0, s16;
	s17 =	spop (v2sf)  }
0x354: {  	[tilespmem:s10], [sflag:$0x2] =	stream.linear.gather [hbm4b:s7+s2], $0x80, $0x38;
	[tilespmem:$0x10400] =	vst v63  }
0x355: {  	s18 =	sand.u32 $0x1FFFFFF0, s17;
	s8 =	sadd.s32 s4, s8;
	s19 =	spop (v2sf)  }
0x356: {  	[tilespmem:s0], [sflag:$0x2] =	stream.linear.gather [hbm4b:s8+s2], $0x80, $0x38;
	[tilespmem:$0x10400] =	vst v63  }
0x357: {  	s20 =	sand.u32 $0x1FFFFFF0, s19;
	s21 =	spop (v2sf);
	s7 =	sadd.s32 s4, s18  }
0x358: {  	[tilespmem:s9], [sflag:$0x2] =	stream.linear.gather [hbm4b:s7+s2], $0x80, $0x38;
	[tilespmem:$0x10400] =	vst v63  }
0x359: {  	s23 =	sadd.s32 $0x9300, s1;
	s22 =	sand.u32 $0x1FFFFFF0, s21;
	s0 =	sadd.s32 s4, s20  }
0x35a: {  	[tilespmem:s23], [sflag:$0x2] =	stream.linear.gather [hbm4b:s0+s2], $0x80, $0x38;
	[tilespmem:$0x10400] =	vst v63  }
0x35b: {  	s25 =	sadd.s32 $0x9380, s1;
	s31 =	sadd.s32 s4, s22  }
0x35c: {  	[tilespmem:s25], [sflag:$0x2] =	stream.linear.gather [hbm4b:s31+s2], $0x80, $0x38;
	[tilespmem:$0x10400] =	vst v63  }
.LBB2_24:
0x35d: {  	s0 =	simm.s32 $0x4  }
0x35e: {  	_ =	swait.ge [sflag:s0], $0x2800  }
0x35f: {  	[sflag:s0] =	ssyncset.done $0x0  }
0x360: {  	s31 =	simm.s32 $0x0;
	[sflag:s0] =	ssyncadd.s32 $0xFFFFD800  }
0x361: {  	v0 =	vld [tilespmem:s31+$0xDC00]  }
0x362: {  	v1 =	vld [tilespmem:s31+$0xDC10]  }
0x363: {  	v2 =	vld [tilespmem:s31+$0xDC20]  }
0x364: {  	v3 =	vld [tilespmem:s31+$0xDC30]  }
0x365: {  	v4 =	vld [tilespmem:s31+$0xDC80]  }
0x366: {  	v5 =	vld [tilespmem:s31+$0xDC90];
	v0 =	vmul.f32 $8.000000000e+00, v0  }
0x367: {  	v6 =	vld [tilespmem:s31+$0xDCA0];
	v1 =	vmul.f32 $8.000000000e+00, v1  }
0x368: {  	v2 =	vmul.f32 $8.000000000e+00, v2;
	[tilespmem:s31+$0xDC00] =	vst v0;
	v0 =	vld [tilespmem:s31+$0xDCB0]  }
0x369: {  	v3 =	vmul.f32 $8.000000000e+00, v3;
	[tilespmem:s31+$0xDC10] =	vst v1;
	v1 =	vld [tilespmem:s31+$0xDD00]  }
0x36a: {  	v4 =	vmul.f32 $8.000000000e+00, v4;
	[tilespmem:s31+$0xDC20] =	vst v2;
	v2 =	vld [tilespmem:s31+$0xDD10]  }
0x36b: {  	v5 =	vmul.f32 $8.000000000e+00, v5;
	[tilespmem:s31+$0xDC30] =	vst v3;
	v3 =	vld [tilespmem:s31+$0xDD20]  }
0x36c: {  	v6 =	vmul.f32 $8.000000000e+00, v6;
	[tilespmem:s31+$0xDC80] =	vst v4;
	v4 =	vld [tilespmem:s31+$0xDD30]  }
0x36d: {  	[tilespmem:s31+$0xDC90] =	vst v5;
	v5 =	vld [tilespmem:s31+$0xDD80];
	v0 =	vmul.f32 $8.000000000e+00, v0  }
0x36e: {  	[tilespmem:s31+$0xDCA0] =	vst v6;
	v6 =	vld [tilespmem:s31+$0xDD90];
	v1 =	vmul.f32 $8.000000000e+00, v1  }
0x36f: {  	v2 =	vmul.f32 $8.000000000e+00, v2;
	[tilespmem:s31+$0xDCB0] =	vst v0;
	v0 =	vld [tilespmem:s31+$0xDDA0]  }
0x370: {  	v3 =	vmul.f32 $8.000000000e+00, v3;
	[tilespmem:s31+$0xDD00] =	vst v1;
	v1 =	vld [tilespmem:s31+$0xDDB0]  }
0x371: {  	v4 =	vmul.f32 $8.000000000e+00, v4;
	[tilespmem:s31+$0xDD10] =	vst v2;
	v2 =	vld [tilespmem:s31+$0xDE00]  }
0x372: {  	v5 =	vmul.f32 $8.000000000e+00, v5;
	[tilespmem:s31+$0xDD20] =	vst v3;
	v3 =	vld [tilespmem:s31+$0xDE10]  }
0x373: {  	v6 =	vmul.f32 $8.000000000e+00, v6;
	[tilespmem:s31+$0xDD30] =	vst v4;
	v4 =	vld [tilespmem:s31+$0xDE20]  }
0x374: {  	[tilespmem:s31+$0xDD80] =	vst v5;
	v5 =	vld [tilespmem:s31+$0xDE30];
	v0 =	vmul.f32 $8.000000000e+00, v0  }
0x375: {  	[tilespmem:s31+$0xDD90] =	vst v6;
	v6 =	vld [tilespmem:s31+$0xDE80]  }
0x376: {  	v1 =	vmul.f32 $8.000000000e+00, v1;
	[tilespmem:s31+$0xDDA0] =	vst v0;
	v0 =	vld [tilespmem:s31+$0xDE90]  }
0x377: {  	v2 =	vmul.f32 $8.000000000e+00, v2  }
0x378: {  	[tilespmem:s31+$0xDDB0] =	vst v1;
	v1 =	vmul.f32 $8.000000000e+00, v3;
	v3 =	vld [tilespmem:s31+$0xDEB0]  }
0x379: {  	v7 =	vld [tilespmem:s31+$0xDEA0];
	[tilespmem:s31+$0xDE00] =	vst v2;
	v2 =	vmul.f32 $8.000000000e+00, v4  }
0x37a: {  	v4 =	vld [tilespmem:s31+$0xDF00];
	[tilespmem:s31+$0xDE10] =	vst v1;
	v1 =	vmul.f32 $8.000000000e+00, v5  }
0x37b: {  	[tilespmem:s31+$0xDE20] =	vst v2;
	v5 =	vld [tilespmem:s31+$0xDF10];
	v2 =	vmul.f32 $8.000000000e+00, v6;
	v6 =	vmul.f32 $8.000000000e+00, v0  }
0x37c: {  	[tilespmem:s31+$0xDE30] =	vst v1;
	v1 =	vld [tilespmem:s31+$0xDF20]  }
0x37d: {  	v0 =	vld [tilespmem:s31+$0xDF30];
	[tilespmem:s31+$0xDE90] =	vst v6;
	v6 =	vmul.f32 $8.000000000e+00, v3  }
0x37e: {  	v7 =	vmul.f32 $8.000000000e+00, v7;
	[tilespmem:s31+$0xDE80] =	vst v2;
	v2 =	vld [tilespmem:s31+$0xDF80]  }
0x37f: {  	v3 =	vld [tilespmem:s31+$0xDF90];
	[tilespmem:s31+$0xDEB0] =	vst v6;
	v6 =	vmul.f32 $8.000000000e+00, v4  }
0x380: {  	s0 =	simm.s32 $0x1000;
	[tilespmem:s31+$0xDEA0] =	vst v7;
	v5 =	vmul.f32 $8.000000000e+00, v5;
	v4 =	vld [tilespmem:s31+$0xDFA0]  }
.LBB2_25:
0x381: {  	s1 =	sshra.s32 s0, $0x2;
	p1 =	sne.s32 s0, $0x9000;
	[tilespmem:s31+$0xDF00] =	vst v6;
	v1 =	vmul.f32 $8.000000000e+00, v1;
	v6 =	vld [tilespmem:s31+$0xDFB0]  }
0x382: {  	v7 =	vld [tilespmem:s1+$0xDC00];
	[tilespmem:s31+$0xDF10] =	vst v5;
	v0 =	vmul.f32 $8.000000000e+00, v0  }
0x383: {  	v5 =	vld [tilespmem:s1+$0xDC10];
	[tilespmem:s31+$0xDF20] =	vst v1;
	v1 =	vmul.f32 $8.000000000e+00, v2  }
0x384: {  	v2 =	vld [tilespmem:s1+$0xDC20];
	[tilespmem:s31+$0xDF30] =	vst v0;
	v0 =	vmul.f32 $8.000000000e+00, v3  }
0x385: {  	v3 =	vld [tilespmem:s1+$0xDC30];
	[tilespmem:s31+$0xDF80] =	vst v1;
	v1 =	vmul.f32 $8.000000000e+00, v4  }
0x386: {  	v4 =	vld [tilespmem:s1+$0xDC80];
	[tilespmem:s31+$0xDF90] =	vst v0;
	v0 =	vmul.f32 $8.000000000e+00, v6  }
0x387: {  	v6 =	vmul.f32 $8.000000000e+00, v7;
	v7 =	vld [tilespmem:s1+$0xDC90];
	[tilespmem:s31+$0xDFA0] =	vst v1  }
0x388: {  	v1 =	vmul.f32 $8.000000000e+00, v5;
	v5 =	vld [tilespmem:s1+$0xDCA0];
	[tilespmem:s31+$0xDFB0] =	vst v0;
	s31 =	smov.u32 s1  }
0x389: {  	[tilespmem:s31+$0xDC00] =	vst v6;
	v0 =	vmul.f32 $8.000000000e+00, v2;
	v2 =	vld [tilespmem:s31+$0xDCB0]  }
0x38a: {  	[tilespmem:s31+$0xDC10] =	vst v1;
	v1 =	vmul.f32 $8.000000000e+00, v3;
	v3 =	vld [tilespmem:s31+$0xDD00]  }
0x38b: {  	[tilespmem:s31+$0xDC20] =	vst v0;
	v0 =	vmul.f32 $8.000000000e+00, v4;
	v4 =	vld [tilespmem:s31+$0xDD10]  }
0x38c: {  	[tilespmem:s31+$0xDC30] =	vst v1;
	v1 =	vmul.f32 $8.000000000e+00, v7;
	v6 =	vld [tilespmem:s31+$0xDD20]  }
0x38d: {  	[tilespmem:s31+$0xDC80] =	vst v0;
	v0 =	vmul.f32 $8.000000000e+00, v5;
	v5 =	vld [tilespmem:s31+$0xDD30]  }
0x38e: {  	[tilespmem:s31+$0xDC90] =	vst v1;
	v1 =	vmul.f32 $8.000000000e+00, v2;
	v2 =	vld [tilespmem:s31+$0xDD80]  }
0x38f: {  	[tilespmem:s31+$0xDCA0] =	vst v0;
	v0 =	vmul.f32 $8.000000000e+00, v3;
	v3 =	vld [tilespmem:s31+$0xDD90]  }
0x390: {  	[tilespmem:s31+$0xDCB0] =	vst v1;
	v1 =	vmul.f32 $8.000000000e+00, v4;
	v4 =	vld [tilespmem:s31+$0xDDA0]  }
0x391: {  	[tilespmem:s31+$0xDD00] =	vst v0;
	v0 =	vmul.f32 $8.000000000e+00, v6;
	v6 =	vld [tilespmem:s31+$0xDDB0]  }
0x392: {  	[tilespmem:s31+$0xDD10] =	vst v1;
	v1 =	vmul.f32 $8.000000000e+00, v5;
	v5 =	vld [tilespmem:s31+$0xDE00]  }
0x393: {  	[tilespmem:s31+$0xDD20] =	vst v0;
	v0 =	vmul.f32 $8.000000000e+00, v2;
	v2 =	vld [tilespmem:s31+$0xDE10]  }
0x394: {  	[tilespmem:s31+$0xDD30] =	vst v1;
	v1 =	vmul.f32 $8.000000000e+00, v3;
	v3 =	vld [tilespmem:s31+$0xDE20]  }
0x395: {  	[tilespmem:s31+$0xDD80] =	vst v0;
	v0 =	vmul.f32 $8.000000000e+00, v4;
	v4 =	vld [tilespmem:s31+$0xDE30]  }
0x396: {  	[tilespmem:s31+$0xDD90] =	vst v1;
	v1 =	vmul.f32 $8.000000000e+00, v6;
	v6 =	vld [tilespmem:s31+$0xDE80]  }
0x397: {  	[tilespmem:s31+$0xDDA0] =	vst v0;
	v0 =	vmul.f32 $8.000000000e+00, v5;
	v5 =	vld [tilespmem:s31+$0xDE90]  }
0x398: {  	[tilespmem:s31+$0xDDB0] =	vst v1;
	v1 =	vmul.f32 $8.000000000e+00, v2;
	v2 =	vld [tilespmem:s31+$0xDEA0]  }
0x399: {  	[tilespmem:s31+$0xDE00] =	vst v0;
	v0 =	vmul.f32 $8.000000000e+00, v3;
	v3 =	vld [tilespmem:s31+$0xDEB0]  }
0x39a: {  	[tilespmem:s31+$0xDE10] =	vst v1;
	v1 =	vmul.f32 $8.000000000e+00, v4;
	v4 =	vld [tilespmem:s31+$0xDF00]  }
0x39b: {  	[tilespmem:s31+$0xDE20] =	vst v0;
	v0 =	vmul.f32 $8.000000000e+00, v6;
	v7 =	vld [tilespmem:s31+$0xDF10]  }
.Ltmp13:
0x39c: {  	[tilespmem:s31+$0xDE30] =	vst v1;
	v5 =	vmul.f32 $8.000000000e+00, v5;
	v1 =	vld [tilespmem:s31+$0xDF20];
	(pc) =	sbr.rel @p1 .LBB2_25-.Ltmp13, $4  }
0x39d: {  	[tilespmem:s31+$0xDE80] =	vst v0;
	v6 =	vmul.f32 $8.000000000e+00, v2;
	v0 =	vld [tilespmem:s31+$0xDF30]  }
0x39e: {  	[tilespmem:s31+$0xDE90] =	vst v5;
	v5 =	vmul.f32 $8.000000000e+00, v3;
	v2 =	vld [tilespmem:s31+$0xDF80]  }
0x39f: {  	[tilespmem:s31+$0xDEA0] =	vst v6;
	v6 =	vmul.f32 $8.000000000e+00, v4;
	v3 =	vld [tilespmem:s31+$0xDF90]  }
0x3a0: {  	s0 =	sadd.s32 $0x1000, s0;
	[tilespmem:s31+$0xDEB0] =	vst v5;
	v5 =	vmul.f32 $8.000000000e+00, v7;
	v4 =	vld [tilespmem:s31+$0xDFA0]  }
0x3a1: {  	[tilespmem:s31+$0xDF00] =	vst v6;
	v1 =	vmul.f32 $8.000000000e+00, v1;
	v59 =	vld [tilespmem:s31+$0xDFB0]  }
0x3a2: {  	[tilespmem:s31+$0xDF10] =	vst v5;
	v0 =	vmul.f32 $8.000000000e+00, v0  }
0x3a3: {  	[tilespmem:s31+$0xDF20] =	vst v1;
	v60 =	vmul.f32 $8.000000000e+00, v2  }
0x3a4: {  	s0 =	smul.u32 $0x50, s30;
	[tilespmem:s31+$0xDF30] =	vst v0;
	v61 =	vmul.f32 $8.000000000e+00, v3  }
0x3a5: {  	[tilespmem:s31+$0xDF80] =	vst v60;
	v62 =	vmul.f32 $8.000000000e+00, v4  }
0x3a6: {  	s0 =	sadd.s32 s3, s0;
	[tilespmem:s31+$0xDF90] =	vst v61;
	v63 =	vmul.f32 $8.000000000e+00, v59  }
0x3a7: {  	s1 =	simm.s32 $0x0;
	s7 =	simm.s32 $0xDC00;
	s0 =	sshll.u32 s0, $0x4;
	[tilespmem:s31+$0xDFA0] =	vst v62  }
.Ltmp14:
0x3a8: {  	s0 =	sadd.s32 s5, s0;
	[tilespmem:s31+$0xDFB0] =	vst v63;
	s31 =	simm.s32 $0x7;
	(pc) =	sbr.rel @p0 .LBB2_30-.Ltmp14, $4  }
0x3a9: {  	[hbm4b:s0+s1] =	stream.linear.scatter [tilespmem:s7], [sflag:$0x8], $0x2800, $0x38;
	[tilespmem:$0x10400] =	vst v63  }
0x3aa: {  	_ =	swait.ge [sflag:s31], $0x2800  }
0x3ab: {  	[sflag:s31] =	ssyncset.done $0x0  }
0x3ac: {  	[sflag:s31] =	ssyncadd.s32 $0xFFFFD800  }
0x3ad: {  	v0 =	vld [tilespmem:s29+$0x0];
	_ =	sdelay $0x4  }
0x3ae: {  	v0 =	vshll.u32 v0, $0x4  }
0x3af: {  	(v2sf) =	vpush v0, $0x0  }
0x3b0: {  	(v2sf) =	vpush v0, $0x1  }
0x3b1: {  	(v2sf) =	vpush v0, $0x2;
	_ =	sdelay $0x1  }
0x3b2: {  	(v2sf) =	vpush v0, $0x4;
	_ =	sdelay $0x1  }
0x3b3: {  	(v2sf) =	vpush v0, $0x3  }
0x3b4: {  	(v2sf) =	vpush v0, $0x5  }
0x3b5: {  	s0 =	simm.s32 $0x2000;
	s1 =	simm.s32 $0x0;
	s25 =	smov.u32 s29;
	(v2sf) =	vpush v0, $0x6  }
.LBB2_28:
0x3b6: {  	p0 =	sne.s32 s0, $0x8000  }
0x3b7: {  	s8 =	sadd.s32 $0xB480, s1;
	s23 =	sadd.s32 $0xB980, s1;
	s9 =	smov.u32 s0  }
0x3b8: {  	s0 =	sadd.s32 $0x2000, s0;
	s17 =	sadd.s32 $0xB780, s1;
	s10 =	sadd.s32 $0xBA00, s1;
	(v2sf) =	vpush v0, $0x7  }
0x3b9: {  	s7 =	sadd.s32 $0xB680, s1;
	s14 =	sadd.s32 $0xB800, s1;
	s22 =	sadd.s32 $0xBA80, s1  }
0x3ba: {  	s11 =	sadd.s32 $0xB400, s1;
	s13 =	sadd.s32 $0xB600, s1;
	(v2sf) =	vpush v0, $0x8  }
0x3bb: {  	s15 =	sadd.s32 $0xB700, s1;
	s25 =	sadd.s32 $0x10, s25  }
0x3bc: {  	s16 =	sadd.s32 $0xB500, s1;
	s12 =	sadd.s32 $0xB900, s1;
	s18 =	spop (v2sf);
	(v2sf) =	vpush v0, $0x9  }
0x3bd: {  	s20 =	sadd.s32 $0xB880, s1;
	s18 =	sand.u32 $0x1FFFFFF0, s18;
	s19 =	spop (v2sf)  }
0x3be: {  	s18 =	sadd.s32 s4, s18;
	s19 =	sand.u32 $0x1FFFFFF0, s19;
	s21 =	spop (v2sf);
	(v2sf) =	vpush v0, $0xA  }
0x3bf: {  	[tilespmem:s11], [sflag:$0x3] =	stream.linear.gather [hbm4b:s18+s2], $0x80, $0x38;
	[tilespmem:$0x10400] =	vst v63  }
0x3c0: {  	s11 =	sadd.s32 s4, s19;
	s18 =	sadd.s32 $0xB580, s1;
	s19 =	spop (v2sf);
	(v2sf) =	vpush v0, $0xB  }
0x3c1: {  	[tilespmem:s8], [sflag:$0x3] =	stream.linear.gather [hbm4b:s11+s2], $0x80, $0x38;
	[tilespmem:$0x10400] =	vst v63  }
0x3c2: {  	s8 =	sand.u32 $0x1FFFFFF0, s21;
	s11 =	sand.u32 $0x1FFFFFF0, s19;
	s19 =	spop (v2sf);
	(v2sf) =	vpush v0, $0xC  }
0x3c3: {  	s8 =	sadd.s32 s4, s8;
	s19 =	sand.u32 $0x1FFFFFF0, s19;
	s21 =	spop (v2sf)  }
0x3c4: {  	[tilespmem:s16], [sflag:$0x3] =	stream.linear.gather [hbm4b:s8+s2], $0x80, $0x38;
	(v2sf) =	vpush v0, $0xD;
	[tilespmem:$0x10400] =	vst v63  }
0x3c5: {  	s8 =	sadd.s32 s4, s19;
	s16 =	sand.u32 $0x1FFFFFF0, s21;
	s19 =	spop (v2sf)  }
0x3c6: {  	[tilespmem:s18], [sflag:$0x3] =	stream.linear.gather [hbm4b:s8+s2], $0x80, $0x38;
	(v2sf) =	vpush v0, $0xE;
	[tilespmem:$0x10400] =	vst v63  }
0x3c7: {  	s8 =	sadd.s32 s4, s11;
	s11 =	sand.u32 $0x1FFFFFF0, s19;
	s18 =	spop (v2sf)  }
0x3c8: {  	[tilespmem:s13], [sflag:$0x3] =	stream.linear.gather [hbm4b:s8+s2], $0x80, $0x38;
	(v2sf) =	vpush v0, $0xF;
	[tilespmem:$0x10400] =	vst v63  }
0x3c9: {  	s8 =	sadd.s32 s4, s16;
	s13 =	sand.u32 $0x1FFFFFF0, s18;
	s16 =	spop (v2sf)  }
0x3ca: {  	[tilespmem:s7], [sflag:$0x3] =	stream.linear.gather [hbm4b:s8+s2], $0x80, $0x38;
	[tilespmem:$0x10400] =	vst v63  }
0x3cb: {  	s7 =	sadd.s32 s4, s11;
	s8 =	sand.u32 $0x1FFFFFF0, s16;
	s11 =	spop (v2sf)  }
0x3cc: {  	[tilespmem:s15], [sflag:$0x3] =	stream.linear.gather [hbm4b:s7+s2], $0x80, $0x38;
	[tilespmem:$0x10400] =	vst v63  }
0x3cd: {  	s7 =	sadd.s32 s4, s13;
	s11 =	sand.u32 $0x1FFFFFF0, s11;
	s13 =	spop (v2sf)  }
0x3ce: {  	[tilespmem:s17], [sflag:$0x3] =	stream.linear.gather [hbm4b:s7+s2], $0x80, $0x38;
	[tilespmem:$0x10400] =	vst v63  }
0x3cf: {  	s7 =	sadd.s32 s4, s8;
	s8 =	sand.u32 $0x1FFFFFF0, s13;
	s13 =	spop (v2sf)  }
0x3d0: {  	[tilespmem:s14], [sflag:$0x3] =	stream.linear.gather [hbm4b:s7+s2], $0x80, $0x38;
	[tilespmem:$0x10400] =	vst v63  }
0x3d1: {  	s7 =	sadd.s32 s4, s11;
	s11 =	sand.u32 $0x1FFFFFF0, s13;
	s13 =	spop (v2sf)  }
0x3d2: {  	[tilespmem:s20], [sflag:$0x3] =	stream.linear.gather [hbm4b:s7+s2], $0x80, $0x38;
	[tilespmem:$0x10400] =	vst v63  }
0x3d3: {  	s7 =	sadd.s32 s4, s8;
	s8 =	sand.u32 $0x1FFFFFF0, s13;
	s13 =	spop (v2sf)  }
0x3d4: {  	[tilespmem:s12], [sflag:$0x3] =	stream.linear.gather [hbm4b:s7+s2], $0x80, $0x38;
	[tilespmem:$0x10400] =	vst v63  }
0x3d5: {  	s7 =	sadd.s32 s4, s11;
	s11 =	sand.u32 $0x1FFFFFF0, s13;
	s12 =	spop (v2sf)  }
0x3d6: {  	[tilespmem:s23], [sflag:$0x3] =	stream.linear.gather [hbm4b:s7+s2], $0x80, $0x38;
	[tilespmem:$0x10400] =	vst v63  }
0x3d7: {  	s7 =	sadd.s32 s4, s8;
	s8 =	sand.u32 $0x1FFFFFF0, s12;
	s12 =	spop (v2sf)  }
0x3d8: {  	[tilespmem:s10], [sflag:$0x3] =	stream.linear.gather [hbm4b:s7+s2], $0x80, $0x38;
	[tilespmem:$0x10400] =	vst v63  }
0x3d9: {  	s7 =	sadd.s32 s4, s11;
	s10 =	sand.u32 $0x1FFFFFF0, s12  }
0x3da: {  	[tilespmem:s22], [sflag:$0x3] =	stream.linear.gather [hbm4b:s7+s2], $0x80, $0x38;
	[tilespmem:$0x10400] =	vst v63  }
0x3db: {  	s8 =	sadd.s32 s4, s8;
	s7 =	sadd.s32 $0xBB00, s1  }
0x3dc: {  	[tilespmem:s7], [sflag:$0x3] =	stream.linear.gather [hbm4b:s8+s2], $0x80, $0x38;
	[tilespmem:$0x10400] =	vst v63  }
0x3dd: {  	s1 =	sadd.s32 $0xBB80, s1;
	s7 =	sadd.s32 s4, s10  }
0x3de: {  	[tilespmem:s1], [sflag:$0x3] =	stream.linear.gather [hbm4b:s7+s2], $0x80, $0x38;
	[tilespmem:$0x10400] =	vst v63  }
0x3df: {  	v0 =	vld [tilespmem:s25+$0x0];
	_ =	sdelay $0x4  }
0x3e0: {  	v0 =	vshll.u32 v0, $0x4  }
0x3e1: {  	(v2sf) =	vpush v0, $0x0  }
0x3e2: {  	(v2sf) =	vpush v0, $0x1  }
0x3e3: {  	(v2sf) =	vpush v0, $0x2;
	_ =	sdelay $0x1  }
0x3e4: {  	(v2sf) =	vpush v0, $0x4  }
.Ltmp15:
0x3e5: {  	(pc) =	sbr.rel @p0 .LBB2_28-.Ltmp15, $3  }
0x3e6: {  	(v2sf) =	vpush v0, $0x3  }
0x3e7: {  	(v2sf) =	vpush v0, $0x5;
	_ =	sdelay $0x1  }
0x3e8: {  	s1 =	sshra.s32 s9, $0x2;
	(v2sf) =	vpush v0, $0x6  }
0x3e9: {  	_ = 	snop  }
0x3ea: {  	s7 =	sadd.s32 $0xB480, s1  }
0x3eb: {  	s10 =	sadd.s32 $0xB980, s1;
	s8 =	sadd.s32 $0xB780, s1;
	s0 =	sadd.s32 $0xBA00, s1  }
0x3ec: {  	(v2sf) =	vpush v0, $0x7;
	s11 =	sadd.s32 $0xB680, s1;
	s12 =	sadd.s32 $0xB800, s1;
	s9 =	sadd.s32 $0xBA80, s1  }
0x3ed: {  	s13 =	sadd.s32 $0xB400, s1;
	s14 =	sadd.s32 $0xB600, s1;
	s15 =	sadd.s32 $0xB700, s1  }
0x3ee: {  	s17 =	sadd.s32 $0xB500, s1;
	s20 =	sadd.s32 $0xB580, s1;
	(v2sf) =	vpush v0, $0x8;
	s16 =	spop (v2sf)  }
0x3ef: {  	s24 =	sadd.s32 $0x1, s24;
	s16 =	sand.u32 $0x1FFFFFF0, s16;
	s18 =	spop (v2sf)  }
0x3f0: {  	(v2sf) =	vpush v0, $0x9;
	s16 =	sadd.s32 s4, s16;
	s18 =	sand.u32 $0x1FFFFFF0, s18;
	s19 =	spop (v2sf)  }
0x3f1: {  	[tilespmem:s13], [sflag:$0x3] =	stream.linear.gather [hbm4b:s16+s2], $0x80, $0x38;
	[tilespmem:$0x10400] =	vst v63  }
0x3f2: {  	s6 =	sadd.s32 $0x140, s6;
	(v2sf) =	vpush v0, $0xA;
	s30 =	sadd.s32 s4, s18;
	s31 =	spop (v2sf)  }
0x3f3: {  	[tilespmem:s7], [sflag:$0x3] =	stream.linear.gather [hbm4b:s30+s2], $0x80, $0x38;
	[tilespmem:$0x10400] =	vst v63  }
0x3f4: {  	s13 =	sadd.s32 $0xB900, s1;
	s21 =	sand.u32 $0x1FFFFFF0, s19;
	(v2sf) =	vpush v0, $0xB;
	s22 =	spop (v2sf)  }
0x3f5: {  	s16 =	sadd.s32 s4, s21;
	s7 =	sadd.s32 $0xB880, s1;
	s19 =	sand.u32 $0x1FFFFFF0, s22  }
0x3f6: {  	(v2sf) =	vpush v0, $0xC;
	[tilespmem:s17], [sflag:$0x3] =	stream.linear.gather [hbm4b:s16+s2], $0x80, $0x38;
	[tilespmem:$0x10400] =	vst v63  }
0x3f7: {  	s23 =	sand.u32 $0x1FFFFFF0, s31;
	s25 =	spop (v2sf);
	s30 =	sadd.s32 s4, s19  }
0x3f8: {  	(v2sf) =	vpush v0, $0xD;
	[tilespmem:s20], [sflag:$0x3] =	stream.linear.gather [hbm4b:s30+s2], $0x80, $0x38;
	[tilespmem:$0x10400] =	vst v63  }
0x3f9: {  	s16 =	sadd.s32 s4, s23;
	s17 =	sand.u32 $0x1FFFFFF0, s25;
	s31 =	spop (v2sf)  }
0x3fa: {  	[tilespmem:s14], [sflag:$0x3] =	stream.linear.gather [hbm4b:s16+s2], $0x80, $0x38;
	[tilespmem:$0x10400] =	vst v63  }
0x3fb: {  	s17 =	sadd.s32 s4, s17;
	s19 =	sand.u32 $0x1FFFFFF0, s31;
	s20 =	spop (v2sf)  }
0x3fc: {  	(v2sf) =	vpush v0, $0xE;
	[tilespmem:s11], [sflag:$0x3] =	stream.linear.gather [hbm4b:s17+s2], $0x80, $0x38;
	[tilespmem:$0x10400] =	vst v63  }
0x3fd: {  	s21 =	sand.u32 $0x1FFFFFF0, s20;
	s22 =	spop (v2sf);
	s14 =	sadd.s32 s4, s19  }
0x3fe: {  	(v2sf) =	vpush v0, $0xF;
	[tilespmem:s15], [sflag:$0x3] =	stream.linear.gather [hbm4b:s14+s2], $0x80, $0x38;
	[tilespmem:$0x10400] =	vst v63  }
0x3ff: {  	s23 =	sand.u32 $0x1FFFFFF0, s22;
	s11 =	sadd.s32 s4, s21;
	s25 =	spop (v2sf)  }
0x400: {  	[tilespmem:s8], [sflag:$0x3] =	stream.linear.gather [hbm4b:s11+s2], $0x80, $0x38;
	[tilespmem:$0x10400] =	vst v63  }
0x401: {  	s14 =	sadd.s32 s4, s23;
	s30 =	sand.u32 $0x1FFFFFF0, s25;
	s31 =	spop (v2sf)  }
0x402: {  	[tilespmem:s12], [sflag:$0x3] =	stream.linear.gather [hbm4b:s14+s2], $0x80, $0x38;
	[tilespmem:$0x10400] =	vst v63  }
0x403: {  	s11 =	sand.u32 $0x1FFFFFF0, s31;
	s8 =	sadd.s32 s4, s30;
	s15 =	spop (v2sf)  }
0x404: {  	[tilespmem:s7], [sflag:$0x3] =	stream.linear.gather [hbm4b:s8+s2], $0x80, $0x38;
	[tilespmem:$0x10400] =	vst v63  }
0x405: {  	s11 =	sadd.s32 s4, s11;
	s16 =	sand.u32 $0x1FFFFFF0, s15;
	s17 =	spop (v2sf)  }
0x406: {  	[tilespmem:s13], [sflag:$0x3] =	stream.linear.gather [hbm4b:s11+s2], $0x80, $0x38;
	[tilespmem:$0x10400] =	vst v63  }
0x407: {  	s7 =	sadd.s32 s4, s16;
	s8 =	sand.u32 $0x1FFFFFF0, s17;
	s18 =	spop (v2sf)  }
0x408: {  	[tilespmem:s10], [sflag:$0x3] =	stream.linear.gather [hbm4b:s7+s2], $0x80, $0x38;
	[tilespmem:$0x10400] =	vst v63  }
0x409: {  	s26 =	sadd.s32 $0x140, s26;
	s19 =	sand.u32 $0x1FFFFFF0, s18;
	s8 =	sadd.s32 s4, s8  }
0x40a: {  	[tilespmem:s0], [sflag:$0x3] =	stream.linear.gather [hbm4b:s8+s2], $0x80, $0x38;
	[tilespmem:$0x10400] =	vst v63  }
0x40b: {  	s28 =	sadd.s32 $0x140, s28;
	s20 =	spop (v2sf);
	s7 =	sadd.s32 s4, s19  }
0x40c: {  	[tilespmem:s9], [sflag:$0x3] =	stream.linear.gather [hbm4b:s7+s2], $0x80, $0x38;
	[tilespmem:$0x10400] =	vst v63  }
.Ltmp16:
0x40d: {  	s21 =	sand.u32 $0x1FFFFFF0, s20;
	s22 =	spop (v2sf);
	(pc) =	sbr.rel .LBB2_8-.Ltmp16, $4  }
0x40e: {  	s25 =	sadd.s32 $0xBB00, s1;
	s23 =	sand.u32 $0x1FFFFFF0, s22;
	s0 =	sadd.s32 s4, s21  }
0x40f: {  	[tilespmem:s25], [sflag:$0x3] =	stream.linear.gather [hbm4b:s0+s2], $0x80, $0x38;
	[tilespmem:$0x10400] =	vst v63  }
0x410: {  	s29 =	sadd.s32 $0x140, s29;
	s30 =	sadd.s32 $0xBB80, s1;
	s31 =	sadd.s32 s4, s23  }
0x411: {  	[tilespmem:s30], [sflag:$0x3] =	stream.linear.gather [hbm4b:s31+s2], $0x80, $0x38;
	[tilespmem:$0x10400] =	vst v63  }
.LBB2_31:
0x412: {  	_ =	sfence.sel $0x180000  }
0x413: {  	[bflag:$0x0] =	sbarrier.arrive $0xFFFF  }
0x414: {  	_ =	strace $0x90000047  }
0x415: {  	s0 =	stileid.u32;
	[bflag:$0x2] =	sbarrier.arrive $0xFFFF  }
0x416: {  	p0 =	sne.s32 s0, $0x0;
	s0 =	rddreg [dreg:$0x2]  }
0x417: {  	s0 =	sadd.s32 @!p0 $0x100000, s0  }
0x418: {  	[sflag:s0] =	ssyncadd.tile.s32 @!p0 $0x1;
	_ =	shalt  }
.Lfunc_end2:
_tile_overlayer_lowered:
.L_overlay_start_2:
0x419: {  	(tag) =	ssettag $0x2  }
0x41a: {  	s0 =	rddreg [dreg:$0x0];
	s2 =	stileid.u32  }
0x41b: {  	s1 =	rddreg [dreg:$0x1];
	p0 =	sne.s32 s2, $0x0  }
0x41c: {  	s3 =	rddreg [dreg:$0x2];
	[bflag:$0x3] =	sbarrier.arrive $0xFFFF;
	s2 =	simm.s32 @!p0 $0x1C09  }
0x41d: {  	[timem:s3], [sflag:s2] =	dma.local @!p0 [hbm:s0], s1  }
0x41e: {  	s0 =	simm.s32 @!p0 $0x9  }
0x41f: {  	_ =	swait.ge @!p0 [sflag:s0], s1  }
0x420: {  	s1 =	ssub.s32 @!p0 $0x0, s1;
	[sflag:s0] =	ssyncset.done @!p0 $0x0  }
0x421: {  	[sflag:s0] =	ssyncadd.s32 @!p0 s1  }
0x422: {  	[bflag:$0x3] =	sbarrier.arrive $0xFFFF  }
0x423: {  	_ =	shalt  }

</sc_bundles>
